<compile_context>
chip_gen: v7x
topology: tpu7x:2x2x1
jax: 0.10.2.dev20260603
libtpu: 0.0.44.dev20260713+nightly
codegen_flags: <defaults>
</compile_context>

<pallas_src>
import jax
import jax.numpy as jnp
import numpy as np
from jax import lax
from jax.experimental import pallas as pl
from jax.experimental.pallas import tpu as pltpu
from jax.experimental.pallas import tpu_sc as plsc

B = 4
N = 8192
C = 384
NP = 1024
K = 32
R, CL = 64, 128
NSC, NSUB = 2, 16
NW = NSC * NSUB
CPW = (B * NP) // NW
NCHUNK = N // 16
BIG = np.float32(3.0e38)



def _fps_body(xyz_ref, pts_ref, idx_ref, dref):
    flat = (lax.broadcasted_iota(jnp.int32, (R, CL), 0) * CL
            + lax.broadcasted_iota(jnp.int32, (R, CL), 1))
    flat_np = (lax.broadcasted_iota(jnp.int32, (8, 128), 0) * 128
               + lax.broadcasted_iota(jnp.int32, (8, 128), 1))

    init = []
    for bb in range(B):
        dref[bb] = jnp.full((R, CL), 1e10, dtype=jnp.float32)
        crow = pts_ref[bb, 0:1]
        init += [jnp.zeros((8, 128), dtype=jnp.int32),
                 jnp.int32(0),
                 crow[0:1, 0:1],
                 crow[0:1, 1:2],
                 crow[0:1, 2:3]]

    def body(i, state):
        out = []
        for bb in range(B):
            idxs, far, cx, cy, cz = state[5 * bb:5 * bb + 5]
            idxs = jnp.where(flat_np == i, far, idxs)
            Xb = xyz_ref[bb, 0]
            Yb = xyz_ref[bb, 1]
            Zb = xyz_ref[bb, 2]
            dx = Xb - cx
            dy = Yb - cy
            dz = Zb - cz
            d = dx * dx + dy * dy + dz * dz
            dv = jnp.minimum(dref[bb], d)
            dref[bb] = dv
            m = jnp.max(dv)
            far2 = jnp.min(jnp.where(dv == m, flat, N))
            crow = pts_ref[bb, pl.ds(far2, 1)]
            out += [idxs, far2,
                    crow[0:1, 0:1], crow[0:1, 1:2], crow[0:1, 2:3]]
        return tuple(out)

    state = lax.fori_loop(0, NP, body, tuple(init))
    for bb in range(B):
        idx_ref[bb] = state[5 * bb]


def _fps(xyzT, xyz):
    out = pl.pallas_call(
        _fps_body,
        out_shape=jax.ShapeDtypeStruct((B, 8, 128), jnp.int32),
        scratch_shapes=[pltpu.VMEM((B, R, CL), jnp.float32)],
    )(xyzT, xyz)
    return out.reshape(B, NP)



def _rtn_bf16(v):
    u = plsc.bitcast(v, jnp.uint32)
    lsb = (u >> 16) & jnp.uint32(1)
    u3 = (u + jnp.uint32(0x7FFF) + lsb) & jnp.uint32(0xFFFF0000)
    return plsc.bitcast(u3, jnp.float32)


def _knn_body(xyzc, fpsidx, lcxyz, kidx, kxyz, lcg,
              px, py, pz, pxb, pyb, pzb, pn, cxv, cyv, czv,
              cxvb, cyvb, czvb, cidx,
              lcbuf, kidxbuf, kxyzbuf, lcgbuf):
    w = lax.axis_index("s") * NSC + lax.axis_index("c")
    b = w // (NW // B)
    chunk = w % (NW // B)
    pltpu.sync_copy(xyzc.at[pl.ds(b * 3 * N, N)], px)
    pltpu.sync_copy(xyzc.at[pl.ds((b * 3 + 1) * N, N)], py)
    pltpu.sync_copy(xyzc.at[pl.ds((b * 3 + 2) * N, N)], pz)
    pltpu.sync_copy(fpsidx.at[pl.ds(w * CPW, CPW)], cidx)

    lane = lax.iota(jnp.int32, 16)
    boff = b * N

    def prep(cc, carry):
        base = cc * 16
        xj = px[pl.ds(base, 16)]
        yj = py[pl.ds(base, 16)]
        zj = pz[pl.ds(base, 16)]
        pxb[pl.ds(base, 16)] = _rtn_bf16(xj)
        pyb[pl.ds(base, 16)] = _rtn_bf16(yj)
        pzb[pl.ds(base, 16)] = _rtn_bf16(zj)
        pn[pl.ds(base, 16)] = (xj * xj + yj * yj) + zj * zj
        return carry

    lax.fori_loop(0, NCHUNK, prep, 0)

    for t in range(CPW // 16):
        iv = cidx[pl.ds(t * 16, 16)]
        gx = plsc.load_gather(px, [iv])
        gy = plsc.load_gather(py, [iv])
        gz = plsc.load_gather(pz, [iv])
        cxv[pl.ds(t * 16, 16)] = gx
        cyv[pl.ds(t * 16, 16)] = gy
        czv[pl.ds(t * 16, 16)] = gz
        cxvb[pl.ds(t * 16, 16)] = _rtn_bf16(gx)
        cyvb[pl.ds(t * 16, 16)] = _rtn_bf16(gy)
        czvb[pl.ds(t * 16, 16)] = _rtn_bf16(gz)
        pos = (t * 16 + lane) * 3
        plsc.store_scatter(lcbuf, [pos], gx)
        plsc.store_scatter(lcbuf, [pos + 1], gy)
        plsc.store_scatter(lcbuf, [pos + 2], gz)
        lcgbuf[pl.ds(t * 16, 16)] = iv + boff

    def per_centroid(j, carry):
        g = (j // 16) * 16
        l = j % 16
        lm = lane == l
        cx = jnp.max(jnp.where(lm, cxv[pl.ds(g, 16)], -BIG))
        cy = jnp.max(jnp.where(lm, cyv[pl.ds(g, 16)], -BIG))
        cz = jnp.max(jnp.where(lm, czv[pl.ds(g, 16)], -BIG))
        cxb = jnp.max(jnp.where(lm, cxvb[pl.ds(g, 16)], -BIG))
        cyb = jnp.max(jnp.where(lm, cyvb[pl.ds(g, 16)], -BIG))
        czb = jnp.max(jnp.where(lm, czvb[pl.ds(g, 16)], -BIG))
        nc = (cx * cx + cy * cy) + cz * cz

        def absorb(st2, d, idxvec):
            def wcond(s3):
                return jnp.any(s3[0])

            def wbody(s3):
                m3, b0, b1, i0, i1, t3 = s3
                f = plsc.all_reduce_ffs(m3)
                first = lane == f
                dval = jnp.max(jnp.where(first, d, -BIG))
                ci = jnp.max(jnp.where(first, idxvec, -1))
                eq0 = b0 == t3
                do0 = jnp.any(eq0)
                p0 = plsc.all_reduce_ffs(eq0)
                p1 = plsc.all_reduce_ffs(b1 == t3)
                m0 = (lane == p0) & do0
                m1 = (lane == p1) & jnp.logical_not(do0)
                b0 = jnp.where(m0, dval, b0)
                i0 = jnp.where(m0, ci, i0)
                b1 = jnp.where(m1, dval, b1)
                i1 = jnp.where(m1, ci, i1)
                t4 = jnp.max(jnp.maximum(b0, b1))
                m3 = m3 & jnp.logical_not(first) & (d < t4)
                return (m3, b0, b1, i0, i1, t4)

            m = d < st2[4]
            out = lax.while_loop(wcond, wbody, (m,) + st2)
            return out[1:]

        GRP = 8

        def group_body(gg, st):
            gbase = gg * (16 * GRP)
            ds_ = []
            hit = None
            thr = st[4]
            for u in range(GRP):
                off = gbase + u * 16
                xb = pxb[pl.ds(off, 16)]
                yb = pyb[pl.ds(off, 16)]
                zb = pzb[pl.ds(off, 16)]
                nj = pn[pl.ds(off, 16)]
                dot = (xb * cxb + yb * cyb) + zb * czb
                d = (jnp.float32(-2.0) * dot + nc) + nj
                ds_.append(d)
                m_u = d < thr
                hit = m_u if hit is None else (hit | m_u)

            def slow(st2):
                for u in range(GRP):
                    st2 = absorb(st2, ds_[u], gbase + u * 16 + lane)
                return st2

            return lax.cond(jnp.any(hit), slow, lambda s: s, st)

        init = (jnp.full((16,), BIG, jnp.float32),
                jnp.full((16,), BIG, jnp.float32),
                jnp.zeros((16,), jnp.int32),
                jnp.zeros((16,), jnp.int32),
                BIG)
        bd0, bd1, bi0, bi1, _ = lax.fori_loop(0, NCHUNK // GRP, group_body, init)

        def rank_body(q, rr):
            r0, r1 = rr
            qm = lane == q
            for bdh, bih in ((bd0, bi0), (bd1, bi1)):
                dq = jnp.max(jnp.where(qm, bdh, -BIG))
                iq = jnp.max(jnp.where(qm, bih, -1))
                lt0 = (dq < bd0) | ((dq == bd0) & (iq < bi0))
                lt1 = (dq < bd1) | ((dq == bd1) & (iq < bi1))
                r0 = r0 + lt0.astype(jnp.int32)
                r1 = r1 + lt1.astype(jnp.int32)
            return (r0, r1)

        r0, r1 = lax.fori_loop(0, 16, rank_body,
                               (jnp.zeros((16,), jnp.int32),
                                jnp.zeros((16,), jnp.int32)))

        gb = j * K
        pos0 = gb + r0
        pos1 = gb + r1
        plsc.store_scatter(kidxbuf, [pos0], bi0 + boff)
        plsc.store_scatter(kidxbuf, [pos1], bi1 + boff)
        for bih, posh in ((bi0, pos0), (bi1, pos1)):
            gx = plsc.load_gather(px, [bih])
            gy = plsc.load_gather(py, [bih])
            gz = plsc.load_gather(pz, [bih])
            p3 = posh * 3
            plsc.store_scatter(kxyzbuf, [p3], gx)
            plsc.store_scatter(kxyzbuf, [p3 + 1], gy)
            plsc.store_scatter(kxyzbuf, [p3 + 2], gz)
        return carry

    lax.fori_loop(0, CPW, per_centroid, 0)

    pltpu.sync_copy(lcbuf, lcxyz.at[pl.ds(w * CPW * 3, CPW * 3)])
    pltpu.sync_copy(kidxbuf, kidx.at[pl.ds(w * CPW * K, CPW * K)])
    pltpu.sync_copy(kxyzbuf, kxyz.at[pl.ds(w * CPW * K * 3, CPW * K * 3)])
    pltpu.sync_copy(lcgbuf, lcg.at[pl.ds(w * CPW, CPW)])


def _knn(xyzc, fpsidx, interpret=False):
    mesh = plsc.VectorSubcoreMesh(core_axis_name="c", subcore_axis_name="s", num_cores=NSC, num_subcores=NSUB)
    f = pl.kernel(
        _knn_body,
        out_type=(jax.ShapeDtypeStruct((B * NP * 3,), jnp.float32),
                  jax.ShapeDtypeStruct((B * NP * K,), jnp.int32),
                  jax.ShapeDtypeStruct((B * NP * K * 3,), jnp.float32),
                  jax.ShapeDtypeStruct((B * NP,), jnp.int32)),
        mesh=mesh,
        compiler_params=pltpu.CompilerParams(needs_layout_passes=False),
        scratch_types=[
            pltpu.VMEM((N,), jnp.float32),
            pltpu.VMEM((N,), jnp.float32),
            pltpu.VMEM((N,), jnp.float32),
            pltpu.VMEM((N,), jnp.float32),
            pltpu.VMEM((N,), jnp.float32),
            pltpu.VMEM((N,), jnp.float32),
            pltpu.VMEM((N,), jnp.float32),
            pltpu.VMEM((CPW + 16,), jnp.float32),
            pltpu.VMEM((CPW + 16,), jnp.float32),
            pltpu.VMEM((CPW + 16,), jnp.float32),
            pltpu.VMEM((CPW + 16,), jnp.float32),
            pltpu.VMEM((CPW + 16,), jnp.float32),
            pltpu.VMEM((CPW + 16,), jnp.float32),
            pltpu.VMEM((CPW,), jnp.int32),
            pltpu.VMEM((CPW * 3,), jnp.float32),
            pltpu.VMEM((CPW * K,), jnp.int32),
            pltpu.VMEM((CPW * K * 3,), jnp.float32),
            pltpu.VMEM((CPW,), jnp.int32),
        ],
        interpret=interpret,
    )
    return f(xyzc, fpsidx)



GCH = 128


def _gather_body(xflat, kidxf, lcgf, knnx, lcx, idxv, rows, sem):
    w = lax.axis_index("s") * NSC + lax.axis_index("c")
    rows_pw = (B * NP * K) // NW

    def loop_g(g, carry):
        base = w * rows_pw + g * GCH
        pltpu.sync_copy(kidxf.at[pl.ds(base, GCH)], idxv)
        pltpu.async_copy(xflat.at[idxv], rows, sem).wait()
        pltpu.sync_copy(rows, knnx.at[pl.ds(base, GCH)])
        return carry

    lax.fori_loop(0, rows_pw // GCH, loop_g, 0)

    base2 = w * (B * NP // NW)
    pltpu.sync_copy(lcgf.at[pl.ds(base2, GCH)], idxv)
    pltpu.async_copy(xflat.at[idxv], rows, sem).wait()
    pltpu.sync_copy(rows, lcx.at[pl.ds(base2, GCH)])


def _gather(xflat, kidxf, lcgf, interpret=False):
    mesh = plsc.VectorSubcoreMesh(core_axis_name="c", subcore_axis_name="s", num_cores=NSC, num_subcores=NSUB)
    f = pl.kernel(
        _gather_body,
        out_type=(jax.ShapeDtypeStruct((B * NP * K, C), jnp.float32),
                  jax.ShapeDtypeStruct((B * NP, C), jnp.float32)),
        mesh=mesh,
        scratch_types=[
            pltpu.VMEM((GCH,), jnp.int32),
            pltpu.VMEM((GCH, C), jnp.float32),
            pltpu.SemaphoreType.DMA,
        ],
        interpret=interpret,
    )
    return f(xflat, kidxf, lcgf)



def kernel(xyz, x):
    xyzT = jnp.transpose(xyz, (0, 2, 1))
    fps = _fps(xyzT.reshape(B, 3, R, CL), xyz)
    lcxyz, kidx, kxyz, lcg = _knn(xyzT.reshape(B * 3 * N), fps.reshape(B * NP))
    knnx, lcx = _gather(x.reshape(B * N, C), kidx, lcg)
    return (lcxyz.reshape(B, NP, 3),
            lcx.reshape(B, NP, C),
            kxyz.reshape(B, NP, K, 3),
            knnx.reshape(B, NP, K, C))

# --- scband reference (transcript-rebuilt; emitter-appended) ---
"""Pipeline reference for scband-rtree-net-20014547599562 (READ-ONLY COPY).

The authoritative reference and input builder live on the scoring server;
editing this copy changes nothing except your own understanding.
"""

import jax, jax.numpy as jnp
import numpy as np

GROUP_NUM = 1024
K_NEIGHBORS = 32


def setup_inputs(seed: int = 0) -> dict:
    key = jax.random.key(seed)
    k1, k2 = jax.random.split(key)
    xyz = jax.random.normal(k1, (4, 8192, 3), dtype=jnp.float32)
    x = jax.random.normal(k2, (4, 8192, 384), dtype=jnp.float32)
    return {"xyz": xyz, "x": x}


def _fps_single(xyz, npoint):
    N = xyz.shape[0]

    def body(i, state):
        dists, idxs, farthest = state
        idxs = idxs.at[i].set(farthest)
        centroid = xyz[farthest]
        d = jnp.sum((xyz - centroid) ** 2, axis=-1)
        dists = jnp.minimum(dists, d)
        farthest = jnp.argmax(dists).astype(jnp.int32)
        return (dists, idxs, farthest)

    dists0 = jnp.full((N,), 1e10, dtype=jnp.float32)
    idxs0 = jnp.zeros((npoint,), dtype=jnp.int32)
    state = jax.lax.fori_loop(0, npoint, body, (dists0, idxs0, jnp.int32(0)))
    return state[1]


def furthest_point_sample(xyz, npoint):
    # xyz: [B, N, 3] -> idx [B, npoint] (faithful iterative FPS, matches pointnet2_utils.furthest_point_sample)
    return jax.vmap(lambda p: _fps_single(p, npoint))(xyz)


def index_points(points, idx):
    # points: [B, N, C]; idx: [B, ...] -> [B, ..., C] (batched gather, matches torch index_points)
    return jax.vmap(lambda p, i: p[i])(points, idx)


def square_distance(src, dst):
    # src: [B, N, C]; dst: [B, M, C]
    dist = -2.0 * jnp.matmul(src, jnp.swapaxes(dst, -1, -2))
    dist = dist + jnp.sum(src ** 2, axis=-1)[..., None]
    dist = dist + jnp.sum(dst ** 2, axis=-1)[:, None, :]
    return dist


def knn_point(nsample, xyz, new_xyz):
    sqrdists = square_distance(new_xyz, xyz)
    # torch.topk(..., largest=False) == top_k of negated distances
    _, group_idx = jax.lax.top_k(-sqrdists, nsample)
    return group_idx


def reference(xyz, x):
    # Faithful FPS_kNN.forward (the retrieval_knn core of RTreeNet)
    fps_idx = furthest_point_sample(xyz, GROUP_NUM)
    lc_xyz = index_points(xyz, fps_idx)
    lc_x = index_points(x, fps_idx)
    knn_idx = knn_point(K_NEIGHBORS, xyz, lc_xyz)
    knn_xyz = index_points(xyz, knn_idx)
    knn_x = index_points(x, knn_idx)
    return (lc_xyz, lc_x, knn_xyz, knn_x)

if __name__ == "__main__":
    import jax
    _d = setup_inputs()
    print(jax.jit(kernel)(*tuple(_d.values())))

</pallas_src>

<mosaic_0001>
#map = affine_map<(d0, d1) -> (0)>
module attributes {stable_mosaic.version = 14 : i64} {
  func.func @_knn_body(%arg0: i32, %arg1: i32, %arg2: memref<98304xf32, #tpu.memory_space<hbm>>, %arg3: memref<4096xi32, #tpu.memory_space<hbm>>, %arg4: memref<12288xf32, #tpu.memory_space<hbm>>, %arg5: memref<131072xi32, #tpu.memory_space<hbm>>, %arg6: memref<393216xf32, #tpu.memory_space<hbm>>, %arg7: memref<4096xi32, #tpu.memory_space<hbm>>, %arg8: memref<8192xf32, #tpu.memory_space<vmem>>, %arg9: memref<8192xf32, #tpu.memory_space<vmem>>, %arg10: memref<8192xf32, #tpu.memory_space<vmem>>, %arg11: memref<8192xf32, #tpu.memory_space<vmem>>, %arg12: memref<8192xf32, #tpu.memory_space<vmem>>, %arg13: memref<8192xf32, #tpu.memory_space<vmem>>, %arg14: memref<8192xf32, #tpu.memory_space<vmem>>, %arg15: memref<144xf32, #tpu.memory_space<vmem>>, %arg16: memref<144xf32, #tpu.memory_space<vmem>>, %arg17: memref<144xf32, #tpu.memory_space<vmem>>, %arg18: memref<144xf32, #tpu.memory_space<vmem>>, %arg19: memref<144xf32, #tpu.memory_space<vmem>>, %arg20: memref<144xf32, #tpu.memory_space<vmem>>, %arg21: memref<128xi32, #tpu.memory_space<vmem>>, %arg22: memref<384xf32, #tpu.memory_space<vmem>>, %arg23: memref<4096xi32, #tpu.memory_space<vmem>>, %arg24: memref<12288xf32, #tpu.memory_space<vmem>>, %arg25: memref<128xi32, #tpu.memory_space<vmem>>) attributes {dimension_semantics = [#tpu.dimension_semantics<core_parallel>, #tpu.dimension_semantics<subcore_parallel>], iteration_bounds = array<i64: 2, 16>, scalar_prefetch = 0 : i64, scratch_operands = 18 : i64, tpu.core_type = #tpu.core_type<sc_vector_subcore>, window_params = [{transform_indices = #map}, {transform_indices = #map}, {transform_indices = #map}, {transform_indices = #map}, {transform_indices = #map}, {transform_indices = #map}]} {
    %mul3A = arith.constant 2 : i32
    %mul3A_0 = arith.muli %arg1, %mul3A : i32
    %add3A = arith.addi %mul3A_0, %arg0 : i32
    %jit3A = arith.constant 8 : i32
    %div3A = arith.divsi %add3A, %jit3A : i32
    %sign3A = arith.constant 0 : i32
    %sign3A_1 = arith.cmpi sgt, %add3A, %sign3A : i32
    %sign3A_2 = arith.extui %sign3A_1 : i1 to i32
    %sign3A_3 = arith.constant 0 : i32
    %sign3A_4 = arith.cmpi slt, %add3A, %sign3A_3 : i32
    %sign3A_5 = arith.extui %sign3A_4 : i1 to i32
    %sign3A_6 = arith.subi %sign3A_2, %sign3A_5 : i32
    %sign3A_7 = arith.constant 0 : i32
    %sign3A_8 = arith.cmpi sgt, %jit3A, %sign3A_7 : i32
    %sign3A_9 = arith.extui %sign3A_8 : i1 to i32
    %sign3A_10 = arith.constant 0 : i32
    %sign3A_11 = arith.cmpi slt, %jit3A, %sign3A_10 : i32
    %sign3A_12 = arith.extui %sign3A_11 : i1 to i32
    %sign3A_13 = arith.subi %sign3A_9, %sign3A_12 : i32
    %ne3A = arith.cmpi ne, %sign3A_6, %sign3A_13 : i32
    %rem3A = arith.remsi %add3A, %jit3A : i32
    %ne3A_14 = arith.constant 0 : i32
    %ne3A_15 = arith.cmpi ne, %rem3A, %ne3A_14 : i32
    %and3A = arith.andi %ne3A, %ne3A_15 : i1
    %sub3A = arith.constant 1 : i32
    %sub3A_16 = arith.subi %div3A, %sub3A : i32
    %select_n3A = arith.select %and3A, %sub3A_16, %div3A : i32
    %jit3A_17 = arith.constant 8 : i32
    %eq3A = arith.constant 0 : i32
    %eq3A_18 = arith.cmpi eq, %jit3A_17, %eq3A : i32
    %jit3A_19 = arith.constant 1 : i32
    %select_n3A_20 = arith.select %eq3A_18, %jit3A_19, %jit3A_17 : i32
    %rem3A_21 = arith.remsi %add3A, %select_n3A_20 : i32
    %ne3A_22 = arith.constant 0 : i32
    %ne3A_23 = arith.cmpi ne, %rem3A_21, %ne3A_22 : i32
    %lt3A = arith.constant 0 : i32
    %lt3A_24 = arith.cmpi slt, %rem3A_21, %lt3A : i32
    %lt3A_25 = arith.constant 0 : i32
    %lt3A_26 = arith.cmpi slt, %select_n3A_20, %lt3A_25 : i32
    %ne3A_27 = arith.xori %lt3A_24, %lt3A_26 : i1
    %and3A_28 = arith.andi %ne3A_27, %ne3A_23 : i1
    %add3A_29 = arith.addi %rem3A_21, %select_n3A_20 : i32
    %select_n3A_30 = arith.select %and3A_28, %add3A_29, %rem3A_21 : i32
    %mul3A_31 = arith.constant 3 : i32
    %mul3A_32 = arith.muli %select_n3A, %mul3A_31 : i32
    %mul3A_33 = arith.constant 8192 : i32
    %mul3A_34 = arith.muli %mul3A_32, %mul3A_33 : i32
    "tpu.region"() ({
      %run_scoped3A = tpu.sem_alloc : memref<!tpu.dma_semaphore, #tpu.memory_space<semaphore_mem>>
      %dma_start3A = tpu.memref_slice %arg2[%mul3A_34] : memref<98304xf32, #tpu.memory_space<hbm>> -> memref<8192xf32, #tpu.memory_space<hbm>>
      %dma_start3A_697 = tpu.memref_slice %arg2[%mul3A_34] : memref<98304xf32, #tpu.memory_space<hbm>> -> memref<8192xf32, #tpu.memory_space<hbm>>
      tpu.enqueue_dma source(%dma_start3A_697 : memref<8192xf32, #tpu.memory_space<hbm>>) target(%arg8 : memref<8192xf32, #tpu.memory_space<vmem>>) target_semaphore(%run_scoped3A : memref<!tpu.dma_semaphore, #tpu.memory_space<semaphore_mem>>)
      %dma_wait3A = tpu.memref_slice %arg2[%mul3A_34] : memref<98304xf32, #tpu.memory_space<hbm>> -> memref<8192xf32, #tpu.memory_space<hbm>>
      %dma_wait3A_698 = tpu.memref_slice %arg2[%mul3A_34] : memref<98304xf32, #tpu.memory_space<hbm>> -> memref<8192xf32, #tpu.memory_space<hbm>>
      tpu.wait_dma2 semaphore(%run_scoped3A : memref<!tpu.dma_semaphore, #tpu.memory_space<semaphore_mem>>) src(%dma_wait3A_698 : memref<8192xf32, #tpu.memory_space<hbm>>) dst(%arg8 : memref<8192xf32, #tpu.memory_space<vmem>>)
      tpu.yield
    }) : () -> ()
    %mul3A_35 = arith.constant 3 : i32
    %mul3A_36 = arith.muli %select_n3A, %mul3A_35 : i32
    %add3A_37 = arith.constant 1 : i32
    %add3A_38 = arith.addi %mul3A_36, %add3A_37 : i32
    %mul3A_39 = arith.constant 8192 : i32
    %mul3A_40 = arith.muli %add3A_38, %mul3A_39 : i32
    "tpu.region"() ({
      %run_scoped3A = tpu.sem_alloc : memref<!tpu.dma_semaphore, #tpu.memory_space<semaphore_mem>>
      %dma_start3A = tpu.memref_slice %arg2[%mul3A_40] : memref<98304xf32, #tpu.memory_space<hbm>> -> memref<8192xf32, #tpu.memory_space<hbm>>
      %dma_start3A_697 = tpu.memref_slice %arg2[%mul3A_40] : memref<98304xf32, #tpu.memory_space<hbm>> -> memref<8192xf32, #tpu.memory_space<hbm>>
      tpu.enqueue_dma source(%dma_start3A_697 : memref<8192xf32, #tpu.memory_space<hbm>>) target(%arg9 : memref<8192xf32, #tpu.memory_space<vmem>>) target_semaphore(%run_scoped3A : memref<!tpu.dma_semaphore, #tpu.memory_space<semaphore_mem>>)
      %dma_wait3A = tpu.memref_slice %arg2[%mul3A_40] : memref<98304xf32, #tpu.memory_space<hbm>> -> memref<8192xf32, #tpu.memory_space<hbm>>
      %dma_wait3A_698 = tpu.memref_slice %arg2[%mul3A_40] : memref<98304xf32, #tpu.memory_space<hbm>> -> memref<8192xf32, #tpu.memory_space<hbm>>
      tpu.wait_dma2 semaphore(%run_scoped3A : memref<!tpu.dma_semaphore, #tpu.memory_space<semaphore_mem>>) src(%dma_wait3A_698 : memref<8192xf32, #tpu.memory_space<hbm>>) dst(%arg9 : memref<8192xf32, #tpu.memory_space<vmem>>)
      tpu.yield
    }) : () -> ()
    %mul3A_41 = arith.constant 3 : i32
    %mul3A_42 = arith.muli %select_n3A, %mul3A_41 : i32
    %add3A_43 = arith.constant 2 : i32
    %add3A_44 = arith.addi %mul3A_42, %add3A_43 : i32
    %mul3A_45 = arith.constant 8192 : i32
    %mul3A_46 = arith.muli %add3A_44, %mul3A_45 : i32
    "tpu.region"() ({
      %run_scoped3A = tpu.sem_alloc : memref<!tpu.dma_semaphore, #tpu.memory_space<semaphore_mem>>
      %dma_start3A = tpu.memref_slice %arg2[%mul3A_46] : memref<98304xf32, #tpu.memory_space<hbm>> -> memref<8192xf32, #tpu.memory_space<hbm>>
      %dma_start3A_697 = tpu.memref_slice %arg2[%mul3A_46] : memref<98304xf32, #tpu.memory_space<hbm>> -> memref<8192xf32, #tpu.memory_space<hbm>>
      tpu.enqueue_dma source(%dma_start3A_697 : memref<8192xf32, #tpu.memory_space<hbm>>) target(%arg10 : memref<8192xf32, #tpu.memory_space<vmem>>) target_semaphore(%run_scoped3A : memref<!tpu.dma_semaphore, #tpu.memory_space<semaphore_mem>>)
      %dma_wait3A = tpu.memref_slice %arg2[%mul3A_46] : memref<98304xf32, #tpu.memory_space<hbm>> -> memref<8192xf32, #tpu.memory_space<hbm>>
      %dma_wait3A_698 = tpu.memref_slice %arg2[%mul3A_46] : memref<98304xf32, #tpu.memory_space<hbm>> -> memref<8192xf32, #tpu.memory_space<hbm>>
      tpu.wait_dma2 semaphore(%run_scoped3A : memref<!tpu.dma_semaphore, #tpu.memory_space<semaphore_mem>>) src(%dma_wait3A_698 : memref<8192xf32, #tpu.memory_space<hbm>>) dst(%arg10 : memref<8192xf32, #tpu.memory_space<vmem>>)
      tpu.yield
    }) : () -> ()
    %mul3A_47 = arith.constant 128 : i32
    %mul3A_48 = arith.muli %add3A, %mul3A_47 : i32
    "tpu.region"() ({
      %run_scoped3A = tpu.sem_alloc : memref<!tpu.dma_semaphore, #tpu.memory_space<semaphore_mem>>
      %dma_start3A = tpu.memref_slice %arg3[%mul3A_48] : memref<4096xi32, #tpu.memory_space<hbm>> -> memref<128xi32, #tpu.memory_space<hbm>>
      %dma_start3A_697 = tpu.memref_slice %arg3[%mul3A_48] : memref<4096xi32, #tpu.memory_space<hbm>> -> memref<128xi32, #tpu.memory_space<hbm>>
      tpu.enqueue_dma source(%dma_start3A_697 : memref<128xi32, #tpu.memory_space<hbm>>) target(%arg21 : memref<128xi32, #tpu.memory_space<vmem>>) target_semaphore(%run_scoped3A : memref<!tpu.dma_semaphore, #tpu.memory_space<semaphore_mem>>)
      %dma_wait3A = tpu.memref_slice %arg3[%mul3A_48] : memref<4096xi32, #tpu.memory_space<hbm>> -> memref<128xi32, #tpu.memory_space<hbm>>
      %dma_wait3A_698 = tpu.memref_slice %arg3[%mul3A_48] : memref<4096xi32, #tpu.memory_space<hbm>> -> memref<128xi32, #tpu.memory_space<hbm>>
      tpu.wait_dma2 semaphore(%run_scoped3A : memref<!tpu.dma_semaphore, #tpu.memory_space<semaphore_mem>>) src(%dma_wait3A_698 : memref<128xi32, #tpu.memory_space<hbm>>) dst(%arg21 : memref<128xi32, #tpu.memory_space<vmem>>)
      tpu.yield
    }) : () -> ()
    %iota3A = tpu.iota {dimensions = array<i32: 0>} : vector<16xi32>
    %mul3A_49 = arith.constant 8192 : i32
    %mul3A_50 = arith.muli %select_n3A, %mul3A_49 : i32
    %scan3A = arith.constant 0 : i32
    %scan3A_51 = arith.constant 0 : i32
    %scan3A_52 = arith.constant 512 : i32
    %scan3A_53 = arith.addi %scan3A_51, %scan3A_52 : i32
    %scan3A_54 = arith.constant 1 : i32
    scf.for %scan3A_697 = %scan3A_51 to %scan3A_53 step %scan3A_54  : i32 {
      %mul3A_698 = arith.constant 16 : i32
      %mul3A_699 = arith.muli %scan3A_697, %mul3A_698 : i32
      %get3A_700 = arith.index_cast %mul3A_699 : i32 to index
      %get3A_701 = tpu.vector_load %arg8[%get3A_700] {strides = array<i32>} : memref<8192xf32, #tpu.memory_space<vmem>>, vector<16xf32>,
      %get3A_702 = arith.index_cast %mul3A_699 : i32 to index
      %get3A_703 = tpu.vector_load %arg9[%get3A_702] {strides = array<i32>} : memref<8192xf32, #tpu.memory_space<vmem>>, vector<16xf32>,
      %get3A_704 = arith.index_cast %mul3A_699 : i32 to index
      %get3A_705 = tpu.vector_load %arg10[%get3A_704] {strides = array<i32>} : memref<8192xf32, #tpu.memory_space<vmem>>, vector<16xf32>,
      %bitcast3A_706 = vector.bitcast %get3A_701 : vector<16xf32> to vector<16xi32>
      %shift_right_logical3A_707 = arith.constant 16 : i32
      %shift_right_logical3A_708 = vector.broadcast %shift_right_logical3A_707 : i32 to vector<16xi32>
      %shift_right_logical3A_709 = arith.shrui %bitcast3A_706, %shift_right_logical3A_708 : vector<16xi32>
      %and3A_710 = arith.constant 1 : i32
      %and3A_711 = vector.broadcast %and3A_710 : i32 to vector<16xi32>
      %and3A_712 = arith.andi %shift_right_logical3A_709, %and3A_711 : vector<16xi32>
      %add3A_713 = arith.constant 32767 : i32
      %add3A_714 = vector.broadcast %add3A_713 : i32 to vector<16xi32>
      %add3A_715 = arith.addi %bitcast3A_706, %add3A_714 : vector<16xi32>
      %add3A_716 = arith.addi %add3A_715, %and3A_712 : vector<16xi32>
      %and3A_717 = arith.constant -65536 : i32
      %and3A_718 = vector.broadcast %and3A_717 : i32 to vector<16xi32>
      %and3A_719 = arith.andi %add3A_716, %and3A_718 : vector<16xi32>
      %bitcast3A_720 = vector.bitcast %and3A_719 : vector<16xi32> to vector<16xf32>
      %swap3A_721 = arith.index_cast %mul3A_699 : i32 to index
      %swap3A_722 = tpu.vector_load %arg11[%swap3A_721] {strides = array<i32>} : memref<8192xf32, #tpu.memory_space<vmem>>, vector<16xf32>,
      tpu.vector_store %arg11[%swap3A_721], %bitcast3A_720 {strides = array<i32>} : memref<8192xf32, #tpu.memory_space<vmem>>, vector<16xf32>,
      %bitcast3A_723 = vector.bitcast %get3A_703 : vector<16xf32> to vector<16xi32>
      %shift_right_logical3A_724 = arith.constant 16 : i32
      %shift_right_logical3A_725 = vector.broadcast %shift_right_logical3A_724 : i32 to vector<16xi32>
      %shift_right_logical3A_726 = arith.shrui %bitcast3A_723, %shift_right_logical3A_725 : vector<16xi32>
      %and3A_727 = arith.constant 1 : i32
      %and3A_728 = vector.broadcast %and3A_727 : i32 to vector<16xi32>
      %and3A_729 = arith.andi %shift_right_logical3A_726, %and3A_728 : vector<16xi32>
      %add3A_730 = arith.constant 32767 : i32
      %add3A_731 = vector.broadcast %add3A_730 : i32 to vector<16xi32>
      %add3A_732 = arith.addi %bitcast3A_723, %add3A_731 : vector<16xi32>
      %add3A_733 = arith.addi %add3A_732, %and3A_729 : vector<16xi32>
      %and3A_734 = arith.constant -65536 : i32
      %and3A_735 = vector.broadcast %and3A_734 : i32 to vector<16xi32>
      %and3A_736 = arith.andi %add3A_733, %and3A_735 : vector<16xi32>
      %bitcast3A_737 = vector.bitcast %and3A_736 : vector<16xi32> to vector<16xf32>
      %swap3A_738 = arith.index_cast %mul3A_699 : i32 to index
      %swap3A_739 = tpu.vector_load %arg12[%swap3A_738] {strides = array<i32>} : memref<8192xf32, #tpu.memory_space<vmem>>, vector<16xf32>,
      tpu.vector_store %arg12[%swap3A_738], %bitcast3A_737 {strides = array<i32>} : memref<8192xf32, #tpu.memory_space<vmem>>, vector<16xf32>,
      %bitcast3A_740 = vector.bitcast %get3A_705 : vector<16xf32> to vector<16xi32>
      %shift_right_logical3A_741 = arith.constant 16 : i32
      %shift_right_logical3A_742 = vector.broadcast %shift_right_logical3A_741 : i32 to vector<16xi32>
      %shift_right_logical3A_743 = arith.shrui %bitcast3A_740, %shift_right_logical3A_742 : vector<16xi32>
      %and3A_744 = arith.constant 1 : i32
      %and3A_745 = vector.broadcast %and3A_744 : i32 to vector<16xi32>
      %and3A_746 = arith.andi %shift_right_logical3A_743, %and3A_745 : vector<16xi32>
      %add3A_747 = arith.constant 32767 : i32
      %add3A_748 = vector.broadcast %add3A_747 : i32 to vector<16xi32>
      %add3A_749 = arith.addi %bitcast3A_740, %add3A_748 : vector<16xi32>
      %add3A_750 = arith.addi %add3A_749, %and3A_746 : vector<16xi32>
      %and3A_751 = arith.constant -65536 : i32
      %and3A_752 = vector.broadcast %and3A_751 : i32 to vector<16xi32>
      %and3A_753 = arith.andi %add3A_750, %and3A_752 : vector<16xi32>
      %bitcast3A_754 = vector.bitcast %and3A_753 : vector<16xi32> to vector<16xf32>
      %swap3A_755 = arith.index_cast %mul3A_699 : i32 to index
      %swap3A_756 = tpu.vector_load %arg13[%swap3A_755] {strides = array<i32>} : memref<8192xf32, #tpu.memory_space<vmem>>, vector<16xf32>,
      tpu.vector_store %arg13[%swap3A_755], %bitcast3A_754 {strides = array<i32>} : memref<8192xf32, #tpu.memory_space<vmem>>, vector<16xf32>,
      %mul3A_757 = arith.mulf %get3A_701, %get3A_701 : vector<16xf32>
      %mul3A_758 = arith.mulf %get3A_703, %get3A_703 : vector<16xf32>
      %add3A_759 = arith.addf %mul3A_757, %mul3A_758 : vector<16xf32>
      %mul3A_760 = arith.mulf %get3A_705, %get3A_705 : vector<16xf32>
      %add3A_761 = arith.addf %add3A_759, %mul3A_760 : vector<16xf32>
      %swap3A_762 = arith.index_cast %mul3A_699 : i32 to index
      %swap3A_763 = tpu.vector_load %arg14[%swap3A_762] {strides = array<i32>} : memref<8192xf32, #tpu.memory_space<vmem>>, vector<16xf32>,
      tpu.vector_store %arg14[%swap3A_762], %add3A_761 {strides = array<i32>} : memref<8192xf32, #tpu.memory_space<vmem>>, vector<16xf32>,
    }
    %scan3A_55 = arith.constant 512 : i32
    %get3A = arith.constant 0 : index
    %get3A_56 = tpu.vector_load %arg21[%get3A] {strides = array<i32>} : memref<128xi32, #tpu.memory_space<vmem>>, vector<16xi32>,
    %gather3A = tpu.vector_load_idx %arg8[%get3A_56] : memref<8192xf32, #tpu.memory_space<vmem>>[vector<16xi32>], vector<16xf32>,
    %gather3A_57 = tpu.vector_load_idx %arg9[%get3A_56] : memref<8192xf32, #tpu.memory_space<vmem>>[vector<16xi32>], vector<16xf32>,
    %gather3A_58 = tpu.vector_load_idx %arg10[%get3A_56] : memref<8192xf32, #tpu.memory_space<vmem>>[vector<16xi32>], vector<16xf32>,
    %swap3A = arith.constant 0 : index
    %swap3A_59 = tpu.vector_load %arg15[%swap3A] {strides = array<i32>} : memref<144xf32, #tpu.memory_space<vmem>>, vector<16xf32>,
    tpu.vector_store %arg15[%swap3A], %gather3A {strides = array<i32>} : memref<144xf32, #tpu.memory_space<vmem>>, vector<16xf32>,
    %swap3A_60 = arith.constant 0 : index
    %swap3A_61 = tpu.vector_load %arg16[%swap3A_60] {strides = array<i32>} : memref<144xf32, #tpu.memory_space<vmem>>, vector<16xf32>,
    tpu.vector_store %arg16[%swap3A_60], %gather3A_57 {strides = array<i32>} : memref<144xf32, #tpu.memory_space<vmem>>, vector<16xf32>,
    %swap3A_62 = arith.constant 0 : index
    %swap3A_63 = tpu.vector_load %arg17[%swap3A_62] {strides = array<i32>} : memref<144xf32, #tpu.memory_space<vmem>>, vector<16xf32>,
    tpu.vector_store %arg17[%swap3A_62], %gather3A_58 {strides = array<i32>} : memref<144xf32, #tpu.memory_space<vmem>>, vector<16xf32>,
    %bitcast3A = vector.bitcast %gather3A : vector<16xf32> to vector<16xi32>
    %shift_right_logical3A = arith.constant 16 : i32
    %shift_right_logical3A_64 = vector.broadcast %shift_right_logical3A : i32 to vector<16xi32>
    %shift_right_logical3A_65 = arith.shrui %bitcast3A, %shift_right_logical3A_64 : vector<16xi32>
    %and3A_66 = arith.constant 1 : i32
    %and3A_67 = vector.broadcast %and3A_66 : i32 to vector<16xi32>
    %and3A_68 = arith.andi %shift_right_logical3A_65, %and3A_67 : vector<16xi32>
    %add3A_69 = arith.constant 32767 : i32
    %add3A_70 = vector.broadcast %add3A_69 : i32 to vector<16xi32>
    %add3A_71 = arith.addi %bitcast3A, %add3A_70 : vector<16xi32>
    %add3A_72 = arith.addi %add3A_71, %and3A_68 : vector<16xi32>
    %and3A_73 = arith.constant -65536 : i32
    %and3A_74 = vector.broadcast %and3A_73 : i32 to vector<16xi32>
    %and3A_75 = arith.andi %add3A_72, %and3A_74 : vector<16xi32>
    %bitcast3A_76 = vector.bitcast %and3A_75 : vector<16xi32> to vector<16xf32>
    %swap3A_77 = arith.constant 0 : index
    %swap3A_78 = tpu.vector_load %arg18[%swap3A_77] {strides = array<i32>} : memref<144xf32, #tpu.memory_space<vmem>>, vector<16xf32>,
    tpu.vector_store %arg18[%swap3A_77], %bitcast3A_76 {strides = array<i32>} : memref<144xf32, #tpu.memory_space<vmem>>, vector<16xf32>,
    %bitcast3A_79 = vector.bitcast %gather3A_57 : vector<16xf32> to vector<16xi32>
    %shift_right_logical3A_80 = arith.constant 16 : i32
    %shift_right_logical3A_81 = vector.broadcast %shift_right_logical3A_80 : i32 to vector<16xi32>
    %shift_right_logical3A_82 = arith.shrui %bitcast3A_79, %shift_right_logical3A_81 : vector<16xi32>
    %and3A_83 = arith.constant 1 : i32
    %and3A_84 = vector.broadcast %and3A_83 : i32 to vector<16xi32>
    %and3A_85 = arith.andi %shift_right_logical3A_82, %and3A_84 : vector<16xi32>
    %add3A_86 = arith.constant 32767 : i32
    %add3A_87 = vector.broadcast %add3A_86 : i32 to vector<16xi32>
    %add3A_88 = arith.addi %bitcast3A_79, %add3A_87 : vector<16xi32>
    %add3A_89 = arith.addi %add3A_88, %and3A_85 : vector<16xi32>
    %and3A_90 = arith.constant -65536 : i32
    %and3A_91 = vector.broadcast %and3A_90 : i32 to vector<16xi32>
    %and3A_92 = arith.andi %add3A_89, %and3A_91 : vector<16xi32>
    %bitcast3A_93 = vector.bitcast %and3A_92 : vector<16xi32> to vector<16xf32>
    %swap3A_94 = arith.constant 0 : index
    %swap3A_95 = tpu.vector_load %arg19[%swap3A_94] {strides = array<i32>} : memref<144xf32, #tpu.memory_space<vmem>>, vector<16xf32>,
    tpu.vector_store %arg19[%swap3A_94], %bitcast3A_93 {strides = array<i32>} : memref<144xf32, #tpu.memory_space<vmem>>, vector<16xf32>,
    %bitcast3A_96 = vector.bitcast %gather3A_58 : vector<16xf32> to vector<16xi32>
    %shift_right_logical3A_97 = arith.constant 16 : i32
    %shift_right_logical3A_98 = vector.broadcast %shift_right_logical3A_97 : i32 to vector<16xi32>
    %shift_right_logical3A_99 = arith.shrui %bitcast3A_96, %shift_right_logical3A_98 : vector<16xi32>
    %and3A_100 = arith.constant 1 : i32
    %and3A_101 = vector.broadcast %and3A_100 : i32 to vector<16xi32>
    %and3A_102 = arith.andi %shift_right_logical3A_99, %and3A_101 : vector<16xi32>
    %add3A_103 = arith.constant 32767 : i32
    %add3A_104 = vector.broadcast %add3A_103 : i32 to vector<16xi32>
    %add3A_105 = arith.addi %bitcast3A_96, %add3A_104 : vector<16xi32>
    %add3A_106 = arith.addi %add3A_105, %and3A_102 : vector<16xi32>
    %and3A_107 = arith.constant -65536 : i32
    %and3A_108 = vector.broadcast %and3A_107 : i32 to vector<16xi32>
    %and3A_109 = arith.andi %add3A_106, %and3A_108 : vector<16xi32>
    %bitcast3A_110 = vector.bitcast %and3A_109 : vector<16xi32> to vector<16xf32>
    %swap3A_111 = arith.constant 0 : index
    %swap3A_112 = tpu.vector_load %arg20[%swap3A_111] {strides = array<i32>} : memref<144xf32, #tpu.memory_space<vmem>>, vector<16xf32>,
    tpu.vector_store %arg20[%swap3A_111], %bitcast3A_110 {strides = array<i32>} : memref<144xf32, #tpu.memory_space<vmem>>, vector<16xf32>,
    %add3A_113 = arith.constant 0 : i32
    %add3A_114 = vector.broadcast %add3A_113 : i32 to vector<16xi32>
    %add3A_115 = arith.addi %add3A_114, %iota3A : vector<16xi32>
    %mul3A_116 = arith.constant 3 : i32
    %mul3A_117 = vector.broadcast %mul3A_116 : i32 to vector<16xi32>
    %mul3A_118 = arith.muli %add3A_115, %mul3A_117 : vector<16xi32>
    tpu.vector_store_idx %arg22[%mul3A_118], %gather3A : memref<384xf32, #tpu.memory_space<vmem>>[vector<16xi32>], vector<16xf32>,
    %add3A_119 = arith.constant 1 : i32
    %add3A_120 = vector.broadcast %add3A_119 : i32 to vector<16xi32>
    %add3A_121 = arith.addi %mul3A_118, %add3A_120 : vector<16xi32>
    tpu.vector_store_idx %arg22[%add3A_121], %gather3A_57 : memref<384xf32, #tpu.memory_space<vmem>>[vector<16xi32>], vector<16xf32>,
    %add3A_122 = arith.constant 2 : i32
    %add3A_123 = vector.broadcast %add3A_122 : i32 to vector<16xi32>
    %add3A_124 = arith.addi %mul3A_118, %add3A_123 : vector<16xi32>
    tpu.vector_store_idx %arg22[%add3A_124], %gather3A_58 : memref<384xf32, #tpu.memory_space<vmem>>[vector<16xi32>], vector<16xf32>,
    %add3A_125 = vector.broadcast %mul3A_50 : i32 to vector<16xi32>
    %add3A_126 = arith.addi %get3A_56, %add3A_125 : vector<16xi32>
    %swap3A_127 = arith.constant 0 : index
    %swap3A_128 = tpu.vector_load %arg25[%swap3A_127] {strides = array<i32>} : memref<128xi32, #tpu.memory_space<vmem>>, vector<16xi32>,
    tpu.vector_store %arg25[%swap3A_127], %add3A_126 {strides = array<i32>} : memref<128xi32, #tpu.memory_space<vmem>>, vector<16xi32>,
    %get3A_129 = arith.constant 16 : index
    %get3A_130 = tpu.vector_load %arg21[%get3A_129] {strides = array<i32>} : memref<128xi32, #tpu.memory_space<vmem>>, vector<16xi32>,
    %gather3A_131 = tpu.vector_load_idx %arg8[%get3A_130] : memref<8192xf32, #tpu.memory_space<vmem>>[vector<16xi32>], vector<16xf32>,
    %gather3A_132 = tpu.vector_load_idx %arg9[%get3A_130] : memref<8192xf32, #tpu.memory_space<vmem>>[vector<16xi32>], vector<16xf32>,
    %gather3A_133 = tpu.vector_load_idx %arg10[%get3A_130] : memref<8192xf32, #tpu.memory_space<vmem>>[vector<16xi32>], vector<16xf32>,
    %swap3A_134 = arith.constant 16 : index
    %swap3A_135 = tpu.vector_load %arg15[%swap3A_134] {strides = array<i32>} : memref<144xf32, #tpu.memory_space<vmem>>, vector<16xf32>,
    tpu.vector_store %arg15[%swap3A_134], %gather3A_131 {strides = array<i32>} : memref<144xf32, #tpu.memory_space<vmem>>, vector<16xf32>,
    %swap3A_136 = arith.constant 16 : index
    %swap3A_137 = tpu.vector_load %arg16[%swap3A_136] {strides = array<i32>} : memref<144xf32, #tpu.memory_space<vmem>>, vector<16xf32>,
    tpu.vector_store %arg16[%swap3A_136], %gather3A_132 {strides = array<i32>} : memref<144xf32, #tpu.memory_space<vmem>>, vector<16xf32>,
    %swap3A_138 = arith.constant 16 : index
    %swap3A_139 = tpu.vector_load %arg17[%swap3A_138] {strides = array<i32>} : memref<144xf32, #tpu.memory_space<vmem>>, vector<16xf32>,
    tpu.vector_store %arg17[%swap3A_138], %gather3A_133 {strides = array<i32>} : memref<144xf32, #tpu.memory_space<vmem>>, vector<16xf32>,
    %bitcast3A_140 = vector.bitcast %gather3A_131 : vector<16xf32> to vector<16xi32>
    %shift_right_logical3A_141 = arith.constant 16 : i32
    %shift_right_logical3A_142 = vector.broadcast %shift_right_logical3A_141 : i32 to vector<16xi32>
    %shift_right_logical3A_143 = arith.shrui %bitcast3A_140, %shift_right_logical3A_142 : vector<16xi32>
    %and3A_144 = arith.constant 1 : i32
    %and3A_145 = vector.broadcast %and3A_144 : i32 to vector<16xi32>
    %and3A_146 = arith.andi %shift_right_logical3A_143, %and3A_145 : vector<16xi32>
    %add3A_147 = arith.constant 32767 : i32
    %add3A_148 = vector.broadcast %add3A_147 : i32 to vector<16xi32>
    %add3A_149 = arith.addi %bitcast3A_140, %add3A_148 : vector<16xi32>
    %add3A_150 = arith.addi %add3A_149, %and3A_146 : vector<16xi32>
    %and3A_151 = arith.constant -65536 : i32
    %and3A_152 = vector.broadcast %and3A_151 : i32 to vector<16xi32>
    %and3A_153 = arith.andi %add3A_150, %and3A_152 : vector<16xi32>
    %bitcast3A_154 = vector.bitcast %and3A_153 : vector<16xi32> to vector<16xf32>
    %swap3A_155 = arith.constant 16 : index
    %swap3A_156 = tpu.vector_load %arg18[%swap3A_155] {strides = array<i32>} : memref<144xf32, #tpu.memory_space<vmem>>, vector<16xf32>,
    tpu.vector_store %arg18[%swap3A_155], %bitcast3A_154 {strides = array<i32>} : memref<144xf32, #tpu.memory_space<vmem>>, vector<16xf32>,
    %bitcast3A_157 = vector.bitcast %gather3A_132 : vector<16xf32> to vector<16xi32>
    %shift_right_logical3A_158 = arith.constant 16 : i32
    %shift_right_logical3A_159 = vector.broadcast %shift_right_logical3A_158 : i32 to vector<16xi32>
    %shift_right_logical3A_160 = arith.shrui %bitcast3A_157, %shift_right_logical3A_159 : vector<16xi32>
    %and3A_161 = arith.constant 1 : i32
    %and3A_162 = vector.broadcast %and3A_161 : i32 to vector<16xi32>
    %and3A_163 = arith.andi %shift_right_logical3A_160, %and3A_162 : vector<16xi32>
    %add3A_164 = arith.constant 32767 : i32
    %add3A_165 = vector.broadcast %add3A_164 : i32 to vector<16xi32>
    %add3A_166 = arith.addi %bitcast3A_157, %add3A_165 : vector<16xi32>
    %add3A_167 = arith.addi %add3A_166, %and3A_163 : vector<16xi32>
    %and3A_168 = arith.constant -65536 : i32
    %and3A_169 = vector.broadcast %and3A_168 : i32 to vector<16xi32>
    %and3A_170 = arith.andi %add3A_167, %and3A_169 : vector<16xi32>
    %bitcast3A_171 = vector.bitcast %and3A_170 : vector<16xi32> to vector<16xf32>
    %swap3A_172 = arith.constant 16 : index
    %swap3A_173 = tpu.vector_load %arg19[%swap3A_172] {strides = array<i32>} : memref<144xf32, #tpu.memory_space<vmem>>, vector<16xf32>,
    tpu.vector_store %arg19[%swap3A_172], %bitcast3A_171 {strides = array<i32>} : memref<144xf32, #tpu.memory_space<vmem>>, vector<16xf32>,
    %bitcast3A_174 = vector.bitcast %gather3A_133 : vector<16xf32> to vector<16xi32>
    %shift_right_logical3A_175 = arith.constant 16 : i32
    %shift_right_logical3A_176 = vector.broadcast %shift_right_logical3A_175 : i32 to vector<16xi32>
    %shift_right_logical3A_177 = arith.shrui %bitcast3A_174, %shift_right_logical3A_176 : vector<16xi32>
    %and3A_178 = arith.constant 1 : i32
    %and3A_179 = vector.broadcast %and3A_178 : i32 to vector<16xi32>
    %and3A_180 = arith.andi %shift_right_logical3A_177, %and3A_179 : vector<16xi32>
    %add3A_181 = arith.constant 32767 : i32
    %add3A_182 = vector.broadcast %add3A_181 : i32 to vector<16xi32>
    %add3A_183 = arith.addi %bitcast3A_174, %add3A_182 : vector<16xi32>
    %add3A_184 = arith.addi %add3A_183, %and3A_180 : vector<16xi32>
    %and3A_185 = arith.constant -65536 : i32
    %and3A_186 = vector.broadcast %and3A_185 : i32 to vector<16xi32>
    %and3A_187 = arith.andi %add3A_184, %and3A_186 : vector<16xi32>
    %bitcast3A_188 = vector.bitcast %and3A_187 : vector<16xi32> to vector<16xf32>
    %swap3A_189 = arith.constant 16 : index
    %swap3A_190 = tpu.vector_load %arg20[%swap3A_189] {strides = array<i32>} : memref<144xf32, #tpu.memory_space<vmem>>, vector<16xf32>,
    tpu.vector_store %arg20[%swap3A_189], %bitcast3A_188 {strides = array<i32>} : memref<144xf32, #tpu.memory_space<vmem>>, vector<16xf32>,
    %add3A_191 = arith.constant 16 : i32
    %add3A_192 = vector.broadcast %add3A_191 : i32 to vector<16xi32>
    %add3A_193 = arith.addi %add3A_192, %iota3A : vector<16xi32>
    %mul3A_194 = arith.constant 3 : i32
    %mul3A_195 = vector.broadcast %mul3A_194 : i32 to vector<16xi32>
    %mul3A_196 = arith.muli %add3A_193, %mul3A_195 : vector<16xi32>
    tpu.vector_store_idx %arg22[%mul3A_196], %gather3A_131 : memref<384xf32, #tpu.memory_space<vmem>>[vector<16xi32>], vector<16xf32>,
    %add3A_197 = arith.constant 1 : i32
    %add3A_198 = vector.broadcast %add3A_197 : i32 to vector<16xi32>
    %add3A_199 = arith.addi %mul3A_196, %add3A_198 : vector<16xi32>
    tpu.vector_store_idx %arg22[%add3A_199], %gather3A_132 : memref<384xf32, #tpu.memory_space<vmem>>[vector<16xi32>], vector<16xf32>,
    %add3A_200 = arith.constant 2 : i32
    %add3A_201 = vector.broadcast %add3A_200 : i32 to vector<16xi32>
    %add3A_202 = arith.addi %mul3A_196, %add3A_201 : vector<16xi32>
    tpu.vector_store_idx %arg22[%add3A_202], %gather3A_133 : memref<384xf32, #tpu.memory_space<vmem>>[vector<16xi32>], vector<16xf32>,
    %add3A_203 = vector.broadcast %mul3A_50 : i32 to vector<16xi32>
    %add3A_204 = arith.addi %get3A_130, %add3A_203 : vector<16xi32>
    %swap3A_205 = arith.constant 16 : index
    %swap3A_206 = tpu.vector_load %arg25[%swap3A_205] {strides = array<i32>} : memref<128xi32, #tpu.memory_space<vmem>>, vector<16xi32>,
    tpu.vector_store %arg25[%swap3A_205], %add3A_204 {strides = array<i32>} : memref<128xi32, #tpu.memory_space<vmem>>, vector<16xi32>,
    %get3A_207 = arith.constant 32 : index
    %get3A_208 = tpu.vector_load %arg21[%get3A_207] {strides = array<i32>} : memref<128xi32, #tpu.memory_space<vmem>>, vector<16xi32>,
    %gather3A_209 = tpu.vector_load_idx %arg8[%get3A_208] : memref<8192xf32, #tpu.memory_space<vmem>>[vector<16xi32>], vector<16xf32>,
    %gather3A_210 = tpu.vector_load_idx %arg9[%get3A_208] : memref<8192xf32, #tpu.memory_space<vmem>>[vector<16xi32>], vector<16xf32>,
    %gather3A_211 = tpu.vector_load_idx %arg10[%get3A_208] : memref<8192xf32, #tpu.memory_space<vmem>>[vector<16xi32>], vector<16xf32>,
    %swap3A_212 = arith.constant 32 : index
    %swap3A_213 = tpu.vector_load %arg15[%swap3A_212] {strides = array<i32>} : memref<144xf32, #tpu.memory_space<vmem>>, vector<16xf32>,
    tpu.vector_store %arg15[%swap3A_212], %gather3A_209 {strides = array<i32>} : memref<144xf32, #tpu.memory_space<vmem>>, vector<16xf32>,
    %swap3A_214 = arith.constant 32 : index
    %swap3A_215 = tpu.vector_load %arg16[%swap3A_214] {strides = array<i32>} : memref<144xf32, #tpu.memory_space<vmem>>, vector<16xf32>,
    tpu.vector_store %arg16[%swap3A_214], %gather3A_210 {strides = array<i32>} : memref<144xf32, #tpu.memory_space<vmem>>, vector<16xf32>,
    %swap3A_216 = arith.constant 32 : index
    %swap3A_217 = tpu.vector_load %arg17[%swap3A_216] {strides = array<i32>} : memref<144xf32, #tpu.memory_space<vmem>>, vector<16xf32>,
    tpu.vector_store %arg17[%swap3A_216], %gather3A_211 {strides = array<i32>} : memref<144xf32, #tpu.memory_space<vmem>>, vector<16xf32>,
    %bitcast3A_218 = vector.bitcast %gather3A_209 : vector<16xf32> to vector<16xi32>
    %shift_right_logical3A_219 = arith.constant 16 : i32
    %shift_right_logical3A_220 = vector.broadcast %shift_right_logical3A_219 : i32 to vector<16xi32>
    %shift_right_logical3A_221 = arith.shrui %bitcast3A_218, %shift_right_logical3A_220 : vector<16xi32>
    %and3A_222 = arith.constant 1 : i32
    %and3A_223 = vector.broadcast %and3A_222 : i32 to vector<16xi32>
    %and3A_224 = arith.andi %shift_right_logical3A_221, %and3A_223 : vector<16xi32>
    %add3A_225 = arith.constant 32767 : i32
    %add3A_226 = vector.broadcast %add3A_225 : i32 to vector<16xi32>
    %add3A_227 = arith.addi %bitcast3A_218, %add3A_226 : vector<16xi32>
    %add3A_228 = arith.addi %add3A_227, %and3A_224 : vector<16xi32>
    %and3A_229 = arith.constant -65536 : i32
    %and3A_230 = vector.broadcast %and3A_229 : i32 to vector<16xi32>
    %and3A_231 = arith.andi %add3A_228, %and3A_230 : vector<16xi32>
    %bitcast3A_232 = vector.bitcast %and3A_231 : vector<16xi32> to vector<16xf32>
    %swap3A_233 = arith.constant 32 : index
    %swap3A_234 = tpu.vector_load %arg18[%swap3A_233] {strides = array<i32>} : memref<144xf32, #tpu.memory_space<vmem>>, vector<16xf32>,
    tpu.vector_store %arg18[%swap3A_233], %bitcast3A_232 {strides = array<i32>} : memref<144xf32, #tpu.memory_space<vmem>>, vector<16xf32>,
    %bitcast3A_235 = vector.bitcast %gather3A_210 : vector<16xf32> to vector<16xi32>
    %shift_right_logical3A_236 = arith.constant 16 : i32
    %shift_right_logical3A_237 = vector.broadcast %shift_right_logical3A_236 : i32 to vector<16xi32>
    %shift_right_logical3A_238 = arith.shrui %bitcast3A_235, %shift_right_logical3A_237 : vector<16xi32>
    %and3A_239 = arith.constant 1 : i32
    %and3A_240 = vector.broadcast %and3A_239 : i32 to vector<16xi32>
    %and3A_241 = arith.andi %shift_right_logical3A_238, %and3A_240 : vector<16xi32>
    %add3A_242 = arith.constant 32767 : i32
    %add3A_243 = vector.broadcast %add3A_242 : i32 to vector<16xi32>
    %add3A_244 = arith.addi %bitcast3A_235, %add3A_243 : vector<16xi32>
    %add3A_245 = arith.addi %add3A_244, %and3A_241 : vector<16xi32>
    %and3A_246 = arith.constant -65536 : i32
    %and3A_247 = vector.broadcast %and3A_246 : i32 to vector<16xi32>
    %and3A_248 = arith.andi %add3A_245, %and3A_247 : vector<16xi32>
    %bitcast3A_249 = vector.bitcast %and3A_248 : vector<16xi32> to vector<16xf32>
    %swap3A_250 = arith.constant 32 : index
    %swap3A_251 = tpu.vector_load %arg19[%swap3A_250] {strides = array<i32>} : memref<144xf32, #tpu.memory_space<vmem>>, vector<16xf32>,
    tpu.vector_store %arg19[%swap3A_250], %bitcast3A_249 {strides = array<i32>} : memref<144xf32, #tpu.memory_space<vmem>>, vector<16xf32>,
    %bitcast3A_252 = vector.bitcast %gather3A_211 : vector<16xf32> to vector<16xi32>
    %shift_right_logical3A_253 = arith.constant 16 : i32
    %shift_right_logical3A_254 = vector.broadcast %shift_right_logical3A_253 : i32 to vector<16xi32>
    %shift_right_logical3A_255 = arith.shrui %bitcast3A_252, %shift_right_logical3A_254 : vector<16xi32>
    %and3A_256 = arith.constant 1 : i32
    %and3A_257 = vector.broadcast %and3A_256 : i32 to vector<16xi32>
    %and3A_258 = arith.andi %shift_right_logical3A_255, %and3A_257 : vector<16xi32>
    %add3A_259 = arith.constant 32767 : i32
    %add3A_260 = vector.broadcast %add3A_259 : i32 to vector<16xi32>
    %add3A_261 = arith.addi %bitcast3A_252, %add3A_260 : vector<16xi32>
    %add3A_262 = arith.addi %add3A_261, %and3A_258 : vector<16xi32>
    %and3A_263 = arith.constant -65536 : i32
    %and3A_264 = vector.broadcast %and3A_263 : i32 to vector<16xi32>
    %and3A_265 = arith.andi %add3A_262, %and3A_264 : vector<16xi32>
    %bitcast3A_266 = vector.bitcast %and3A_265 : vector<16xi32> to vector<16xf32>
    %swap3A_267 = arith.constant 32 : index
    %swap3A_268 = tpu.vector_load %arg20[%swap3A_267] {strides = array<i32>} : memref<144xf32, #tpu.memory_space<vmem>>, vector<16xf32>,
    tpu.vector_store %arg20[%swap3A_267], %bitcast3A_266 {strides = array<i32>} : memref<144xf32, #tpu.memory_space<vmem>>, vector<16xf32>,
    %add3A_269 = arith.constant 32 : i32
    %add3A_270 = vector.broadcast %add3A_269 : i32 to vector<16xi32>
    %add3A_271 = arith.addi %add3A_270, %iota3A : vector<16xi32>
    %mul3A_272 = arith.constant 3 : i32
    %mul3A_273 = vector.broadcast %mul3A_272 : i32 to vector<16xi32>
    %mul3A_274 = arith.muli %add3A_271, %mul3A_273 : vector<16xi32>
    tpu.vector_store_idx %arg22[%mul3A_274], %gather3A_209 : memref<384xf32, #tpu.memory_space<vmem>>[vector<16xi32>], vector<16xf32>,
    %add3A_275 = arith.constant 1 : i32
    %add3A_276 = vector.broadcast %add3A_275 : i32 to vector<16xi32>
    %add3A_277 = arith.addi %mul3A_274, %add3A_276 : vector<16xi32>
    tpu.vector_store_idx %arg22[%add3A_277], %gather3A_210 : memref<384xf32, #tpu.memory_space<vmem>>[vector<16xi32>], vector<16xf32>,
    %add3A_278 = arith.constant 2 : i32
    %add3A_279 = vector.broadcast %add3A_278 : i32 to vector<16xi32>
    %add3A_280 = arith.addi %mul3A_274, %add3A_279 : vector<16xi32>
    tpu.vector_store_idx %arg22[%add3A_280], %gather3A_211 : memref<384xf32, #tpu.memory_space<vmem>>[vector<16xi32>], vector<16xf32>,
    %add3A_281 = vector.broadcast %mul3A_50 : i32 to vector<16xi32>
    %add3A_282 = arith.addi %get3A_208, %add3A_281 : vector<16xi32>
    %swap3A_283 = arith.constant 32 : index
    %swap3A_284 = tpu.vector_load %arg25[%swap3A_283] {strides = array<i32>} : memref<128xi32, #tpu.memory_space<vmem>>, vector<16xi32>,
    tpu.vector_store %arg25[%swap3A_283], %add3A_282 {strides = array<i32>} : memref<128xi32, #tpu.memory_space<vmem>>, vector<16xi32>,
    %get3A_285 = arith.constant 48 : index
    %get3A_286 = tpu.vector_load %arg21[%get3A_285] {strides = array<i32>} : memref<128xi32, #tpu.memory_space<vmem>>, vector<16xi32>,
    %gather3A_287 = tpu.vector_load_idx %arg8[%get3A_286] : memref<8192xf32, #tpu.memory_space<vmem>>[vector<16xi32>], vector<16xf32>,
    %gather3A_288 = tpu.vector_load_idx %arg9[%get3A_286] : memref<8192xf32, #tpu.memory_space<vmem>>[vector<16xi32>], vector<16xf32>,
    %gather3A_289 = tpu.vector_load_idx %arg10[%get3A_286] : memref<8192xf32, #tpu.memory_space<vmem>>[vector<16xi32>], vector<16xf32>,
    %swap3A_290 = arith.constant 48 : index
    %swap3A_291 = tpu.vector_load %arg15[%swap3A_290] {strides = array<i32>} : memref<144xf32, #tpu.memory_space<vmem>>, vector<16xf32>,
    tpu.vector_store %arg15[%swap3A_290], %gather3A_287 {strides = array<i32>} : memref<144xf32, #tpu.memory_space<vmem>>, vector<16xf32>,
    %swap3A_292 = arith.constant 48 : index
    %swap3A_293 = tpu.vector_load %arg16[%swap3A_292] {strides = array<i32>} : memref<144xf32, #tpu.memory_space<vmem>>, vector<16xf32>,
    tpu.vector_store %arg16[%swap3A_292], %gather3A_288 {strides = array<i32>} : memref<144xf32, #tpu.memory_space<vmem>>, vector<16xf32>,
    %swap3A_294 = arith.constant 48 : index
    %swap3A_295 = tpu.vector_load %arg17[%swap3A_294] {strides = array<i32>} : memref<144xf32, #tpu.memory_space<vmem>>, vector<16xf32>,
    tpu.vector_store %arg17[%swap3A_294], %gather3A_289 {strides = array<i32>} : memref<144xf32, #tpu.memory_space<vmem>>, vector<16xf32>,
    %bitcast3A_296 = vector.bitcast %gather3A_287 : vector<16xf32> to vector<16xi32>
    %shift_right_logical3A_297 = arith.constant 16 : i32
    %shift_right_logical3A_298 = vector.broadcast %shift_right_logical3A_297 : i32 to vector<16xi32>
    %shift_right_logical3A_299 = arith.shrui %bitcast3A_296, %shift_right_logical3A_298 : vector<16xi32>
    %and3A_300 = arith.constant 1 : i32
    %and3A_301 = vector.broadcast %and3A_300 : i32 to vector<16xi32>
    %and3A_302 = arith.andi %shift_right_logical3A_299, %and3A_301 : vector<16xi32>
    %add3A_303 = arith.constant 32767 : i32
    %add3A_304 = vector.broadcast %add3A_303 : i32 to vector<16xi32>
    %add3A_305 = arith.addi %bitcast3A_296, %add3A_304 : vector<16xi32>
    %add3A_306 = arith.addi %add3A_305, %and3A_302 : vector<16xi32>
    %and3A_307 = arith.constant -65536 : i32
    %and3A_308 = vector.broadcast %and3A_307 : i32 to vector<16xi32>
    %and3A_309 = arith.andi %add3A_306, %and3A_308 : vector<16xi32>
    %bitcast3A_310 = vector.bitcast %and3A_309 : vector<16xi32> to vector<16xf32>
    %swap3A_311 = arith.constant 48 : index
    %swap3A_312 = tpu.vector_load %arg18[%swap3A_311] {strides = array<i32>} : memref<144xf32, #tpu.memory_space<vmem>>, vector<16xf32>,
    tpu.vector_store %arg18[%swap3A_311], %bitcast3A_310 {strides = array<i32>} : memref<144xf32, #tpu.memory_space<vmem>>, vector<16xf32>,
    %bitcast3A_313 = vector.bitcast %gather3A_288 : vector<16xf32> to vector<16xi32>
    %shift_right_logical3A_314 = arith.constant 16 : i32
    %shift_right_logical3A_315 = vector.broadcast %shift_right_logical3A_314 : i32 to vector<16xi32>
    %shift_right_logical3A_316 = arith.shrui %bitcast3A_313, %shift_right_logical3A_315 : vector<16xi32>
    %and3A_317 = arith.constant 1 : i32
    %and3A_318 = vector.broadcast %and3A_317 : i32 to vector<16xi32>
    %and3A_319 = arith.andi %shift_right_logical3A_316, %and3A_318 : vector<16xi32>
    %add3A_320 = arith.constant 32767 : i32
    %add3A_321 = vector.broadcast %add3A_320 : i32 to vector<16xi32>
    %add3A_322 = arith.addi %bitcast3A_313, %add3A_321 : vector<16xi32>
    %add3A_323 = arith.addi %add3A_322, %and3A_319 : vector<16xi32>
    %and3A_324 = arith.constant -65536 : i32
    %and3A_325 = vector.broadcast %and3A_324 : i32 to vector<16xi32>
    %and3A_326 = arith.andi %add3A_323, %and3A_325 : vector<16xi32>
    %bitcast3A_327 = vector.bitcast %and3A_326 : vector<16xi32> to vector<16xf32>
    %swap3A_328 = arith.constant 48 : index
    %swap3A_329 = tpu.vector_load %arg19[%swap3A_328] {strides = array<i32>} : memref<144xf32, #tpu.memory_space<vmem>>, vector<16xf32>,
    tpu.vector_store %arg19[%swap3A_328], %bitcast3A_327 {strides = array<i32>} : memref<144xf32, #tpu.memory_space<vmem>>, vector<16xf32>,
    %bitcast3A_330 = vector.bitcast %gather3A_289 : vector<16xf32> to vector<16xi32>
    %shift_right_logical3A_331 = arith.constant 16 : i32
    %shift_right_logical3A_332 = vector.broadcast %shift_right_logical3A_331 : i32 to vector<16xi32>
    %shift_right_logical3A_333 = arith.shrui %bitcast3A_330, %shift_right_logical3A_332 : vector<16xi32>
    %and3A_334 = arith.constant 1 : i32
    %and3A_335 = vector.broadcast %and3A_334 : i32 to vector<16xi32>
    %and3A_336 = arith.andi %shift_right_logical3A_333, %and3A_335 : vector<16xi32>
    %add3A_337 = arith.constant 32767 : i32
    %add3A_338 = vector.broadcast %add3A_337 : i32 to vector<16xi32>
    %add3A_339 = arith.addi %bitcast3A_330, %add3A_338 : vector<16xi32>
    %add3A_340 = arith.addi %add3A_339, %and3A_336 : vector<16xi32>
    %and3A_341 = arith.constant -65536 : i32
    %and3A_342 = vector.broadcast %and3A_341 : i32 to vector<16xi32>
    %and3A_343 = arith.andi %add3A_340, %and3A_342 : vector<16xi32>
    %bitcast3A_344 = vector.bitcast %and3A_343 : vector<16xi32> to vector<16xf32>
    %swap3A_345 = arith.constant 48 : index
    %swap3A_346 = tpu.vector_load %arg20[%swap3A_345] {strides = array<i32>} : memref<144xf32, #tpu.memory_space<vmem>>, vector<16xf32>,
    tpu.vector_store %arg20[%swap3A_345], %bitcast3A_344 {strides = array<i32>} : memref<144xf32, #tpu.memory_space<vmem>>, vector<16xf32>,
    %add3A_347 = arith.constant 48 : i32
    %add3A_348 = vector.broadcast %add3A_347 : i32 to vector<16xi32>
    %add3A_349 = arith.addi %add3A_348, %iota3A : vector<16xi32>
    %mul3A_350 = arith.constant 3 : i32
    %mul3A_351 = vector.broadcast %mul3A_350 : i32 to vector<16xi32>
    %mul3A_352 = arith.muli %add3A_349, %mul3A_351 : vector<16xi32>
    tpu.vector_store_idx %arg22[%mul3A_352], %gather3A_287 : memref<384xf32, #tpu.memory_space<vmem>>[vector<16xi32>], vector<16xf32>,
    %add3A_353 = arith.constant 1 : i32
    %add3A_354 = vector.broadcast %add3A_353 : i32 to vector<16xi32>
    %add3A_355 = arith.addi %mul3A_352, %add3A_354 : vector<16xi32>
    tpu.vector_store_idx %arg22[%add3A_355], %gather3A_288 : memref<384xf32, #tpu.memory_space<vmem>>[vector<16xi32>], vector<16xf32>,
    %add3A_356 = arith.constant 2 : i32
    %add3A_357 = vector.broadcast %add3A_356 : i32 to vector<16xi32>
    %add3A_358 = arith.addi %mul3A_352, %add3A_357 : vector<16xi32>
    tpu.vector_store_idx %arg22[%add3A_358], %gather3A_289 : memref<384xf32, #tpu.memory_space<vmem>>[vector<16xi32>], vector<16xf32>,
    %add3A_359 = vector.broadcast %mul3A_50 : i32 to vector<16xi32>
    %add3A_360 = arith.addi %get3A_286, %add3A_359 : vector<16xi32>
    %swap3A_361 = arith.constant 48 : index
    %swap3A_362 = tpu.vector_load %arg25[%swap3A_361] {strides = array<i32>} : memref<128xi32, #tpu.memory_space<vmem>>, vector<16xi32>,
    tpu.vector_store %arg25[%swap3A_361], %add3A_360 {strides = array<i32>} : memref<128xi32, #tpu.memory_space<vmem>>, vector<16xi32>,
    %get3A_363 = arith.constant 64 : index
    %get3A_364 = tpu.vector_load %arg21[%get3A_363] {strides = array<i32>} : memref<128xi32, #tpu.memory_space<vmem>>, vector<16xi32>,
    %gather3A_365 = tpu.vector_load_idx %arg8[%get3A_364] : memref<8192xf32, #tpu.memory_space<vmem>>[vector<16xi32>], vector<16xf32>,
    %gather3A_366 = tpu.vector_load_idx %arg9[%get3A_364] : memref<8192xf32, #tpu.memory_space<vmem>>[vector<16xi32>], vector<16xf32>,
    %gather3A_367 = tpu.vector_load_idx %arg10[%get3A_364] : memref<8192xf32, #tpu.memory_space<vmem>>[vector<16xi32>], vector<16xf32>,
    %swap3A_368 = arith.constant 64 : index
    %swap3A_369 = tpu.vector_load %arg15[%swap3A_368] {strides = array<i32>} : memref<144xf32, #tpu.memory_space<vmem>>, vector<16xf32>,
    tpu.vector_store %arg15[%swap3A_368], %gather3A_365 {strides = array<i32>} : memref<144xf32, #tpu.memory_space<vmem>>, vector<16xf32>,
    %swap3A_370 = arith.constant 64 : index
    %swap3A_371 = tpu.vector_load %arg16[%swap3A_370] {strides = array<i32>} : memref<144xf32, #tpu.memory_space<vmem>>, vector<16xf32>,
    tpu.vector_store %arg16[%swap3A_370], %gather3A_366 {strides = array<i32>} : memref<144xf32, #tpu.memory_space<vmem>>, vector<16xf32>,
    %swap3A_372 = arith.constant 64 : index
    %swap3A_373 = tpu.vector_load %arg17[%swap3A_372] {strides = array<i32>} : memref<144xf32, #tpu.memory_space<vmem>>, vector<16xf32>,
    tpu.vector_store %arg17[%swap3A_372], %gather3A_367 {strides = array<i32>} : memref<144xf32, #tpu.memory_space<vmem>>, vector<16xf32>,
    %bitcast3A_374 = vector.bitcast %gather3A_365 : vector<16xf32> to vector<16xi32>
    %shift_right_logical3A_375 = arith.constant 16 : i32
    %shift_right_logical3A_376 = vector.broadcast %shift_right_logical3A_375 : i32 to vector<16xi32>
    %shift_right_logical3A_377 = arith.shrui %bitcast3A_374, %shift_right_logical3A_376 : vector<16xi32>
    %and3A_378 = arith.constant 1 : i32
    %and3A_379 = vector.broadcast %and3A_378 : i32 to vector<16xi32>
    %and3A_380 = arith.andi %shift_right_logical3A_377, %and3A_379 : vector<16xi32>
    %add3A_381 = arith.constant 32767 : i32
    %add3A_382 = vector.broadcast %add3A_381 : i32 to vector<16xi32>
    %add3A_383 = arith.addi %bitcast3A_374, %add3A_382 : vector<16xi32>
    %add3A_384 = arith.addi %add3A_383, %and3A_380 : vector<16xi32>
    %and3A_385 = arith.constant -65536 : i32
    %and3A_386 = vector.broadcast %and3A_385 : i32 to vector<16xi32>
    %and3A_387 = arith.andi %add3A_384, %and3A_386 : vector<16xi32>
    %bitcast3A_388 = vector.bitcast %and3A_387 : vector<16xi32> to vector<16xf32>
    %swap3A_389 = arith.constant 64 : index
    %swap3A_390 = tpu.vector_load %arg18[%swap3A_389] {strides = array<i32>} : memref<144xf32, #tpu.memory_space<vmem>>, vector<16xf32>,
    tpu.vector_store %arg18[%swap3A_389], %bitcast3A_388 {strides = array<i32>} : memref<144xf32, #tpu.memory_space<vmem>>, vector<16xf32>,
    %bitcast3A_391 = vector.bitcast %gather3A_366 : vector<16xf32> to vector<16xi32>
    %shift_right_logical3A_392 = arith.constant 16 : i32
    %shift_right_logical3A_393 = vector.broadcast %shift_right_logical3A_392 : i32 to vector<16xi32>
    %shift_right_logical3A_394 = arith.shrui %bitcast3A_391, %shift_right_logical3A_393 : vector<16xi32>
    %and3A_395 = arith.constant 1 : i32
    %and3A_396 = vector.broadcast %and3A_395 : i32 to vector<16xi32>
    %and3A_397 = arith.andi %shift_right_logical3A_394, %and3A_396 : vector<16xi32>
    %add3A_398 = arith.constant 32767 : i32
    %add3A_399 = vector.broadcast %add3A_398 : i32 to vector<16xi32>
    %add3A_400 = arith.addi %bitcast3A_391, %add3A_399 : vector<16xi32>
    %add3A_401 = arith.addi %add3A_400, %and3A_397 : vector<16xi32>
    %and3A_402 = arith.constant -65536 : i32
    %and3A_403 = vector.broadcast %and3A_402 : i32 to vector<16xi32>
    %and3A_404 = arith.andi %add3A_401, %and3A_403 : vector<16xi32>
    %bitcast3A_405 = vector.bitcast %and3A_404 : vector<16xi32> to vector<16xf32>
    %swap3A_406 = arith.constant 64 : index
    %swap3A_407 = tpu.vector_load %arg19[%swap3A_406] {strides = array<i32>} : memref<144xf32, #tpu.memory_space<vmem>>, vector<16xf32>,
    tpu.vector_store %arg19[%swap3A_406], %bitcast3A_405 {strides = array<i32>} : memref<144xf32, #tpu.memory_space<vmem>>, vector<16xf32>,
    %bitcast3A_408 = vector.bitcast %gather3A_367 : vector<16xf32> to vector<16xi32>
    %shift_right_logical3A_409 = arith.constant 16 : i32
    %shift_right_logical3A_410 = vector.broadcast %shift_right_logical3A_409 : i32 to vector<16xi32>
    %shift_right_logical3A_411 = arith.shrui %bitcast3A_408, %shift_right_logical3A_410 : vector<16xi32>
    %and3A_412 = arith.constant 1 : i32
    %and3A_413 = vector.broadcast %and3A_412 : i32 to vector<16xi32>
    %and3A_414 = arith.andi %shift_right_logical3A_411, %and3A_413 : vector<16xi32>
    %add3A_415 = arith.constant 32767 : i32
    %add3A_416 = vector.broadcast %add3A_415 : i32 to vector<16xi32>
    %add3A_417 = arith.addi %bitcast3A_408, %add3A_416 : vector<16xi32>
    %add3A_418 = arith.addi %add3A_417, %and3A_414 : vector<16xi32>
    %and3A_419 = arith.constant -65536 : i32
    %and3A_420 = vector.broadcast %and3A_419 : i32 to vector<16xi32>
    %and3A_421 = arith.andi %add3A_418, %and3A_420 : vector<16xi32>
    %bitcast3A_422 = vector.bitcast %and3A_421 : vector<16xi32> to vector<16xf32>
    %swap3A_423 = arith.constant 64 : index
    %swap3A_424 = tpu.vector_load %arg20[%swap3A_423] {strides = array<i32>} : memref<144xf32, #tpu.memory_space<vmem>>, vector<16xf32>,
    tpu.vector_store %arg20[%swap3A_423], %bitcast3A_422 {strides = array<i32>} : memref<144xf32, #tpu.memory_space<vmem>>, vector<16xf32>,
    %add3A_425 = arith.constant 64 : i32
    %add3A_426 = vector.broadcast %add3A_425 : i32 to vector<16xi32>
    %add3A_427 = arith.addi %add3A_426, %iota3A : vector<16xi32>
    %mul3A_428 = arith.constant 3 : i32
    %mul3A_429 = vector.broadcast %mul3A_428 : i32 to vector<16xi32>
    %mul3A_430 = arith.muli %add3A_427, %mul3A_429 : vector<16xi32>
    tpu.vector_store_idx %arg22[%mul3A_430], %gather3A_365 : memref<384xf32, #tpu.memory_space<vmem>>[vector<16xi32>], vector<16xf32>,
    %add3A_431 = arith.constant 1 : i32
    %add3A_432 = vector.broadcast %add3A_431 : i32 to vector<16xi32>
    %add3A_433 = arith.addi %mul3A_430, %add3A_432 : vector<16xi32>
    tpu.vector_store_idx %arg22[%add3A_433], %gather3A_366 : memref<384xf32, #tpu.memory_space<vmem>>[vector<16xi32>], vector<16xf32>,
    %add3A_434 = arith.constant 2 : i32
    %add3A_435 = vector.broadcast %add3A_434 : i32 to vector<16xi32>
    %add3A_436 = arith.addi %mul3A_430, %add3A_435 : vector<16xi32>
    tpu.vector_store_idx %arg22[%add3A_436], %gather3A_367 : memref<384xf32, #tpu.memory_space<vmem>>[vector<16xi32>], vector<16xf32>,
    %add3A_437 = vector.broadcast %mul3A_50 : i32 to vector<16xi32>
    %add3A_438 = arith.addi %get3A_364, %add3A_437 : vector<16xi32>
    %swap3A_439 = arith.constant 64 : index
    %swap3A_440 = tpu.vector_load %arg25[%swap3A_439] {strides = array<i32>} : memref<128xi32, #tpu.memory_space<vmem>>, vector<16xi32>,
    tpu.vector_store %arg25[%swap3A_439], %add3A_438 {strides = array<i32>} : memref<128xi32, #tpu.memory_space<vmem>>, vector<16xi32>,
    %get3A_441 = arith.constant 80 : index
    %get3A_442 = tpu.vector_load %arg21[%get3A_441] {strides = array<i32>} : memref<128xi32, #tpu.memory_space<vmem>>, vector<16xi32>,
    %gather3A_443 = tpu.vector_load_idx %arg8[%get3A_442] : memref<8192xf32, #tpu.memory_space<vmem>>[vector<16xi32>], vector<16xf32>,
    %gather3A_444 = tpu.vector_load_idx %arg9[%get3A_442] : memref<8192xf32, #tpu.memory_space<vmem>>[vector<16xi32>], vector<16xf32>,
    %gather3A_445 = tpu.vector_load_idx %arg10[%get3A_442] : memref<8192xf32, #tpu.memory_space<vmem>>[vector<16xi32>], vector<16xf32>,
    %swap3A_446 = arith.constant 80 : index
    %swap3A_447 = tpu.vector_load %arg15[%swap3A_446] {strides = array<i32>} : memref<144xf32, #tpu.memory_space<vmem>>, vector<16xf32>,
    tpu.vector_store %arg15[%swap3A_446], %gather3A_443 {strides = array<i32>} : memref<144xf32, #tpu.memory_space<vmem>>, vector<16xf32>,
    %swap3A_448 = arith.constant 80 : index
    %swap3A_449 = tpu.vector_load %arg16[%swap3A_448] {strides = array<i32>} : memref<144xf32, #tpu.memory_space<vmem>>, vector<16xf32>,
    tpu.vector_store %arg16[%swap3A_448], %gather3A_444 {strides = array<i32>} : memref<144xf32, #tpu.memory_space<vmem>>, vector<16xf32>,
    %swap3A_450 = arith.constant 80 : index
    %swap3A_451 = tpu.vector_load %arg17[%swap3A_450] {strides = array<i32>} : memref<144xf32, #tpu.memory_space<vmem>>, vector<16xf32>,
    tpu.vector_store %arg17[%swap3A_450], %gather3A_445 {strides = array<i32>} : memref<144xf32, #tpu.memory_space<vmem>>, vector<16xf32>,
    %bitcast3A_452 = vector.bitcast %gather3A_443 : vector<16xf32> to vector<16xi32>
    %shift_right_logical3A_453 = arith.constant 16 : i32
    %shift_right_logical3A_454 = vector.broadcast %shift_right_logical3A_453 : i32 to vector<16xi32>
    %shift_right_logical3A_455 = arith.shrui %bitcast3A_452, %shift_right_logical3A_454 : vector<16xi32>
    %and3A_456 = arith.constant 1 : i32
    %and3A_457 = vector.broadcast %and3A_456 : i32 to vector<16xi32>
    %and3A_458 = arith.andi %shift_right_logical3A_455, %and3A_457 : vector<16xi32>
    %add3A_459 = arith.constant 32767 : i32
    %add3A_460 = vector.broadcast %add3A_459 : i32 to vector<16xi32>
    %add3A_461 = arith.addi %bitcast3A_452, %add3A_460 : vector<16xi32>
    %add3A_462 = arith.addi %add3A_461, %and3A_458 : vector<16xi32>
    %and3A_463 = arith.constant -65536 : i32
    %and3A_464 = vector.broadcast %and3A_463 : i32 to vector<16xi32>
    %and3A_465 = arith.andi %add3A_462, %and3A_464 : vector<16xi32>
    %bitcast3A_466 = vector.bitcast %and3A_465 : vector<16xi32> to vector<16xf32>
    %swap3A_467 = arith.constant 80 : index
    %swap3A_468 = tpu.vector_load %arg18[%swap3A_467] {strides = array<i32>} : memref<144xf32, #tpu.memory_space<vmem>>, vector<16xf32>,
    tpu.vector_store %arg18[%swap3A_467], %bitcast3A_466 {strides = array<i32>} : memref<144xf32, #tpu.memory_space<vmem>>, vector<16xf32>,
    %bitcast3A_469 = vector.bitcast %gather3A_444 : vector<16xf32> to vector<16xi32>
    %shift_right_logical3A_470 = arith.constant 16 : i32
    %shift_right_logical3A_471 = vector.broadcast %shift_right_logical3A_470 : i32 to vector<16xi32>
    %shift_right_logical3A_472 = arith.shrui %bitcast3A_469, %shift_right_logical3A_471 : vector<16xi32>
    %and3A_473 = arith.constant 1 : i32
    %and3A_474 = vector.broadcast %and3A_473 : i32 to vector<16xi32>
    %and3A_475 = arith.andi %shift_right_logical3A_472, %and3A_474 : vector<16xi32>
    %add3A_476 = arith.constant 32767 : i32
    %add3A_477 = vector.broadcast %add3A_476 : i32 to vector<16xi32>
    %add3A_478 = arith.addi %bitcast3A_469, %add3A_477 : vector<16xi32>
    %add3A_479 = arith.addi %add3A_478, %and3A_475 : vector<16xi32>
    %and3A_480 = arith.constant -65536 : i32
    %and3A_481 = vector.broadcast %and3A_480 : i32 to vector<16xi32>
    %and3A_482 = arith.andi %add3A_479, %and3A_481 : vector<16xi32>
    %bitcast3A_483 = vector.bitcast %and3A_482 : vector<16xi32> to vector<16xf32>
    %swap3A_484 = arith.constant 80 : index
    %swap3A_485 = tpu.vector_load %arg19[%swap3A_484] {strides = array<i32>} : memref<144xf32, #tpu.memory_space<vmem>>, vector<16xf32>,
    tpu.vector_store %arg19[%swap3A_484], %bitcast3A_483 {strides = array<i32>} : memref<144xf32, #tpu.memory_space<vmem>>, vector<16xf32>,
    %bitcast3A_486 = vector.bitcast %gather3A_445 : vector<16xf32> to vector<16xi32>
    %shift_right_logical3A_487 = arith.constant 16 : i32
    %shift_right_logical3A_488 = vector.broadcast %shift_right_logical3A_487 : i32 to vector<16xi32>
    %shift_right_logical3A_489 = arith.shrui %bitcast3A_486, %shift_right_logical3A_488 : vector<16xi32>
    %and3A_490 = arith.constant 1 : i32
    %and3A_491 = vector.broadcast %and3A_490 : i32 to vector<16xi32>
    %and3A_492 = arith.andi %shift_right_logical3A_489, %and3A_491 : vector<16xi32>
    %add3A_493 = arith.constant 32767 : i32
    %add3A_494 = vector.broadcast %add3A_493 : i32 to vector<16xi32>
    %add3A_495 = arith.addi %bitcast3A_486, %add3A_494 : vector<16xi32>
    %add3A_496 = arith.addi %add3A_495, %and3A_492 : vector<16xi32>
    %and3A_497 = arith.constant -65536 : i32
    %and3A_498 = vector.broadcast %and3A_497 : i32 to vector<16xi32>
    %and3A_499 = arith.andi %add3A_496, %and3A_498 : vector<16xi32>
    %bitcast3A_500 = vector.bitcast %and3A_499 : vector<16xi32> to vector<16xf32>
    %swap3A_501 = arith.constant 80 : index
    %swap3A_502 = tpu.vector_load %arg20[%swap3A_501] {strides = array<i32>} : memref<144xf32, #tpu.memory_space<vmem>>, vector<16xf32>,
    tpu.vector_store %arg20[%swap3A_501], %bitcast3A_500 {strides = array<i32>} : memref<144xf32, #tpu.memory_space<vmem>>, vector<16xf32>,
    %add3A_503 = arith.constant 80 : i32
    %add3A_504 = vector.broadcast %add3A_503 : i32 to vector<16xi32>
    %add3A_505 = arith.addi %add3A_504, %iota3A : vector<16xi32>
    %mul3A_506 = arith.constant 3 : i32
    %mul3A_507 = vector.broadcast %mul3A_506 : i32 to vector<16xi32>
    %mul3A_508 = arith.muli %add3A_505, %mul3A_507 : vector<16xi32>
    tpu.vector_store_idx %arg22[%mul3A_508], %gather3A_443 : memref<384xf32, #tpu.memory_space<vmem>>[vector<16xi32>], vector<16xf32>,
    %add3A_509 = arith.constant 1 : i32
    %add3A_510 = vector.broadcast %add3A_509 : i32 to vector<16xi32>
    %add3A_511 = arith.addi %mul3A_508, %add3A_510 : vector<16xi32>
    tpu.vector_store_idx %arg22[%add3A_511], %gather3A_444 : memref<384xf32, #tpu.memory_space<vmem>>[vector<16xi32>], vector<16xf32>,
    %add3A_512 = arith.constant 2 : i32
    %add3A_513 = vector.broadcast %add3A_512 : i32 to vector<16xi32>
    %add3A_514 = arith.addi %mul3A_508, %add3A_513 : vector<16xi32>
    tpu.vector_store_idx %arg22[%add3A_514], %gather3A_445 : memref<384xf32, #tpu.memory_space<vmem>>[vector<16xi32>], vector<16xf32>,
    %add3A_515 = vector.broadcast %mul3A_50 : i32 to vector<16xi32>
    %add3A_516 = arith.addi %get3A_442, %add3A_515 : vector<16xi32>
    %swap3A_517 = arith.constant 80 : index
    %swap3A_518 = tpu.vector_load %arg25[%swap3A_517] {strides = array<i32>} : memref<128xi32, #tpu.memory_space<vmem>>, vector<16xi32>,
    tpu.vector_store %arg25[%swap3A_517], %add3A_516 {strides = array<i32>} : memref<128xi32, #tpu.memory_space<vmem>>, vector<16xi32>,
    %get3A_519 = arith.constant 96 : index
    %get3A_520 = tpu.vector_load %arg21[%get3A_519] {strides = array<i32>} : memref<128xi32, #tpu.memory_space<vmem>>, vector<16xi32>,
    %gather3A_521 = tpu.vector_load_idx %arg8[%get3A_520] : memref<8192xf32, #tpu.memory_space<vmem>>[vector<16xi32>], vector<16xf32>,
    %gather3A_522 = tpu.vector_load_idx %arg9[%get3A_520] : memref<8192xf32, #tpu.memory_space<vmem>>[vector<16xi32>], vector<16xf32>,
    %gather3A_523 = tpu.vector_load_idx %arg10[%get3A_520] : memref<8192xf32, #tpu.memory_space<vmem>>[vector<16xi32>], vector<16xf32>,
    %swap3A_524 = arith.constant 96 : index
    %swap3A_525 = tpu.vector_load %arg15[%swap3A_524] {strides = array<i32>} : memref<144xf32, #tpu.memory_space<vmem>>, vector<16xf32>,
    tpu.vector_store %arg15[%swap3A_524], %gather3A_521 {strides = array<i32>} : memref<144xf32, #tpu.memory_space<vmem>>, vector<16xf32>,
    %swap3A_526 = arith.constant 96 : index
    %swap3A_527 = tpu.vector_load %arg16[%swap3A_526] {strides = array<i32>} : memref<144xf32, #tpu.memory_space<vmem>>, vector<16xf32>,
    tpu.vector_store %arg16[%swap3A_526], %gather3A_522 {strides = array<i32>} : memref<144xf32, #tpu.memory_space<vmem>>, vector<16xf32>,
    %swap3A_528 = arith.constant 96 : index
    %swap3A_529 = tpu.vector_load %arg17[%swap3A_528] {strides = array<i32>} : memref<144xf32, #tpu.memory_space<vmem>>, vector<16xf32>,
    tpu.vector_store %arg17[%swap3A_528], %gather3A_523 {strides = array<i32>} : memref<144xf32, #tpu.memory_space<vmem>>, vector<16xf32>,
    %bitcast3A_530 = vector.bitcast %gather3A_521 : vector<16xf32> to vector<16xi32>
    %shift_right_logical3A_531 = arith.constant 16 : i32
    %shift_right_logical3A_532 = vector.broadcast %shift_right_logical3A_531 : i32 to vector<16xi32>
    %shift_right_logical3A_533 = arith.shrui %bitcast3A_530, %shift_right_logical3A_532 : vector<16xi32>
    %and3A_534 = arith.constant 1 : i32
    %and3A_535 = vector.broadcast %and3A_534 : i32 to vector<16xi32>
    %and3A_536 = arith.andi %shift_right_logical3A_533, %and3A_535 : vector<16xi32>
    %add3A_537 = arith.constant 32767 : i32
    %add3A_538 = vector.broadcast %add3A_537 : i32 to vector<16xi32>
    %add3A_539 = arith.addi %bitcast3A_530, %add3A_538 : vector<16xi32>
    %add3A_540 = arith.addi %add3A_539, %and3A_536 : vector<16xi32>
    %and3A_541 = arith.constant -65536 : i32
    %and3A_542 = vector.broadcast %and3A_541 : i32 to vector<16xi32>
    %and3A_543 = arith.andi %add3A_540, %and3A_542 : vector<16xi32>
    %bitcast3A_544 = vector.bitcast %and3A_543 : vector<16xi32> to vector<16xf32>
    %swap3A_545 = arith.constant 96 : index
    %swap3A_546 = tpu.vector_load %arg18[%swap3A_545] {strides = array<i32>} : memref<144xf32, #tpu.memory_space<vmem>>, vector<16xf32>,
    tpu.vector_store %arg18[%swap3A_545], %bitcast3A_544 {strides = array<i32>} : memref<144xf32, #tpu.memory_space<vmem>>, vector<16xf32>,
    %bitcast3A_547 = vector.bitcast %gather3A_522 : vector<16xf32> to vector<16xi32>
    %shift_right_logical3A_548 = arith.constant 16 : i32
    %shift_right_logical3A_549 = vector.broadcast %shift_right_logical3A_548 : i32 to vector<16xi32>
    %shift_right_logical3A_550 = arith.shrui %bitcast3A_547, %shift_right_logical3A_549 : vector<16xi32>
    %and3A_551 = arith.constant 1 : i32
    %and3A_552 = vector.broadcast %and3A_551 : i32 to vector<16xi32>
    %and3A_553 = arith.andi %shift_right_logical3A_550, %and3A_552 : vector<16xi32>
    %add3A_554 = arith.constant 32767 : i32
    %add3A_555 = vector.broadcast %add3A_554 : i32 to vector<16xi32>
    %add3A_556 = arith.addi %bitcast3A_547, %add3A_555 : vector<16xi32>
    %add3A_557 = arith.addi %add3A_556, %and3A_553 : vector<16xi32>
    %and3A_558 = arith.constant -65536 : i32
    %and3A_559 = vector.broadcast %and3A_558 : i32 to vector<16xi32>
    %and3A_560 = arith.andi %add3A_557, %and3A_559 : vector<16xi32>
    %bitcast3A_561 = vector.bitcast %and3A_560 : vector<16xi32> to vector<16xf32>
    %swap3A_562 = arith.constant 96 : index
    %swap3A_563 = tpu.vector_load %arg19[%swap3A_562] {strides = array<i32>} : memref<144xf32, #tpu.memory_space<vmem>>, vector<16xf32>,
    tpu.vector_store %arg19[%swap3A_562], %bitcast3A_561 {strides = array<i32>} : memref<144xf32, #tpu.memory_space<vmem>>, vector<16xf32>,
    %bitcast3A_564 = vector.bitcast %gather3A_523 : vector<16xf32> to vector<16xi32>
    %shift_right_logical3A_565 = arith.constant 16 : i32
    %shift_right_logical3A_566 = vector.broadcast %shift_right_logical3A_565 : i32 to vector<16xi32>
    %shift_right_logical3A_567 = arith.shrui %bitcast3A_564, %shift_right_logical3A_566 : vector<16xi32>
    %and3A_568 = arith.constant 1 : i32
    %and3A_569 = vector.broadcast %and3A_568 : i32 to vector<16xi32>
    %and3A_570 = arith.andi %shift_right_logical3A_567, %and3A_569 : vector<16xi32>
    %add3A_571 = arith.constant 32767 : i32
    %add3A_572 = vector.broadcast %add3A_571 : i32 to vector<16xi32>
    %add3A_573 = arith.addi %bitcast3A_564, %add3A_572 : vector<16xi32>
    %add3A_574 = arith.addi %add3A_573, %and3A_570 : vector<16xi32>
    %and3A_575 = arith.constant -65536 : i32
    %and3A_576 = vector.broadcast %and3A_575 : i32 to vector<16xi32>
    %and3A_577 = arith.andi %add3A_574, %and3A_576 : vector<16xi32>
    %bitcast3A_578 = vector.bitcast %and3A_577 : vector<16xi32> to vector<16xf32>
    %swap3A_579 = arith.constant 96 : index
    %swap3A_580 = tpu.vector_load %arg20[%swap3A_579] {strides = array<i32>} : memref<144xf32, #tpu.memory_space<vmem>>, vector<16xf32>,
    tpu.vector_store %arg20[%swap3A_579], %bitcast3A_578 {strides = array<i32>} : memref<144xf32, #tpu.memory_space<vmem>>, vector<16xf32>,
    %add3A_581 = arith.constant 96 : i32
    %add3A_582 = vector.broadcast %add3A_581 : i32 to vector<16xi32>
    %add3A_583 = arith.addi %add3A_582, %iota3A : vector<16xi32>
    %mul3A_584 = arith.constant 3 : i32
    %mul3A_585 = vector.broadcast %mul3A_584 : i32 to vector<16xi32>
    %mul3A_586 = arith.muli %add3A_583, %mul3A_585 : vector<16xi32>
    tpu.vector_store_idx %arg22[%mul3A_586], %gather3A_521 : memref<384xf32, #tpu.memory_space<vmem>>[vector<16xi32>], vector<16xf32>,
    %add3A_587 = arith.constant 1 : i32
    %add3A_588 = vector.broadcast %add3A_587 : i32 to vector<16xi32>
    %add3A_589 = arith.addi %mul3A_586, %add3A_588 : vector<16xi32>
    tpu.vector_store_idx %arg22[%add3A_589], %gather3A_522 : memref<384xf32, #tpu.memory_space<vmem>>[vector<16xi32>], vector<16xf32>,
    %add3A_590 = arith.constant 2 : i32
    %add3A_591 = vector.broadcast %add3A_590 : i32 to vector<16xi32>
    %add3A_592 = arith.addi %mul3A_586, %add3A_591 : vector<16xi32>
    tpu.vector_store_idx %arg22[%add3A_592], %gather3A_523 : memref<384xf32, #tpu.memory_space<vmem>>[vector<16xi32>], vector<16xf32>,
    %add3A_593 = vector.broadcast %mul3A_50 : i32 to vector<16xi32>
    %add3A_594 = arith.addi %get3A_520, %add3A_593 : vector<16xi32>
    %swap3A_595 = arith.constant 96 : index
    %swap3A_596 = tpu.vector_load %arg25[%swap3A_595] {strides = array<i32>} : memref<128xi32, #tpu.memory_space<vmem>>, vector<16xi32>,
    tpu.vector_store %arg25[%swap3A_595], %add3A_594 {strides = array<i32>} : memref<128xi32, #tpu.memory_space<vmem>>, vector<16xi32>,
    %get3A_597 = arith.constant 112 : index
    %get3A_598 = tpu.vector_load %arg21[%get3A_597] {strides = array<i32>} : memref<128xi32, #tpu.memory_space<vmem>>, vector<16xi32>,
    %gather3A_599 = tpu.vector_load_idx %arg8[%get3A_598] : memref<8192xf32, #tpu.memory_space<vmem>>[vector<16xi32>], vector<16xf32>,
    %gather3A_600 = tpu.vector_load_idx %arg9[%get3A_598] : memref<8192xf32, #tpu.memory_space<vmem>>[vector<16xi32>], vector<16xf32>,
    %gather3A_601 = tpu.vector_load_idx %arg10[%get3A_598] : memref<8192xf32, #tpu.memory_space<vmem>>[vector<16xi32>], vector<16xf32>,
    %swap3A_602 = arith.constant 112 : index
    %swap3A_603 = tpu.vector_load %arg15[%swap3A_602] {strides = array<i32>} : memref<144xf32, #tpu.memory_space<vmem>>, vector<16xf32>,
    tpu.vector_store %arg15[%swap3A_602], %gather3A_599 {strides = array<i32>} : memref<144xf32, #tpu.memory_space<vmem>>, vector<16xf32>,
    %swap3A_604 = arith.constant 112 : index
    %swap3A_605 = tpu.vector_load %arg16[%swap3A_604] {strides = array<i32>} : memref<144xf32, #tpu.memory_space<vmem>>, vector<16xf32>,
    tpu.vector_store %arg16[%swap3A_604], %gather3A_600 {strides = array<i32>} : memref<144xf32, #tpu.memory_space<vmem>>, vector<16xf32>,
    %swap3A_606 = arith.constant 112 : index
    %swap3A_607 = tpu.vector_load %arg17[%swap3A_606] {strides = array<i32>} : memref<144xf32, #tpu.memory_space<vmem>>, vector<16xf32>,
    tpu.vector_store %arg17[%swap3A_606], %gather3A_601 {strides = array<i32>} : memref<144xf32, #tpu.memory_space<vmem>>, vector<16xf32>,
    %bitcast3A_608 = vector.bitcast %gather3A_599 : vector<16xf32> to vector<16xi32>
    %shift_right_logical3A_609 = arith.constant 16 : i32
    %shift_right_logical3A_610 = vector.broadcast %shift_right_logical3A_609 : i32 to vector<16xi32>
    %shift_right_logical3A_611 = arith.shrui %bitcast3A_608, %shift_right_logical3A_610 : vector<16xi32>
    %and3A_612 = arith.constant 1 : i32
    %and3A_613 = vector.broadcast %and3A_612 : i32 to vector<16xi32>
    %and3A_614 = arith.andi %shift_right_logical3A_611, %and3A_613 : vector<16xi32>
    %add3A_615 = arith.constant 32767 : i32
    %add3A_616 = vector.broadcast %add3A_615 : i32 to vector<16xi32>
    %add3A_617 = arith.addi %bitcast3A_608, %add3A_616 : vector<16xi32>
    %add3A_618 = arith.addi %add3A_617, %and3A_614 : vector<16xi32>
    %and3A_619 = arith.constant -65536 : i32
    %and3A_620 = vector.broadcast %and3A_619 : i32 to vector<16xi32>
    %and3A_621 = arith.andi %add3A_618, %and3A_620 : vector<16xi32>
    %bitcast3A_622 = vector.bitcast %and3A_621 : vector<16xi32> to vector<16xf32>
    %swap3A_623 = arith.constant 112 : index
    %swap3A_624 = tpu.vector_load %arg18[%swap3A_623] {strides = array<i32>} : memref<144xf32, #tpu.memory_space<vmem>>, vector<16xf32>,
    tpu.vector_store %arg18[%swap3A_623], %bitcast3A_622 {strides = array<i32>} : memref<144xf32, #tpu.memory_space<vmem>>, vector<16xf32>,
    %bitcast3A_625 = vector.bitcast %gather3A_600 : vector<16xf32> to vector<16xi32>
    %shift_right_logical3A_626 = arith.constant 16 : i32
    %shift_right_logical3A_627 = vector.broadcast %shift_right_logical3A_626 : i32 to vector<16xi32>
    %shift_right_logical3A_628 = arith.shrui %bitcast3A_625, %shift_right_logical3A_627 : vector<16xi32>
    %and3A_629 = arith.constant 1 : i32
    %and3A_630 = vector.broadcast %and3A_629 : i32 to vector<16xi32>
    %and3A_631 = arith.andi %shift_right_logical3A_628, %and3A_630 : vector<16xi32>
    %add3A_632 = arith.constant 32767 : i32
    %add3A_633 = vector.broadcast %add3A_632 : i32 to vector<16xi32>
    %add3A_634 = arith.addi %bitcast3A_625, %add3A_633 : vector<16xi32>
    %add3A_635 = arith.addi %add3A_634, %and3A_631 : vector<16xi32>
    %and3A_636 = arith.constant -65536 : i32
    %and3A_637 = vector.broadcast %and3A_636 : i32 to vector<16xi32>
    %and3A_638 = arith.andi %add3A_635, %and3A_637 : vector<16xi32>
    %bitcast3A_639 = vector.bitcast %and3A_638 : vector<16xi32> to vector<16xf32>
    %swap3A_640 = arith.constant 112 : index
    %swap3A_641 = tpu.vector_load %arg19[%swap3A_640] {strides = array<i32>} : memref<144xf32, #tpu.memory_space<vmem>>, vector<16xf32>,
    tpu.vector_store %arg19[%swap3A_640], %bitcast3A_639 {strides = array<i32>} : memref<144xf32, #tpu.memory_space<vmem>>, vector<16xf32>,
    %bitcast3A_642 = vector.bitcast %gather3A_601 : vector<16xf32> to vector<16xi32>
    %shift_right_logical3A_643 = arith.constant 16 : i32
    %shift_right_logical3A_644 = vector.broadcast %shift_right_logical3A_643 : i32 to vector<16xi32>
    %shift_right_logical3A_645 = arith.shrui %bitcast3A_642, %shift_right_logical3A_644 : vector<16xi32>
    %and3A_646 = arith.constant 1 : i32
    %and3A_647 = vector.broadcast %and3A_646 : i32 to vector<16xi32>
    %and3A_648 = arith.andi %shift_right_logical3A_645, %and3A_647 : vector<16xi32>
    %add3A_649 = arith.constant 32767 : i32
    %add3A_650 = vector.broadcast %add3A_649 : i32 to vector<16xi32>
    %add3A_651 = arith.addi %bitcast3A_642, %add3A_650 : vector<16xi32>
    %add3A_652 = arith.addi %add3A_651, %and3A_648 : vector<16xi32>
    %and3A_653 = arith.constant -65536 : i32
    %and3A_654 = vector.broadcast %and3A_653 : i32 to vector<16xi32>
    %and3A_655 = arith.andi %add3A_652, %and3A_654 : vector<16xi32>
    %bitcast3A_656 = vector.bitcast %and3A_655 : vector<16xi32> to vector<16xf32>
    %swap3A_657 = arith.constant 112 : index
    %swap3A_658 = tpu.vector_load %arg20[%swap3A_657] {strides = array<i32>} : memref<144xf32, #tpu.memory_space<vmem>>, vector<16xf32>,
    tpu.vector_store %arg20[%swap3A_657], %bitcast3A_656 {strides = array<i32>} : memref<144xf32, #tpu.memory_space<vmem>>, vector<16xf32>,
    %add3A_659 = arith.constant 112 : i32
    %add3A_660 = vector.broadcast %add3A_659 : i32 to vector<16xi32>
    %add3A_661 = arith.addi %add3A_660, %iota3A : vector<16xi32>
    %mul3A_662 = arith.constant 3 : i32
    %mul3A_663 = vector.broadcast %mul3A_662 : i32 to vector<16xi32>
    %mul3A_664 = arith.muli %add3A_661, %mul3A_663 : vector<16xi32>
    tpu.vector_store_idx %arg22[%mul3A_664], %gather3A_599 : memref<384xf32, #tpu.memory_space<vmem>>[vector<16xi32>], vector<16xf32>,
    %add3A_665 = arith.constant 1 : i32
    %add3A_666 = vector.broadcast %add3A_665 : i32 to vector<16xi32>
    %add3A_667 = arith.addi %mul3A_664, %add3A_666 : vector<16xi32>
    tpu.vector_store_idx %arg22[%add3A_667], %gather3A_600 : memref<384xf32, #tpu.memory_space<vmem>>[vector<16xi32>], vector<16xf32>,
    %add3A_668 = arith.constant 2 : i32
    %add3A_669 = vector.broadcast %add3A_668 : i32 to vector<16xi32>
    %add3A_670 = arith.addi %mul3A_664, %add3A_669 : vector<16xi32>
    tpu.vector_store_idx %arg22[%add3A_670], %gather3A_601 : memref<384xf32, #tpu.memory_space<vmem>>[vector<16xi32>], vector<16xf32>,
    %add3A_671 = vector.broadcast %mul3A_50 : i32 to vector<16xi32>
    %add3A_672 = arith.addi %get3A_598, %add3A_671 : vector<16xi32>
    %swap3A_673 = arith.constant 112 : index
    %swap3A_674 = tpu.vector_load %arg25[%swap3A_673] {strides = array<i32>} : memref<128xi32, #tpu.memory_space<vmem>>, vector<16xi32>,
    tpu.vector_store %arg25[%swap3A_673], %add3A_672 {strides = array<i32>} : memref<128xi32, #tpu.memory_space<vmem>>, vector<16xi32>,
    %scan3A_675 = arith.constant 0 : i32
    %scan3A_676 = arith.constant 0 : i32
    %scan3A_677 = arith.constant 128 : i32
    %scan3A_678 = arith.addi %scan3A_676, %scan3A_677 : i32
    %scan3A_679 = arith.constant 1 : i32
    scf.for %scan3A_697 = %scan3A_676 to %scan3A_678 step %scan3A_679  : i32 {
      %jit3A_698 = arith.constant 16 : i32
      %div3A_699 = arith.divsi %scan3A_697, %jit3A_698 : i32
      %sign3A_700 = arith.constant 0 : i32
      %sign3A_701 = arith.cmpi sgt, %scan3A_697, %sign3A_700 : i32
      %sign3A_702 = arith.extui %sign3A_701 : i1 to i32
      %sign3A_703 = arith.constant 0 : i32
      %sign3A_704 = arith.cmpi slt, %scan3A_697, %sign3A_703 : i32
      %sign3A_705 = arith.extui %sign3A_704 : i1 to i32
      %sign3A_706 = arith.subi %sign3A_702, %sign3A_705 : i32
      %sign3A_707 = arith.constant 0 : i32
      %sign3A_708 = arith.cmpi sgt, %jit3A_698, %sign3A_707 : i32
      %sign3A_709 = arith.extui %sign3A_708 : i1 to i32
      %sign3A_710 = arith.constant 0 : i32
      %sign3A_711 = arith.cmpi slt, %jit3A_698, %sign3A_710 : i32
      %sign3A_712 = arith.extui %sign3A_711 : i1 to i32
      %sign3A_713 = arith.subi %sign3A_709, %sign3A_712 : i32
      %ne3A_714 = arith.cmpi ne, %sign3A_706, %sign3A_713 : i32
      %rem3A_715 = arith.remsi %scan3A_697, %jit3A_698 : i32
      %ne3A_716 = arith.constant 0 : i32
      %ne3A_717 = arith.cmpi ne, %rem3A_715, %ne3A_716 : i32
      %and3A_718 = arith.andi %ne3A_714, %ne3A_717 : i1
      %sub3A_719 = arith.constant 1 : i32
      %sub3A_720 = arith.subi %div3A_699, %sub3A_719 : i32
      %select_n3A_721 = arith.select %and3A_718, %sub3A_720, %div3A_699 : i32
      %mul3A_722 = arith.constant 16 : i32
      %mul3A_723 = arith.muli %select_n3A_721, %mul3A_722 : i32
      %jit3A_724 = arith.constant 16 : i32
      %eq3A_725 = arith.constant 0 : i32
      %eq3A_726 = arith.cmpi eq, %jit3A_724, %eq3A_725 : i32
      %jit3A_727 = arith.constant 1 : i32
      %select_n3A_728 = arith.select %eq3A_726, %jit3A_727, %jit3A_724 : i32
      %rem3A_729 = arith.remsi %scan3A_697, %select_n3A_728 : i32
      %ne3A_730 = arith.constant 0 : i32
      %ne3A_731 = arith.cmpi ne, %rem3A_729, %ne3A_730 : i32
      %lt3A_732 = arith.constant 0 : i32
      %lt3A_733 = arith.cmpi slt, %rem3A_729, %lt3A_732 : i32
      %lt3A_734 = arith.constant 0 : i32
      %lt3A_735 = arith.cmpi slt, %select_n3A_728, %lt3A_734 : i32
      %ne3A_736 = arith.xori %lt3A_733, %lt3A_735 : i1
      %and3A_737 = arith.andi %ne3A_736, %ne3A_731 : i1
      %add3A_738 = arith.addi %rem3A_729, %select_n3A_728 : i32
      %select_n3A_739 = arith.select %and3A_737, %add3A_738, %rem3A_729 : i32
      %eq3A_740 = vector.broadcast %select_n3A_739 : i32 to vector<16xi32>
      %eq3A_741 = arith.cmpi eq, %iota3A, %eq3A_740 : vector<16xi32>
      %get3A_742 = arith.index_cast %mul3A_723 : i32 to index
      %get3A_743 = tpu.vector_load %arg15[%get3A_742] {strides = array<i32>} : memref<144xf32, #tpu.memory_space<vmem>>, vector<16xf32>,
      %jit3A_744 = arith.constant -3.000000e+38 : f32
      %broadcast_in_dim3A = vector.broadcast %jit3A_744 : f32 to vector<16xf32>
      %select_n3A_745 = arith.select %eq3A_741, %get3A_743, %broadcast_in_dim3A : vector<16xi1>, vector<16xf32>
      %reduce_max3A = arith.constant true
      %reduce_max3A_746 = vector.broadcast %reduce_max3A : i1 to vector<16xi1>
      %reduce_max3A_747 = tpu.scan <max>, %select_n3A_745 masked %reduce_max3A_746 : vector<16xf32>, vector<16xi1> -> vector<16xf32>
      %reduce_max3A_748 = vector.extract %reduce_max3A_747[15] : f32 from vector<16xf32>
      %get3A_749 = arith.index_cast %mul3A_723 : i32 to index
      %get3A_750 = tpu.vector_load %arg16[%get3A_749] {strides = array<i32>} : memref<144xf32, #tpu.memory_space<vmem>>, vector<16xf32>,
      %jit3A_751 = arith.constant -3.000000e+38 : f32
      %broadcast_in_dim3A_752 = vector.broadcast %jit3A_751 : f32 to vector<16xf32>
      %select_n3A_753 = arith.select %eq3A_741, %get3A_750, %broadcast_in_dim3A_752 : vector<16xi1>, vector<16xf32>
      %reduce_max3A_754 = arith.constant true
      %reduce_max3A_755 = vector.broadcast %reduce_max3A_754 : i1 to vector<16xi1>
      %reduce_max3A_756 = tpu.scan <max>, %select_n3A_753 masked %reduce_max3A_755 : vector<16xf32>, vector<16xi1> -> vector<16xf32>
      %reduce_max3A_757 = vector.extract %reduce_max3A_756[15] : f32 from vector<16xf32>
      %get3A_758 = arith.index_cast %mul3A_723 : i32 to index
      %get3A_759 = tpu.vector_load %arg17[%get3A_758] {strides = array<i32>} : memref<144xf32, #tpu.memory_space<vmem>>, vector<16xf32>,
      %jit3A_760 = arith.constant -3.000000e+38 : f32
      %broadcast_in_dim3A_761 = vector.broadcast %jit3A_760 : f32 to vector<16xf32>
      %select_n3A_762 = arith.select %eq3A_741, %get3A_759, %broadcast_in_dim3A_761 : vector<16xi1>, vector<16xf32>
      %reduce_max3A_763 = arith.constant true
      %reduce_max3A_764 = vector.broadcast %reduce_max3A_763 : i1 to vector<16xi1>
      %reduce_max3A_765 = tpu.scan <max>, %select_n3A_762 masked %reduce_max3A_764 : vector<16xf32>, vector<16xi1> -> vector<16xf32>
      %reduce_max3A_766 = vector.extract %reduce_max3A_765[15] : f32 from vector<16xf32>
      %get3A_767 = arith.index_cast %mul3A_723 : i32 to index
      %get3A_768 = tpu.vector_load %arg18[%get3A_767] {strides = array<i32>} : memref<144xf32, #tpu.memory_space<vmem>>, vector<16xf32>,
      %jit3A_769 = arith.constant -3.000000e+38 : f32
      %broadcast_in_dim3A_770 = vector.broadcast %jit3A_769 : f32 to vector<16xf32>
      %select_n3A_771 = arith.select %eq3A_741, %get3A_768, %broadcast_in_dim3A_770 : vector<16xi1>, vector<16xf32>
      %reduce_max3A_772 = arith.constant true
      %reduce_max3A_773 = vector.broadcast %reduce_max3A_772 : i1 to vector<16xi1>
      %reduce_max3A_774 = tpu.scan <max>, %select_n3A_771 masked %reduce_max3A_773 : vector<16xf32>, vector<16xi1> -> vector<16xf32>
      %reduce_max3A_775 = vector.extract %reduce_max3A_774[15] : f32 from vector<16xf32>
      %get3A_776 = arith.index_cast %mul3A_723 : i32 to index
      %get3A_777 = tpu.vector_load %arg19[%get3A_776] {strides = array<i32>} : memref<144xf32, #tpu.memory_space<vmem>>, vector<16xf32>,
      %jit3A_778 = arith.constant -3.000000e+38 : f32
      %broadcast_in_dim3A_779 = vector.broadcast %jit3A_778 : f32 to vector<16xf32>
      %select_n3A_780 = arith.select %eq3A_741, %get3A_777, %broadcast_in_dim3A_779 : vector<16xi1>, vector<16xf32>
      %reduce_max3A_781 = arith.constant true
      %reduce_max3A_782 = vector.broadcast %reduce_max3A_781 : i1 to vector<16xi1>
      %reduce_max3A_783 = tpu.scan <max>, %select_n3A_780 masked %reduce_max3A_782 : vector<16xf32>, vector<16xi1> -> vector<16xf32>
      %reduce_max3A_784 = vector.extract %reduce_max3A_783[15] : f32 from vector<16xf32>
      %get3A_785 = arith.index_cast %mul3A_723 : i32 to index
      %get3A_786 = tpu.vector_load %arg20[%get3A_785] {strides = array<i32>} : memref<144xf32, #tpu.memory_space<vmem>>, vector<16xf32>,
      %jit3A_787 = arith.constant -3.000000e+38 : f32
      %broadcast_in_dim3A_788 = vector.broadcast %jit3A_787 : f32 to vector<16xf32>
      %select_n3A_789 = arith.select %eq3A_741, %get3A_786, %broadcast_in_dim3A_788 : vector<16xi1>, vector<16xf32>
      %reduce_max3A_790 = arith.constant true
      %reduce_max3A_791 = vector.broadcast %reduce_max3A_790 : i1 to vector<16xi1>
      %reduce_max3A_792 = tpu.scan <max>, %select_n3A_789 masked %reduce_max3A_791 : vector<16xf32>, vector<16xi1> -> vector<16xf32>
      %reduce_max3A_793 = vector.extract %reduce_max3A_792[15] : f32 from vector<16xf32>
      %mul3A_794 = arith.mulf %reduce_max3A_748, %reduce_max3A_748 : f32
      %mul3A_795 = arith.mulf %reduce_max3A_757, %reduce_max3A_757 : f32
      %add3A_796 = arith.addf %mul3A_794, %mul3A_795 : f32
      %mul3A_797 = arith.mulf %reduce_max3A_766, %reduce_max3A_766 : f32
      %add3A_798 = arith.addf %add3A_796, %mul3A_797 : f32
      %broadcast_in_dim3A_799 = arith.constant 3.000000e+38 : f32
      %broadcast_in_dim3A_800 = vector.broadcast %broadcast_in_dim3A_799 : f32 to vector<16xf32>
      %broadcast_in_dim3A_801 = arith.constant 3.000000e+38 : f32
      %broadcast_in_dim3A_802 = vector.broadcast %broadcast_in_dim3A_801 : f32 to vector<16xf32>
      %broadcast_in_dim3A_803 = arith.constant 0 : i32
      %broadcast_in_dim3A_804 = vector.broadcast %broadcast_in_dim3A_803 : i32 to vector<16xi32>
      %broadcast_in_dim3A_805 = arith.constant 0 : i32
      %broadcast_in_dim3A_806 = vector.broadcast %broadcast_in_dim3A_805 : i32 to vector<16xi32>
      %scan3A_807 = arith.constant 3.000000e+38 : f32
      %scan3A_808 = arith.constant 0 : i32
      %scan3A_809 = arith.constant 64 : i32
      %scan3A_810 = arith.addi %scan3A_808, %scan3A_809 : i32
      %scan3A_811 = arith.constant 1 : i32
      %scan3A_812:5 = scf.for %scan3A_858 = %scan3A_808 to %scan3A_810 step %scan3A_811 iter_args(%scan3A_859 = %broadcast_in_dim3A_800, %scan3A_860 = %broadcast_in_dim3A_802, %scan3A_861 = %broadcast_in_dim3A_804, %scan3A_862 = %broadcast_in_dim3A_806, %scan3A_863 = %scan3A_807) -> (vector<16xf32>, vector<16xf32>, vector<16xi32>, vector<16xi32>, f32)  : i32 {
        %mul3A_864 = arith.constant 128 : i32
        %mul3A_865 = arith.muli %scan3A_858, %mul3A_864 : i32
        %add3A_866 = arith.constant 0 : i32
        %add3A_867 = arith.addi %mul3A_865, %add3A_866 : i32
        %get3A_868 = arith.index_cast %add3A_867 : i32 to index
        %get3A_869 = tpu.vector_load %arg11[%get3A_868] {strides = array<i32>} : memref<8192xf32, #tpu.memory_space<vmem>>, vector<16xf32>,
        %get3A_870 = arith.index_cast %add3A_867 : i32 to index
        %get3A_871 = tpu.vector_load %arg12[%get3A_870] {strides = array<i32>} : memref<8192xf32, #tpu.memory_space<vmem>>, vector<16xf32>,
        %get3A_872 = arith.index_cast %add3A_867 : i32 to index
        %get3A_873 = tpu.vector_load %arg13[%get3A_872] {strides = array<i32>} : memref<8192xf32, #tpu.memory_space<vmem>>, vector<16xf32>,
        %get3A_874 = arith.index_cast %add3A_867 : i32 to index
        %get3A_875 = tpu.vector_load %arg14[%get3A_874] {strides = array<i32>} : memref<8192xf32, #tpu.memory_space<vmem>>, vector<16xf32>,
        %mul3A_876 = vector.broadcast %reduce_max3A_775 : f32 to vector<16xf32>
        %mul3A_877 = arith.mulf %get3A_869, %mul3A_876 : vector<16xf32>
        %mul3A_878 = vector.broadcast %reduce_max3A_784 : f32 to vector<16xf32>
        %mul3A_879 = arith.mulf %get3A_871, %mul3A_878 : vector<16xf32>
        %add3A_880 = arith.addf %mul3A_877, %mul3A_879 : vector<16xf32>
        %mul3A_881 = vector.broadcast %reduce_max3A_793 : f32 to vector<16xf32>
        %mul3A_882 = arith.mulf %get3A_873, %mul3A_881 : vector<16xf32>
        %add3A_883 = arith.addf %add3A_880, %mul3A_882 : vector<16xf32>
        %mul3A_884 = arith.constant -2.000000e+00 : f32
        %mul3A_885 = vector.broadcast %mul3A_884 : f32 to vector<16xf32>
        %mul3A_886 = arith.mulf %mul3A_885, %add3A_883 : vector<16xf32>
        %add3A_887 = vector.broadcast %add3A_798 : f32 to vector<16xf32>
        %add3A_888 = arith.addf %mul3A_886, %add3A_887 : vector<16xf32>
        %add3A_889 = arith.addf %add3A_888, %get3A_875 : vector<16xf32>
        %lt3A_890 = vector.broadcast %scan3A_863 : f32 to vector<16xf32>
        %lt3A_891 = arith.cmpf olt, %add3A_889, %lt3A_890 : vector<16xf32>
        %add3A_892 = arith.constant 16 : i32
        %add3A_893 = arith.addi %mul3A_865, %add3A_892 : i32
        %get3A_894 = arith.index_cast %add3A_893 : i32 to index
        %get3A_895 = tpu.vector_load %arg11[%get3A_894] {strides = array<i32>} : memref<8192xf32, #tpu.memory_space<vmem>>, vector<16xf32>,
        %get3A_896 = arith.index_cast %add3A_893 : i32 to index
        %get3A_897 = tpu.vector_load %arg12[%get3A_896] {strides = array<i32>} : memref<8192xf32, #tpu.memory_space<vmem>>, vector<16xf32>,
        %get3A_898 = arith.index_cast %add3A_893 : i32 to index
        %get3A_899 = tpu.vector_load %arg13[%get3A_898] {strides = array<i32>} : memref<8192xf32, #tpu.memory_space<vmem>>, vector<16xf32>,
        %get3A_900 = arith.index_cast %add3A_893 : i32 to index
        %get3A_901 = tpu.vector_load %arg14[%get3A_900] {strides = array<i32>} : memref<8192xf32, #tpu.memory_space<vmem>>, vector<16xf32>,
        %mul3A_902 = vector.broadcast %reduce_max3A_775 : f32 to vector<16xf32>
        %mul3A_903 = arith.mulf %get3A_895, %mul3A_902 : vector<16xf32>
        %mul3A_904 = vector.broadcast %reduce_max3A_784 : f32 to vector<16xf32>
        %mul3A_905 = arith.mulf %get3A_897, %mul3A_904 : vector<16xf32>
        %add3A_906 = arith.addf %mul3A_903, %mul3A_905 : vector<16xf32>
        %mul3A_907 = vector.broadcast %reduce_max3A_793 : f32 to vector<16xf32>
        %mul3A_908 = arith.mulf %get3A_899, %mul3A_907 : vector<16xf32>
        %add3A_909 = arith.addf %add3A_906, %mul3A_908 : vector<16xf32>
        %mul3A_910 = arith.constant -2.000000e+00 : f32
        %mul3A_911 = vector.broadcast %mul3A_910 : f32 to vector<16xf32>
        %mul3A_912 = arith.mulf %mul3A_911, %add3A_909 : vector<16xf32>
        %add3A_913 = vector.broadcast %add3A_798 : f32 to vector<16xf32>
        %add3A_914 = arith.addf %mul3A_912, %add3A_913 : vector<16xf32>
        %add3A_915 = arith.addf %add3A_914, %get3A_901 : vector<16xf32>
        %lt3A_916 = vector.broadcast %scan3A_863 : f32 to vector<16xf32>
        %lt3A_917 = arith.cmpf olt, %add3A_915, %lt3A_916 : vector<16xf32>
        %or3A = arith.ori %lt3A_891, %lt3A_917 : vector<16xi1>
        %add3A_918 = arith.constant 32 : i32
        %add3A_919 = arith.addi %mul3A_865, %add3A_918 : i32
        %get3A_920 = arith.index_cast %add3A_919 : i32 to index
        %get3A_921 = tpu.vector_load %arg11[%get3A_920] {strides = array<i32>} : memref<8192xf32, #tpu.memory_space<vmem>>, vector<16xf32>,
        %get3A_922 = arith.index_cast %add3A_919 : i32 to index
        %get3A_923 = tpu.vector_load %arg12[%get3A_922] {strides = array<i32>} : memref<8192xf32, #tpu.memory_space<vmem>>, vector<16xf32>,
        %get3A_924 = arith.index_cast %add3A_919 : i32 to index
        %get3A_925 = tpu.vector_load %arg13[%get3A_924] {strides = array<i32>} : memref<8192xf32, #tpu.memory_space<vmem>>, vector<16xf32>,
        %get3A_926 = arith.index_cast %add3A_919 : i32 to index
        %get3A_927 = tpu.vector_load %arg14[%get3A_926] {strides = array<i32>} : memref<8192xf32, #tpu.memory_space<vmem>>, vector<16xf32>,
        %mul3A_928 = vector.broadcast %reduce_max3A_775 : f32 to vector<16xf32>
        %mul3A_929 = arith.mulf %get3A_921, %mul3A_928 : vector<16xf32>
        %mul3A_930 = vector.broadcast %reduce_max3A_784 : f32 to vector<16xf32>
        %mul3A_931 = arith.mulf %get3A_923, %mul3A_930 : vector<16xf32>
        %add3A_932 = arith.addf %mul3A_929, %mul3A_931 : vector<16xf32>
        %mul3A_933 = vector.broadcast %reduce_max3A_793 : f32 to vector<16xf32>
        %mul3A_934 = arith.mulf %get3A_925, %mul3A_933 : vector<16xf32>
        %add3A_935 = arith.addf %add3A_932, %mul3A_934 : vector<16xf32>
        %mul3A_936 = arith.constant -2.000000e+00 : f32
        %mul3A_937 = vector.broadcast %mul3A_936 : f32 to vector<16xf32>
        %mul3A_938 = arith.mulf %mul3A_937, %add3A_935 : vector<16xf32>
        %add3A_939 = vector.broadcast %add3A_798 : f32 to vector<16xf32>
        %add3A_940 = arith.addf %mul3A_938, %add3A_939 : vector<16xf32>
        %add3A_941 = arith.addf %add3A_940, %get3A_927 : vector<16xf32>
        %lt3A_942 = vector.broadcast %scan3A_863 : f32 to vector<16xf32>
        %lt3A_943 = arith.cmpf olt, %add3A_941, %lt3A_942 : vector<16xf32>
        %or3A_944 = arith.ori %or3A, %lt3A_943 : vector<16xi1>
        %add3A_945 = arith.constant 48 : i32
        %add3A_946 = arith.addi %mul3A_865, %add3A_945 : i32
        %get3A_947 = arith.index_cast %add3A_946 : i32 to index
        %get3A_948 = tpu.vector_load %arg11[%get3A_947] {strides = array<i32>} : memref<8192xf32, #tpu.memory_space<vmem>>, vector<16xf32>,
        %get3A_949 = arith.index_cast %add3A_946 : i32 to index
        %get3A_950 = tpu.vector_load %arg12[%get3A_949] {strides = array<i32>} : memref<8192xf32, #tpu.memory_space<vmem>>, vector<16xf32>,
        %get3A_951 = arith.index_cast %add3A_946 : i32 to index
        %get3A_952 = tpu.vector_load %arg13[%get3A_951] {strides = array<i32>} : memref<8192xf32, #tpu.memory_space<vmem>>, vector<16xf32>,
        %get3A_953 = arith.index_cast %add3A_946 : i32 to index
        %get3A_954 = tpu.vector_load %arg14[%get3A_953] {strides = array<i32>} : memref<8192xf32, #tpu.memory_space<vmem>>, vector<16xf32>,
        %mul3A_955 = vector.broadcast %reduce_max3A_775 : f32 to vector<16xf32>
        %mul3A_956 = arith.mulf %get3A_948, %mul3A_955 : vector<16xf32>
        %mul3A_957 = vector.broadcast %reduce_max3A_784 : f32 to vector<16xf32>
        %mul3A_958 = arith.mulf %get3A_950, %mul3A_957 : vector<16xf32>
        %add3A_959 = arith.addf %mul3A_956, %mul3A_958 : vector<16xf32>
        %mul3A_960 = vector.broadcast %reduce_max3A_793 : f32 to vector<16xf32>
        %mul3A_961 = arith.mulf %get3A_952, %mul3A_960 : vector<16xf32>
        %add3A_962 = arith.addf %add3A_959, %mul3A_961 : vector<16xf32>
        %mul3A_963 = arith.constant -2.000000e+00 : f32
        %mul3A_964 = vector.broadcast %mul3A_963 : f32 to vector<16xf32>
        %mul3A_965 = arith.mulf %mul3A_964, %add3A_962 : vector<16xf32>
        %add3A_966 = vector.broadcast %add3A_798 : f32 to vector<16xf32>
        %add3A_967 = arith.addf %mul3A_965, %add3A_966 : vector<16xf32>
        %add3A_968 = arith.addf %add3A_967, %get3A_954 : vector<16xf32>
        %lt3A_969 = vector.broadcast %scan3A_863 : f32 to vector<16xf32>
        %lt3A_970 = arith.cmpf olt, %add3A_968, %lt3A_969 : vector<16xf32>
        %or3A_971 = arith.ori %or3A_944, %lt3A_970 : vector<16xi1>
        %add3A_972 = arith.constant 64 : i32
        %add3A_973 = arith.addi %mul3A_865, %add3A_972 : i32
        %get3A_974 = arith.index_cast %add3A_973 : i32 to index
        %get3A_975 = tpu.vector_load %arg11[%get3A_974] {strides = array<i32>} : memref<8192xf32, #tpu.memory_space<vmem>>, vector<16xf32>,
        %get3A_976 = arith.index_cast %add3A_973 : i32 to index
        %get3A_977 = tpu.vector_load %arg12[%get3A_976] {strides = array<i32>} : memref<8192xf32, #tpu.memory_space<vmem>>, vector<16xf32>,
        %get3A_978 = arith.index_cast %add3A_973 : i32 to index
        %get3A_979 = tpu.vector_load %arg13[%get3A_978] {strides = array<i32>} : memref<8192xf32, #tpu.memory_space<vmem>>, vector<16xf32>,
        %get3A_980 = arith.index_cast %add3A_973 : i32 to index
        %get3A_981 = tpu.vector_load %arg14[%get3A_980] {strides = array<i32>} : memref<8192xf32, #tpu.memory_space<vmem>>, vector<16xf32>,
        %mul3A_982 = vector.broadcast %reduce_max3A_775 : f32 to vector<16xf32>
        %mul3A_983 = arith.mulf %get3A_975, %mul3A_982 : vector<16xf32>
        %mul3A_984 = vector.broadcast %reduce_max3A_784 : f32 to vector<16xf32>
        %mul3A_985 = arith.mulf %get3A_977, %mul3A_984 : vector<16xf32>
        %add3A_986 = arith.addf %mul3A_983, %mul3A_985 : vector<16xf32>
        %mul3A_987 = vector.broadcast %reduce_max3A_793 : f32 to vector<16xf32>
        %mul3A_988 = arith.mulf %get3A_979, %mul3A_987 : vector<16xf32>
        %add3A_989 = arith.addf %add3A_986, %mul3A_988 : vector<16xf32>
        %mul3A_990 = arith.constant -2.000000e+00 : f32
        %mul3A_991 = vector.broadcast %mul3A_990 : f32 to vector<16xf32>
        %mul3A_992 = arith.mulf %mul3A_991, %add3A_989 : vector<16xf32>
        %add3A_993 = vector.broadcast %add3A_798 : f32 to vector<16xf32>
        %add3A_994 = arith.addf %mul3A_992, %add3A_993 : vector<16xf32>
        %add3A_995 = arith.addf %add3A_994, %get3A_981 : vector<16xf32>
        %lt3A_996 = vector.broadcast %scan3A_863 : f32 to vector<16xf32>
        %lt3A_997 = arith.cmpf olt, %add3A_995, %lt3A_996 : vector<16xf32>
        %or3A_998 = arith.ori %or3A_971, %lt3A_997 : vector<16xi1>
        %add3A_999 = arith.constant 80 : i32
        %add3A_1000 = arith.addi %mul3A_865, %add3A_999 : i32
        %get3A_1001 = arith.index_cast %add3A_1000 : i32 to index
        %get3A_1002 = tpu.vector_load %arg11[%get3A_1001] {strides = array<i32>} : memref<8192xf32, #tpu.memory_space<vmem>>, vector<16xf32>,
        %get3A_1003 = arith.index_cast %add3A_1000 : i32 to index
        %get3A_1004 = tpu.vector_load %arg12[%get3A_1003] {strides = array<i32>} : memref<8192xf32, #tpu.memory_space<vmem>>, vector<16xf32>,
        %get3A_1005 = arith.index_cast %add3A_1000 : i32 to index
        %get3A_1006 = tpu.vector_load %arg13[%get3A_1005] {strides = array<i32>} : memref<8192xf32, #tpu.memory_space<vmem>>, vector<16xf32>,
        %get3A_1007 = arith.index_cast %add3A_1000 : i32 to index
        %get3A_1008 = tpu.vector_load %arg14[%get3A_1007] {strides = array<i32>} : memref<8192xf32, #tpu.memory_space<vmem>>, vector<16xf32>,
        %mul3A_1009 = vector.broadcast %reduce_max3A_775 : f32 to vector<16xf32>
        %mul3A_1010 = arith.mulf %get3A_1002, %mul3A_1009 : vector<16xf32>
        %mul3A_1011 = vector.broadcast %reduce_max3A_784 : f32 to vector<16xf32>
        %mul3A_1012 = arith.mulf %get3A_1004, %mul3A_1011 : vector<16xf32>
        %add3A_1013 = arith.addf %mul3A_1010, %mul3A_1012 : vector<16xf32>
        %mul3A_1014 = vector.broadcast %reduce_max3A_793 : f32 to vector<16xf32>
        %mul3A_1015 = arith.mulf %get3A_1006, %mul3A_1014 : vector<16xf32>
        %add3A_1016 = arith.addf %add3A_1013, %mul3A_1015 : vector<16xf32>
        %mul3A_1017 = arith.constant -2.000000e+00 : f32
        %mul3A_1018 = vector.broadcast %mul3A_1017 : f32 to vector<16xf32>
        %mul3A_1019 = arith.mulf %mul3A_1018, %add3A_1016 : vector<16xf32>
        %add3A_1020 = vector.broadcast %add3A_798 : f32 to vector<16xf32>
        %add3A_1021 = arith.addf %mul3A_1019, %add3A_1020 : vector<16xf32>
        %add3A_1022 = arith.addf %add3A_1021, %get3A_1008 : vector<16xf32>
        %lt3A_1023 = vector.broadcast %scan3A_863 : f32 to vector<16xf32>
        %lt3A_1024 = arith.cmpf olt, %add3A_1022, %lt3A_1023 : vector<16xf32>
        %or3A_1025 = arith.ori %or3A_998, %lt3A_1024 : vector<16xi1>
        %add3A_1026 = arith.constant 96 : i32
        %add3A_1027 = arith.addi %mul3A_865, %add3A_1026 : i32
        %get3A_1028 = arith.index_cast %add3A_1027 : i32 to index
        %get3A_1029 = tpu.vector_load %arg11[%get3A_1028] {strides = array<i32>} : memref<8192xf32, #tpu.memory_space<vmem>>, vector<16xf32>,
        %get3A_1030 = arith.index_cast %add3A_1027 : i32 to index
        %get3A_1031 = tpu.vector_load %arg12[%get3A_1030] {strides = array<i32>} : memref<8192xf32, #tpu.memory_space<vmem>>, vector<16xf32>,
        %get3A_1032 = arith.index_cast %add3A_1027 : i32 to index
        %get3A_1033 = tpu.vector_load %arg13[%get3A_1032] {strides = array<i32>} : memref<8192xf32, #tpu.memory_space<vmem>>, vector<16xf32>,
        %get3A_1034 = arith.index_cast %add3A_1027 : i32 to index
        %get3A_1035 = tpu.vector_load %arg14[%get3A_1034] {strides = array<i32>} : memref<8192xf32, #tpu.memory_space<vmem>>, vector<16xf32>,
        %mul3A_1036 = vector.broadcast %reduce_max3A_775 : f32 to vector<16xf32>
        %mul3A_1037 = arith.mulf %get3A_1029, %mul3A_1036 : vector<16xf32>
        %mul3A_1038 = vector.broadcast %reduce_max3A_784 : f32 to vector<16xf32>
        %mul3A_1039 = arith.mulf %get3A_1031, %mul3A_1038 : vector<16xf32>
        %add3A_1040 = arith.addf %mul3A_1037, %mul3A_1039 : vector<16xf32>
        %mul3A_1041 = vector.broadcast %reduce_max3A_793 : f32 to vector<16xf32>
        %mul3A_1042 = arith.mulf %get3A_1033, %mul3A_1041 : vector<16xf32>
        %add3A_1043 = arith.addf %add3A_1040, %mul3A_1042 : vector<16xf32>
        %mul3A_1044 = arith.constant -2.000000e+00 : f32
        %mul3A_1045 = vector.broadcast %mul3A_1044 : f32 to vector<16xf32>
        %mul3A_1046 = arith.mulf %mul3A_1045, %add3A_1043 : vector<16xf32>
        %add3A_1047 = vector.broadcast %add3A_798 : f32 to vector<16xf32>
        %add3A_1048 = arith.addf %mul3A_1046, %add3A_1047 : vector<16xf32>
        %add3A_1049 = arith.addf %add3A_1048, %get3A_1035 : vector<16xf32>
        %lt3A_1050 = vector.broadcast %scan3A_863 : f32 to vector<16xf32>
        %lt3A_1051 = arith.cmpf olt, %add3A_1049, %lt3A_1050 : vector<16xf32>
        %or3A_1052 = arith.ori %or3A_1025, %lt3A_1051 : vector<16xi1>
        %add3A_1053 = arith.constant 112 : i32
        %add3A_1054 = arith.addi %mul3A_865, %add3A_1053 : i32
        %get3A_1055 = arith.index_cast %add3A_1054 : i32 to index
        %get3A_1056 = tpu.vector_load %arg11[%get3A_1055] {strides = array<i32>} : memref<8192xf32, #tpu.memory_space<vmem>>, vector<16xf32>,
        %get3A_1057 = arith.index_cast %add3A_1054 : i32 to index
        %get3A_1058 = tpu.vector_load %arg12[%get3A_1057] {strides = array<i32>} : memref<8192xf32, #tpu.memory_space<vmem>>, vector<16xf32>,
        %get3A_1059 = arith.index_cast %add3A_1054 : i32 to index
        %get3A_1060 = tpu.vector_load %arg13[%get3A_1059] {strides = array<i32>} : memref<8192xf32, #tpu.memory_space<vmem>>, vector<16xf32>,
        %get3A_1061 = arith.index_cast %add3A_1054 : i32 to index
        %get3A_1062 = tpu.vector_load %arg14[%get3A_1061] {strides = array<i32>} : memref<8192xf32, #tpu.memory_space<vmem>>, vector<16xf32>,
        %mul3A_1063 = vector.broadcast %reduce_max3A_775 : f32 to vector<16xf32>
        %mul3A_1064 = arith.mulf %get3A_1056, %mul3A_1063 : vector<16xf32>
        %mul3A_1065 = vector.broadcast %reduce_max3A_784 : f32 to vector<16xf32>
        %mul3A_1066 = arith.mulf %get3A_1058, %mul3A_1065 : vector<16xf32>
        %add3A_1067 = arith.addf %mul3A_1064, %mul3A_1066 : vector<16xf32>
        %mul3A_1068 = vector.broadcast %reduce_max3A_793 : f32 to vector<16xf32>
        %mul3A_1069 = arith.mulf %get3A_1060, %mul3A_1068 : vector<16xf32>
        %add3A_1070 = arith.addf %add3A_1067, %mul3A_1069 : vector<16xf32>
        %mul3A_1071 = arith.constant -2.000000e+00 : f32
        %mul3A_1072 = vector.broadcast %mul3A_1071 : f32 to vector<16xf32>
        %mul3A_1073 = arith.mulf %mul3A_1072, %add3A_1070 : vector<16xf32>
        %add3A_1074 = vector.broadcast %add3A_798 : f32 to vector<16xf32>
        %add3A_1075 = arith.addf %mul3A_1073, %add3A_1074 : vector<16xf32>
        %add3A_1076 = arith.addf %add3A_1075, %get3A_1062 : vector<16xf32>
        %lt3A_1077 = vector.broadcast %scan3A_863 : f32 to vector<16xf32>
        %lt3A_1078 = arith.cmpf olt, %add3A_1076, %lt3A_1077 : vector<16xf32>
        %or3A_1079 = arith.ori %or3A_1052, %lt3A_1078 : vector<16xi1>
        %reduce_or3A = arith.constant 1.000000e+00 : f32
        %reduce_or3A_1080 = arith.constant 0.000000e+00 : f32
        %reduce_or3A_1081 = vector.broadcast %reduce_or3A : f32 to vector<16xf32>
        %reduce_or3A_1082 = vector.broadcast %reduce_or3A_1080 : f32 to vector<16xf32>
        %reduce_or3A_1083 = arith.select %or3A_1079, %reduce_or3A_1081, %reduce_or3A_1082 : vector<16xi1>, vector<16xf32>
        %reduce_or3A_1084 = arith.constant true
        %reduce_or3A_1085 = vector.broadcast %reduce_or3A_1084 : i1 to vector<16xi1>
        %reduce_or3A_1086 = tpu.scan <max>, %reduce_or3A_1083 masked %reduce_or3A_1085 : vector<16xf32>, vector<16xi1> -> vector<16xf32>
        %reduce_or3A_1087 = vector.extract %reduce_or3A_1086[15] : f32 from vector<16xf32>
        %reduce_or3A_1088 = arith.constant 0.000000e+00 : f32
        %reduce_or3A_1089 = arith.cmpf ogt, %reduce_or3A_1087, %reduce_or3A_1088 : f32
        %convert_element_type3A = arith.extui %reduce_or3A_1089 : i1 to i32
        %cond3A = arith.constant 0 : i32
        %cond3A_1090 = arith.cmpi ne, %convert_element_type3A, %cond3A : i32
        %cond3A_1091:5 = scf.if %cond3A_1090 -> (vector<16xf32>, vector<16xf32>, vector<16xi32>, vector<16xi32>, f32) {
          %add3A_1092 = arith.constant 0 : i32
          %add3A_1093 = arith.addi %mul3A_865, %add3A_1092 : i32
          %add3A_1094 = vector.broadcast %add3A_1093 : i32 to vector<16xi32>
          %add3A_1095 = arith.addi %add3A_1094, %iota3A : vector<16xi32>
          %lt3A_1096 = vector.broadcast %scan3A_863 : f32 to vector<16xf32>
          %lt3A_1097 = arith.cmpf olt, %add3A_889, %lt3A_1096 : vector<16xf32>
          %while3A:6 = scf.while (%while3A_1147 = %lt3A_1097, %while3A_1148 = %scan3A_859, %while3A_1149 = %scan3A_860, %while3A_1150 = %scan3A_861, %while3A_1151 = %scan3A_862, %while3A_1152 = %scan3A_863) : (vector<16xi1>, vector<16xf32>, vector<16xf32>, vector<16xi32>, vector<16xi32>, f32) -> (vector<16xi1>, vector<16xf32>, vector<16xf32>, vector<16xi32>, vector<16xi32>, f32) {
            %reduce_or3A_1153 = arith.constant 1.000000e+00 : f32
            %reduce_or3A_1154 = arith.constant 0.000000e+00 : f32
            %reduce_or3A_1155 = vector.broadcast %reduce_or3A_1153 : f32 to vector<16xf32>
            %reduce_or3A_1156 = vector.broadcast %reduce_or3A_1154 : f32 to vector<16xf32>
            %reduce_or3A_1157 = arith.select %while3A_1147, %reduce_or3A_1155, %reduce_or3A_1156 : vector<16xi1>, vector<16xf32>
            %reduce_or3A_1158 = arith.constant true
            %reduce_or3A_1159 = vector.broadcast %reduce_or3A_1158 : i1 to vector<16xi1>
            %reduce_or3A_1160 = tpu.scan <max>, %reduce_or3A_1157 masked %reduce_or3A_1159 : vector<16xf32>, vector<16xi1> -> vector<16xf32>
            %reduce_or3A_1161 = vector.extract %reduce_or3A_1160[15] : f32 from vector<16xf32>
            %reduce_or3A_1162 = arith.constant 0.000000e+00 : f32
            %reduce_or3A_1163 = arith.cmpf ogt, %reduce_or3A_1161, %reduce_or3A_1162 : f32
            scf.condition(%reduce_or3A_1163) %while3A_1147, %while3A_1148, %while3A_1149, %while3A_1150, %while3A_1151, %while3A_1152 : vector<16xi1>, vector<16xf32>, vector<16xf32>, vector<16xi32>, vector<16xi32>, f32
          } do {
          ^bb0(%while3A_1147: vector<16xi1>, %while3A_1148: vector<16xf32>, %while3A_1149: vector<16xf32>, %while3A_1150: vector<16xi32>, %while3A_1151: vector<16xi32>, %while3A_1152: f32):
            %all_reduce_ffs3A = tpu.all_reduce %while3A_1147 {dim = 0 : i64, kind = #tpu.reduction_kind<find_first_set>} : vector<16xi1> -> vector<16xi32>
            %eq3A_1153 = arith.cmpi eq, %iota3A, %all_reduce_ffs3A : vector<16xi32>
            %jit3A_1154 = arith.constant -3.000000e+38 : f32
            %broadcast_in_dim3A_1155 = vector.broadcast %jit3A_1154 : f32 to vector<16xf32>
            %select_n3A_1156 = arith.select %eq3A_1153, %add3A_889, %broadcast_in_dim3A_1155 : vector<16xi1>, vector<16xf32>
            %reduce_max3A_1157 = arith.constant true
            %reduce_max3A_1158 = vector.broadcast %reduce_max3A_1157 : i1 to vector<16xi1>
            %reduce_max3A_1159 = tpu.scan <max>, %select_n3A_1156 masked %reduce_max3A_1158 : vector<16xf32>, vector<16xi1> -> vector<16xf32>
            %reduce_max3A_1160 = vector.extract %reduce_max3A_1159[15] : f32 from vector<16xf32>
            %jit3A_1161 = arith.constant -1 : i32
            %broadcast_in_dim3A_1162 = vector.broadcast %jit3A_1161 : i32 to vector<16xi32>
            %select_n3A_1163 = arith.select %eq3A_1153, %add3A_1095, %broadcast_in_dim3A_1162 : vector<16xi1>, vector<16xi32>
            %reduce_max3A_1164 = arith.constant true
            %reduce_max3A_1165 = vector.broadcast %reduce_max3A_1164 : i1 to vector<16xi1>
            %reduce_max3A_1166 = arith.constant -2147483648 : i32
            %reduce_max3A_1167 = vector.broadcast %reduce_max3A_1166 : i32 to vector<16xi32>
            %reduce_max3A_1168 = arith.xori %select_n3A_1163, %reduce_max3A_1167 : vector<16xi32>
            %reduce_max3A_1169 = tpu.scan <max>, %reduce_max3A_1168 masked %reduce_max3A_1165 : vector<16xi32>, vector<16xi1> -> vector<16xi32>
            %reduce_max3A_1170 = arith.xori %reduce_max3A_1169, %reduce_max3A_1167 : vector<16xi32>
            %reduce_max3A_1171 = vector.extract %reduce_max3A_1170[15] : i32 from vector<16xi32>
            %eq3A_1172 = vector.broadcast %while3A_1152 : f32 to vector<16xf32>
            %eq3A_1173 = arith.cmpf oeq, %while3A_1148, %eq3A_1172 : vector<16xf32>
            %reduce_or3A_1174 = arith.constant 1.000000e+00 : f32
            %reduce_or3A_1175 = arith.constant 0.000000e+00 : f32
            %reduce_or3A_1176 = vector.broadcast %reduce_or3A_1174 : f32 to vector<16xf32>
            %reduce_or3A_1177 = vector.broadcast %reduce_or3A_1175 : f32 to vector<16xf32>
            %reduce_or3A_1178 = arith.select %eq3A_1173, %reduce_or3A_1176, %reduce_or3A_1177 : vector<16xi1>, vector<16xf32>
            %reduce_or3A_1179 = arith.constant true
            %reduce_or3A_1180 = vector.broadcast %reduce_or3A_1179 : i1 to vector<16xi1>
            %reduce_or3A_1181 = tpu.scan <max>, %reduce_or3A_1178 masked %reduce_or3A_1180 : vector<16xf32>, vector<16xi1> -> vector<16xf32>
            %reduce_or3A_1182 = vector.extract %reduce_or3A_1181[15] : f32 from vector<16xf32>
            %reduce_or3A_1183 = arith.constant 0.000000e+00 : f32
            %reduce_or3A_1184 = arith.cmpf ogt, %reduce_or3A_1182, %reduce_or3A_1183 : f32
            %all_reduce_ffs3A_1185 = tpu.all_reduce %eq3A_1173 {dim = 0 : i64, kind = #tpu.reduction_kind<find_first_set>} : vector<16xi1> -> vector<16xi32>
            %eq3A_1186 = vector.broadcast %while3A_1152 : f32 to vector<16xf32>
            %eq3A_1187 = arith.cmpf oeq, %while3A_1149, %eq3A_1186 : vector<16xf32>
            %all_reduce_ffs3A_1188 = tpu.all_reduce %eq3A_1187 {dim = 0 : i64, kind = #tpu.reduction_kind<find_first_set>} : vector<16xi1> -> vector<16xi32>
            %eq3A_1189 = arith.cmpi eq, %iota3A, %all_reduce_ffs3A_1185 : vector<16xi32>
            %and3A_1190 = vector.broadcast %reduce_or3A_1184 : i1 to vector<16xi1>
            %and3A_1191 = arith.andi %eq3A_1189, %and3A_1190 : vector<16xi1>
            %eq3A_1192 = arith.cmpi eq, %iota3A, %all_reduce_ffs3A_1188 : vector<16xi32>
            %not3A = arith.constant true
            %not3A_1193 = arith.xori %reduce_or3A_1184, %not3A : i1
            %and3A_1194 = vector.broadcast %not3A_1193 : i1 to vector<16xi1>
            %and3A_1195 = arith.andi %eq3A_1192, %and3A_1194 : vector<16xi1>
            %broadcast_in_dim3A_1196 = vector.broadcast %reduce_max3A_1160 : f32 to vector<16xf32>
            %select_n3A_1197 = arith.select %and3A_1191, %broadcast_in_dim3A_1196, %while3A_1148 : vector<16xi1>, vector<16xf32>
            %broadcast_in_dim3A_1198 = vector.broadcast %reduce_max3A_1171 : i32 to vector<16xi32>
            %select_n3A_1199 = arith.select %and3A_1191, %broadcast_in_dim3A_1198, %while3A_1150 : vector<16xi1>, vector<16xi32>
            %broadcast_in_dim3A_1200 = vector.broadcast %reduce_max3A_1160 : f32 to vector<16xf32>
            %select_n3A_1201 = arith.select %and3A_1195, %broadcast_in_dim3A_1200, %while3A_1149 : vector<16xi1>, vector<16xf32>
            %broadcast_in_dim3A_1202 = vector.broadcast %reduce_max3A_1171 : i32 to vector<16xi32>
            %select_n3A_1203 = arith.select %and3A_1195, %broadcast_in_dim3A_1202, %while3A_1151 : vector<16xi1>, vector<16xi32>
            %max3A = arith.maximumf %select_n3A_1197, %select_n3A_1201 : vector<16xf32>
            %reduce_max3A_1204 = arith.constant true
            %reduce_max3A_1205 = vector.broadcast %reduce_max3A_1204 : i1 to vector<16xi1>
            %reduce_max3A_1206 = tpu.scan <max>, %max3A masked %reduce_max3A_1205 : vector<16xf32>, vector<16xi1> -> vector<16xf32>
            %reduce_max3A_1207 = vector.extract %reduce_max3A_1206[15] : f32 from vector<16xf32>
            %not3A_1208 = arith.constant dense<true> : vector<16xi1>
            %not3A_1209 = arith.xori %eq3A_1153, %not3A_1208 : vector<16xi1>
            %and3A_1210 = arith.andi %while3A_1147, %not3A_1209 : vector<16xi1>
            %lt3A_1211 = vector.broadcast %reduce_max3A_1207 : f32 to vector<16xf32>
            %lt3A_1212 = arith.cmpf olt, %add3A_889, %lt3A_1211 : vector<16xf32>
            %and3A_1213 = arith.andi %and3A_1210, %lt3A_1212 : vector<16xi1>
            scf.yield %and3A_1213, %select_n3A_1197, %select_n3A_1201, %select_n3A_1199, %select_n3A_1203, %reduce_max3A_1207 : vector<16xi1>, vector<16xf32>, vector<16xf32>, vector<16xi32>, vector<16xi32>, f32
          }
          %add3A_1098 = arith.constant 16 : i32
          %add3A_1099 = arith.addi %mul3A_865, %add3A_1098 : i32
          %add3A_1100 = vector.broadcast %add3A_1099 : i32 to vector<16xi32>
          %add3A_1101 = arith.addi %add3A_1100, %iota3A : vector<16xi32>
          %lt3A_1102 = vector.broadcast %while3A#5 : f32 to vector<16xf32>
          %lt3A_1103 = arith.cmpf olt, %add3A_915, %lt3A_1102 : vector<16xf32>
          %while3A_1104:6 = scf.while (%while3A_1147 = %lt3A_1103, %while3A_1148 = %while3A#1, %while3A_1149 = %while3A#2, %while3A_1150 = %while3A#3, %while3A_1151 = %while3A#4, %while3A_1152 = %while3A#5) : (vector<16xi1>, vector<16xf32>, vector<16xf32>, vector<16xi32>, vector<16xi32>, f32) -> (vector<16xi1>, vector<16xf32>, vector<16xf32>, vector<16xi32>, vector<16xi32>, f32) {
            %reduce_or3A_1153 = arith.constant 1.000000e+00 : f32
            %reduce_or3A_1154 = arith.constant 0.000000e+00 : f32
            %reduce_or3A_1155 = vector.broadcast %reduce_or3A_1153 : f32 to vector<16xf32>
            %reduce_or3A_1156 = vector.broadcast %reduce_or3A_1154 : f32 to vector<16xf32>
            %reduce_or3A_1157 = arith.select %while3A_1147, %reduce_or3A_1155, %reduce_or3A_1156 : vector<16xi1>, vector<16xf32>
            %reduce_or3A_1158 = arith.constant true
            %reduce_or3A_1159 = vector.broadcast %reduce_or3A_1158 : i1 to vector<16xi1>
            %reduce_or3A_1160 = tpu.scan <max>, %reduce_or3A_1157 masked %reduce_or3A_1159 : vector<16xf32>, vector<16xi1> -> vector<16xf32>
            %reduce_or3A_1161 = vector.extract %reduce_or3A_1160[15] : f32 from vector<16xf32>
            %reduce_or3A_1162 = arith.constant 0.000000e+00 : f32
            %reduce_or3A_1163 = arith.cmpf ogt, %reduce_or3A_1161, %reduce_or3A_1162 : f32
            scf.condition(%reduce_or3A_1163) %while3A_1147, %while3A_1148, %while3A_1149, %while3A_1150, %while3A_1151, %while3A_1152 : vector<16xi1>, vector<16xf32>, vector<16xf32>, vector<16xi32>, vector<16xi32>, f32
          } do {
          ^bb0(%while3A_1147: vector<16xi1>, %while3A_1148: vector<16xf32>, %while3A_1149: vector<16xf32>, %while3A_1150: vector<16xi32>, %while3A_1151: vector<16xi32>, %while3A_1152: f32):
            %all_reduce_ffs3A = tpu.all_reduce %while3A_1147 {dim = 0 : i64, kind = #tpu.reduction_kind<find_first_set>} : vector<16xi1> -> vector<16xi32>
            %eq3A_1153 = arith.cmpi eq, %iota3A, %all_reduce_ffs3A : vector<16xi32>
            %jit3A_1154 = arith.constant -3.000000e+38 : f32
            %broadcast_in_dim3A_1155 = vector.broadcast %jit3A_1154 : f32 to vector<16xf32>
            %select_n3A_1156 = arith.select %eq3A_1153, %add3A_915, %broadcast_in_dim3A_1155 : vector<16xi1>, vector<16xf32>
            %reduce_max3A_1157 = arith.constant true
            %reduce_max3A_1158 = vector.broadcast %reduce_max3A_1157 : i1 to vector<16xi1>
            %reduce_max3A_1159 = tpu.scan <max>, %select_n3A_1156 masked %reduce_max3A_1158 : vector<16xf32>, vector<16xi1> -> vector<16xf32>
            %reduce_max3A_1160 = vector.extract %reduce_max3A_1159[15] : f32 from vector<16xf32>
            %jit3A_1161 = arith.constant -1 : i32
            %broadcast_in_dim3A_1162 = vector.broadcast %jit3A_1161 : i32 to vector<16xi32>
            %select_n3A_1163 = arith.select %eq3A_1153, %add3A_1101, %broadcast_in_dim3A_1162 : vector<16xi1>, vector<16xi32>
            %reduce_max3A_1164 = arith.constant true
            %reduce_max3A_1165 = vector.broadcast %reduce_max3A_1164 : i1 to vector<16xi1>
            %reduce_max3A_1166 = arith.constant -2147483648 : i32
            %reduce_max3A_1167 = vector.broadcast %reduce_max3A_1166 : i32 to vector<16xi32>
            %reduce_max3A_1168 = arith.xori %select_n3A_1163, %reduce_max3A_1167 : vector<16xi32>
            %reduce_max3A_1169 = tpu.scan <max>, %reduce_max3A_1168 masked %reduce_max3A_1165 : vector<16xi32>, vector<16xi1> -> vector<16xi32>
            %reduce_max3A_1170 = arith.xori %reduce_max3A_1169, %reduce_max3A_1167 : vector<16xi32>
            %reduce_max3A_1171 = vector.extract %reduce_max3A_1170[15] : i32 from vector<16xi32>
            %eq3A_1172 = vector.broadcast %while3A_1152 : f32 to vector<16xf32>
            %eq3A_1173 = arith.cmpf oeq, %while3A_1148, %eq3A_1172 : vector<16xf32>
            %reduce_or3A_1174 = arith.constant 1.000000e+00 : f32
            %reduce_or3A_1175 = arith.constant 0.000000e+00 : f32
            %reduce_or3A_1176 = vector.broadcast %reduce_or3A_1174 : f32 to vector<16xf32>
            %reduce_or3A_1177 = vector.broadcast %reduce_or3A_1175 : f32 to vector<16xf32>
            %reduce_or3A_1178 = arith.select %eq3A_1173, %reduce_or3A_1176, %reduce_or3A_1177 : vector<16xi1>, vector<16xf32>
            %reduce_or3A_1179 = arith.constant true
            %reduce_or3A_1180 = vector.broadcast %reduce_or3A_1179 : i1 to vector<16xi1>
            %reduce_or3A_1181 = tpu.scan <max>, %reduce_or3A_1178 masked %reduce_or3A_1180 : vector<16xf32>, vector<16xi1> -> vector<16xf32>
            %reduce_or3A_1182 = vector.extract %reduce_or3A_1181[15] : f32 from vector<16xf32>
            %reduce_or3A_1183 = arith.constant 0.000000e+00 : f32
            %reduce_or3A_1184 = arith.cmpf ogt, %reduce_or3A_1182, %reduce_or3A_1183 : f32
            %all_reduce_ffs3A_1185 = tpu.all_reduce %eq3A_1173 {dim = 0 : i64, kind = #tpu.reduction_kind<find_first_set>} : vector<16xi1> -> vector<16xi32>
            %eq3A_1186 = vector.broadcast %while3A_1152 : f32 to vector<16xf32>
            %eq3A_1187 = arith.cmpf oeq, %while3A_1149, %eq3A_1186 : vector<16xf32>
            %all_reduce_ffs3A_1188 = tpu.all_reduce %eq3A_1187 {dim = 0 : i64, kind = #tpu.reduction_kind<find_first_set>} : vector<16xi1> -> vector<16xi32>
            %eq3A_1189 = arith.cmpi eq, %iota3A, %all_reduce_ffs3A_1185 : vector<16xi32>
            %and3A_1190 = vector.broadcast %reduce_or3A_1184 : i1 to vector<16xi1>
            %and3A_1191 = arith.andi %eq3A_1189, %and3A_1190 : vector<16xi1>
            %eq3A_1192 = arith.cmpi eq, %iota3A, %all_reduce_ffs3A_1188 : vector<16xi32>
            %not3A = arith.constant true
            %not3A_1193 = arith.xori %reduce_or3A_1184, %not3A : i1
            %and3A_1194 = vector.broadcast %not3A_1193 : i1 to vector<16xi1>
            %and3A_1195 = arith.andi %eq3A_1192, %and3A_1194 : vector<16xi1>
            %broadcast_in_dim3A_1196 = vector.broadcast %reduce_max3A_1160 : f32 to vector<16xf32>
            %select_n3A_1197 = arith.select %and3A_1191, %broadcast_in_dim3A_1196, %while3A_1148 : vector<16xi1>, vector<16xf32>
            %broadcast_in_dim3A_1198 = vector.broadcast %reduce_max3A_1171 : i32 to vector<16xi32>
            %select_n3A_1199 = arith.select %and3A_1191, %broadcast_in_dim3A_1198, %while3A_1150 : vector<16xi1>, vector<16xi32>
            %broadcast_in_dim3A_1200 = vector.broadcast %reduce_max3A_1160 : f32 to vector<16xf32>
            %select_n3A_1201 = arith.select %and3A_1195, %broadcast_in_dim3A_1200, %while3A_1149 : vector<16xi1>, vector<16xf32>
            %broadcast_in_dim3A_1202 = vector.broadcast %reduce_max3A_1171 : i32 to vector<16xi32>
            %select_n3A_1203 = arith.select %and3A_1195, %broadcast_in_dim3A_1202, %while3A_1151 : vector<16xi1>, vector<16xi32>
            %max3A = arith.maximumf %select_n3A_1197, %select_n3A_1201 : vector<16xf32>
            %reduce_max3A_1204 = arith.constant true
            %reduce_max3A_1205 = vector.broadcast %reduce_max3A_1204 : i1 to vector<16xi1>
            %reduce_max3A_1206 = tpu.scan <max>, %max3A masked %reduce_max3A_1205 : vector<16xf32>, vector<16xi1> -> vector<16xf32>
            %reduce_max3A_1207 = vector.extract %reduce_max3A_1206[15] : f32 from vector<16xf32>
            %not3A_1208 = arith.constant dense<true> : vector<16xi1>
            %not3A_1209 = arith.xori %eq3A_1153, %not3A_1208 : vector<16xi1>
            %and3A_1210 = arith.andi %while3A_1147, %not3A_1209 : vector<16xi1>
            %lt3A_1211 = vector.broadcast %reduce_max3A_1207 : f32 to vector<16xf32>
            %lt3A_1212 = arith.cmpf olt, %add3A_915, %lt3A_1211 : vector<16xf32>
            %and3A_1213 = arith.andi %and3A_1210, %lt3A_1212 : vector<16xi1>
            scf.yield %and3A_1213, %select_n3A_1197, %select_n3A_1201, %select_n3A_1199, %select_n3A_1203, %reduce_max3A_1207 : vector<16xi1>, vector<16xf32>, vector<16xf32>, vector<16xi32>, vector<16xi32>, f32
          }
          %add3A_1105 = arith.constant 32 : i32
          %add3A_1106 = arith.addi %mul3A_865, %add3A_1105 : i32
          %add3A_1107 = vector.broadcast %add3A_1106 : i32 to vector<16xi32>
          %add3A_1108 = arith.addi %add3A_1107, %iota3A : vector<16xi32>
          %lt3A_1109 = vector.broadcast %while3A_1104#5 : f32 to vector<16xf32>
          %lt3A_1110 = arith.cmpf olt, %add3A_941, %lt3A_1109 : vector<16xf32>
          %while3A_1111:6 = scf.while (%while3A_1147 = %lt3A_1110, %while3A_1148 = %while3A_1104#1, %while3A_1149 = %while3A_1104#2, %while3A_1150 = %while3A_1104#3, %while3A_1151 = %while3A_1104#4, %while3A_1152 = %while3A_1104#5) : (vector<16xi1>, vector<16xf32>, vector<16xf32>, vector<16xi32>, vector<16xi32>, f32) -> (vector<16xi1>, vector<16xf32>, vector<16xf32>, vector<16xi32>, vector<16xi32>, f32) {
            %reduce_or3A_1153 = arith.constant 1.000000e+00 : f32
            %reduce_or3A_1154 = arith.constant 0.000000e+00 : f32
            %reduce_or3A_1155 = vector.broadcast %reduce_or3A_1153 : f32 to vector<16xf32>
            %reduce_or3A_1156 = vector.broadcast %reduce_or3A_1154 : f32 to vector<16xf32>
            %reduce_or3A_1157 = arith.select %while3A_1147, %reduce_or3A_1155, %reduce_or3A_1156 : vector<16xi1>, vector<16xf32>
            %reduce_or3A_1158 = arith.constant true
            %reduce_or3A_1159 = vector.broadcast %reduce_or3A_1158 : i1 to vector<16xi1>
            %reduce_or3A_1160 = tpu.scan <max>, %reduce_or3A_1157 masked %reduce_or3A_1159 : vector<16xf32>, vector<16xi1> -> vector<16xf32>
            %reduce_or3A_1161 = vector.extract %reduce_or3A_1160[15] : f32 from vector<16xf32>
            %reduce_or3A_1162 = arith.constant 0.000000e+00 : f32
            %reduce_or3A_1163 = arith.cmpf ogt, %reduce_or3A_1161, %reduce_or3A_1162 : f32
            scf.condition(%reduce_or3A_1163) %while3A_1147, %while3A_1148, %while3A_1149, %while3A_1150, %while3A_1151, %while3A_1152 : vector<16xi1>, vector<16xf32>, vector<16xf32>, vector<16xi32>, vector<16xi32>, f32
          } do {
          ^bb0(%while3A_1147: vector<16xi1>, %while3A_1148: vector<16xf32>, %while3A_1149: vector<16xf32>, %while3A_1150: vector<16xi32>, %while3A_1151: vector<16xi32>, %while3A_1152: f32):
            %all_reduce_ffs3A = tpu.all_reduce %while3A_1147 {dim = 0 : i64, kind = #tpu.reduction_kind<find_first_set>} : vector<16xi1> -> vector<16xi32>
            %eq3A_1153 = arith.cmpi eq, %iota3A, %all_reduce_ffs3A : vector<16xi32>
            %jit3A_1154 = arith.constant -3.000000e+38 : f32
            %broadcast_in_dim3A_1155 = vector.broadcast %jit3A_1154 : f32 to vector<16xf32>
            %select_n3A_1156 = arith.select %eq3A_1153, %add3A_941, %broadcast_in_dim3A_1155 : vector<16xi1>, vector<16xf32>
            %reduce_max3A_1157 = arith.constant true
            %reduce_max3A_1158 = vector.broadcast %reduce_max3A_1157 : i1 to vector<16xi1>
            %reduce_max3A_1159 = tpu.scan <max>, %select_n3A_1156 masked %reduce_max3A_1158 : vector<16xf32>, vector<16xi1> -> vector<16xf32>
            %reduce_max3A_1160 = vector.extract %reduce_max3A_1159[15] : f32 from vector<16xf32>
            %jit3A_1161 = arith.constant -1 : i32
            %broadcast_in_dim3A_1162 = vector.broadcast %jit3A_1161 : i32 to vector<16xi32>
            %select_n3A_1163 = arith.select %eq3A_1153, %add3A_1108, %broadcast_in_dim3A_1162 : vector<16xi1>, vector<16xi32>
            %reduce_max3A_1164 = arith.constant true
            %reduce_max3A_1165 = vector.broadcast %reduce_max3A_1164 : i1 to vector<16xi1>
            %reduce_max3A_1166 = arith.constant -2147483648 : i32
            %reduce_max3A_1167 = vector.broadcast %reduce_max3A_1166 : i32 to vector<16xi32>
            %reduce_max3A_1168 = arith.xori %select_n3A_1163, %reduce_max3A_1167 : vector<16xi32>
            %reduce_max3A_1169 = tpu.scan <max>, %reduce_max3A_1168 masked %reduce_max3A_1165 : vector<16xi32>, vector<16xi1> -> vector<16xi32>
            %reduce_max3A_1170 = arith.xori %reduce_max3A_1169, %reduce_max3A_1167 : vector<16xi32>
            %reduce_max3A_1171 = vector.extract %reduce_max3A_1170[15] : i32 from vector<16xi32>
            %eq3A_1172 = vector.broadcast %while3A_1152 : f32 to vector<16xf32>
            %eq3A_1173 = arith.cmpf oeq, %while3A_1148, %eq3A_1172 : vector<16xf32>
            %reduce_or3A_1174 = arith.constant 1.000000e+00 : f32
            %reduce_or3A_1175 = arith.constant 0.000000e+00 : f32
            %reduce_or3A_1176 = vector.broadcast %reduce_or3A_1174 : f32 to vector<16xf32>
            %reduce_or3A_1177 = vector.broadcast %reduce_or3A_1175 : f32 to vector<16xf32>
            %reduce_or3A_1178 = arith.select %eq3A_1173, %reduce_or3A_1176, %reduce_or3A_1177 : vector<16xi1>, vector<16xf32>
            %reduce_or3A_1179 = arith.constant true
            %reduce_or3A_1180 = vector.broadcast %reduce_or3A_1179 : i1 to vector<16xi1>
            %reduce_or3A_1181 = tpu.scan <max>, %reduce_or3A_1178 masked %reduce_or3A_1180 : vector<16xf32>, vector<16xi1> -> vector<16xf32>
            %reduce_or3A_1182 = vector.extract %reduce_or3A_1181[15] : f32 from vector<16xf32>
            %reduce_or3A_1183 = arith.constant 0.000000e+00 : f32
            %reduce_or3A_1184 = arith.cmpf ogt, %reduce_or3A_1182, %reduce_or3A_1183 : f32
            %all_reduce_ffs3A_1185 = tpu.all_reduce %eq3A_1173 {dim = 0 : i64, kind = #tpu.reduction_kind<find_first_set>} : vector<16xi1> -> vector<16xi32>
            %eq3A_1186 = vector.broadcast %while3A_1152 : f32 to vector<16xf32>
            %eq3A_1187 = arith.cmpf oeq, %while3A_1149, %eq3A_1186 : vector<16xf32>
            %all_reduce_ffs3A_1188 = tpu.all_reduce %eq3A_1187 {dim = 0 : i64, kind = #tpu.reduction_kind<find_first_set>} : vector<16xi1> -> vector<16xi32>
            %eq3A_1189 = arith.cmpi eq, %iota3A, %all_reduce_ffs3A_1185 : vector<16xi32>
            %and3A_1190 = vector.broadcast %reduce_or3A_1184 : i1 to vector<16xi1>
            %and3A_1191 = arith.andi %eq3A_1189, %and3A_1190 : vector<16xi1>
            %eq3A_1192 = arith.cmpi eq, %iota3A, %all_reduce_ffs3A_1188 : vector<16xi32>
            %not3A = arith.constant true
            %not3A_1193 = arith.xori %reduce_or3A_1184, %not3A : i1
            %and3A_1194 = vector.broadcast %not3A_1193 : i1 to vector<16xi1>
            %and3A_1195 = arith.andi %eq3A_1192, %and3A_1194 : vector<16xi1>
            %broadcast_in_dim3A_1196 = vector.broadcast %reduce_max3A_1160 : f32 to vector<16xf32>
            %select_n3A_1197 = arith.select %and3A_1191, %broadcast_in_dim3A_1196, %while3A_1148 : vector<16xi1>, vector<16xf32>
            %broadcast_in_dim3A_1198 = vector.broadcast %reduce_max3A_1171 : i32 to vector<16xi32>
            %select_n3A_1199 = arith.select %and3A_1191, %broadcast_in_dim3A_1198, %while3A_1150 : vector<16xi1>, vector<16xi32>
            %broadcast_in_dim3A_1200 = vector.broadcast %reduce_max3A_1160 : f32 to vector<16xf32>
            %select_n3A_1201 = arith.select %and3A_1195, %broadcast_in_dim3A_1200, %while3A_1149 : vector<16xi1>, vector<16xf32>
            %broadcast_in_dim3A_1202 = vector.broadcast %reduce_max3A_1171 : i32 to vector<16xi32>
            %select_n3A_1203 = arith.select %and3A_1195, %broadcast_in_dim3A_1202, %while3A_1151 : vector<16xi1>, vector<16xi32>
            %max3A = arith.maximumf %select_n3A_1197, %select_n3A_1201 : vector<16xf32>
            %reduce_max3A_1204 = arith.constant true
            %reduce_max3A_1205 = vector.broadcast %reduce_max3A_1204 : i1 to vector<16xi1>
            %reduce_max3A_1206 = tpu.scan <max>, %max3A masked %reduce_max3A_1205 : vector<16xf32>, vector<16xi1> -> vector<16xf32>
            %reduce_max3A_1207 = vector.extract %reduce_max3A_1206[15] : f32 from vector<16xf32>
            %not3A_1208 = arith.constant dense<true> : vector<16xi1>
            %not3A_1209 = arith.xori %eq3A_1153, %not3A_1208 : vector<16xi1>
            %and3A_1210 = arith.andi %while3A_1147, %not3A_1209 : vector<16xi1>
            %lt3A_1211 = vector.broadcast %reduce_max3A_1207 : f32 to vector<16xf32>
            %lt3A_1212 = arith.cmpf olt, %add3A_941, %lt3A_1211 : vector<16xf32>
            %and3A_1213 = arith.andi %and3A_1210, %lt3A_1212 : vector<16xi1>
            scf.yield %and3A_1213, %select_n3A_1197, %select_n3A_1201, %select_n3A_1199, %select_n3A_1203, %reduce_max3A_1207 : vector<16xi1>, vector<16xf32>, vector<16xf32>, vector<16xi32>, vector<16xi32>, f32
          }
          %add3A_1112 = arith.constant 48 : i32
          %add3A_1113 = arith.addi %mul3A_865, %add3A_1112 : i32
          %add3A_1114 = vector.broadcast %add3A_1113 : i32 to vector<16xi32>
          %add3A_1115 = arith.addi %add3A_1114, %iota3A : vector<16xi32>
          %lt3A_1116 = vector.broadcast %while3A_1111#5 : f32 to vector<16xf32>
          %lt3A_1117 = arith.cmpf olt, %add3A_968, %lt3A_1116 : vector<16xf32>
          %while3A_1118:6 = scf.while (%while3A_1147 = %lt3A_1117, %while3A_1148 = %while3A_1111#1, %while3A_1149 = %while3A_1111#2, %while3A_1150 = %while3A_1111#3, %while3A_1151 = %while3A_1111#4, %while3A_1152 = %while3A_1111#5) : (vector<16xi1>, vector<16xf32>, vector<16xf32>, vector<16xi32>, vector<16xi32>, f32) -> (vector<16xi1>, vector<16xf32>, vector<16xf32>, vector<16xi32>, vector<16xi32>, f32) {
            %reduce_or3A_1153 = arith.constant 1.000000e+00 : f32
            %reduce_or3A_1154 = arith.constant 0.000000e+00 : f32
            %reduce_or3A_1155 = vector.broadcast %reduce_or3A_1153 : f32 to vector<16xf32>
            %reduce_or3A_1156 = vector.broadcast %reduce_or3A_1154 : f32 to vector<16xf32>
            %reduce_or3A_1157 = arith.select %while3A_1147, %reduce_or3A_1155, %reduce_or3A_1156 : vector<16xi1>, vector<16xf32>
            %reduce_or3A_1158 = arith.constant true
            %reduce_or3A_1159 = vector.broadcast %reduce_or3A_1158 : i1 to vector<16xi1>
            %reduce_or3A_1160 = tpu.scan <max>, %reduce_or3A_1157 masked %reduce_or3A_1159 : vector<16xf32>, vector<16xi1> -> vector<16xf32>
            %reduce_or3A_1161 = vector.extract %reduce_or3A_1160[15] : f32 from vector<16xf32>
            %reduce_or3A_1162 = arith.constant 0.000000e+00 : f32
            %reduce_or3A_1163 = arith.cmpf ogt, %reduce_or3A_1161, %reduce_or3A_1162 : f32
            scf.condition(%reduce_or3A_1163) %while3A_1147, %while3A_1148, %while3A_1149, %while3A_1150, %while3A_1151, %while3A_1152 : vector<16xi1>, vector<16xf32>, vector<16xf32>, vector<16xi32>, vector<16xi32>, f32
          } do {
          ^bb0(%while3A_1147: vector<16xi1>, %while3A_1148: vector<16xf32>, %while3A_1149: vector<16xf32>, %while3A_1150: vector<16xi32>, %while3A_1151: vector<16xi32>, %while3A_1152: f32):
            %all_reduce_ffs3A = tpu.all_reduce %while3A_1147 {dim = 0 : i64, kind = #tpu.reduction_kind<find_first_set>} : vector<16xi1> -> vector<16xi32>
            %eq3A_1153 = arith.cmpi eq, %iota3A, %all_reduce_ffs3A : vector<16xi32>
            %jit3A_1154 = arith.constant -3.000000e+38 : f32
            %broadcast_in_dim3A_1155 = vector.broadcast %jit3A_1154 : f32 to vector<16xf32>
            %select_n3A_1156 = arith.select %eq3A_1153, %add3A_968, %broadcast_in_dim3A_1155 : vector<16xi1>, vector<16xf32>
            %reduce_max3A_1157 = arith.constant true
            %reduce_max3A_1158 = vector.broadcast %reduce_max3A_1157 : i1 to vector<16xi1>
            %reduce_max3A_1159 = tpu.scan <max>, %select_n3A_1156 masked %reduce_max3A_1158 : vector<16xf32>, vector<16xi1> -> vector<16xf32>
            %reduce_max3A_1160 = vector.extract %reduce_max3A_1159[15] : f32 from vector<16xf32>
            %jit3A_1161 = arith.constant -1 : i32
            %broadcast_in_dim3A_1162 = vector.broadcast %jit3A_1161 : i32 to vector<16xi32>
            %select_n3A_1163 = arith.select %eq3A_1153, %add3A_1115, %broadcast_in_dim3A_1162 : vector<16xi1>, vector<16xi32>
            %reduce_max3A_1164 = arith.constant true
            %reduce_max3A_1165 = vector.broadcast %reduce_max3A_1164 : i1 to vector<16xi1>
            %reduce_max3A_1166 = arith.constant -2147483648 : i32
            %reduce_max3A_1167 = vector.broadcast %reduce_max3A_1166 : i32 to vector<16xi32>
            %reduce_max3A_1168 = arith.xori %select_n3A_1163, %reduce_max3A_1167 : vector<16xi32>
            %reduce_max3A_1169 = tpu.scan <max>, %reduce_max3A_1168 masked %reduce_max3A_1165 : vector<16xi32>, vector<16xi1> -> vector<16xi32>
            %reduce_max3A_1170 = arith.xori %reduce_max3A_1169, %reduce_max3A_1167 : vector<16xi32>
            %reduce_max3A_1171 = vector.extract %reduce_max3A_1170[15] : i32 from vector<16xi32>
            %eq3A_1172 = vector.broadcast %while3A_1152 : f32 to vector<16xf32>
            %eq3A_1173 = arith.cmpf oeq, %while3A_1148, %eq3A_1172 : vector<16xf32>
            %reduce_or3A_1174 = arith.constant 1.000000e+00 : f32
            %reduce_or3A_1175 = arith.constant 0.000000e+00 : f32
            %reduce_or3A_1176 = vector.broadcast %reduce_or3A_1174 : f32 to vector<16xf32>
            %reduce_or3A_1177 = vector.broadcast %reduce_or3A_1175 : f32 to vector<16xf32>
            %reduce_or3A_1178 = arith.select %eq3A_1173, %reduce_or3A_1176, %reduce_or3A_1177 : vector<16xi1>, vector<16xf32>
            %reduce_or3A_1179 = arith.constant true
            %reduce_or3A_1180 = vector.broadcast %reduce_or3A_1179 : i1 to vector<16xi1>
            %reduce_or3A_1181 = tpu.scan <max>, %reduce_or3A_1178 masked %reduce_or3A_1180 : vector<16xf32>, vector<16xi1> -> vector<16xf32>
            %reduce_or3A_1182 = vector.extract %reduce_or3A_1181[15] : f32 from vector<16xf32>
            %reduce_or3A_1183 = arith.constant 0.000000e+00 : f32
            %reduce_or3A_1184 = arith.cmpf ogt, %reduce_or3A_1182, %reduce_or3A_1183 : f32
            %all_reduce_ffs3A_1185 = tpu.all_reduce %eq3A_1173 {dim = 0 : i64, kind = #tpu.reduction_kind<find_first_set>} : vector<16xi1> -> vector<16xi32>
            %eq3A_1186 = vector.broadcast %while3A_1152 : f32 to vector<16xf32>
            %eq3A_1187 = arith.cmpf oeq, %while3A_1149, %eq3A_1186 : vector<16xf32>
            %all_reduce_ffs3A_1188 = tpu.all_reduce %eq3A_1187 {dim = 0 : i64, kind = #tpu.reduction_kind<find_first_set>} : vector<16xi1> -> vector<16xi32>
            %eq3A_1189 = arith.cmpi eq, %iota3A, %all_reduce_ffs3A_1185 : vector<16xi32>
            %and3A_1190 = vector.broadcast %reduce_or3A_1184 : i1 to vector<16xi1>
            %and3A_1191 = arith.andi %eq3A_1189, %and3A_1190 : vector<16xi1>
            %eq3A_1192 = arith.cmpi eq, %iota3A, %all_reduce_ffs3A_1188 : vector<16xi32>
            %not3A = arith.constant true
            %not3A_1193 = arith.xori %reduce_or3A_1184, %not3A : i1
            %and3A_1194 = vector.broadcast %not3A_1193 : i1 to vector<16xi1>
            %and3A_1195 = arith.andi %eq3A_1192, %and3A_1194 : vector<16xi1>
            %broadcast_in_dim3A_1196 = vector.broadcast %reduce_max3A_1160 : f32 to vector<16xf32>
            %select_n3A_1197 = arith.select %and3A_1191, %broadcast_in_dim3A_1196, %while3A_1148 : vector<16xi1>, vector<16xf32>
            %broadcast_in_dim3A_1198 = vector.broadcast %reduce_max3A_1171 : i32 to vector<16xi32>
            %select_n3A_1199 = arith.select %and3A_1191, %broadcast_in_dim3A_1198, %while3A_1150 : vector<16xi1>, vector<16xi32>
            %broadcast_in_dim3A_1200 = vector.broadcast %reduce_max3A_1160 : f32 to vector<16xf32>
            %select_n3A_1201 = arith.select %and3A_1195, %broadcast_in_dim3A_1200, %while3A_1149 : vector<16xi1>, vector<16xf32>
            %broadcast_in_dim3A_1202 = vector.broadcast %reduce_max3A_1171 : i32 to vector<16xi32>
            %select_n3A_1203 = arith.select %and3A_1195, %broadcast_in_dim3A_1202, %while3A_1151 : vector<16xi1>, vector<16xi32>
            %max3A = arith.maximumf %select_n3A_1197, %select_n3A_1201 : vector<16xf32>
            %reduce_max3A_1204 = arith.constant true
            %reduce_max3A_1205 = vector.broadcast %reduce_max3A_1204 : i1 to vector<16xi1>
            %reduce_max3A_1206 = tpu.scan <max>, %max3A masked %reduce_max3A_1205 : vector<16xf32>, vector<16xi1> -> vector<16xf32>
            %reduce_max3A_1207 = vector.extract %reduce_max3A_1206[15] : f32 from vector<16xf32>
            %not3A_1208 = arith.constant dense<true> : vector<16xi1>
            %not3A_1209 = arith.xori %eq3A_1153, %not3A_1208 : vector<16xi1>
            %and3A_1210 = arith.andi %while3A_1147, %not3A_1209 : vector<16xi1>
            %lt3A_1211 = vector.broadcast %reduce_max3A_1207 : f32 to vector<16xf32>
            %lt3A_1212 = arith.cmpf olt, %add3A_968, %lt3A_1211 : vector<16xf32>
            %and3A_1213 = arith.andi %and3A_1210, %lt3A_1212 : vector<16xi1>
            scf.yield %and3A_1213, %select_n3A_1197, %select_n3A_1201, %select_n3A_1199, %select_n3A_1203, %reduce_max3A_1207 : vector<16xi1>, vector<16xf32>, vector<16xf32>, vector<16xi32>, vector<16xi32>, f32
          }
          %add3A_1119 = arith.constant 64 : i32
          %add3A_1120 = arith.addi %mul3A_865, %add3A_1119 : i32
          %add3A_1121 = vector.broadcast %add3A_1120 : i32 to vector<16xi32>
          %add3A_1122 = arith.addi %add3A_1121, %iota3A : vector<16xi32>
          %lt3A_1123 = vector.broadcast %while3A_1118#5 : f32 to vector<16xf32>
          %lt3A_1124 = arith.cmpf olt, %add3A_995, %lt3A_1123 : vector<16xf32>
          %while3A_1125:6 = scf.while (%while3A_1147 = %lt3A_1124, %while3A_1148 = %while3A_1118#1, %while3A_1149 = %while3A_1118#2, %while3A_1150 = %while3A_1118#3, %while3A_1151 = %while3A_1118#4, %while3A_1152 = %while3A_1118#5) : (vector<16xi1>, vector<16xf32>, vector<16xf32>, vector<16xi32>, vector<16xi32>, f32) -> (vector<16xi1>, vector<16xf32>, vector<16xf32>, vector<16xi32>, vector<16xi32>, f32) {
            %reduce_or3A_1153 = arith.constant 1.000000e+00 : f32
            %reduce_or3A_1154 = arith.constant 0.000000e+00 : f32
            %reduce_or3A_1155 = vector.broadcast %reduce_or3A_1153 : f32 to vector<16xf32>
            %reduce_or3A_1156 = vector.broadcast %reduce_or3A_1154 : f32 to vector<16xf32>
            %reduce_or3A_1157 = arith.select %while3A_1147, %reduce_or3A_1155, %reduce_or3A_1156 : vector<16xi1>, vector<16xf32>
            %reduce_or3A_1158 = arith.constant true
            %reduce_or3A_1159 = vector.broadcast %reduce_or3A_1158 : i1 to vector<16xi1>
            %reduce_or3A_1160 = tpu.scan <max>, %reduce_or3A_1157 masked %reduce_or3A_1159 : vector<16xf32>, vector<16xi1> -> vector<16xf32>
            %reduce_or3A_1161 = vector.extract %reduce_or3A_1160[15] : f32 from vector<16xf32>
            %reduce_or3A_1162 = arith.constant 0.000000e+00 : f32
            %reduce_or3A_1163 = arith.cmpf ogt, %reduce_or3A_1161, %reduce_or3A_1162 : f32
            scf.condition(%reduce_or3A_1163) %while3A_1147, %while3A_1148, %while3A_1149, %while3A_1150, %while3A_1151, %while3A_1152 : vector<16xi1>, vector<16xf32>, vector<16xf32>, vector<16xi32>, vector<16xi32>, f32
          } do {
          ^bb0(%while3A_1147: vector<16xi1>, %while3A_1148: vector<16xf32>, %while3A_1149: vector<16xf32>, %while3A_1150: vector<16xi32>, %while3A_1151: vector<16xi32>, %while3A_1152: f32):
            %all_reduce_ffs3A = tpu.all_reduce %while3A_1147 {dim = 0 : i64, kind = #tpu.reduction_kind<find_first_set>} : vector<16xi1> -> vector<16xi32>
            %eq3A_1153 = arith.cmpi eq, %iota3A, %all_reduce_ffs3A : vector<16xi32>
            %jit3A_1154 = arith.constant -3.000000e+38 : f32
            %broadcast_in_dim3A_1155 = vector.broadcast %jit3A_1154 : f32 to vector<16xf32>
            %select_n3A_1156 = arith.select %eq3A_1153, %add3A_995, %broadcast_in_dim3A_1155 : vector<16xi1>, vector<16xf32>
            %reduce_max3A_1157 = arith.constant true
            %reduce_max3A_1158 = vector.broadcast %reduce_max3A_1157 : i1 to vector<16xi1>
            %reduce_max3A_1159 = tpu.scan <max>, %select_n3A_1156 masked %reduce_max3A_1158 : vector<16xf32>, vector<16xi1> -> vector<16xf32>
            %reduce_max3A_1160 = vector.extract %reduce_max3A_1159[15] : f32 from vector<16xf32>
            %jit3A_1161 = arith.constant -1 : i32
            %broadcast_in_dim3A_1162 = vector.broadcast %jit3A_1161 : i32 to vector<16xi32>
            %select_n3A_1163 = arith.select %eq3A_1153, %add3A_1122, %broadcast_in_dim3A_1162 : vector<16xi1>, vector<16xi32>
            %reduce_max3A_1164 = arith.constant true
            %reduce_max3A_1165 = vector.broadcast %reduce_max3A_1164 : i1 to vector<16xi1>
            %reduce_max3A_1166 = arith.constant -2147483648 : i32
            %reduce_max3A_1167 = vector.broadcast %reduce_max3A_1166 : i32 to vector<16xi32>
            %reduce_max3A_1168 = arith.xori %select_n3A_1163, %reduce_max3A_1167 : vector<16xi32>
            %reduce_max3A_1169 = tpu.scan <max>, %reduce_max3A_1168 masked %reduce_max3A_1165 : vector<16xi32>, vector<16xi1> -> vector<16xi32>
            %reduce_max3A_1170 = arith.xori %reduce_max3A_1169, %reduce_max3A_1167 : vector<16xi32>
            %reduce_max3A_1171 = vector.extract %reduce_max3A_1170[15] : i32 from vector<16xi32>
            %eq3A_1172 = vector.broadcast %while3A_1152 : f32 to vector<16xf32>
            %eq3A_1173 = arith.cmpf oeq, %while3A_1148, %eq3A_1172 : vector<16xf32>
            %reduce_or3A_1174 = arith.constant 1.000000e+00 : f32
            %reduce_or3A_1175 = arith.constant 0.000000e+00 : f32
            %reduce_or3A_1176 = vector.broadcast %reduce_or3A_1174 : f32 to vector<16xf32>
            %reduce_or3A_1177 = vector.broadcast %reduce_or3A_1175 : f32 to vector<16xf32>
            %reduce_or3A_1178 = arith.select %eq3A_1173, %reduce_or3A_1176, %reduce_or3A_1177 : vector<16xi1>, vector<16xf32>
            %reduce_or3A_1179 = arith.constant true
            %reduce_or3A_1180 = vector.broadcast %reduce_or3A_1179 : i1 to vector<16xi1>
            %reduce_or3A_1181 = tpu.scan <max>, %reduce_or3A_1178 masked %reduce_or3A_1180 : vector<16xf32>, vector<16xi1> -> vector<16xf32>
            %reduce_or3A_1182 = vector.extract %reduce_or3A_1181[15] : f32 from vector<16xf32>
            %reduce_or3A_1183 = arith.constant 0.000000e+00 : f32
            %reduce_or3A_1184 = arith.cmpf ogt, %reduce_or3A_1182, %reduce_or3A_1183 : f32
            %all_reduce_ffs3A_1185 = tpu.all_reduce %eq3A_1173 {dim = 0 : i64, kind = #tpu.reduction_kind<find_first_set>} : vector<16xi1> -> vector<16xi32>
            %eq3A_1186 = vector.broadcast %while3A_1152 : f32 to vector<16xf32>
            %eq3A_1187 = arith.cmpf oeq, %while3A_1149, %eq3A_1186 : vector<16xf32>
            %all_reduce_ffs3A_1188 = tpu.all_reduce %eq3A_1187 {dim = 0 : i64, kind = #tpu.reduction_kind<find_first_set>} : vector<16xi1> -> vector<16xi32>
            %eq3A_1189 = arith.cmpi eq, %iota3A, %all_reduce_ffs3A_1185 : vector<16xi32>
            %and3A_1190 = vector.broadcast %reduce_or3A_1184 : i1 to vector<16xi1>
            %and3A_1191 = arith.andi %eq3A_1189, %and3A_1190 : vector<16xi1>
            %eq3A_1192 = arith.cmpi eq, %iota3A, %all_reduce_ffs3A_1188 : vector<16xi32>
            %not3A = arith.constant true
            %not3A_1193 = arith.xori %reduce_or3A_1184, %not3A : i1
            %and3A_1194 = vector.broadcast %not3A_1193 : i1 to vector<16xi1>
            %and3A_1195 = arith.andi %eq3A_1192, %and3A_1194 : vector<16xi1>
            %broadcast_in_dim3A_1196 = vector.broadcast %reduce_max3A_1160 : f32 to vector<16xf32>
            %select_n3A_1197 = arith.select %and3A_1191, %broadcast_in_dim3A_1196, %while3A_1148 : vector<16xi1>, vector<16xf32>
            %broadcast_in_dim3A_1198 = vector.broadcast %reduce_max3A_1171 : i32 to vector<16xi32>
            %select_n3A_1199 = arith.select %and3A_1191, %broadcast_in_dim3A_1198, %while3A_1150 : vector<16xi1>, vector<16xi32>
            %broadcast_in_dim3A_1200 = vector.broadcast %reduce_max3A_1160 : f32 to vector<16xf32>
            %select_n3A_1201 = arith.select %and3A_1195, %broadcast_in_dim3A_1200, %while3A_1149 : vector<16xi1>, vector<16xf32>
            %broadcast_in_dim3A_1202 = vector.broadcast %reduce_max3A_1171 : i32 to vector<16xi32>
            %select_n3A_1203 = arith.select %and3A_1195, %broadcast_in_dim3A_1202, %while3A_1151 : vector<16xi1>, vector<16xi32>
            %max3A = arith.maximumf %select_n3A_1197, %select_n3A_1201 : vector<16xf32>
            %reduce_max3A_1204 = arith.constant true
            %reduce_max3A_1205 = vector.broadcast %reduce_max3A_1204 : i1 to vector<16xi1>
            %reduce_max3A_1206 = tpu.scan <max>, %max3A masked %reduce_max3A_1205 : vector<16xf32>, vector<16xi1> -> vector<16xf32>
            %reduce_max3A_1207 = vector.extract %reduce_max3A_1206[15] : f32 from vector<16xf32>
            %not3A_1208 = arith.constant dense<true> : vector<16xi1>
            %not3A_1209 = arith.xori %eq3A_1153, %not3A_1208 : vector<16xi1>
            %and3A_1210 = arith.andi %while3A_1147, %not3A_1209 : vector<16xi1>
            %lt3A_1211 = vector.broadcast %reduce_max3A_1207 : f32 to vector<16xf32>
            %lt3A_1212 = arith.cmpf olt, %add3A_995, %lt3A_1211 : vector<16xf32>
            %and3A_1213 = arith.andi %and3A_1210, %lt3A_1212 : vector<16xi1>
            scf.yield %and3A_1213, %select_n3A_1197, %select_n3A_1201, %select_n3A_1199, %select_n3A_1203, %reduce_max3A_1207 : vector<16xi1>, vector<16xf32>, vector<16xf32>, vector<16xi32>, vector<16xi32>, f32
          }
          %add3A_1126 = arith.constant 80 : i32
          %add3A_1127 = arith.addi %mul3A_865, %add3A_1126 : i32
          %add3A_1128 = vector.broadcast %add3A_1127 : i32 to vector<16xi32>
          %add3A_1129 = arith.addi %add3A_1128, %iota3A : vector<16xi32>
          %lt3A_1130 = vector.broadcast %while3A_1125#5 : f32 to vector<16xf32>
          %lt3A_1131 = arith.cmpf olt, %add3A_1022, %lt3A_1130 : vector<16xf32>
          %while3A_1132:6 = scf.while (%while3A_1147 = %lt3A_1131, %while3A_1148 = %while3A_1125#1, %while3A_1149 = %while3A_1125#2, %while3A_1150 = %while3A_1125#3, %while3A_1151 = %while3A_1125#4, %while3A_1152 = %while3A_1125#5) : (vector<16xi1>, vector<16xf32>, vector<16xf32>, vector<16xi32>, vector<16xi32>, f32) -> (vector<16xi1>, vector<16xf32>, vector<16xf32>, vector<16xi32>, vector<16xi32>, f32) {
            %reduce_or3A_1153 = arith.constant 1.000000e+00 : f32
            %reduce_or3A_1154 = arith.constant 0.000000e+00 : f32
            %reduce_or3A_1155 = vector.broadcast %reduce_or3A_1153 : f32 to vector<16xf32>
            %reduce_or3A_1156 = vector.broadcast %reduce_or3A_1154 : f32 to vector<16xf32>
            %reduce_or3A_1157 = arith.select %while3A_1147, %reduce_or3A_1155, %reduce_or3A_1156 : vector<16xi1>, vector<16xf32>
            %reduce_or3A_1158 = arith.constant true
            %reduce_or3A_1159 = vector.broadcast %reduce_or3A_1158 : i1 to vector<16xi1>
            %reduce_or3A_1160 = tpu.scan <max>, %reduce_or3A_1157 masked %reduce_or3A_1159 : vector<16xf32>, vector<16xi1> -> vector<16xf32>
            %reduce_or3A_1161 = vector.extract %reduce_or3A_1160[15] : f32 from vector<16xf32>
            %reduce_or3A_1162 = arith.constant 0.000000e+00 : f32
            %reduce_or3A_1163 = arith.cmpf ogt, %reduce_or3A_1161, %reduce_or3A_1162 : f32
            scf.condition(%reduce_or3A_1163) %while3A_1147, %while3A_1148, %while3A_1149, %while3A_1150, %while3A_1151, %while3A_1152 : vector<16xi1>, vector<16xf32>, vector<16xf32>, vector<16xi32>, vector<16xi32>, f32
          } do {
          ^bb0(%while3A_1147: vector<16xi1>, %while3A_1148: vector<16xf32>, %while3A_1149: vector<16xf32>, %while3A_1150: vector<16xi32>, %while3A_1151: vector<16xi32>, %while3A_1152: f32):
            %all_reduce_ffs3A = tpu.all_reduce %while3A_1147 {dim = 0 : i64, kind = #tpu.reduction_kind<find_first_set>} : vector<16xi1> -> vector<16xi32>
            %eq3A_1153 = arith.cmpi eq, %iota3A, %all_reduce_ffs3A : vector<16xi32>
            %jit3A_1154 = arith.constant -3.000000e+38 : f32
            %broadcast_in_dim3A_1155 = vector.broadcast %jit3A_1154 : f32 to vector<16xf32>
            %select_n3A_1156 = arith.select %eq3A_1153, %add3A_1022, %broadcast_in_dim3A_1155 : vector<16xi1>, vector<16xf32>
            %reduce_max3A_1157 = arith.constant true
            %reduce_max3A_1158 = vector.broadcast %reduce_max3A_1157 : i1 to vector<16xi1>
            %reduce_max3A_1159 = tpu.scan <max>, %select_n3A_1156 masked %reduce_max3A_1158 : vector<16xf32>, vector<16xi1> -> vector<16xf32>
            %reduce_max3A_1160 = vector.extract %reduce_max3A_1159[15] : f32 from vector<16xf32>
            %jit3A_1161 = arith.constant -1 : i32
            %broadcast_in_dim3A_1162 = vector.broadcast %jit3A_1161 : i32 to vector<16xi32>
            %select_n3A_1163 = arith.select %eq3A_1153, %add3A_1129, %broadcast_in_dim3A_1162 : vector<16xi1>, vector<16xi32>
            %reduce_max3A_1164 = arith.constant true
            %reduce_max3A_1165 = vector.broadcast %reduce_max3A_1164 : i1 to vector<16xi1>
            %reduce_max3A_1166 = arith.constant -2147483648 : i32
            %reduce_max3A_1167 = vector.broadcast %reduce_max3A_1166 : i32 to vector<16xi32>
            %reduce_max3A_1168 = arith.xori %select_n3A_1163, %reduce_max3A_1167 : vector<16xi32>
            %reduce_max3A_1169 = tpu.scan <max>, %reduce_max3A_1168 masked %reduce_max3A_1165 : vector<16xi32>, vector<16xi1> -> vector<16xi32>
            %reduce_max3A_1170 = arith.xori %reduce_max3A_1169, %reduce_max3A_1167 : vector<16xi32>
            %reduce_max3A_1171 = vector.extract %reduce_max3A_1170[15] : i32 from vector<16xi32>
            %eq3A_1172 = vector.broadcast %while3A_1152 : f32 to vector<16xf32>
            %eq3A_1173 = arith.cmpf oeq, %while3A_1148, %eq3A_1172 : vector<16xf32>
            %reduce_or3A_1174 = arith.constant 1.000000e+00 : f32
            %reduce_or3A_1175 = arith.constant 0.000000e+00 : f32
            %reduce_or3A_1176 = vector.broadcast %reduce_or3A_1174 : f32 to vector<16xf32>
            %reduce_or3A_1177 = vector.broadcast %reduce_or3A_1175 : f32 to vector<16xf32>
            %reduce_or3A_1178 = arith.select %eq3A_1173, %reduce_or3A_1176, %reduce_or3A_1177 : vector<16xi1>, vector<16xf32>
            %reduce_or3A_1179 = arith.constant true
            %reduce_or3A_1180 = vector.broadcast %reduce_or3A_1179 : i1 to vector<16xi1>
            %reduce_or3A_1181 = tpu.scan <max>, %reduce_or3A_1178 masked %reduce_or3A_1180 : vector<16xf32>, vector<16xi1> -> vector<16xf32>
            %reduce_or3A_1182 = vector.extract %reduce_or3A_1181[15] : f32 from vector<16xf32>
            %reduce_or3A_1183 = arith.constant 0.000000e+00 : f32
            %reduce_or3A_1184 = arith.cmpf ogt, %reduce_or3A_1182, %reduce_or3A_1183 : f32
            %all_reduce_ffs3A_1185 = tpu.all_reduce %eq3A_1173 {dim = 0 : i64, kind = #tpu.reduction_kind<find_first_set>} : vector<16xi1> -> vector<16xi32>
            %eq3A_1186 = vector.broadcast %while3A_1152 : f32 to vector<16xf32>
            %eq3A_1187 = arith.cmpf oeq, %while3A_1149, %eq3A_1186 : vector<16xf32>
            %all_reduce_ffs3A_1188 = tpu.all_reduce %eq3A_1187 {dim = 0 : i64, kind = #tpu.reduction_kind<find_first_set>} : vector<16xi1> -> vector<16xi32>
            %eq3A_1189 = arith.cmpi eq, %iota3A, %all_reduce_ffs3A_1185 : vector<16xi32>
            %and3A_1190 = vector.broadcast %reduce_or3A_1184 : i1 to vector<16xi1>
            %and3A_1191 = arith.andi %eq3A_1189, %and3A_1190 : vector<16xi1>
            %eq3A_1192 = arith.cmpi eq, %iota3A, %all_reduce_ffs3A_1188 : vector<16xi32>
            %not3A = arith.constant true
            %not3A_1193 = arith.xori %reduce_or3A_1184, %not3A : i1
            %and3A_1194 = vector.broadcast %not3A_1193 : i1 to vector<16xi1>
            %and3A_1195 = arith.andi %eq3A_1192, %and3A_1194 : vector<16xi1>
            %broadcast_in_dim3A_1196 = vector.broadcast %reduce_max3A_1160 : f32 to vector<16xf32>
            %select_n3A_1197 = arith.select %and3A_1191, %broadcast_in_dim3A_1196, %while3A_1148 : vector<16xi1>, vector<16xf32>
            %broadcast_in_dim3A_1198 = vector.broadcast %reduce_max3A_1171 : i32 to vector<16xi32>
            %select_n3A_1199 = arith.select %and3A_1191, %broadcast_in_dim3A_1198, %while3A_1150 : vector<16xi1>, vector<16xi32>
            %broadcast_in_dim3A_1200 = vector.broadcast %reduce_max3A_1160 : f32 to vector<16xf32>
            %select_n3A_1201 = arith.select %and3A_1195, %broadcast_in_dim3A_1200, %while3A_1149 : vector<16xi1>, vector<16xf32>
            %broadcast_in_dim3A_1202 = vector.broadcast %reduce_max3A_1171 : i32 to vector<16xi32>
            %select_n3A_1203 = arith.select %and3A_1195, %broadcast_in_dim3A_1202, %while3A_1151 : vector<16xi1>, vector<16xi32>
            %max3A = arith.maximumf %select_n3A_1197, %select_n3A_1201 : vector<16xf32>
            %reduce_max3A_1204 = arith.constant true
            %reduce_max3A_1205 = vector.broadcast %reduce_max3A_1204 : i1 to vector<16xi1>
            %reduce_max3A_1206 = tpu.scan <max>, %max3A masked %reduce_max3A_1205 : vector<16xf32>, vector<16xi1> -> vector<16xf32>
            %reduce_max3A_1207 = vector.extract %reduce_max3A_1206[15] : f32 from vector<16xf32>
            %not3A_1208 = arith.constant dense<true> : vector<16xi1>
            %not3A_1209 = arith.xori %eq3A_1153, %not3A_1208 : vector<16xi1>
            %and3A_1210 = arith.andi %while3A_1147, %not3A_1209 : vector<16xi1>
            %lt3A_1211 = vector.broadcast %reduce_max3A_1207 : f32 to vector<16xf32>
            %lt3A_1212 = arith.cmpf olt, %add3A_1022, %lt3A_1211 : vector<16xf32>
            %and3A_1213 = arith.andi %and3A_1210, %lt3A_1212 : vector<16xi1>
            scf.yield %and3A_1213, %select_n3A_1197, %select_n3A_1201, %select_n3A_1199, %select_n3A_1203, %reduce_max3A_1207 : vector<16xi1>, vector<16xf32>, vector<16xf32>, vector<16xi32>, vector<16xi32>, f32
          }
          %add3A_1133 = arith.constant 96 : i32
          %add3A_1134 = arith.addi %mul3A_865, %add3A_1133 : i32
          %add3A_1135 = vector.broadcast %add3A_1134 : i32 to vector<16xi32>
          %add3A_1136 = arith.addi %add3A_1135, %iota3A : vector<16xi32>
          %lt3A_1137 = vector.broadcast %while3A_1132#5 : f32 to vector<16xf32>
          %lt3A_1138 = arith.cmpf olt, %add3A_1049, %lt3A_1137 : vector<16xf32>
          %while3A_1139:6 = scf.while (%while3A_1147 = %lt3A_1138, %while3A_1148 = %while3A_1132#1, %while3A_1149 = %while3A_1132#2, %while3A_1150 = %while3A_1132#3, %while3A_1151 = %while3A_1132#4, %while3A_1152 = %while3A_1132#5) : (vector<16xi1>, vector<16xf32>, vector<16xf32>, vector<16xi32>, vector<16xi32>, f32) -> (vector<16xi1>, vector<16xf32>, vector<16xf32>, vector<16xi32>, vector<16xi32>, f32) {
            %reduce_or3A_1153 = arith.constant 1.000000e+00 : f32
            %reduce_or3A_1154 = arith.constant 0.000000e+00 : f32
            %reduce_or3A_1155 = vector.broadcast %reduce_or3A_1153 : f32 to vector<16xf32>
            %reduce_or3A_1156 = vector.broadcast %reduce_or3A_1154 : f32 to vector<16xf32>
            %reduce_or3A_1157 = arith.select %while3A_1147, %reduce_or3A_1155, %reduce_or3A_1156 : vector<16xi1>, vector<16xf32>
            %reduce_or3A_1158 = arith.constant true
            %reduce_or3A_1159 = vector.broadcast %reduce_or3A_1158 : i1 to vector<16xi1>
            %reduce_or3A_1160 = tpu.scan <max>, %reduce_or3A_1157 masked %reduce_or3A_1159 : vector<16xf32>, vector<16xi1> -> vector<16xf32>
            %reduce_or3A_1161 = vector.extract %reduce_or3A_1160[15] : f32 from vector<16xf32>
            %reduce_or3A_1162 = arith.constant 0.000000e+00 : f32
            %reduce_or3A_1163 = arith.cmpf ogt, %reduce_or3A_1161, %reduce_or3A_1162 : f32
            scf.condition(%reduce_or3A_1163) %while3A_1147, %while3A_1148, %while3A_1149, %while3A_1150, %while3A_1151, %while3A_1152 : vector<16xi1>, vector<16xf32>, vector<16xf32>, vector<16xi32>, vector<16xi32>, f32
          } do {
          ^bb0(%while3A_1147: vector<16xi1>, %while3A_1148: vector<16xf32>, %while3A_1149: vector<16xf32>, %while3A_1150: vector<16xi32>, %while3A_1151: vector<16xi32>, %while3A_1152: f32):
            %all_reduce_ffs3A = tpu.all_reduce %while3A_1147 {dim = 0 : i64, kind = #tpu.reduction_kind<find_first_set>} : vector<16xi1> -> vector<16xi32>
            %eq3A_1153 = arith.cmpi eq, %iota3A, %all_reduce_ffs3A : vector<16xi32>
            %jit3A_1154 = arith.constant -3.000000e+38 : f32
            %broadcast_in_dim3A_1155 = vector.broadcast %jit3A_1154 : f32 to vector<16xf32>
            %select_n3A_1156 = arith.select %eq3A_1153, %add3A_1049, %broadcast_in_dim3A_1155 : vector<16xi1>, vector<16xf32>
            %reduce_max3A_1157 = arith.constant true
            %reduce_max3A_1158 = vector.broadcast %reduce_max3A_1157 : i1 to vector<16xi1>
            %reduce_max3A_1159 = tpu.scan <max>, %select_n3A_1156 masked %reduce_max3A_1158 : vector<16xf32>, vector<16xi1> -> vector<16xf32>
            %reduce_max3A_1160 = vector.extract %reduce_max3A_1159[15] : f32 from vector<16xf32>
            %jit3A_1161 = arith.constant -1 : i32
            %broadcast_in_dim3A_1162 = vector.broadcast %jit3A_1161 : i32 to vector<16xi32>
            %select_n3A_1163 = arith.select %eq3A_1153, %add3A_1136, %broadcast_in_dim3A_1162 : vector<16xi1>, vector<16xi32>
            %reduce_max3A_1164 = arith.constant true
            %reduce_max3A_1165 = vector.broadcast %reduce_max3A_1164 : i1 to vector<16xi1>
            %reduce_max3A_1166 = arith.constant -2147483648 : i32
            %reduce_max3A_1167 = vector.broadcast %reduce_max3A_1166 : i32 to vector<16xi32>
            %reduce_max3A_1168 = arith.xori %select_n3A_1163, %reduce_max3A_1167 : vector<16xi32>
            %reduce_max3A_1169 = tpu.scan <max>, %reduce_max3A_1168 masked %reduce_max3A_1165 : vector<16xi32>, vector<16xi1> -> vector<16xi32>
            %reduce_max3A_1170 = arith.xori %reduce_max3A_1169, %reduce_max3A_1167 : vector<16xi32>
            %reduce_max3A_1171 = vector.extract %reduce_max3A_1170[15] : i32 from vector<16xi32>
            %eq3A_1172 = vector.broadcast %while3A_1152 : f32 to vector<16xf32>
            %eq3A_1173 = arith.cmpf oeq, %while3A_1148, %eq3A_1172 : vector<16xf32>
            %reduce_or3A_1174 = arith.constant 1.000000e+00 : f32
            %reduce_or3A_1175 = arith.constant 0.000000e+00 : f32
            %reduce_or3A_1176 = vector.broadcast %reduce_or3A_1174 : f32 to vector<16xf32>
            %reduce_or3A_1177 = vector.broadcast %reduce_or3A_1175 : f32 to vector<16xf32>
            %reduce_or3A_1178 = arith.select %eq3A_1173, %reduce_or3A_1176, %reduce_or3A_1177 : vector<16xi1>, vector<16xf32>
            %reduce_or3A_1179 = arith.constant true
            %reduce_or3A_1180 = vector.broadcast %reduce_or3A_1179 : i1 to vector<16xi1>
            %reduce_or3A_1181 = tpu.scan <max>, %reduce_or3A_1178 masked %reduce_or3A_1180 : vector<16xf32>, vector<16xi1> -> vector<16xf32>
            %reduce_or3A_1182 = vector.extract %reduce_or3A_1181[15] : f32 from vector<16xf32>
            %reduce_or3A_1183 = arith.constant 0.000000e+00 : f32
            %reduce_or3A_1184 = arith.cmpf ogt, %reduce_or3A_1182, %reduce_or3A_1183 : f32
            %all_reduce_ffs3A_1185 = tpu.all_reduce %eq3A_1173 {dim = 0 : i64, kind = #tpu.reduction_kind<find_first_set>} : vector<16xi1> -> vector<16xi32>
            %eq3A_1186 = vector.broadcast %while3A_1152 : f32 to vector<16xf32>
            %eq3A_1187 = arith.cmpf oeq, %while3A_1149, %eq3A_1186 : vector<16xf32>
            %all_reduce_ffs3A_1188 = tpu.all_reduce %eq3A_1187 {dim = 0 : i64, kind = #tpu.reduction_kind<find_first_set>} : vector<16xi1> -> vector<16xi32>
            %eq3A_1189 = arith.cmpi eq, %iota3A, %all_reduce_ffs3A_1185 : vector<16xi32>
            %and3A_1190 = vector.broadcast %reduce_or3A_1184 : i1 to vector<16xi1>
            %and3A_1191 = arith.andi %eq3A_1189, %and3A_1190 : vector<16xi1>
            %eq3A_1192 = arith.cmpi eq, %iota3A, %all_reduce_ffs3A_1188 : vector<16xi32>
            %not3A = arith.constant true
            %not3A_1193 = arith.xori %reduce_or3A_1184, %not3A : i1
            %and3A_1194 = vector.broadcast %not3A_1193 : i1 to vector<16xi1>
            %and3A_1195 = arith.andi %eq3A_1192, %and3A_1194 : vector<16xi1>
            %broadcast_in_dim3A_1196 = vector.broadcast %reduce_max3A_1160 : f32 to vector<16xf32>
            %select_n3A_1197 = arith.select %and3A_1191, %broadcast_in_dim3A_1196, %while3A_1148 : vector<16xi1>, vector<16xf32>
            %broadcast_in_dim3A_1198 = vector.broadcast %reduce_max3A_1171 : i32 to vector<16xi32>
            %select_n3A_1199 = arith.select %and3A_1191, %broadcast_in_dim3A_1198, %while3A_1150 : vector<16xi1>, vector<16xi32>
            %broadcast_in_dim3A_1200 = vector.broadcast %reduce_max3A_1160 : f32 to vector<16xf32>
            %select_n3A_1201 = arith.select %and3A_1195, %broadcast_in_dim3A_1200, %while3A_1149 : vector<16xi1>, vector<16xf32>
            %broadcast_in_dim3A_1202 = vector.broadcast %reduce_max3A_1171 : i32 to vector<16xi32>
            %select_n3A_1203 = arith.select %and3A_1195, %broadcast_in_dim3A_1202, %while3A_1151 : vector<16xi1>, vector<16xi32>
            %max3A = arith.maximumf %select_n3A_1197, %select_n3A_1201 : vector<16xf32>
            %reduce_max3A_1204 = arith.constant true
            %reduce_max3A_1205 = vector.broadcast %reduce_max3A_1204 : i1 to vector<16xi1>
            %reduce_max3A_1206 = tpu.scan <max>, %max3A masked %reduce_max3A_1205 : vector<16xf32>, vector<16xi1> -> vector<16xf32>
            %reduce_max3A_1207 = vector.extract %reduce_max3A_1206[15] : f32 from vector<16xf32>
            %not3A_1208 = arith.constant dense<true> : vector<16xi1>
            %not3A_1209 = arith.xori %eq3A_1153, %not3A_1208 : vector<16xi1>
            %and3A_1210 = arith.andi %while3A_1147, %not3A_1209 : vector<16xi1>
            %lt3A_1211 = vector.broadcast %reduce_max3A_1207 : f32 to vector<16xf32>
            %lt3A_1212 = arith.cmpf olt, %add3A_1049, %lt3A_1211 : vector<16xf32>
            %and3A_1213 = arith.andi %and3A_1210, %lt3A_1212 : vector<16xi1>
            scf.yield %and3A_1213, %select_n3A_1197, %select_n3A_1201, %select_n3A_1199, %select_n3A_1203, %reduce_max3A_1207 : vector<16xi1>, vector<16xf32>, vector<16xf32>, vector<16xi32>, vector<16xi32>, f32
          }
          %add3A_1140 = arith.constant 112 : i32
          %add3A_1141 = arith.addi %mul3A_865, %add3A_1140 : i32
          %add3A_1142 = vector.broadcast %add3A_1141 : i32 to vector<16xi32>
          %add3A_1143 = arith.addi %add3A_1142, %iota3A : vector<16xi32>
          %lt3A_1144 = vector.broadcast %while3A_1139#5 : f32 to vector<16xf32>
          %lt3A_1145 = arith.cmpf olt, %add3A_1076, %lt3A_1144 : vector<16xf32>
          %while3A_1146:6 = scf.while (%while3A_1147 = %lt3A_1145, %while3A_1148 = %while3A_1139#1, %while3A_1149 = %while3A_1139#2, %while3A_1150 = %while3A_1139#3, %while3A_1151 = %while3A_1139#4, %while3A_1152 = %while3A_1139#5) : (vector<16xi1>, vector<16xf32>, vector<16xf32>, vector<16xi32>, vector<16xi32>, f32) -> (vector<16xi1>, vector<16xf32>, vector<16xf32>, vector<16xi32>, vector<16xi32>, f32) {
            %reduce_or3A_1153 = arith.constant 1.000000e+00 : f32
            %reduce_or3A_1154 = arith.constant 0.000000e+00 : f32
            %reduce_or3A_1155 = vector.broadcast %reduce_or3A_1153 : f32 to vector<16xf32>
            %reduce_or3A_1156 = vector.broadcast %reduce_or3A_1154 : f32 to vector<16xf32>
            %reduce_or3A_1157 = arith.select %while3A_1147, %reduce_or3A_1155, %reduce_or3A_1156 : vector<16xi1>, vector<16xf32>
            %reduce_or3A_1158 = arith.constant true
            %reduce_or3A_1159 = vector.broadcast %reduce_or3A_1158 : i1 to vector<16xi1>
            %reduce_or3A_1160 = tpu.scan <max>, %reduce_or3A_1157 masked %reduce_or3A_1159 : vector<16xf32>, vector<16xi1> -> vector<16xf32>
            %reduce_or3A_1161 = vector.extract %reduce_or3A_1160[15] : f32 from vector<16xf32>
            %reduce_or3A_1162 = arith.constant 0.000000e+00 : f32
            %reduce_or3A_1163 = arith.cmpf ogt, %reduce_or3A_1161, %reduce_or3A_1162 : f32
            scf.condition(%reduce_or3A_1163) %while3A_1147, %while3A_1148, %while3A_1149, %while3A_1150, %while3A_1151, %while3A_1152 : vector<16xi1>, vector<16xf32>, vector<16xf32>, vector<16xi32>, vector<16xi32>, f32
          } do {
          ^bb0(%while3A_1147: vector<16xi1>, %while3A_1148: vector<16xf32>, %while3A_1149: vector<16xf32>, %while3A_1150: vector<16xi32>, %while3A_1151: vector<16xi32>, %while3A_1152: f32):
            %all_reduce_ffs3A = tpu.all_reduce %while3A_1147 {dim = 0 : i64, kind = #tpu.reduction_kind<find_first_set>} : vector<16xi1> -> vector<16xi32>
            %eq3A_1153 = arith.cmpi eq, %iota3A, %all_reduce_ffs3A : vector<16xi32>
            %jit3A_1154 = arith.constant -3.000000e+38 : f32
            %broadcast_in_dim3A_1155 = vector.broadcast %jit3A_1154 : f32 to vector<16xf32>
            %select_n3A_1156 = arith.select %eq3A_1153, %add3A_1076, %broadcast_in_dim3A_1155 : vector<16xi1>, vector<16xf32>
            %reduce_max3A_1157 = arith.constant true
            %reduce_max3A_1158 = vector.broadcast %reduce_max3A_1157 : i1 to vector<16xi1>
            %reduce_max3A_1159 = tpu.scan <max>, %select_n3A_1156 masked %reduce_max3A_1158 : vector<16xf32>, vector<16xi1> -> vector<16xf32>
            %reduce_max3A_1160 = vector.extract %reduce_max3A_1159[15] : f32 from vector<16xf32>
            %jit3A_1161 = arith.constant -1 : i32
            %broadcast_in_dim3A_1162 = vector.broadcast %jit3A_1161 : i32 to vector<16xi32>
            %select_n3A_1163 = arith.select %eq3A_1153, %add3A_1143, %broadcast_in_dim3A_1162 : vector<16xi1>, vector<16xi32>
            %reduce_max3A_1164 = arith.constant true
            %reduce_max3A_1165 = vector.broadcast %reduce_max3A_1164 : i1 to vector<16xi1>
            %reduce_max3A_1166 = arith.constant -2147483648 : i32
            %reduce_max3A_1167 = vector.broadcast %reduce_max3A_1166 : i32 to vector<16xi32>
            %reduce_max3A_1168 = arith.xori %select_n3A_1163, %reduce_max3A_1167 : vector<16xi32>
            %reduce_max3A_1169 = tpu.scan <max>, %reduce_max3A_1168 masked %reduce_max3A_1165 : vector<16xi32>, vector<16xi1> -> vector<16xi32>
            %reduce_max3A_1170 = arith.xori %reduce_max3A_1169, %reduce_max3A_1167 : vector<16xi32>
            %reduce_max3A_1171 = vector.extract %reduce_max3A_1170[15] : i32 from vector<16xi32>
            %eq3A_1172 = vector.broadcast %while3A_1152 : f32 to vector<16xf32>
            %eq3A_1173 = arith.cmpf oeq, %while3A_1148, %eq3A_1172 : vector<16xf32>
            %reduce_or3A_1174 = arith.constant 1.000000e+00 : f32
            %reduce_or3A_1175 = arith.constant 0.000000e+00 : f32
            %reduce_or3A_1176 = vector.broadcast %reduce_or3A_1174 : f32 to vector<16xf32>
            %reduce_or3A_1177 = vector.broadcast %reduce_or3A_1175 : f32 to vector<16xf32>
            %reduce_or3A_1178 = arith.select %eq3A_1173, %reduce_or3A_1176, %reduce_or3A_1177 : vector<16xi1>, vector<16xf32>
            %reduce_or3A_1179 = arith.constant true
            %reduce_or3A_1180 = vector.broadcast %reduce_or3A_1179 : i1 to vector<16xi1>
            %reduce_or3A_1181 = tpu.scan <max>, %reduce_or3A_1178 masked %reduce_or3A_1180 : vector<16xf32>, vector<16xi1> -> vector<16xf32>
            %reduce_or3A_1182 = vector.extract %reduce_or3A_1181[15] : f32 from vector<16xf32>
            %reduce_or3A_1183 = arith.constant 0.000000e+00 : f32
            %reduce_or3A_1184 = arith.cmpf ogt, %reduce_or3A_1182, %reduce_or3A_1183 : f32
            %all_reduce_ffs3A_1185 = tpu.all_reduce %eq3A_1173 {dim = 0 : i64, kind = #tpu.reduction_kind<find_first_set>} : vector<16xi1> -> vector<16xi32>
            %eq3A_1186 = vector.broadcast %while3A_1152 : f32 to vector<16xf32>
            %eq3A_1187 = arith.cmpf oeq, %while3A_1149, %eq3A_1186 : vector<16xf32>
            %all_reduce_ffs3A_1188 = tpu.all_reduce %eq3A_1187 {dim = 0 : i64, kind = #tpu.reduction_kind<find_first_set>} : vector<16xi1> -> vector<16xi32>
            %eq3A_1189 = arith.cmpi eq, %iota3A, %all_reduce_ffs3A_1185 : vector<16xi32>
            %and3A_1190 = vector.broadcast %reduce_or3A_1184 : i1 to vector<16xi1>
            %and3A_1191 = arith.andi %eq3A_1189, %and3A_1190 : vector<16xi1>
            %eq3A_1192 = arith.cmpi eq, %iota3A, %all_reduce_ffs3A_1188 : vector<16xi32>
            %not3A = arith.constant true
            %not3A_1193 = arith.xori %reduce_or3A_1184, %not3A : i1
            %and3A_1194 = vector.broadcast %not3A_1193 : i1 to vector<16xi1>
            %and3A_1195 = arith.andi %eq3A_1192, %and3A_1194 : vector<16xi1>
            %broadcast_in_dim3A_1196 = vector.broadcast %reduce_max3A_1160 : f32 to vector<16xf32>
            %select_n3A_1197 = arith.select %and3A_1191, %broadcast_in_dim3A_1196, %while3A_1148 : vector<16xi1>, vector<16xf32>
            %broadcast_in_dim3A_1198 = vector.broadcast %reduce_max3A_1171 : i32 to vector<16xi32>
            %select_n3A_1199 = arith.select %and3A_1191, %broadcast_in_dim3A_1198, %while3A_1150 : vector<16xi1>, vector<16xi32>
            %broadcast_in_dim3A_1200 = vector.broadcast %reduce_max3A_1160 : f32 to vector<16xf32>
            %select_n3A_1201 = arith.select %and3A_1195, %broadcast_in_dim3A_1200, %while3A_1149 : vector<16xi1>, vector<16xf32>
            %broadcast_in_dim3A_1202 = vector.broadcast %reduce_max3A_1171 : i32 to vector<16xi32>
            %select_n3A_1203 = arith.select %and3A_1195, %broadcast_in_dim3A_1202, %while3A_1151 : vector<16xi1>, vector<16xi32>
            %max3A = arith.maximumf %select_n3A_1197, %select_n3A_1201 : vector<16xf32>
            %reduce_max3A_1204 = arith.constant true
            %reduce_max3A_1205 = vector.broadcast %reduce_max3A_1204 : i1 to vector<16xi1>
            %reduce_max3A_1206 = tpu.scan <max>, %max3A masked %reduce_max3A_1205 : vector<16xf32>, vector<16xi1> -> vector<16xf32>
            %reduce_max3A_1207 = vector.extract %reduce_max3A_1206[15] : f32 from vector<16xf32>
            %not3A_1208 = arith.constant dense<true> : vector<16xi1>
            %not3A_1209 = arith.xori %eq3A_1153, %not3A_1208 : vector<16xi1>
            %and3A_1210 = arith.andi %while3A_1147, %not3A_1209 : vector<16xi1>
            %lt3A_1211 = vector.broadcast %reduce_max3A_1207 : f32 to vector<16xf32>
            %lt3A_1212 = arith.cmpf olt, %add3A_1076, %lt3A_1211 : vector<16xf32>
            %and3A_1213 = arith.andi %and3A_1210, %lt3A_1212 : vector<16xi1>
            scf.yield %and3A_1213, %select_n3A_1197, %select_n3A_1201, %select_n3A_1199, %select_n3A_1203, %reduce_max3A_1207 : vector<16xi1>, vector<16xf32>, vector<16xf32>, vector<16xi32>, vector<16xi32>, f32
          }
          scf.yield %while3A_1146#1, %while3A_1146#2, %while3A_1146#3, %while3A_1146#4, %while3A_1146#5 : vector<16xf32>, vector<16xf32>, vector<16xi32>, vector<16xi32>, f32
        } else {
          scf.yield %scan3A_859, %scan3A_860, %scan3A_861, %scan3A_862, %scan3A_863 : vector<16xf32>, vector<16xf32>, vector<16xi32>, vector<16xi32>, f32
        }
        scf.yield %cond3A_1091#0, %cond3A_1091#1, %cond3A_1091#2, %cond3A_1091#3, %cond3A_1091#4 : vector<16xf32>, vector<16xf32>, vector<16xi32>, vector<16xi32>, f32
      }
      %scan3A_813 = arith.constant 64 : i32
      %broadcast_in_dim3A_814 = arith.constant 0 : i32
      %broadcast_in_dim3A_815 = vector.broadcast %broadcast_in_dim3A_814 : i32 to vector<16xi32>
      %broadcast_in_dim3A_816 = arith.constant 0 : i32
      %broadcast_in_dim3A_817 = vector.broadcast %broadcast_in_dim3A_816 : i32 to vector<16xi32>
      %scan3A_818 = arith.constant 0 : i32
      %scan3A_819 = arith.constant 16 : i32
      %scan3A_820 = arith.addi %scan3A_818, %scan3A_819 : i32
      %scan3A_821 = arith.constant 1 : i32
      %scan3A_822:2 = scf.for %scan3A_858 = %scan3A_818 to %scan3A_820 step %scan3A_821 iter_args(%scan3A_859 = %broadcast_in_dim3A_815, %scan3A_860 = %broadcast_in_dim3A_817) -> (vector<16xi32>, vector<16xi32>)  : i32 {
        %eq3A_861 = vector.broadcast %scan3A_858 : i32 to vector<16xi32>
        %eq3A_862 = arith.cmpi eq, %iota3A, %eq3A_861 : vector<16xi32>
        %jit3A_863 = arith.constant -3.000000e+38 : f32
        %broadcast_in_dim3A_864 = vector.broadcast %jit3A_863 : f32 to vector<16xf32>
        %select_n3A_865 = arith.select %eq3A_862, %scan3A_812#0, %broadcast_in_dim3A_864 : vector<16xi1>, vector<16xf32>
        %reduce_max3A_866 = arith.constant true
        %reduce_max3A_867 = vector.broadcast %reduce_max3A_866 : i1 to vector<16xi1>
        %reduce_max3A_868 = tpu.scan <max>, %select_n3A_865 masked %reduce_max3A_867 : vector<16xf32>, vector<16xi1> -> vector<16xf32>
        %reduce_max3A_869 = vector.extract %reduce_max3A_868[15] : f32 from vector<16xf32>
        %jit3A_870 = arith.constant -1 : i32
        %broadcast_in_dim3A_871 = vector.broadcast %jit3A_870 : i32 to vector<16xi32>
        %select_n3A_872 = arith.select %eq3A_862, %scan3A_812#2, %broadcast_in_dim3A_871 : vector<16xi1>, vector<16xi32>
        %reduce_max3A_873 = arith.constant true
        %reduce_max3A_874 = vector.broadcast %reduce_max3A_873 : i1 to vector<16xi1>
        %reduce_max3A_875 = arith.constant -2147483648 : i32
        %reduce_max3A_876 = vector.broadcast %reduce_max3A_875 : i32 to vector<16xi32>
        %reduce_max3A_877 = arith.xori %select_n3A_872, %reduce_max3A_876 : vector<16xi32>
        %reduce_max3A_878 = tpu.scan <max>, %reduce_max3A_877 masked %reduce_max3A_874 : vector<16xi32>, vector<16xi1> -> vector<16xi32>
        %reduce_max3A_879 = arith.xori %reduce_max3A_878, %reduce_max3A_876 : vector<16xi32>
        %reduce_max3A_880 = vector.extract %reduce_max3A_879[15] : i32 from vector<16xi32>
        %lt3A_881 = vector.broadcast %reduce_max3A_869 : f32 to vector<16xf32>
        %lt3A_882 = arith.cmpf olt, %lt3A_881, %scan3A_812#0 : vector<16xf32>
        %eq3A_883 = vector.broadcast %reduce_max3A_869 : f32 to vector<16xf32>
        %eq3A_884 = arith.cmpf oeq, %eq3A_883, %scan3A_812#0 : vector<16xf32>
        %lt3A_885 = vector.broadcast %reduce_max3A_880 : i32 to vector<16xi32>
        %lt3A_886 = arith.cmpi slt, %lt3A_885, %scan3A_812#2 : vector<16xi32>
        %and3A_887 = arith.andi %eq3A_884, %lt3A_886 : vector<16xi1>
        %or3A = arith.ori %lt3A_882, %and3A_887 : vector<16xi1>
        %lt3A_888 = vector.broadcast %reduce_max3A_869 : f32 to vector<16xf32>
        %lt3A_889 = arith.cmpf olt, %lt3A_888, %scan3A_812#1 : vector<16xf32>
        %eq3A_890 = vector.broadcast %reduce_max3A_869 : f32 to vector<16xf32>
        %eq3A_891 = arith.cmpf oeq, %eq3A_890, %scan3A_812#1 : vector<16xf32>
        %lt3A_892 = vector.broadcast %reduce_max3A_880 : i32 to vector<16xi32>
        %lt3A_893 = arith.cmpi slt, %lt3A_892, %scan3A_812#3 : vector<16xi32>
        %and3A_894 = arith.andi %eq3A_891, %lt3A_893 : vector<16xi1>
        %or3A_895 = arith.ori %lt3A_889, %and3A_894 : vector<16xi1>
        %convert_element_type3A = arith.extui %or3A : vector<16xi1> to vector<16xi32>
        %add3A_896 = arith.addi %scan3A_859, %convert_element_type3A : vector<16xi32>
        %convert_element_type3A_897 = arith.extui %or3A_895 : vector<16xi1> to vector<16xi32>
        %add3A_898 = arith.addi %scan3A_860, %convert_element_type3A_897 : vector<16xi32>
        %jit3A_899 = arith.constant -3.000000e+38 : f32
        %broadcast_in_dim3A_900 = vector.broadcast %jit3A_899 : f32 to vector<16xf32>
        %select_n3A_901 = arith.select %eq3A_862, %scan3A_812#1, %broadcast_in_dim3A_900 : vector<16xi1>, vector<16xf32>
        %reduce_max3A_902 = arith.constant true
        %reduce_max3A_903 = vector.broadcast %reduce_max3A_902 : i1 to vector<16xi1>
        %reduce_max3A_904 = tpu.scan <max>, %select_n3A_901 masked %reduce_max3A_903 : vector<16xf32>, vector<16xi1> -> vector<16xf32>
        %reduce_max3A_905 = vector.extract %reduce_max3A_904[15] : f32 from vector<16xf32>
        %jit3A_906 = arith.constant -1 : i32
        %broadcast_in_dim3A_907 = vector.broadcast %jit3A_906 : i32 to vector<16xi32>
        %select_n3A_908 = arith.select %eq3A_862, %scan3A_812#3, %broadcast_in_dim3A_907 : vector<16xi1>, vector<16xi32>
        %reduce_max3A_909 = arith.constant true
        %reduce_max3A_910 = vector.broadcast %reduce_max3A_909 : i1 to vector<16xi1>
        %reduce_max3A_911 = arith.constant -2147483648 : i32
        %reduce_max3A_912 = vector.broadcast %reduce_max3A_911 : i32 to vector<16xi32>
        %reduce_max3A_913 = arith.xori %select_n3A_908, %reduce_max3A_912 : vector<16xi32>
        %reduce_max3A_914 = tpu.scan <max>, %reduce_max3A_913 masked %reduce_max3A_910 : vector<16xi32>, vector<16xi1> -> vector<16xi32>
        %reduce_max3A_915 = arith.xori %reduce_max3A_914, %reduce_max3A_912 : vector<16xi32>
        %reduce_max3A_916 = vector.extract %reduce_max3A_915[15] : i32 from vector<16xi32>
        %lt3A_917 = vector.broadcast %reduce_max3A_905 : f32 to vector<16xf32>
        %lt3A_918 = arith.cmpf olt, %lt3A_917, %scan3A_812#0 : vector<16xf32>
        %eq3A_919 = vector.broadcast %reduce_max3A_905 : f32 to vector<16xf32>
        %eq3A_920 = arith.cmpf oeq, %eq3A_919, %scan3A_812#0 : vector<16xf32>
        %lt3A_921 = vector.broadcast %reduce_max3A_916 : i32 to vector<16xi32>
        %lt3A_922 = arith.cmpi slt, %lt3A_921, %scan3A_812#2 : vector<16xi32>
        %and3A_923 = arith.andi %eq3A_920, %lt3A_922 : vector<16xi1>
        %or3A_924 = arith.ori %lt3A_918, %and3A_923 : vector<16xi1>
        %lt3A_925 = vector.broadcast %reduce_max3A_905 : f32 to vector<16xf32>
        %lt3A_926 = arith.cmpf olt, %lt3A_925, %scan3A_812#1 : vector<16xf32>
        %eq3A_927 = vector.broadcast %reduce_max3A_905 : f32 to vector<16xf32>
        %eq3A_928 = arith.cmpf oeq, %eq3A_927, %scan3A_812#1 : vector<16xf32>
        %lt3A_929 = vector.broadcast %reduce_max3A_916 : i32 to vector<16xi32>
        %lt3A_930 = arith.cmpi slt, %lt3A_929, %scan3A_812#3 : vector<16xi32>
        %and3A_931 = arith.andi %eq3A_928, %lt3A_930 : vector<16xi1>
        %or3A_932 = arith.ori %lt3A_926, %and3A_931 : vector<16xi1>
        %convert_element_type3A_933 = arith.extui %or3A_924 : vector<16xi1> to vector<16xi32>
        %add3A_934 = arith.addi %add3A_896, %convert_element_type3A_933 : vector<16xi32>
        %convert_element_type3A_935 = arith.extui %or3A_932 : vector<16xi1> to vector<16xi32>
        %add3A_936 = arith.addi %add3A_898, %convert_element_type3A_935 : vector<16xi32>
        scf.yield %add3A_934, %add3A_936 : vector<16xi32>, vector<16xi32>
      }
      %scan3A_823 = arith.constant 16 : i32
      %mul3A_824 = arith.constant 32 : i32
      %mul3A_825 = arith.muli %scan3A_697, %mul3A_824 : i32
      %add3A_826 = vector.broadcast %mul3A_825 : i32 to vector<16xi32>
      %add3A_827 = arith.addi %add3A_826, %scan3A_822#0 : vector<16xi32>
      %add3A_828 = vector.broadcast %mul3A_825 : i32 to vector<16xi32>
      %add3A_829 = arith.addi %add3A_828, %scan3A_822#1 : vector<16xi32>
      %add3A_830 = vector.broadcast %mul3A_50 : i32 to vector<16xi32>
      %add3A_831 = arith.addi %scan3A_812#2, %add3A_830 : vector<16xi32>
      tpu.vector_store_idx %arg23[%add3A_827], %add3A_831 : memref<4096xi32, #tpu.memory_space<vmem>>[vector<16xi32>], vector<16xi32>,
      %add3A_832 = vector.broadcast %mul3A_50 : i32 to vector<16xi32>
      %add3A_833 = arith.addi %scan3A_812#3, %add3A_832 : vector<16xi32>
      tpu.vector_store_idx %arg23[%add3A_829], %add3A_833 : memref<4096xi32, #tpu.memory_space<vmem>>[vector<16xi32>], vector<16xi32>,
      %gather3A_834 = tpu.vector_load_idx %arg8[%scan3A_812#2] : memref<8192xf32, #tpu.memory_space<vmem>>[vector<16xi32>], vector<16xf32>,
      %gather3A_835 = tpu.vector_load_idx %arg9[%scan3A_812#2] : memref<8192xf32, #tpu.memory_space<vmem>>[vector<16xi32>], vector<16xf32>,
      %gather3A_836 = tpu.vector_load_idx %arg10[%scan3A_812#2] : memref<8192xf32, #tpu.memory_space<vmem>>[vector<16xi32>], vector<16xf32>,
      %mul3A_837 = arith.constant 3 : i32
      %mul3A_838 = vector.broadcast %mul3A_837 : i32 to vector<16xi32>
      %mul3A_839 = arith.muli %add3A_827, %mul3A_838 : vector<16xi32>
      tpu.vector_store_idx %arg24[%mul3A_839], %gather3A_834 : memref<12288xf32, #tpu.memory_space<vmem>>[vector<16xi32>], vector<16xf32>,
      %add3A_840 = arith.constant 1 : i32
      %add3A_841 = vector.broadcast %add3A_840 : i32 to vector<16xi32>
      %add3A_842 = arith.addi %mul3A_839, %add3A_841 : vector<16xi32>
      tpu.vector_store_idx %arg24[%add3A_842], %gather3A_835 : memref<12288xf32, #tpu.memory_space<vmem>>[vector<16xi32>], vector<16xf32>,
      %add3A_843 = arith.constant 2 : i32
      %add3A_844 = vector.broadcast %add3A_843 : i32 to vector<16xi32>
      %add3A_845 = arith.addi %mul3A_839, %add3A_844 : vector<16xi32>
      tpu.vector_store_idx %arg24[%add3A_845], %gather3A_836 : memref<12288xf32, #tpu.memory_space<vmem>>[vector<16xi32>], vector<16xf32>,
      %gather3A_846 = tpu.vector_load_idx %arg8[%scan3A_812#3] : memref<8192xf32, #tpu.memory_space<vmem>>[vector<16xi32>], vector<16xf32>,
      %gather3A_847 = tpu.vector_load_idx %arg9[%scan3A_812#3] : memref<8192xf32, #tpu.memory_space<vmem>>[vector<16xi32>], vector<16xf32>,
      %gather3A_848 = tpu.vector_load_idx %arg10[%scan3A_812#3] : memref<8192xf32, #tpu.memory_space<vmem>>[vector<16xi32>], vector<16xf32>,
      %mul3A_849 = arith.constant 3 : i32
      %mul3A_850 = vector.broadcast %mul3A_849 : i32 to vector<16xi32>
      %mul3A_851 = arith.muli %add3A_829, %mul3A_850 : vector<16xi32>
      tpu.vector_store_idx %arg24[%mul3A_851], %gather3A_846 : memref<12288xf32, #tpu.memory_space<vmem>>[vector<16xi32>], vector<16xf32>,
      %add3A_852 = arith.constant 1 : i32
      %add3A_853 = vector.broadcast %add3A_852 : i32 to vector<16xi32>
      %add3A_854 = arith.addi %mul3A_851, %add3A_853 : vector<16xi32>
      tpu.vector_store_idx %arg24[%add3A_854], %gather3A_847 : memref<12288xf32, #tpu.memory_space<vmem>>[vector<16xi32>], vector<16xf32>,
      %add3A_855 = arith.constant 2 : i32
      %add3A_856 = vector.broadcast %add3A_855 : i32 to vector<16xi32>
      %add3A_857 = arith.addi %mul3A_851, %add3A_856 : vector<16xi32>
      tpu.vector_store_idx %arg24[%add3A_857], %gather3A_848 : memref<12288xf32, #tpu.memory_space<vmem>>[vector<16xi32>], vector<16xf32>,
    }
    %scan3A_680 = arith.constant 128 : i32
    %mul3A_681 = arith.constant 128 : i32
    %mul3A_682 = arith.muli %add3A, %mul3A_681 : i32
    %mul3A_683 = arith.constant 3 : i32
    %mul3A_684 = arith.muli %mul3A_682, %mul3A_683 : i32
    "tpu.region"() ({
      %run_scoped3A = tpu.sem_alloc : memref<!tpu.dma_semaphore, #tpu.memory_space<semaphore_mem>>
      %dma_start3A = tpu.memref_slice %arg4[%mul3A_684] : memref<12288xf32, #tpu.memory_space<hbm>> -> memref<384xf32, #tpu.memory_space<hbm>>
      %dma_start3A_697 = tpu.memref_slice %arg4[%mul3A_684] : memref<12288xf32, #tpu.memory_space<hbm>> -> memref<384xf32, #tpu.memory_space<hbm>>
      tpu.enqueue_dma source(%arg22 : memref<384xf32, #tpu.memory_space<vmem>>) target(%dma_start3A_697 : memref<384xf32, #tpu.memory_space<hbm>>) target_semaphore(%run_scoped3A : memref<!tpu.dma_semaphore, #tpu.memory_space<semaphore_mem>>)
      %dma_wait3A = tpu.memref_slice %arg4[%mul3A_684] : memref<12288xf32, #tpu.memory_space<hbm>> -> memref<384xf32, #tpu.memory_space<hbm>>
      %dma_wait3A_698 = tpu.memref_slice %arg4[%mul3A_684] : memref<12288xf32, #tpu.memory_space<hbm>> -> memref<384xf32, #tpu.memory_space<hbm>>
      tpu.wait_dma2 semaphore(%run_scoped3A : memref<!tpu.dma_semaphore, #tpu.memory_space<semaphore_mem>>) src(%arg22 : memref<384xf32, #tpu.memory_space<vmem>>) dst(%dma_wait3A_698 : memref<384xf32, #tpu.memory_space<hbm>>)
      tpu.yield
    }) : () -> ()
    %mul3A_685 = arith.constant 128 : i32
    %mul3A_686 = arith.muli %add3A, %mul3A_685 : i32
    %mul3A_687 = arith.constant 32 : i32
    %mul3A_688 = arith.muli %mul3A_686, %mul3A_687 : i32
    "tpu.region"() ({
      %run_scoped3A = tpu.sem_alloc : memref<!tpu.dma_semaphore, #tpu.memory_space<semaphore_mem>>
      %dma_start3A = tpu.memref_slice %arg5[%mul3A_688] : memref<131072xi32, #tpu.memory_space<hbm>> -> memref<4096xi32, #tpu.memory_space<hbm>>
      %dma_start3A_697 = tpu.memref_slice %arg5[%mul3A_688] : memref<131072xi32, #tpu.memory_space<hbm>> -> memref<4096xi32, #tpu.memory_space<hbm>>
      tpu.enqueue_dma source(%arg23 : memref<4096xi32, #tpu.memory_space<vmem>>) target(%dma_start3A_697 : memref<4096xi32, #tpu.memory_space<hbm>>) target_semaphore(%run_scoped3A : memref<!tpu.dma_semaphore, #tpu.memory_space<semaphore_mem>>)
      %dma_wait3A = tpu.memref_slice %arg5[%mul3A_688] : memref<131072xi32, #tpu.memory_space<hbm>> -> memref<4096xi32, #tpu.memory_space<hbm>>
      %dma_wait3A_698 = tpu.memref_slice %arg5[%mul3A_688] : memref<131072xi32, #tpu.memory_space<hbm>> -> memref<4096xi32, #tpu.memory_space<hbm>>
      tpu.wait_dma2 semaphore(%run_scoped3A : memref<!tpu.dma_semaphore, #tpu.memory_space<semaphore_mem>>) src(%arg23 : memref<4096xi32, #tpu.memory_space<vmem>>) dst(%dma_wait3A_698 : memref<4096xi32, #tpu.memory_space<hbm>>)
      tpu.yield
    }) : () -> ()
    %mul3A_689 = arith.constant 128 : i32
    %mul3A_690 = arith.muli %add3A, %mul3A_689 : i32
    %mul3A_691 = arith.constant 32 : i32
    %mul3A_692 = arith.muli %mul3A_690, %mul3A_691 : i32
    %mul3A_693 = arith.constant 3 : i32
    %mul3A_694 = arith.muli %mul3A_692, %mul3A_693 : i32
    "tpu.region"() ({
      %run_scoped3A = tpu.sem_alloc : memref<!tpu.dma_semaphore, #tpu.memory_space<semaphore_mem>>
      %dma_start3A = tpu.memref_slice %arg6[%mul3A_694] : memref<393216xf32, #tpu.memory_space<hbm>> -> memref<12288xf32, #tpu.memory_space<hbm>>
      %dma_start3A_697 = tpu.memref_slice %arg6[%mul3A_694] : memref<393216xf32, #tpu.memory_space<hbm>> -> memref<12288xf32, #tpu.memory_space<hbm>>
      tpu.enqueue_dma source(%arg24 : memref<12288xf32, #tpu.memory_space<vmem>>) target(%dma_start3A_697 : memref<12288xf32, #tpu.memory_space<hbm>>) target_semaphore(%run_scoped3A : memref<!tpu.dma_semaphore, #tpu.memory_space<semaphore_mem>>)
      %dma_wait3A = tpu.memref_slice %arg6[%mul3A_694] : memref<393216xf32, #tpu.memory_space<hbm>> -> memref<12288xf32, #tpu.memory_space<hbm>>
      %dma_wait3A_698 = tpu.memref_slice %arg6[%mul3A_694] : memref<393216xf32, #tpu.memory_space<hbm>> -> memref<12288xf32, #tpu.memory_space<hbm>>
      tpu.wait_dma2 semaphore(%run_scoped3A : memref<!tpu.dma_semaphore, #tpu.memory_space<semaphore_mem>>) src(%arg24 : memref<12288xf32, #tpu.memory_space<vmem>>) dst(%dma_wait3A_698 : memref<12288xf32, #tpu.memory_space<hbm>>)
      tpu.yield
    }) : () -> ()
    %mul3A_695 = arith.constant 128 : i32
    %mul3A_696 = arith.muli %add3A, %mul3A_695 : i32
    "tpu.region"() ({
      %run_scoped3A = tpu.sem_alloc : memref<!tpu.dma_semaphore, #tpu.memory_space<semaphore_mem>>
      %dma_start3A = tpu.memref_slice %arg7[%mul3A_696] : memref<4096xi32, #tpu.memory_space<hbm>> -> memref<128xi32, #tpu.memory_space<hbm>>
      %dma_start3A_697 = tpu.memref_slice %arg7[%mul3A_696] : memref<4096xi32, #tpu.memory_space<hbm>> -> memref<128xi32, #tpu.memory_space<hbm>>
      tpu.enqueue_dma source(%arg25 : memref<128xi32, #tpu.memory_space<vmem>>) target(%dma_start3A_697 : memref<128xi32, #tpu.memory_space<hbm>>) target_semaphore(%run_scoped3A : memref<!tpu.dma_semaphore, #tpu.memory_space<semaphore_mem>>)
      %dma_wait3A = tpu.memref_slice %arg7[%mul3A_696] : memref<4096xi32, #tpu.memory_space<hbm>> -> memref<128xi32, #tpu.memory_space<hbm>>
      %dma_wait3A_698 = tpu.memref_slice %arg7[%mul3A_696] : memref<4096xi32, #tpu.memory_space<hbm>> -> memref<128xi32, #tpu.memory_space<hbm>>
      tpu.wait_dma2 semaphore(%run_scoped3A : memref<!tpu.dma_semaphore, #tpu.memory_space<semaphore_mem>>) src(%arg25 : memref<128xi32, #tpu.memory_space<vmem>>) dst(%dma_wait3A_698 : memref<128xi32, #tpu.memory_space<hbm>>)
      tpu.yield
    }) : () -> ()
    return
  }
}

#map = affine_map<(d0, d1) -> (0, 0)>
#map1 = affine_map<(d0, d1) -> (0)>
module attributes {stable_mosaic.version = 14 : i64} {
  func.func @_gather_body(%arg0: i32, %arg1: i32, %arg2: memref<32768x384xf32, #tpu.memory_space<hbm>>, %arg3: memref<131072xi32, #tpu.memory_space<hbm>>, %arg4: memref<4096xi32, #tpu.memory_space<hbm>>, %arg5: memref<131072x384xf32, #tpu.memory_space<hbm>>, %arg6: memref<4096x384xf32, #tpu.memory_space<hbm>>, %arg7: memref<128xi32, #tpu.memory_space<vmem>>, %arg8: memref<128x384xf32, #tpu.memory_space<vmem>>, %arg9: memref<!tpu.dma_semaphore, #tpu.memory_space<semaphore_mem>>) attributes {dimension_semantics = [#tpu.dimension_semantics<core_parallel>, #tpu.dimension_semantics<subcore_parallel>], iteration_bounds = array<i64: 2, 16>, scalar_prefetch = 0 : i64, scratch_operands = 3 : i64, tpu.core_type = #tpu.core_type<sc_vector_subcore>, window_params = [{transform_indices = #map}, {transform_indices = #map1}, {transform_indices = #map1}, {transform_indices = #map}, {transform_indices = #map}]} {
    %mul3A = arith.constant 2 : i32
    %mul3A_0 = arith.muli %arg1, %mul3A : i32
    %add3A = arith.addi %mul3A_0, %arg0 : i32
    %scan3A = arith.constant 0 : i32
    %scan3A_1 = arith.constant 0 : i32
    %scan3A_2 = arith.constant 32 : i32
    %scan3A_3 = arith.addi %scan3A_1, %scan3A_2 : i32
    %scan3A_4 = arith.constant 1 : i32
    scf.for %scan3A_12 = %scan3A_1 to %scan3A_3 step %scan3A_4  : i32 {
      %mul3A_13 = arith.constant 4096 : i32
      %mul3A_14 = arith.muli %add3A, %mul3A_13 : i32
      %mul3A_15 = arith.constant 128 : i32
      %mul3A_16 = arith.muli %scan3A_12, %mul3A_15 : i32
      %add3A_17 = arith.addi %mul3A_14, %mul3A_16 : i32
      "tpu.region"() ({
        %run_scoped3A = tpu.sem_alloc : memref<!tpu.dma_semaphore, #tpu.memory_space<semaphore_mem>>
        %dma_start3A_24 = tpu.memref_slice %arg3[%add3A_17] : memref<131072xi32, #tpu.memory_space<hbm>> -> memref<128xi32, #tpu.memory_space<hbm>>
        %dma_start3A_25 = tpu.memref_slice %arg3[%add3A_17] : memref<131072xi32, #tpu.memory_space<hbm>> -> memref<128xi32, #tpu.memory_space<hbm>>
        tpu.enqueue_dma source(%dma_start3A_25 : memref<128xi32, #tpu.memory_space<hbm>>) target(%arg7 : memref<128xi32, #tpu.memory_space<vmem>>) target_semaphore(%run_scoped3A : memref<!tpu.dma_semaphore, #tpu.memory_space<semaphore_mem>>)
        %dma_wait3A_26 = tpu.memref_slice %arg3[%add3A_17] : memref<131072xi32, #tpu.memory_space<hbm>> -> memref<128xi32, #tpu.memory_space<hbm>>
        %dma_wait3A_27 = tpu.memref_slice %arg3[%add3A_17] : memref<131072xi32, #tpu.memory_space<hbm>> -> memref<128xi32, #tpu.memory_space<hbm>>
        tpu.wait_dma2 semaphore(%run_scoped3A : memref<!tpu.dma_semaphore, #tpu.memory_space<semaphore_mem>>) src(%dma_wait3A_27 : memref<128xi32, #tpu.memory_space<hbm>>) dst(%arg7 : memref<128xi32, #tpu.memory_space<vmem>>)
        tpu.yield
      }) : () -> ()
      %dma_start3A_18 = arith.constant 0 : i32
      %dma_start3A_19 = arith.constant 0 : i32
      %dma_start3A_20 = tpu.memref_slice %arg2[%dma_start3A_18, %dma_start3A_19] : memref<32768x384xf32, #tpu.memory_space<hbm>> -> memref<32768x384xf32, #tpu.memory_space<hbm>>
      tpu.enqueue_indirect_dma source(%dma_start3A_20 : memref<32768x384xf32, #tpu.memory_space<hbm>>) target(%arg8 : memref<128x384xf32, #tpu.memory_space<vmem>>) offsets(%arg7 : memref<128xi32, #tpu.memory_space<vmem>>) semaphore(%arg9 : memref<!tpu.dma_semaphore, #tpu.memory_space<semaphore_mem>>)
      %dma_wait3A_21 = arith.constant 0 : i32
      %dma_wait3A_22 = arith.constant 0 : i32
      %dma_wait3A_23 = tpu.memref_slice %arg2[%dma_wait3A_21, %dma_wait3A_22] : memref<32768x384xf32, #tpu.memory_space<hbm>> -> memref<32768x384xf32, #tpu.memory_space<hbm>>
      tpu.wait_indirect_dma semaphore(%arg9 : memref<!tpu.dma_semaphore, #tpu.memory_space<semaphore_mem>>) src(%dma_wait3A_23 : memref<32768x384xf32, #tpu.memory_space<hbm>>) dst(%arg8 : memref<128x384xf32, #tpu.memory_space<vmem>>)
      "tpu.region"() ({
        %run_scoped3A = tpu.sem_alloc : memref<!tpu.dma_semaphore, #tpu.memory_space<semaphore_mem>>
        %dma_start3A_24 = arith.constant 0 : i32
        %dma_start3A_25 = tpu.memref_slice %arg5[%add3A_17, %dma_start3A_24] : memref<131072x384xf32, #tpu.memory_space<hbm>> -> memref<128x384xf32, #tpu.memory_space<hbm>>
        %dma_start3A_26 = arith.constant 0 : i32
        %dma_start3A_27 = tpu.memref_slice %arg5[%add3A_17, %dma_start3A_26] : memref<131072x384xf32, #tpu.memory_space<hbm>> -> memref<128x384xf32, #tpu.memory_space<hbm>>
        tpu.enqueue_dma source(%arg8 : memref<128x384xf32, #tpu.memory_space<vmem>>) target(%dma_start3A_27 : memref<128x384xf32, #tpu.memory_space<hbm>>) target_semaphore(%run_scoped3A : memref<!tpu.dma_semaphore, #tpu.memory_space<semaphore_mem>>)
        %dma_wait3A_28 = arith.constant 0 : i32
        %dma_wait3A_29 = tpu.memref_slice %arg5[%add3A_17, %dma_wait3A_28] : memref<131072x384xf32, #tpu.memory_space<hbm>> -> memref<128x384xf32, #tpu.memory_space<hbm>>
        %dma_wait3A_30 = arith.constant 0 : i32
        %dma_wait3A_31 = tpu.memref_slice %arg5[%add3A_17, %dma_wait3A_30] : memref<131072x384xf32, #tpu.memory_space<hbm>> -> memref<128x384xf32, #tpu.memory_space<hbm>>
        tpu.wait_dma2 semaphore(%run_scoped3A : memref<!tpu.dma_semaphore, #tpu.memory_space<semaphore_mem>>) src(%arg8 : memref<128x384xf32, #tpu.memory_space<vmem>>) dst(%dma_wait3A_31 : memref<128x384xf32, #tpu.memory_space<hbm>>)
        tpu.yield
      }) : () -> ()
    }
    %scan3A_5 = arith.constant 32 : i32
    %mul3A_6 = arith.constant 128 : i32
    %mul3A_7 = arith.muli %add3A, %mul3A_6 : i32
    "tpu.region"() ({
      %run_scoped3A = tpu.sem_alloc : memref<!tpu.dma_semaphore, #tpu.memory_space<semaphore_mem>>
      %dma_start3A_12 = tpu.memref_slice %arg4[%mul3A_7] : memref<4096xi32, #tpu.memory_space<hbm>> -> memref<128xi32, #tpu.memory_space<hbm>>
      %dma_start3A_13 = tpu.memref_slice %arg4[%mul3A_7] : memref<4096xi32, #tpu.memory_space<hbm>> -> memref<128xi32, #tpu.memory_space<hbm>>
      tpu.enqueue_dma source(%dma_start3A_13 : memref<128xi32, #tpu.memory_space<hbm>>) target(%arg7 : memref<128xi32, #tpu.memory_space<vmem>>) target_semaphore(%run_scoped3A : memref<!tpu.dma_semaphore, #tpu.memory_space<semaphore_mem>>)
      %dma_wait3A_14 = tpu.memref_slice %arg4[%mul3A_7] : memref<4096xi32, #tpu.memory_space<hbm>> -> memref<128xi32, #tpu.memory_space<hbm>>
      %dma_wait3A_15 = tpu.memref_slice %arg4[%mul3A_7] : memref<4096xi32, #tpu.memory_space<hbm>> -> memref<128xi32, #tpu.memory_space<hbm>>
      tpu.wait_dma2 semaphore(%run_scoped3A : memref<!tpu.dma_semaphore, #tpu.memory_space<semaphore_mem>>) src(%dma_wait3A_15 : memref<128xi32, #tpu.memory_space<hbm>>) dst(%arg7 : memref<128xi32, #tpu.memory_space<vmem>>)
      tpu.yield
    }) : () -> ()
    %dma_start3A = arith.constant 0 : i32
    %dma_start3A_8 = arith.constant 0 : i32
    %dma_start3A_9 = tpu.memref_slice %arg2[%dma_start3A, %dma_start3A_8] : memref<32768x384xf32, #tpu.memory_space<hbm>> -> memref<32768x384xf32, #tpu.memory_space<hbm>>
    tpu.enqueue_indirect_dma source(%dma_start3A_9 : memref<32768x384xf32, #tpu.memory_space<hbm>>) target(%arg8 : memref<128x384xf32, #tpu.memory_space<vmem>>) offsets(%arg7 : memref<128xi32, #tpu.memory_space<vmem>>) semaphore(%arg9 : memref<!tpu.dma_semaphore, #tpu.memory_space<semaphore_mem>>)
    %dma_wait3A = arith.constant 0 : i32
    %dma_wait3A_10 = arith.constant 0 : i32
    %dma_wait3A_11 = tpu.memref_slice %arg2[%dma_wait3A, %dma_wait3A_10] : memref<32768x384xf32, #tpu.memory_space<hbm>> -> memref<32768x384xf32, #tpu.memory_space<hbm>>
    tpu.wait_indirect_dma semaphore(%arg9 : memref<!tpu.dma_semaphore, #tpu.memory_space<semaphore_mem>>) src(%dma_wait3A_11 : memref<32768x384xf32, #tpu.memory_space<hbm>>) dst(%arg8 : memref<128x384xf32, #tpu.memory_space<vmem>>)
    "tpu.region"() ({
      %run_scoped3A = tpu.sem_alloc : memref<!tpu.dma_semaphore, #tpu.memory_space<semaphore_mem>>
      %dma_start3A_12 = arith.constant 0 : i32
      %dma_start3A_13 = tpu.memref_slice %arg6[%mul3A_7, %dma_start3A_12] : memref<4096x384xf32, #tpu.memory_space<hbm>> -> memref<128x384xf32, #tpu.memory_space<hbm>>
      %dma_start3A_14 = arith.constant 0 : i32
      %dma_start3A_15 = tpu.memref_slice %arg6[%mul3A_7, %dma_start3A_14] : memref<4096x384xf32, #tpu.memory_space<hbm>> -> memref<128x384xf32, #tpu.memory_space<hbm>>
      tpu.enqueue_dma source(%arg8 : memref<128x384xf32, #tpu.memory_space<vmem>>) target(%dma_start3A_15 : memref<128x384xf32, #tpu.memory_space<hbm>>) target_semaphore(%run_scoped3A : memref<!tpu.dma_semaphore, #tpu.memory_space<semaphore_mem>>)
      %dma_wait3A_16 = arith.constant 0 : i32
      %dma_wait3A_17 = tpu.memref_slice %arg6[%mul3A_7, %dma_wait3A_16] : memref<4096x384xf32, #tpu.memory_space<hbm>> -> memref<128x384xf32, #tpu.memory_space<hbm>>
      %dma_wait3A_18 = arith.constant 0 : i32
      %dma_wait3A_19 = tpu.memref_slice %arg6[%mul3A_7, %dma_wait3A_18] : memref<4096x384xf32, #tpu.memory_space<hbm>> -> memref<128x384xf32, #tpu.memory_space<hbm>>
      tpu.wait_dma2 semaphore(%run_scoped3A : memref<!tpu.dma_semaphore, #tpu.memory_space<semaphore_mem>>) src(%arg8 : memref<128x384xf32, #tpu.memory_space<vmem>>) dst(%dma_wait3A_19 : memref<128x384xf32, #tpu.memory_space<hbm>>)
      tpu.yield
    }) : () -> ()
    return
  }
}

module attributes {stable_mosaic.version = 14 : i64} {
  func.func @_fps_body(%arg0: memref<4x3x64x128xf32, #tpu.memory_space<vmem>>, %arg1: memref<4x8192x3xf32, #tpu.memory_space<vmem>>, %arg2: memref<4x8x128xi32, #tpu.memory_space<vmem>>, %arg3: memref<4x64x128xf32, #tpu.memory_space<vmem>>) attributes {dimension_semantics = [], scalar_prefetch = 0 : i64, scratch_operands = 1 : i64, tpu.core_type = #tpu.core_type<tc>} {
    %iota3A = tpu.iota {dimensions = array<i32: 0>} : vector<64x128xi32>
    %mul3A = arith.constant 128 : i32
    %mul3A_0 = vector.broadcast %mul3A : i32 to vector<64x128xi32>
    %mul3A_1 = arith.muli %iota3A, %mul3A_0 : vector<64x128xi32>
    %iota3A_2 = tpu.iota {dimensions = array<i32: 1>} : vector<64x128xi32>
    %add3A = arith.addi %mul3A_1, %iota3A_2 : vector<64x128xi32>
    %iota3A_3 = tpu.iota {dimensions = array<i32: 0>} : vector<8x128xi32>
    %mul3A_4 = arith.constant 128 : i32
    %mul3A_5 = vector.broadcast %mul3A_4 : i32 to vector<8x128xi32>
    %mul3A_6 = arith.muli %iota3A_3, %mul3A_5 : vector<8x128xi32>
    %iota3A_7 = tpu.iota {dimensions = array<i32: 1>} : vector<8x128xi32>
    %add3A_8 = arith.addi %mul3A_6, %iota3A_7 : vector<8x128xi32>
    %broadcast_in_dim3A = arith.constant 1.000000e+10 : f32
    %broadcast_in_dim3A_9 = vector.broadcast %broadcast_in_dim3A : f32 to vector<64x128xf32>
    %swap3A = arith.constant 0 : index
    %swap3A_10 = arith.constant 0 : index
    %swap3A_11 = arith.constant 0 : index
    %swap3A_12 = vector.load %arg3[%swap3A, %swap3A_10, %swap3A_11] : memref<4x64x128xf32, #tpu.memory_space<vmem>>, vector<1x64x128xf32>
    %swap3A_13 = vector.shape_cast %swap3A_12 : vector<1x64x128xf32> to vector<64x128xf32>
    %swap3A_14 = vector.shape_cast %broadcast_in_dim3A_9 : vector<64x128xf32> to vector<1x64x128xf32>
    tpu.vector_store %arg3[%swap3A, %swap3A_10, %swap3A_11], %swap3A_14 {strides = array<i32>} : memref<4x64x128xf32, #tpu.memory_space<vmem>>, vector<1x64x128xf32>,
    %get3A = arith.constant 0 : index
    %get3A_15 = arith.constant 0 : index
    %get3A_16 = arith.constant 0 : index
    %get3A_17 = vector.load %arg1[%get3A, %get3A_15, %get3A_16] : memref<4x8192x3xf32, #tpu.memory_space<vmem>>, vector<1x1x3xf32>
    %get3A_18 = vector.shape_cast %get3A_17 : vector<1x1x3xf32> to vector<1x3xf32>
    %broadcast_in_dim3A_19 = arith.constant 0 : i32
    %broadcast_in_dim3A_20 = vector.broadcast %broadcast_in_dim3A_19 : i32 to vector<8x128xi32>
    %slice3A = vector.extract_strided_slice %get3A_18 {offsets = [0, 0], sizes = [1, 1], strides = [1, 1]} : vector<1x3xf32> to vector<1x1xf32>
    %slice3A_21 = vector.extract_strided_slice %get3A_18 {offsets = [0, 1], sizes = [1, 1], strides = [1, 1]} : vector<1x3xf32> to vector<1x1xf32>
    %slice3A_22 = vector.extract_strided_slice %get3A_18 {offsets = [0, 2], sizes = [1, 1], strides = [1, 1]} : vector<1x3xf32> to vector<1x1xf32>
    %broadcast_in_dim3A_23 = arith.constant 1.000000e+10 : f32
    %broadcast_in_dim3A_24 = vector.broadcast %broadcast_in_dim3A_23 : f32 to vector<64x128xf32>
    %swap3A_25 = arith.constant 1 : index
    %swap3A_26 = arith.constant 0 : index
    %swap3A_27 = arith.constant 0 : index
    %swap3A_28 = vector.load %arg3[%swap3A_25, %swap3A_26, %swap3A_27] : memref<4x64x128xf32, #tpu.memory_space<vmem>>, vector<1x64x128xf32>
    %swap3A_29 = vector.shape_cast %swap3A_28 : vector<1x64x128xf32> to vector<64x128xf32>
    %swap3A_30 = vector.shape_cast %broadcast_in_dim3A_24 : vector<64x128xf32> to vector<1x64x128xf32>
    tpu.vector_store %arg3[%swap3A_25, %swap3A_26, %swap3A_27], %swap3A_30 {strides = array<i32>} : memref<4x64x128xf32, #tpu.memory_space<vmem>>, vector<1x64x128xf32>,
    %get3A_31 = arith.constant 1 : index
    %get3A_32 = arith.constant 0 : index
    %get3A_33 = arith.constant 0 : index
    %get3A_34 = vector.load %arg1[%get3A_31, %get3A_32, %get3A_33] : memref<4x8192x3xf32, #tpu.memory_space<vmem>>, vector<1x1x3xf32>
    %get3A_35 = vector.shape_cast %get3A_34 : vector<1x1x3xf32> to vector<1x3xf32>
    %broadcast_in_dim3A_36 = arith.constant 0 : i32
    %broadcast_in_dim3A_37 = vector.broadcast %broadcast_in_dim3A_36 : i32 to vector<8x128xi32>
    %slice3A_38 = vector.extract_strided_slice %get3A_35 {offsets = [0, 0], sizes = [1, 1], strides = [1, 1]} : vector<1x3xf32> to vector<1x1xf32>
    %slice3A_39 = vector.extract_strided_slice %get3A_35 {offsets = [0, 1], sizes = [1, 1], strides = [1, 1]} : vector<1x3xf32> to vector<1x1xf32>
    %slice3A_40 = vector.extract_strided_slice %get3A_35 {offsets = [0, 2], sizes = [1, 1], strides = [1, 1]} : vector<1x3xf32> to vector<1x1xf32>
    %broadcast_in_dim3A_41 = arith.constant 1.000000e+10 : f32
    %broadcast_in_dim3A_42 = vector.broadcast %broadcast_in_dim3A_41 : f32 to vector<64x128xf32>
    %swap3A_43 = arith.constant 2 : index
    %swap3A_44 = arith.constant 0 : index
    %swap3A_45 = arith.constant 0 : index
    %swap3A_46 = vector.load %arg3[%swap3A_43, %swap3A_44, %swap3A_45] : memref<4x64x128xf32, #tpu.memory_space<vmem>>, vector<1x64x128xf32>
    %swap3A_47 = vector.shape_cast %swap3A_46 : vector<1x64x128xf32> to vector<64x128xf32>
    %swap3A_48 = vector.shape_cast %broadcast_in_dim3A_42 : vector<64x128xf32> to vector<1x64x128xf32>
    tpu.vector_store %arg3[%swap3A_43, %swap3A_44, %swap3A_45], %swap3A_48 {strides = array<i32>} : memref<4x64x128xf32, #tpu.memory_space<vmem>>, vector<1x64x128xf32>,
    %get3A_49 = arith.constant 2 : index
    %get3A_50 = arith.constant 0 : index
    %get3A_51 = arith.constant 0 : index
    %get3A_52 = vector.load %arg1[%get3A_49, %get3A_50, %get3A_51] : memref<4x8192x3xf32, #tpu.memory_space<vmem>>, vector<1x1x3xf32>
    %get3A_53 = vector.shape_cast %get3A_52 : vector<1x1x3xf32> to vector<1x3xf32>
    %broadcast_in_dim3A_54 = arith.constant 0 : i32
    %broadcast_in_dim3A_55 = vector.broadcast %broadcast_in_dim3A_54 : i32 to vector<8x128xi32>
    %slice3A_56 = vector.extract_strided_slice %get3A_53 {offsets = [0, 0], sizes = [1, 1], strides = [1, 1]} : vector<1x3xf32> to vector<1x1xf32>
    %slice3A_57 = vector.extract_strided_slice %get3A_53 {offsets = [0, 1], sizes = [1, 1], strides = [1, 1]} : vector<1x3xf32> to vector<1x1xf32>
    %slice3A_58 = vector.extract_strided_slice %get3A_53 {offsets = [0, 2], sizes = [1, 1], strides = [1, 1]} : vector<1x3xf32> to vector<1x1xf32>
    %broadcast_in_dim3A_59 = arith.constant 1.000000e+10 : f32
    %broadcast_in_dim3A_60 = vector.broadcast %broadcast_in_dim3A_59 : f32 to vector<64x128xf32>
    %swap3A_61 = arith.constant 3 : index
    %swap3A_62 = arith.constant 0 : index
    %swap3A_63 = arith.constant 0 : index
    %swap3A_64 = vector.load %arg3[%swap3A_61, %swap3A_62, %swap3A_63] : memref<4x64x128xf32, #tpu.memory_space<vmem>>, vector<1x64x128xf32>
    %swap3A_65 = vector.shape_cast %swap3A_64 : vector<1x64x128xf32> to vector<64x128xf32>
    %swap3A_66 = vector.shape_cast %broadcast_in_dim3A_60 : vector<64x128xf32> to vector<1x64x128xf32>
    tpu.vector_store %arg3[%swap3A_61, %swap3A_62, %swap3A_63], %swap3A_66 {strides = array<i32>} : memref<4x64x128xf32, #tpu.memory_space<vmem>>, vector<1x64x128xf32>,
    %get3A_67 = arith.constant 3 : index
    %get3A_68 = arith.constant 0 : index
    %get3A_69 = arith.constant 0 : index
    %get3A_70 = vector.load %arg1[%get3A_67, %get3A_68, %get3A_69] : memref<4x8192x3xf32, #tpu.memory_space<vmem>>, vector<1x1x3xf32>
    %get3A_71 = vector.shape_cast %get3A_70 : vector<1x1x3xf32> to vector<1x3xf32>
    %broadcast_in_dim3A_72 = arith.constant 0 : i32
    %broadcast_in_dim3A_73 = vector.broadcast %broadcast_in_dim3A_72 : i32 to vector<8x128xi32>
    %slice3A_74 = vector.extract_strided_slice %get3A_71 {offsets = [0, 0], sizes = [1, 1], strides = [1, 1]} : vector<1x3xf32> to vector<1x1xf32>
    %slice3A_75 = vector.extract_strided_slice %get3A_71 {offsets = [0, 1], sizes = [1, 1], strides = [1, 1]} : vector<1x3xf32> to vector<1x1xf32>
    %slice3A_76 = vector.extract_strided_slice %get3A_71 {offsets = [0, 2], sizes = [1, 1], strides = [1, 1]} : vector<1x3xf32> to vector<1x1xf32>
    %scan3A = arith.constant 0 : i32
    %scan3A_77 = arith.constant 0 : i32
    %scan3A_78 = arith.constant 0 : i32
    %scan3A_79 = arith.constant 0 : i32
    %scan3A_80 = arith.constant 0 : i32
    %scan3A_81 = arith.constant 1024 : i32
    %scan3A_82 = arith.addi %scan3A_80, %scan3A_81 : i32
    %scan3A_83 = arith.constant 1 : i32
    %scan3A_84:20 = scf.for %scan3A_110 = %scan3A_80 to %scan3A_82 step %scan3A_83 iter_args(%scan3A_111 = %broadcast_in_dim3A_20, %scan3A_112 = %scan3A, %scan3A_113 = %slice3A, %scan3A_114 = %slice3A_21, %scan3A_115 = %slice3A_22, %scan3A_116 = %broadcast_in_dim3A_37, %scan3A_117 = %scan3A_77, %scan3A_118 = %slice3A_38, %scan3A_119 = %slice3A_39, %scan3A_120 = %slice3A_40, %scan3A_121 = %broadcast_in_dim3A_55, %scan3A_122 = %scan3A_78, %scan3A_123 = %slice3A_56, %scan3A_124 = %slice3A_57, %scan3A_125 = %slice3A_58, %scan3A_126 = %broadcast_in_dim3A_73, %scan3A_127 = %scan3A_79, %scan3A_128 = %slice3A_74, %scan3A_129 = %slice3A_75, %scan3A_130 = %slice3A_76) -> (vector<8x128xi32>, i32, vector<1x1xf32>, vector<1x1xf32>, vector<1x1xf32>, vector<8x128xi32>, i32, vector<1x1xf32>, vector<1x1xf32>, vector<1x1xf32>, vector<8x128xi32>, i32, vector<1x1xf32>, vector<1x1xf32>, vector<1x1xf32>, vector<8x128xi32>, i32, vector<1x1xf32>, vector<1x1xf32>, vector<1x1xf32>)  : i32 {
      %eq3A = vector.broadcast %scan3A_110 : i32 to vector<8x128xi32>
      %eq3A_131 = arith.cmpi eq, %add3A_8, %eq3A : vector<8x128xi32>
      %broadcast_in_dim3A_132 = vector.broadcast %scan3A_112 : i32 to vector<8x128xi32>
      %select_n3A = arith.select %eq3A_131, %broadcast_in_dim3A_132, %scan3A_111 : vector<8x128xi1>, vector<8x128xi32>
      %get3A_133 = arith.constant 0 : index
      %get3A_134 = arith.constant 0 : index
      %get3A_135 = arith.constant 0 : index
      %get3A_136 = arith.constant 0 : index
      %get3A_137 = vector.load %arg0[%get3A_133, %get3A_134, %get3A_135, %get3A_136] : memref<4x3x64x128xf32, #tpu.memory_space<vmem>>, vector<1x1x64x128xf32>
      %get3A_138 = vector.shape_cast %get3A_137 : vector<1x1x64x128xf32> to vector<64x128xf32>
      %get3A_139 = arith.constant 0 : index
      %get3A_140 = arith.constant 1 : index
      %get3A_141 = arith.constant 0 : index
      %get3A_142 = arith.constant 0 : index
      %get3A_143 = vector.load %arg0[%get3A_139, %get3A_140, %get3A_141, %get3A_142] : memref<4x3x64x128xf32, #tpu.memory_space<vmem>>, vector<1x1x64x128xf32>
      %get3A_144 = vector.shape_cast %get3A_143 : vector<1x1x64x128xf32> to vector<64x128xf32>
      %get3A_145 = arith.constant 0 : index
      %get3A_146 = arith.constant 2 : index
      %get3A_147 = arith.constant 0 : index
      %get3A_148 = arith.constant 0 : index
      %get3A_149 = vector.load %arg0[%get3A_145, %get3A_146, %get3A_147, %get3A_148] : memref<4x3x64x128xf32, #tpu.memory_space<vmem>>, vector<1x1x64x128xf32>
      %get3A_150 = vector.shape_cast %get3A_149 : vector<1x1x64x128xf32> to vector<64x128xf32>
      %sub3A = vector.broadcast %scan3A_113 : vector<1x1xf32> to vector<64x128xf32>
      %sub3A_151 = arith.subf %get3A_138, %sub3A : vector<64x128xf32>
      %sub3A_152 = vector.broadcast %scan3A_114 : vector<1x1xf32> to vector<64x128xf32>
      %sub3A_153 = arith.subf %get3A_144, %sub3A_152 : vector<64x128xf32>
      %sub3A_154 = vector.broadcast %scan3A_115 : vector<1x1xf32> to vector<64x128xf32>
      %sub3A_155 = arith.subf %get3A_150, %sub3A_154 : vector<64x128xf32>
      %mul3A_156 = arith.mulf %sub3A_151, %sub3A_151 : vector<64x128xf32>
      %mul3A_157 = arith.mulf %sub3A_153, %sub3A_153 : vector<64x128xf32>
      %add3A_158 = arith.addf %mul3A_156, %mul3A_157 : vector<64x128xf32>
      %mul3A_159 = arith.mulf %sub3A_155, %sub3A_155 : vector<64x128xf32>
      %add3A_160 = arith.addf %add3A_158, %mul3A_159 : vector<64x128xf32>
      %get3A_161 = arith.constant 0 : index
      %get3A_162 = arith.constant 0 : index
      %get3A_163 = arith.constant 0 : index
      %get3A_164 = vector.load %arg3[%get3A_161, %get3A_162, %get3A_163] : memref<4x64x128xf32, #tpu.memory_space<vmem>>, vector<1x64x128xf32>
      %get3A_165 = vector.shape_cast %get3A_164 : vector<1x64x128xf32> to vector<64x128xf32>
      %min3A = arith.minimumf %get3A_165, %add3A_160 : vector<64x128xf32>
      %swap3A_166 = arith.constant 0 : index
      %swap3A_167 = arith.constant 0 : index
      %swap3A_168 = arith.constant 0 : index
      %swap3A_169 = vector.load %arg3[%swap3A_166, %swap3A_167, %swap3A_168] : memref<4x64x128xf32, #tpu.memory_space<vmem>>, vector<1x64x128xf32>
      %swap3A_170 = vector.shape_cast %swap3A_169 : vector<1x64x128xf32> to vector<64x128xf32>
      %swap3A_171 = vector.shape_cast %min3A : vector<64x128xf32> to vector<1x64x128xf32>
      tpu.vector_store %arg3[%swap3A_166, %swap3A_167, %swap3A_168], %swap3A_171 {strides = array<i32>} : memref<4x64x128xf32, #tpu.memory_space<vmem>>, vector<1x64x128xf32>,
      %reduce_max3A = vector.shape_cast %min3A : vector<64x128xf32> to vector<1x64x128xf32>
      %reduce_max3A_172 = arith.constant dense<0xFF800000> : vector<1xf32>
      %reduce_max3A_173 = vector.multi_reduction <maximumf>, %reduce_max3A, %reduce_max3A_172 [1, 2] : vector<1x64x128xf32> to vector<1xf32>
      %reduce_max3A_174 = vector.shape_cast %reduce_max3A_173 : vector<1xf32> to vector<1x1x1xf32>
      %reduce_max3A_175 = vector.extract %reduce_max3A_174[0, 0, 0] : f32 from vector<1x1x1xf32>
      %eq3A_176 = vector.broadcast %reduce_max3A_175 : f32 to vector<64x128xf32>
      %eq3A_177 = arith.cmpf oeq, %min3A, %eq3A_176 : vector<64x128xf32>
      %jit3A = arith.constant 8192 : i32
      %broadcast_in_dim3A_178 = vector.broadcast %jit3A : i32 to vector<64x128xi32>
      %select_n3A_179 = arith.select %eq3A_177, %add3A, %broadcast_in_dim3A_178 : vector<64x128xi1>, vector<64x128xi32>
      %reduce_min3A = vector.shape_cast %select_n3A_179 : vector<64x128xi32> to vector<1x64x128xi32>
      %reduce_min3A_180 = arith.constant dense<2147483647> : vector<1xi32>
      %reduce_min3A_181 = vector.multi_reduction <minsi>, %reduce_min3A, %reduce_min3A_180 [1, 2] : vector<1x64x128xi32> to vector<1xi32>
      %reduce_min3A_182 = vector.shape_cast %reduce_min3A_181 : vector<1xi32> to vector<1x1x1xi32>
      %reduce_min3A_183 = vector.extract %reduce_min3A_182[0, 0, 0] : i32 from vector<1x1x1xi32>
      %get3A_184 = arith.constant 0 : index
      %get3A_185 = arith.index_cast %reduce_min3A_183 : i32 to index
      %get3A_186 = arith.constant 0 : index
      %get3A_187 = vector.load %arg1[%get3A_184, %get3A_185, %get3A_186] : memref<4x8192x3xf32, #tpu.memory_space<vmem>>, vector<1x1x3xf32>
      %get3A_188 = vector.shape_cast %get3A_187 : vector<1x1x3xf32> to vector<1x3xf32>
      %slice3A_189 = vector.extract_strided_slice %get3A_188 {offsets = [0, 0], sizes = [1, 1], strides = [1, 1]} : vector<1x3xf32> to vector<1x1xf32>
      %slice3A_190 = vector.extract_strided_slice %get3A_188 {offsets = [0, 1], sizes = [1, 1], strides = [1, 1]} : vector<1x3xf32> to vector<1x1xf32>
      %slice3A_191 = vector.extract_strided_slice %get3A_188 {offsets = [0, 2], sizes = [1, 1], strides = [1, 1]} : vector<1x3xf32> to vector<1x1xf32>
      %eq3A_192 = vector.broadcast %scan3A_110 : i32 to vector<8x128xi32>
      %eq3A_193 = arith.cmpi eq, %add3A_8, %eq3A_192 : vector<8x128xi32>
      %broadcast_in_dim3A_194 = vector.broadcast %scan3A_117 : i32 to vector<8x128xi32>
      %select_n3A_195 = arith.select %eq3A_193, %broadcast_in_dim3A_194, %scan3A_116 : vector<8x128xi1>, vector<8x128xi32>
      %get3A_196 = arith.constant 1 : index
      %get3A_197 = arith.constant 0 : index
      %get3A_198 = arith.constant 0 : index
      %get3A_199 = arith.constant 0 : index
      %get3A_200 = vector.load %arg0[%get3A_196, %get3A_197, %get3A_198, %get3A_199] : memref<4x3x64x128xf32, #tpu.memory_space<vmem>>, vector<1x1x64x128xf32>
      %get3A_201 = vector.shape_cast %get3A_200 : vector<1x1x64x128xf32> to vector<64x128xf32>
      %get3A_202 = arith.constant 1 : index
      %get3A_203 = arith.constant 1 : index
      %get3A_204 = arith.constant 0 : index
      %get3A_205 = arith.constant 0 : index
      %get3A_206 = vector.load %arg0[%get3A_202, %get3A_203, %get3A_204, %get3A_205] : memref<4x3x64x128xf32, #tpu.memory_space<vmem>>, vector<1x1x64x128xf32>
      %get3A_207 = vector.shape_cast %get3A_206 : vector<1x1x64x128xf32> to vector<64x128xf32>
      %get3A_208 = arith.constant 1 : index
      %get3A_209 = arith.constant 2 : index
      %get3A_210 = arith.constant 0 : index
      %get3A_211 = arith.constant 0 : index
      %get3A_212 = vector.load %arg0[%get3A_208, %get3A_209, %get3A_210, %get3A_211] : memref<4x3x64x128xf32, #tpu.memory_space<vmem>>, vector<1x1x64x128xf32>
      %get3A_213 = vector.shape_cast %get3A_212 : vector<1x1x64x128xf32> to vector<64x128xf32>
      %sub3A_214 = vector.broadcast %scan3A_118 : vector<1x1xf32> to vector<64x128xf32>
      %sub3A_215 = arith.subf %get3A_201, %sub3A_214 : vector<64x128xf32>
      %sub3A_216 = vector.broadcast %scan3A_119 : vector<1x1xf32> to vector<64x128xf32>
      %sub3A_217 = arith.subf %get3A_207, %sub3A_216 : vector<64x128xf32>
      %sub3A_218 = vector.broadcast %scan3A_120 : vector<1x1xf32> to vector<64x128xf32>
      %sub3A_219 = arith.subf %get3A_213, %sub3A_218 : vector<64x128xf32>
      %mul3A_220 = arith.mulf %sub3A_215, %sub3A_215 : vector<64x128xf32>
      %mul3A_221 = arith.mulf %sub3A_217, %sub3A_217 : vector<64x128xf32>
      %add3A_222 = arith.addf %mul3A_220, %mul3A_221 : vector<64x128xf32>
      %mul3A_223 = arith.mulf %sub3A_219, %sub3A_219 : vector<64x128xf32>
      %add3A_224 = arith.addf %add3A_222, %mul3A_223 : vector<64x128xf32>
      %get3A_225 = arith.constant 1 : index
      %get3A_226 = arith.constant 0 : index
      %get3A_227 = arith.constant 0 : index
      %get3A_228 = vector.load %arg3[%get3A_225, %get3A_226, %get3A_227] : memref<4x64x128xf32, #tpu.memory_space<vmem>>, vector<1x64x128xf32>
      %get3A_229 = vector.shape_cast %get3A_228 : vector<1x64x128xf32> to vector<64x128xf32>
      %min3A_230 = arith.minimumf %get3A_229, %add3A_224 : vector<64x128xf32>
      %swap3A_231 = arith.constant 1 : index
      %swap3A_232 = arith.constant 0 : index
      %swap3A_233 = arith.constant 0 : index
      %swap3A_234 = vector.load %arg3[%swap3A_231, %swap3A_232, %swap3A_233] : memref<4x64x128xf32, #tpu.memory_space<vmem>>, vector<1x64x128xf32>
      %swap3A_235 = vector.shape_cast %swap3A_234 : vector<1x64x128xf32> to vector<64x128xf32>
      %swap3A_236 = vector.shape_cast %min3A_230 : vector<64x128xf32> to vector<1x64x128xf32>
      tpu.vector_store %arg3[%swap3A_231, %swap3A_232, %swap3A_233], %swap3A_236 {strides = array<i32>} : memref<4x64x128xf32, #tpu.memory_space<vmem>>, vector<1x64x128xf32>,
      %reduce_max3A_237 = vector.shape_cast %min3A_230 : vector<64x128xf32> to vector<1x64x128xf32>
      %reduce_max3A_238 = arith.constant dense<0xFF800000> : vector<1xf32>
      %reduce_max3A_239 = vector.multi_reduction <maximumf>, %reduce_max3A_237, %reduce_max3A_238 [1, 2] : vector<1x64x128xf32> to vector<1xf32>
      %reduce_max3A_240 = vector.shape_cast %reduce_max3A_239 : vector<1xf32> to vector<1x1x1xf32>
      %reduce_max3A_241 = vector.extract %reduce_max3A_240[0, 0, 0] : f32 from vector<1x1x1xf32>
      %eq3A_242 = vector.broadcast %reduce_max3A_241 : f32 to vector<64x128xf32>
      %eq3A_243 = arith.cmpf oeq, %min3A_230, %eq3A_242 : vector<64x128xf32>
      %jit3A_244 = arith.constant 8192 : i32
      %broadcast_in_dim3A_245 = vector.broadcast %jit3A_244 : i32 to vector<64x128xi32>
      %select_n3A_246 = arith.select %eq3A_243, %add3A, %broadcast_in_dim3A_245 : vector<64x128xi1>, vector<64x128xi32>
      %reduce_min3A_247 = vector.shape_cast %select_n3A_246 : vector<64x128xi32> to vector<1x64x128xi32>
      %reduce_min3A_248 = arith.constant dense<2147483647> : vector<1xi32>
      %reduce_min3A_249 = vector.multi_reduction <minsi>, %reduce_min3A_247, %reduce_min3A_248 [1, 2] : vector<1x64x128xi32> to vector<1xi32>
      %reduce_min3A_250 = vector.shape_cast %reduce_min3A_249 : vector<1xi32> to vector<1x1x1xi32>
      %reduce_min3A_251 = vector.extract %reduce_min3A_250[0, 0, 0] : i32 from vector<1x1x1xi32>
      %get3A_252 = arith.constant 1 : index
      %get3A_253 = arith.index_cast %reduce_min3A_251 : i32 to index
      %get3A_254 = arith.constant 0 : index
      %get3A_255 = vector.load %arg1[%get3A_252, %get3A_253, %get3A_254] : memref<4x8192x3xf32, #tpu.memory_space<vmem>>, vector<1x1x3xf32>
      %get3A_256 = vector.shape_cast %get3A_255 : vector<1x1x3xf32> to vector<1x3xf32>
      %slice3A_257 = vector.extract_strided_slice %get3A_256 {offsets = [0, 0], sizes = [1, 1], strides = [1, 1]} : vector<1x3xf32> to vector<1x1xf32>
      %slice3A_258 = vector.extract_strided_slice %get3A_256 {offsets = [0, 1], sizes = [1, 1], strides = [1, 1]} : vector<1x3xf32> to vector<1x1xf32>
      %slice3A_259 = vector.extract_strided_slice %get3A_256 {offsets = [0, 2], sizes = [1, 1], strides = [1, 1]} : vector<1x3xf32> to vector<1x1xf32>
      %eq3A_260 = vector.broadcast %scan3A_110 : i32 to vector<8x128xi32>
      %eq3A_261 = arith.cmpi eq, %add3A_8, %eq3A_260 : vector<8x128xi32>
      %broadcast_in_dim3A_262 = vector.broadcast %scan3A_122 : i32 to vector<8x128xi32>
      %select_n3A_263 = arith.select %eq3A_261, %broadcast_in_dim3A_262, %scan3A_121 : vector<8x128xi1>, vector<8x128xi32>
      %get3A_264 = arith.constant 2 : index
      %get3A_265 = arith.constant 0 : index
      %get3A_266 = arith.constant 0 : index
      %get3A_267 = arith.constant 0 : index
      %get3A_268 = vector.load %arg0[%get3A_264, %get3A_265, %get3A_266, %get3A_267] : memref<4x3x64x128xf32, #tpu.memory_space<vmem>>, vector<1x1x64x128xf32>
      %get3A_269 = vector.shape_cast %get3A_268 : vector<1x1x64x128xf32> to vector<64x128xf32>
      %get3A_270 = arith.constant 2 : index
      %get3A_271 = arith.constant 1 : index
      %get3A_272 = arith.constant 0 : index
      %get3A_273 = arith.constant 0 : index
      %get3A_274 = vector.load %arg0[%get3A_270, %get3A_271, %get3A_272, %get3A_273] : memref<4x3x64x128xf32, #tpu.memory_space<vmem>>, vector<1x1x64x128xf32>
      %get3A_275 = vector.shape_cast %get3A_274 : vector<1x1x64x128xf32> to vector<64x128xf32>
      %get3A_276 = arith.constant 2 : index
      %get3A_277 = arith.constant 2 : index
      %get3A_278 = arith.constant 0 : index
      %get3A_279 = arith.constant 0 : index
      %get3A_280 = vector.load %arg0[%get3A_276, %get3A_277, %get3A_278, %get3A_279] : memref<4x3x64x128xf32, #tpu.memory_space<vmem>>, vector<1x1x64x128xf32>
      %get3A_281 = vector.shape_cast %get3A_280 : vector<1x1x64x128xf32> to vector<64x128xf32>
      %sub3A_282 = vector.broadcast %scan3A_123 : vector<1x1xf32> to vector<64x128xf32>
      %sub3A_283 = arith.subf %get3A_269, %sub3A_282 : vector<64x128xf32>
      %sub3A_284 = vector.broadcast %scan3A_124 : vector<1x1xf32> to vector<64x128xf32>
      %sub3A_285 = arith.subf %get3A_275, %sub3A_284 : vector<64x128xf32>
      %sub3A_286 = vector.broadcast %scan3A_125 : vector<1x1xf32> to vector<64x128xf32>
      %sub3A_287 = arith.subf %get3A_281, %sub3A_286 : vector<64x128xf32>
      %mul3A_288 = arith.mulf %sub3A_283, %sub3A_283 : vector<64x128xf32>
      %mul3A_289 = arith.mulf %sub3A_285, %sub3A_285 : vector<64x128xf32>
      %add3A_290 = arith.addf %mul3A_288, %mul3A_289 : vector<64x128xf32>
      %mul3A_291 = arith.mulf %sub3A_287, %sub3A_287 : vector<64x128xf32>
      %add3A_292 = arith.addf %add3A_290, %mul3A_291 : vector<64x128xf32>
      %get3A_293 = arith.constant 2 : index
      %get3A_294 = arith.constant 0 : index
      %get3A_295 = arith.constant 0 : index
      %get3A_296 = vector.load %arg3[%get3A_293, %get3A_294, %get3A_295] : memref<4x64x128xf32, #tpu.memory_space<vmem>>, vector<1x64x128xf32>
      %get3A_297 = vector.shape_cast %get3A_296 : vector<1x64x128xf32> to vector<64x128xf32>
      %min3A_298 = arith.minimumf %get3A_297, %add3A_292 : vector<64x128xf32>
      %swap3A_299 = arith.constant 2 : index
      %swap3A_300 = arith.constant 0 : index
      %swap3A_301 = arith.constant 0 : index
      %swap3A_302 = vector.load %arg3[%swap3A_299, %swap3A_300, %swap3A_301] : memref<4x64x128xf32, #tpu.memory_space<vmem>>, vector<1x64x128xf32>
      %swap3A_303 = vector.shape_cast %swap3A_302 : vector<1x64x128xf32> to vector<64x128xf32>
      %swap3A_304 = vector.shape_cast %min3A_298 : vector<64x128xf32> to vector<1x64x128xf32>
      tpu.vector_store %arg3[%swap3A_299, %swap3A_300, %swap3A_301], %swap3A_304 {strides = array<i32>} : memref<4x64x128xf32, #tpu.memory_space<vmem>>, vector<1x64x128xf32>,
      %reduce_max3A_305 = vector.shape_cast %min3A_298 : vector<64x128xf32> to vector<1x64x128xf32>
      %reduce_max3A_306 = arith.constant dense<0xFF800000> : vector<1xf32>
      %reduce_max3A_307 = vector.multi_reduction <maximumf>, %reduce_max3A_305, %reduce_max3A_306 [1, 2] : vector<1x64x128xf32> to vector<1xf32>
      %reduce_max3A_308 = vector.shape_cast %reduce_max3A_307 : vector<1xf32> to vector<1x1x1xf32>
      %reduce_max3A_309 = vector.extract %reduce_max3A_308[0, 0, 0] : f32 from vector<1x1x1xf32>
      %eq3A_310 = vector.broadcast %reduce_max3A_309 : f32 to vector<64x128xf32>
      %eq3A_311 = arith.cmpf oeq, %min3A_298, %eq3A_310 : vector<64x128xf32>
      %jit3A_312 = arith.constant 8192 : i32
      %broadcast_in_dim3A_313 = vector.broadcast %jit3A_312 : i32 to vector<64x128xi32>
      %select_n3A_314 = arith.select %eq3A_311, %add3A, %broadcast_in_dim3A_313 : vector<64x128xi1>, vector<64x128xi32>
      %reduce_min3A_315 = vector.shape_cast %select_n3A_314 : vector<64x128xi32> to vector<1x64x128xi32>
      %reduce_min3A_316 = arith.constant dense<2147483647> : vector<1xi32>
      %reduce_min3A_317 = vector.multi_reduction <minsi>, %reduce_min3A_315, %reduce_min3A_316 [1, 2] : vector<1x64x128xi32> to vector<1xi32>
      %reduce_min3A_318 = vector.shape_cast %reduce_min3A_317 : vector<1xi32> to vector<1x1x1xi32>
      %reduce_min3A_319 = vector.extract %reduce_min3A_318[0, 0, 0] : i32 from vector<1x1x1xi32>
      %get3A_320 = arith.constant 2 : index
      %get3A_321 = arith.index_cast %reduce_min3A_319 : i32 to index
      %get3A_322 = arith.constant 0 : index
      %get3A_323 = vector.load %arg1[%get3A_320, %get3A_321, %get3A_322] : memref<4x8192x3xf32, #tpu.memory_space<vmem>>, vector<1x1x3xf32>
      %get3A_324 = vector.shape_cast %get3A_323 : vector<1x1x3xf32> to vector<1x3xf32>
      %slice3A_325 = vector.extract_strided_slice %get3A_324 {offsets = [0, 0], sizes = [1, 1], strides = [1, 1]} : vector<1x3xf32> to vector<1x1xf32>
      %slice3A_326 = vector.extract_strided_slice %get3A_324 {offsets = [0, 1], sizes = [1, 1], strides = [1, 1]} : vector<1x3xf32> to vector<1x1xf32>
      %slice3A_327 = vector.extract_strided_slice %get3A_324 {offsets = [0, 2], sizes = [1, 1], strides = [1, 1]} : vector<1x3xf32> to vector<1x1xf32>
      %eq3A_328 = vector.broadcast %scan3A_110 : i32 to vector<8x128xi32>
      %eq3A_329 = arith.cmpi eq, %add3A_8, %eq3A_328 : vector<8x128xi32>
      %broadcast_in_dim3A_330 = vector.broadcast %scan3A_127 : i32 to vector<8x128xi32>
      %select_n3A_331 = arith.select %eq3A_329, %broadcast_in_dim3A_330, %scan3A_126 : vector<8x128xi1>, vector<8x128xi32>
      %get3A_332 = arith.constant 3 : index
      %get3A_333 = arith.constant 0 : index
      %get3A_334 = arith.constant 0 : index
      %get3A_335 = arith.constant 0 : index
      %get3A_336 = vector.load %arg0[%get3A_332, %get3A_333, %get3A_334, %get3A_335] : memref<4x3x64x128xf32, #tpu.memory_space<vmem>>, vector<1x1x64x128xf32>
      %get3A_337 = vector.shape_cast %get3A_336 : vector<1x1x64x128xf32> to vector<64x128xf32>
      %get3A_338 = arith.constant 3 : index
      %get3A_339 = arith.constant 1 : index
      %get3A_340 = arith.constant 0 : index
      %get3A_341 = arith.constant 0 : index
      %get3A_342 = vector.load %arg0[%get3A_338, %get3A_339, %get3A_340, %get3A_341] : memref<4x3x64x128xf32, #tpu.memory_space<vmem>>, vector<1x1x64x128xf32>
      %get3A_343 = vector.shape_cast %get3A_342 : vector<1x1x64x128xf32> to vector<64x128xf32>
      %get3A_344 = arith.constant 3 : index
      %get3A_345 = arith.constant 2 : index
      %get3A_346 = arith.constant 0 : index
      %get3A_347 = arith.constant 0 : index
      %get3A_348 = vector.load %arg0[%get3A_344, %get3A_345, %get3A_346, %get3A_347] : memref<4x3x64x128xf32, #tpu.memory_space<vmem>>, vector<1x1x64x128xf32>
      %get3A_349 = vector.shape_cast %get3A_348 : vector<1x1x64x128xf32> to vector<64x128xf32>
      %sub3A_350 = vector.broadcast %scan3A_128 : vector<1x1xf32> to vector<64x128xf32>
      %sub3A_351 = arith.subf %get3A_337, %sub3A_350 : vector<64x128xf32>
      %sub3A_352 = vector.broadcast %scan3A_129 : vector<1x1xf32> to vector<64x128xf32>
      %sub3A_353 = arith.subf %get3A_343, %sub3A_352 : vector<64x128xf32>
      %sub3A_354 = vector.broadcast %scan3A_130 : vector<1x1xf32> to vector<64x128xf32>
      %sub3A_355 = arith.subf %get3A_349, %sub3A_354 : vector<64x128xf32>
      %mul3A_356 = arith.mulf %sub3A_351, %sub3A_351 : vector<64x128xf32>
      %mul3A_357 = arith.mulf %sub3A_353, %sub3A_353 : vector<64x128xf32>
      %add3A_358 = arith.addf %mul3A_356, %mul3A_357 : vector<64x128xf32>
      %mul3A_359 = arith.mulf %sub3A_355, %sub3A_355 : vector<64x128xf32>
      %add3A_360 = arith.addf %add3A_358, %mul3A_359 : vector<64x128xf32>
      %get3A_361 = arith.constant 3 : index
      %get3A_362 = arith.constant 0 : index
      %get3A_363 = arith.constant 0 : index
      %get3A_364 = vector.load %arg3[%get3A_361, %get3A_362, %get3A_363] : memref<4x64x128xf32, #tpu.memory_space<vmem>>, vector<1x64x128xf32>
      %get3A_365 = vector.shape_cast %get3A_364 : vector<1x64x128xf32> to vector<64x128xf32>
      %min3A_366 = arith.minimumf %get3A_365, %add3A_360 : vector<64x128xf32>
      %swap3A_367 = arith.constant 3 : index
      %swap3A_368 = arith.constant 0 : index
      %swap3A_369 = arith.constant 0 : index
      %swap3A_370 = vector.load %arg3[%swap3A_367, %swap3A_368, %swap3A_369] : memref<4x64x128xf32, #tpu.memory_space<vmem>>, vector<1x64x128xf32>
      %swap3A_371 = vector.shape_cast %swap3A_370 : vector<1x64x128xf32> to vector<64x128xf32>
      %swap3A_372 = vector.shape_cast %min3A_366 : vector<64x128xf32> to vector<1x64x128xf32>
      tpu.vector_store %arg3[%swap3A_367, %swap3A_368, %swap3A_369], %swap3A_372 {strides = array<i32>} : memref<4x64x128xf32, #tpu.memory_space<vmem>>, vector<1x64x128xf32>,
      %reduce_max3A_373 = vector.shape_cast %min3A_366 : vector<64x128xf32> to vector<1x64x128xf32>
      %reduce_max3A_374 = arith.constant dense<0xFF800000> : vector<1xf32>
      %reduce_max3A_375 = vector.multi_reduction <maximumf>, %reduce_max3A_373, %reduce_max3A_374 [1, 2] : vector<1x64x128xf32> to vector<1xf32>
      %reduce_max3A_376 = vector.shape_cast %reduce_max3A_375 : vector<1xf32> to vector<1x1x1xf32>
      %reduce_max3A_377 = vector.extract %reduce_max3A_376[0, 0, 0] : f32 from vector<1x1x1xf32>
      %eq3A_378 = vector.broadcast %reduce_max3A_377 : f32 to vector<64x128xf32>
      %eq3A_379 = arith.cmpf oeq, %min3A_366, %eq3A_378 : vector<64x128xf32>
      %jit3A_380 = arith.constant 8192 : i32
      %broadcast_in_dim3A_381 = vector.broadcast %jit3A_380 : i32 to vector<64x128xi32>
      %select_n3A_382 = arith.select %eq3A_379, %add3A, %broadcast_in_dim3A_381 : vector<64x128xi1>, vector<64x128xi32>
      %reduce_min3A_383 = vector.shape_cast %select_n3A_382 : vector<64x128xi32> to vector<1x64x128xi32>
      %reduce_min3A_384 = arith.constant dense<2147483647> : vector<1xi32>
      %reduce_min3A_385 = vector.multi_reduction <minsi>, %reduce_min3A_383, %reduce_min3A_384 [1, 2] : vector<1x64x128xi32> to vector<1xi32>
      %reduce_min3A_386 = vector.shape_cast %reduce_min3A_385 : vector<1xi32> to vector<1x1x1xi32>
      %reduce_min3A_387 = vector.extract %reduce_min3A_386[0, 0, 0] : i32 from vector<1x1x1xi32>
      %get3A_388 = arith.constant 3 : index
      %get3A_389 = arith.index_cast %reduce_min3A_387 : i32 to index
      %get3A_390 = arith.constant 0 : index
      %get3A_391 = vector.load %arg1[%get3A_388, %get3A_389, %get3A_390] : memref<4x8192x3xf32, #tpu.memory_space<vmem>>, vector<1x1x3xf32>
      %get3A_392 = vector.shape_cast %get3A_391 : vector<1x1x3xf32> to vector<1x3xf32>
      %slice3A_393 = vector.extract_strided_slice %get3A_392 {offsets = [0, 0], sizes = [1, 1], strides = [1, 1]} : vector<1x3xf32> to vector<1x1xf32>
      %slice3A_394 = vector.extract_strided_slice %get3A_392 {offsets = [0, 1], sizes = [1, 1], strides = [1, 1]} : vector<1x3xf32> to vector<1x1xf32>
      %slice3A_395 = vector.extract_strided_slice %get3A_392 {offsets = [0, 2], sizes = [1, 1], strides = [1, 1]} : vector<1x3xf32> to vector<1x1xf32>
      scf.yield %select_n3A, %reduce_min3A_183, %slice3A_189, %slice3A_190, %slice3A_191, %select_n3A_195, %reduce_min3A_251, %slice3A_257, %slice3A_258, %slice3A_259, %select_n3A_263, %reduce_min3A_319, %slice3A_325, %slice3A_326, %slice3A_327, %select_n3A_331, %reduce_min3A_387, %slice3A_393, %slice3A_394, %slice3A_395 : vector<8x128xi32>, i32, vector<1x1xf32>, vector<1x1xf32>, vector<1x1xf32>, vector<8x128xi32>, i32, vector<1x1xf32>, vector<1x1xf32>, vector<1x1xf32>, vector<8x128xi32>, i32, vector<1x1xf32>, vector<1x1xf32>, vector<1x1xf32>, vector<8x128xi32>, i32, vector<1x1xf32>, vector<1x1xf32>, vector<1x1xf32>
    }
    %scan3A_85 = arith.constant 1024 : i32
    %swap3A_86 = arith.constant 0 : index
    %swap3A_87 = arith.constant 0 : index
    %swap3A_88 = arith.constant 0 : index
    %swap3A_89 = vector.load %arg2[%swap3A_86, %swap3A_87, %swap3A_88] : memref<4x8x128xi32, #tpu.memory_space<vmem>>, vector<1x8x128xi32>
    %swap3A_90 = vector.shape_cast %swap3A_89 : vector<1x8x128xi32> to vector<8x128xi32>
    %swap3A_91 = vector.shape_cast %scan3A_84#0 : vector<8x128xi32> to vector<1x8x128xi32>
    tpu.vector_store %arg2[%swap3A_86, %swap3A_87, %swap3A_88], %swap3A_91 {strides = array<i32>} : memref<4x8x128xi32, #tpu.memory_space<vmem>>, vector<1x8x128xi32>,
    %swap3A_92 = arith.constant 1 : index
    %swap3A_93 = arith.constant 0 : index
    %swap3A_94 = arith.constant 0 : index
    %swap3A_95 = vector.load %arg2[%swap3A_92, %swap3A_93, %swap3A_94] : memref<4x8x128xi32, #tpu.memory_space<vmem>>, vector<1x8x128xi32>
    %swap3A_96 = vector.shape_cast %swap3A_95 : vector<1x8x128xi32> to vector<8x128xi32>
    %swap3A_97 = vector.shape_cast %scan3A_84#5 : vector<8x128xi32> to vector<1x8x128xi32>
    tpu.vector_store %arg2[%swap3A_92, %swap3A_93, %swap3A_94], %swap3A_97 {strides = array<i32>} : memref<4x8x128xi32, #tpu.memory_space<vmem>>, vector<1x8x128xi32>,
    %swap3A_98 = arith.constant 2 : index
    %swap3A_99 = arith.constant 0 : index
    %swap3A_100 = arith.constant 0 : index
    %swap3A_101 = vector.load %arg2[%swap3A_98, %swap3A_99, %swap3A_100] : memref<4x8x128xi32, #tpu.memory_space<vmem>>, vector<1x8x128xi32>
    %swap3A_102 = vector.shape_cast %swap3A_101 : vector<1x8x128xi32> to vector<8x128xi32>
    %swap3A_103 = vector.shape_cast %scan3A_84#10 : vector<8x128xi32> to vector<1x8x128xi32>
    tpu.vector_store %arg2[%swap3A_98, %swap3A_99, %swap3A_100], %swap3A_103 {strides = array<i32>} : memref<4x8x128xi32, #tpu.memory_space<vmem>>, vector<1x8x128xi32>,
    %swap3A_104 = arith.constant 3 : index
    %swap3A_105 = arith.constant 0 : index
    %swap3A_106 = arith.constant 0 : index
    %swap3A_107 = vector.load %arg2[%swap3A_104, %swap3A_105, %swap3A_106] : memref<4x8x128xi32, #tpu.memory_space<vmem>>, vector<1x8x128xi32>
    %swap3A_108 = vector.shape_cast %swap3A_107 : vector<1x8x128xi32> to vector<8x128xi32>
    %swap3A_109 = vector.shape_cast %scan3A_84#15 : vector<8x128xi32> to vector<1x8x128xi32>
    tpu.vector_store %arg2[%swap3A_104, %swap3A_105, %swap3A_106], %swap3A_109 {strides = array<i32>} : memref<4x8x128xi32, #tpu.memory_space<vmem>>, vector<1x8x128xi32>,
    return
  }
}

</mosaic_0001>

<sc_bundles>
// kernel: kernel.5.cloned.1.call-start
scs
__scs_entry_jumppad:
0x0: {  	(pc) =	sbr.rel $0x88, $3  }
0x1: {  	(tag) =	ssettag $0x0;
	lr =	simm.s32 $0x1  }
0x2: {  	[smem:$0x3F9F] =	sst lr;
	_ =	strace $0xD0000000  }
0x3: {  	_ = 	snop  }
0x4: {  	_ = 	snop  }
0x5: {  	_ = 	snop  }
0x6: {  	_ = 	snop  }
0x7: {  	_ = 	snop  }
__scs_overlays_trampoline_lowered:
0x8: {  	[smem:$0x3FAE] =	sst s0  }
0x9: {  	[smem:$0x3FAF] =	sst s1  }
0xa: {  	[smem:$0x3FB0] =	sst s2  }
0xb: {  	[smem:$0x3FB1] =	sst s3  }
0xc: {  	[smem:$0x3FB2] =	sst s4  }
0xd: {  	[smem:$0x3FB3] =	sst s5  }
0xe: {  	[smem:$0x3FB4] =	sst s6  }
0xf: {  	[smem:$0x3FB5] =	sst s7  }
0x10: {  	[smem:$0x3FB6] =	sst s8  }
0x11: {  	[smem:$0x3FB7] =	sst s9;
	s0 =	simm.s32 @!p0 $0x0  }
0x12: {  	s1 =	sld [smem:$0x3F9D];
	s0 =	simm.s32 @p0 $0x1  }
0x13: {  	[smem:$0x3FB8] =	sst s0;
	s0 =	simm.s32 @!p1 $0x0  }
0x14: {  	s2 =	sld [smem:$0x3F9C];
	s0 =	simm.s32 @p1 $0x1  }
0x15: {  	[smem:$0x3FB9] =	sst s0;
	s0 =	simm.s32 @!p2 $0x0  }
0x16: {  	s3 =	sld [smem:$0x3FDB];
	s0 =	simm.s32 @p2 $0x1  }
0x17: {  	s4 =	simm.s32 $0x1BF5;
	[smem:$0x3FBB] =	sst s0  }
0x18: {  	s0 =	sld [smem:$0x3F9E];
	_ =	swait.ge [sflag:s4], $0x0  }
0x19: {  	s7 =	sld [smem:$0x3F9F]  }
0x1a: {  	s8 =	sadd.s32 $0xFFFFE003, lr  }
0x1b: {  	s9 =	sadd.s32 $0xFFFFFEF7, lr;
	s5 =	simm.s32 $0xFFFFFFFF;
	p2 =	slt.u32 s8, $0xFFFFF086  }
0x1c: {  	p1 =	slt.u32 s9, $0xF7A;
	s5 =	simm.s32 @!p2 $0x0  }
0x1d: {  	s5 =	simm.s32 @p1 $0x1;
	p0 =	seq.s32 s7, s2  }
0x1e: {  	s7 =	smul.u32 @!p0 $0xF7A, s2;
	p2 =	seq.s32 @!p0 s5, $0x0  }
0x1f: {  	s9 =	smul.u32 $0xF7A, s1;
	s8 =	simm.s32 @!p0 $0x1BF5;
	p2 =	por !p2, p0  }
0x20: {  	[sflag:s8] =	ssyncset.s32 @!p0 $0xFFFFF086;
	s6 =	sadd.s32 @!p0 s3, s7;
	s7 =	simm.s32 @!p0 $0x108  }
0x21: {  	s3 =	sadd.s32 s3, s9;
	s6 =	sadd.s32 @!p0 $0x88, s6;
	s7 =	simm.s32 @p2 $0x1082  }
0x22: {  	[simem:s7], [sflag:s8] =	dma.local @!p0 [hbm:s6], $0xF7A  }
0x23: {  	s9 =	sor.u32 $0xD0000000, s2;
	s6 =	simm.s32 $0x108;
	_ =	swait.ge @!p0 [sflag:s8], $0x0  }
0x24: {  	s3 =	sadd.s32 $0x88, s3;
	s6 =	simm.s32 @!p1 $0x1082;
	[sflag:s4] =	ssyncset.s32 $0xFFFFF086  }
0x25: {  	[simem:s6], [sflag:s4] =	dma.local [hbm:s3], $0xF7A  }
0x26: {  	[smem:$0x3F9F] =	sst s1;
	(tag) =	ssettag s2;
	_ =	strace s9  }
0x27: {  	s1 =	sld [smem:$0x3FAF]  }
0x28: {  	s2 =	sld [smem:$0x3FB0]  }
0x29: {  	s4 =	sld [smem:$0x3FB2]  }
0x2a: {  	p0 =	seq.s32 s5, $0x0;
	s5 =	sld [smem:$0x3FB3]  }
0x2b: {  	s6 =	sld [smem:$0x3FB4]  }
0x2c: {  	s7 =	sld [smem:$0x3FB5]  }
0x2d: {  	s3 =	simm.s32 $0x108;
	s8 =	sld [smem:$0x3FB6]  }
0x2e: {  	s3 =	simm.s32 @!p0 $0x1082;
	s9 =	sld [smem:$0x3FB7]  }
0x2f: {  	lr =	sadd.s32 s0, s3;
	s0 =	sld [smem:$0x3FAE]  }
0x30: {  	s3 =	sld [smem:$0x3FB1]  }
0x31: {  	[smem:$0x3FBA] =	sst s10  }
0x32: {  	s10 =	sld [smem:$0x3FB8];
	_ =	sdelay $0x3  }
0x33: {  	p0 =	seq.s32 s10, $0x1;
	s10 =	sld [smem:$0x3FBA];
	_ =	sdelay $0x3  }
0x34: {  	[smem:$0x3FBA] =	sst s10  }
0x35: {  	s10 =	sld [smem:$0x3FB9];
	_ =	sdelay $0x3  }
0x36: {  	p1 =	seq.s32 s10, $0x1;
	s10 =	sld [smem:$0x3FBA];
	_ =	sdelay $0x3  }
0x37: {  	[smem:$0x3FBA] =	sst s10  }
0x38: {  	s10 =	sld [smem:$0x3FBB]  }
0x39: {  	_ = 	snop;
	(pc) =	sbr.ind lr, $3  }
0x3a: {  	_ = 	snop  }
0x3b: {  	_ = 	snop  }
0x3c: {  	p2 =	seq.s32 s10, $0x1;
	s10 =	sld [smem:$0x3FBA]  }
0x3d: {  	_ =	shalt  }
0x3e: {  	_ =	shalt  }
0x3f: {  	_ =	shalt  }
0x40: {  	_ =	shalt  }
0x41: {  	_ =	shalt  }
0x42: {  	_ =	shalt  }
0x43: {  	_ =	shalt  }
0x44: {  	_ =	shalt  }
0x45: {  	_ =	shalt  }
0x46: {  	_ =	shalt  }
0x47: {  	_ =	shalt  }
0x48: {  	_ =	shalt  }
0x49: {  	_ =	shalt  }
0x4a: {  	_ =	shalt  }
0x4b: {  	_ =	shalt  }
0x4c: {  	_ =	shalt  }
0x4d: {  	_ =	shalt  }
0x4e: {  	_ =	shalt  }
0x4f: {  	_ =	shalt  }
0x50: {  	_ =	shalt  }
0x51: {  	_ =	shalt  }
0x52: {  	_ =	shalt  }
0x53: {  	_ =	shalt  }
0x54: {  	_ =	shalt  }
0x55: {  	_ =	shalt  }
0x56: {  	_ =	shalt  }
0x57: {  	_ =	shalt  }
0x58: {  	_ =	shalt  }
0x59: {  	_ =	shalt  }
0x5a: {  	_ =	shalt  }
0x5b: {  	_ =	shalt  }
0x5c: {  	_ =	shalt  }
0x5d: {  	_ =	shalt  }
0x5e: {  	_ =	shalt  }
0x5f: {  	_ =	shalt  }
0x60: {  	_ =	shalt  }
0x61: {  	_ =	shalt  }
0x62: {  	_ =	shalt  }
0x63: {  	_ =	shalt  }
0x64: {  	_ =	shalt  }
0x65: {  	_ =	shalt  }
0x66: {  	_ =	shalt  }
0x67: {  	_ =	shalt  }
0x68: {  	_ =	shalt  }
0x69: {  	_ =	shalt  }
0x6a: {  	_ =	shalt  }
0x6b: {  	_ =	shalt  }
0x6c: {  	_ =	shalt  }
0x6d: {  	_ =	shalt  }
0x6e: {  	_ =	shalt  }
0x6f: {  	_ =	shalt  }
0x70: {  	_ =	shalt  }
0x71: {  	_ =	shalt  }
0x72: {  	_ =	shalt  }
0x73: {  	_ =	shalt  }
0x74: {  	_ =	shalt  }
0x75: {  	_ =	shalt  }
0x76: {  	_ =	shalt  }
0x77: {  	_ =	shalt  }
0x78: {  	_ =	shalt  }
0x79: {  	_ =	shalt  }
0x7a: {  	_ =	shalt  }
0x7b: {  	_ =	shalt  }
0x7c: {  	_ =	shalt  }
0x7d: {  	_ =	shalt  }
0x7e: {  	_ =	shalt  }
0x7f: {  	_ =	shalt  }
0x80: {  	_ =	shalt  }
0x81: {  	_ =	shalt  }
0x82: {  	_ =	shalt  }
0x83: {  	_ =	shalt  }
0x84: {  	_ =	shalt  }
0x85: {  	_ =	shalt  }
0x86: {  	_ =	shalt  }
0x87: {  	_ =	shalt  }
.Lfunc_end0:
.L_simem_size_0:
called_computation_lowered:
.L_overlay_start_0:
0x88: {  	s2 =	sld [smem:$0x3FD9]  }
0x89: {  	s3 =	sld [smem:$0x3FFE];
	_ =	sdelay $0x1  }
0x8a: {  	s1 =	srdreg.scid  }
0x8b: {  	s0 =	sand.u32 $0x1, s1  }
0x8c: {  	s14 =	sshll.u32 s0, $0xA;
	s2 =	sadd.s32 s3, s2  }
0x8d: {  	s2 =	sadd.s32 s2, s14  }
0x8e: {  	[smem:$0x3FC6] =	sst s2  }
0x8f: {  	_ = 	snop  }
0x90: {  	s2 =	sld [smem:$0x3FD0];
	_ =	sdelay $0x2  }
0x91: {  	s15 =	simm.s32 $0xA;
	s4 =	simm.s32 $0x10  }
0x92: {  	[smem:s4], [sflag:s15] =	dma.local [hbm:s2], $0x1  }
0x93: {  	_ =	swait.eq [sflag:s15], $0x1  }
0x94: {  	s16 =	sld [smem:$0x10]  }
0x95: {  	s17 =	sld [smem:$0x11];
	[sflag:s15] =	ssyncset.done $0x0  }
0x96: {  	s5 =	sld [smem:$0x12];
	[sflag:s15] =	ssyncadd.s32 $0xFFFFFFFF  }
0x97: {  	s18 =	sld [smem:$0x13];
	(tm) =	ssettm $0x1  }
0x98: {  	s6 =	sld [smem:$0x3FFB];
	_ =	sdelay $0x3  }
0x99: {  	_ =	strace s6  }
0x9a: {  	s6 =	sld [smem:$0x3FFC];
	_ =	sdelay $0x3  }
0x9b: {  	_ =	strace s6  }
0x9c: {  	s6 =	sld [smem:$0x3FFD];
	_ =	sdelay $0x3  }
0x9d: {  	_ =	strace s6  }
0x9e: {  	_ =	strace $0x8FFFFFFF  }
0x9f: {  	s19 =	sld [smem:$0x3FDB];
	_ =	sdelay $0x1  }
0xa0: {  	s7 =	simm.s32 $_scs_section_size  }
0xa1: {  	s8 =	simm.s32 $_size__tile_overlayer_lowered;
	s9 =	simm.s32 $_tile_overlayer_lowered  }
0xa2: {  	s22 =	simm.s32 $0x1BFF;
	s21 =	sshll.u32 s9, $0x1;
	s6 =	sadd.s32 s7, s19  }
0xa3: {  	s10 =	simm.s32 $0x0;
	s20 =	sshll.u32 s8, $0x1;
	s8 =	sadd.s32 s21, s6  }
0xa4: {  	[timem:s10], [sflag:s22] =	dma.local [hbm:s8], s20  }
0xa5: {  	_ =	swait.ge [sflag:s22], s20  }
0xa6: {  	s7 =	ssub.s32 $0x0, s20;
	[sflag:s22] =	ssyncset.done $0x0  }
0xa7: {  	[sflag:s22] =	ssyncadd.s32 s7;
	_ =	sdelay $0x1  }
0xa8: {  	s23 =	simm.s32 $0x1B8B  }
0xa9: {  	_ =	swait.ge [sflag:s23], $0x1  }
0xaa: {  	[sflag:s23] =	ssyncset.done $0x0  }
0xab: {  	s25 =	simm.s32 $0x1B8E;
	s24 =	sld [smem:$0x3FFE];
	[sflag:s23] =	ssyncadd.s32 $0xFFFFFFFF  }
0xac: {  	s26 =	simm.s32 $execute0_lowered;
	[smem:$0x3FD2] =	sst s25  }
0xad: {  	s8 =	sshll.u32 s26, $0x1;
	_ =	strace $0x80000046;
	[dreg:$0x1] =	wrdreg $0xFFFFFFFF  }
0xae: {  	s28 =	simm.s32 $_size_execute0_lowered;
	s6 =	sadd.s32 s6, s8;
	[dreg:$0x0] =	wrdreg $0x0  }
0xaf: {  	s8 =	sshll.u32 s28, $0x1;
	[dreg:$0x2] =	wrdreg s6  }
0xb0: {  	[dreg:$0x3] =	wrdreg s8  }
0xb1: {  	[dreg:$0x4] =	wrdreg $0xC0  }
0xb2: {  	_ =	task [dreg:s10], $0x5FFFF  }
0xb3: {  	[dreg:$0x1] =	wrdreg $0xFFFFFFFF  }
0xb4: {  	[dreg:$0x0] =	wrdreg $0x60  }
0xb5: {  	[dreg:$0x2] =	wrdreg s17  }
0xb6: {  	[dreg:$0x3] =	wrdreg s18  }
0xb7: {  	[dreg:$0x4] =	wrdreg s16  }
0xb8: {  	[dreg:$0x5] =	wrdreg s24  }
0xb9: {  	[dreg:$0x6] =	wrdreg s5  }
0xba: {  	[dreg:$0x7] =	wrdreg $0x9  }
0xbb: {  	_ =	task.clear_ibuf [dreg:s10], $0x8FFFF;
	_ =	strace $0x90000046  }
0xbc: {  	s29 =	simm.s32 $0x9;
	_ =	strace $0x80000048  }
0xbd: {  	_ =	swait.ge [sflag:s29], $0x1  }
0xbe: {  	[sflag:s29] =	ssyncadd.s32 $0xFFFFFFFF  }
0xbf: {  	_ =	strace $0x90000048  }
0xc0: {  	_ =	sfence  }
0xc1: {  	s30 =	sld [smem:$0x0];
	_ =	sdelay $0x2  }
0xc2: {  	s31 =	sshll.u32 s1, $0xD;
	s1 =	sshrl.u32 s1, $0x2  }
0xc3: {  	s3 =	sand.u32 $0x4000, s31;
	s1 =	sadd.s32 s1, s30  }
0xc4: {  	s0 =	sor.u32 s3, s0;
	s1 =	sshll.u32 s1, $0x11  }
0xc5: {  	s0 =	sor.u32 s1, s0  }
0xc6: {  	s0 =	sadd.s32 $0x8F2B, s0  }
0xc7: {  	[sflag:s0] =	ssyncadd.remote.s32 $0x1  }
0xc8: {  	_ =	sfence.sel $0xFFFF  }
0xc9: {  	[dreg:$0x0] =	wrdreg $0xFFFFFFFF;
	(pc) =	sbr.abs _section_cstart, $3  }
0xca: {  	[dreg:$0x1] =	wrdreg $0xFFFFFFFF  }
0xcb: {  	_ =	task.clear_ibuf [dreg:s10], $0x2FFFF;
	_ =	strace $0x9FFFFFFF  }
0xcc: {  	(tm) =	ssettm $0x7FFFFFFF  }
0xcd: {  	_ =	shalt  }
tec
execute0_lowered:
.L_overlay_start_1:
0x0: {  	(tag) =	ssettag $0x1  }
0x1: {  	s4 =	rddreg [dreg:$0x0]  }
0x2: {  	s6 =	rddreg [dreg:$0x1]  }
0x3: {  	s7 =	rddreg [dreg:$0x2]  }
0x4: {  	s3 =	rddreg [dreg:$0x3];
	s1 =	srdreg.scid  }
0x5: {  	s0 =	stileid.u32;
	s9 =	rddreg [dreg:$0x4];
	s2 =	simm.s32 $0x0  }
0x6: {  	s16 =	simm.s32 $0xE680;
	s17 =	simm.s32 $0xE800;
	s18 =	simm.s32 $0xF800  }
0x7: {  	s19 =	simm.s32 $0x12800;
	s20 =	simm.s32 $0x0;
	s5 =	sand.u32 $0x1, s1  }
0x8: {  	v0 =	vlaneseq.u32;
	s8 =	sshll.u32 s0, $0x1;
	s1 =	rddreg [dreg:$0x5];
	s11 =	sshrl.u32 s0, $0x2  }
0x9: {  	[smem:$0x7FF] =	sst s2;
	v1 =	vmul.u32 $0x3, v0;
	s8 =	sor.u32 s5, s8;
	s12 =	smul.u32 $0x6000, s11  }
0xa: {  	v26 =	vimm.f32 $0.0e+00;
	vm0 =	vmxor vm0, vm0;
	v27 =	vimm.s32 $0x0;
	_ =	strace $0x80000047;
	s13 =	sshll.u32 s11, $0xD;
	s11 =	smul.u32 $0xC00, s11  }
0xb: {  	s5 =	ssub.s32 $0x2, s5;
	s10 =	sshll.u32 s8, $0x9;
	v2 =	vmov s13;
	v3 =	vadd.s32 $0x1, v1;
	v4 =	vadd.s32 $0x2, v1;
	s30 =	smul.u32 $0x30, s8  }
0xc: {  	s14 =	sshll.u32 s8, $0x4;
	s15 =	sshrl.u32 s5, $0x1;
	v5 =	vadd.s32 $0x30, v1;
	v6 =	vadd.s32 $0x31, v1;
	v7 =	vadd.s32 $0x32, v1;
	s31 =	smul.u32 $0x600, s8  }
0xd: {  	v8 =	vadd.s32 $0x60, v1;
	v9 =	vadd.s32 $0x61, v1;
	v10 =	vadd.s32 $0x62, v1;
	s13 =	simm.s32 $0x2000;
	s10 =	sadd.s32 s10, s3;
	s28 =	sadd.s32 s14, s3  }
0xe: {  	v11 =	vadd.s32 $0x90, v1;
	v12 =	vadd.s32 $0x91, v1;
	v13 =	vadd.s32 $0x92, v1;
	s15 =	ssub.s32 s5, s15;
	s29 =	sshrl.u32 s12, $0x3;
	s3 =	sadd.s32 s4, s11  }
0xf: {  	v14 =	vor.u32 $0xC0, v1;
	v15 =	vadd.s32 $0xC1, v1;
	v16 =	vadd.s32 $0xC2, v1;
	s6 =	sadd.s32 s6, s14;
	s12 =	simm.s32 $0x1;
	s14 =	simm.s32 $0x4000  }
0x10: {  	v17 =	vadd.s32 $0xF0, v1;
	v18 =	vadd.s32 $0xF1, v1;
	v19 =	vadd.s32 $0xF2, v1;
	s5 =	sadd.s32 s4, s29;
	s7 =	sadd.s32 s7, s30;
	s8 =	sadd.s32 $0x1600, s10  }
0x11: {  	v20 =	vadd.s32 $0x120, v1;
	v21 =	vadd.s32 $0x121, v1;
	v22 =	vadd.s32 $0x122, v1;
	s9 =	sadd.s32 s9, s31;
	s10 =	sadd.s32 $0x5600, s28;
	s11 =	smax.u32 s15, $0x1  }
0x12: {  	v23 =	vadd.s32 $0x150, v1;
	v24 =	vadd.s32 $0x151, v1;
	v25 =	vadd.s32 $0x152, v1;
	s15 =	simm.s32 $0xE600;
	s4 =	sadd.s32 $0x400, s5;
	s5 =	sadd.s32 $0x800, s5  }
.LBB2_1:
0x13: {  	[tilespmem:s2], [sflag:$0x1] =	stream.linear.gather [hbm4b:s3+s2], $0x2000, $0x38;
	[tilespmem:$0x12880] =	vst v63  }
0x14: {  	_ =	swait.ge [sflag:s12], $0x2000  }
0x15: {  	[sflag:s12] =	ssyncset.done $0x0  }
0x16: {  	[sflag:s12] =	ssyncadd.s32 $0xFFFFE000  }
0x17: {  	[tilespmem:s13], [sflag:$0x1] =	stream.linear.gather [hbm4b:s4+s2], $0x2000, $0x38;
	[tilespmem:$0x12880] =	vst v63  }
0x18: {  	_ =	swait.ge [sflag:s12], $0x2000  }
0x19: {  	[sflag:s12] =	ssyncset.done $0x0  }
0x1a: {  	[sflag:s12] =	ssyncadd.s32 $0xFFFFE000  }
0x1b: {  	[tilespmem:s14], [sflag:$0x1] =	stream.linear.gather [hbm4b:s5+s2], $0x2000, $0x38;
	[tilespmem:$0x12880] =	vst v63  }
0x1c: {  	_ =	swait.ge [sflag:s12], $0x2000  }
0x1d: {  	[sflag:s12] =	ssyncset.done $0x0  }
0x1e: {  	[sflag:s12] =	ssyncadd.s32 $0xFFFFE000  }
0x1f: {  	[tilespmem:s15], [sflag:$0x1] =	stream.linear.gather [hbm4b:s6+s2], $0x80, $0x38;
	[tilespmem:$0x12880] =	vst v63  }
0x20: {  	_ =	swait.ge [sflag:s12], $0x80  }
0x21: {  	[sflag:s12] =	ssyncset.done $0x0  }
0x22: {  	s22 =	simm.s32 $0x0;
	[sflag:s12] =	ssyncadd.s32 $0xFFFFFF80  }
0x23: {  	v28 =	vld [tilespmem:s22+$0x0]  }
0x24: {  	v29 =	vld [tilespmem:s22+$0x2000]  }
0x25: {  	v32 =	vld [tilespmem:s22+$0x4000];
	_ =	sdelay $0x3  }
0x26: {  	s21 =	simm.s32 $0x10;
	v31 =	vmul.f32 v28, v28;
	v33 =	vmul.f32 v29, v29  }
0x27: {  	v30 =	vld [tilespmem:s21+$0x0];
	v34 =	vshrl.u32 v28, $0x10;
	v35 =	vshrl.u32 v29, $0x10;
	v36 =	vmul.f32 v32, v32  }
0x28: {  	v37 =	vshrl.u32 v32, $0x10;
	v34 =	vand.u32 $0x1, v34;
	v33 =	vadd.f32 v33, v31;
	v31 =	vld [tilespmem:s21+$0x2000]  }
0x29: {  	v35 =	vand.u32 $0x1, v35;
	v60 =	vand.u32 $0x1, v37;
	v28 =	vadd.s32 v34, v28  }
0x2a: {  	v59 =	vadd.s32 v35, v29;
	v29 =	vld [tilespmem:s21+$0x4000];
	v32 =	vadd.s32 v60, v32;
	v28 =	vadd.s32 $0x7FFF, v28  }
0x2b: {  	v34 =	vadd.s32 $0x7FFF, v59;
	v33 =	vadd.f32 v36, v33;
	v28 =	vand.u32 $0xFFFF0000, v28  }
0x2c: {  	v61 =	vshrl.u32 v30, $0x10;
	v32 =	vadd.s32 $0x7FFF, v32;
	v62 =	vand.u32 $0xFFFF0000, v34;
	[tilespmem:s22+$0x6000] =	vst v28  }
0x2d: {  	s23 =	simm.s32 $0x20;
	[tilespmem:s22+$0xC000] =	vst v33;
	v33 =	vmul.f32 v30, v30;
	v63 =	vshrl.u32 v31, $0x10;
	v35 =	vmul.f32 v31, v31  }
0x2e: {  	s24 =	simm.s32 $0xC0;
	v32 =	vand.u32 $0xFFFF0000, v32;
	v36 =	vand.u32 $0x1, v61;
	v28 =	vld [tilespmem:s23+$0x0];
	[tilespmem:s22+$0x8000] =	vst v62;
	v34 =	vand.u32 $0x1, v63  }
.LBB2_2:
0x2f: {  	p0 =	sne.s32 s24, $0x7FC0;
	v37 =	vld [tilespmem:s23+$0x2000];
	v38 =	vshrl.u32 v29, $0x10;
	v33 =	vadd.f32 v35, v33;
	v35 =	vmul.f32 v29, v29;
	[tilespmem:s22+$0xA000] =	vst v32;
	s22 =	smov.u32 s21;
	s21 =	smov.u32 s23  }
0x30: {  	v30 =	vadd.s32 v36, v30;
	v31 =	vadd.s32 v34, v31;
	v32 =	vand.u32 $0x1, v38  }
.Ltmp0:
0x31: {  	v39 =	vadd.s32 $0x7FFF, v30;
	v32 =	vadd.s32 v32, v29;
	v29 =	vld [tilespmem:s21+$0x4000];
	v33 =	vadd.f32 v35, v33;
	(pc) =	sbr.rel @p0 .LBB2_2-.Ltmp0, $4  }
0x32: {  	v34 =	vand.u32 $0xFFFF0000, v39;
	v35 =	vadd.s32 $0x7FFF, v31;
	v40 =	vadd.s32 $0x7FFF, v32  }
0x33: {  	v38 =	vand.u32 $0xFFFF0000, v35;
	v36 =	vshrl.u32 v28, $0x10;
	v32 =	vand.u32 $0xFFFF0000, v40;
	[tilespmem:s22+$0xC000] =	vst v33;
	v30 =	vmovc v28  }
0x34: {  	s23 =	sshra.s32 s24, $0x2;
	v39 =	vshrl.u32 v37, $0x10;
	v33 =	vmul.f32 v28, v30;
	v35 =	vmul.f32 v37, v37;
	[tilespmem:s22+$0x6000] =	vst v34;
	v31 =	vmovc v37  }
0x35: {  	s24 =	sadd.s32 $0x40, s24;
	v36 =	vand.u32 $0x1, v36;
	v28 =	vld [tilespmem:s23+$0x0];
	v34 =	vand.u32 $0x1, v39;
	[tilespmem:s22+$0x8000] =	vst v38  }
0x36: {  	v37 =	vld [tilespmem:s23+$0x2000];
	v38 =	vshrl.u32 v29, $0x10;
	[tilespmem:s22+$0xA000] =	vst v32;
	v55 =	vadd.f32 v35, v33  }
0x37: {  	v56 =	vmul.f32 v29, v29;
	v30 =	vadd.s32 v36, v30;
	v31 =	vadd.s32 v34, v31;
	v57 =	vld [tilespmem:s23+$0x4000]  }
0x38: {  	v58 =	vand.u32 $0x1, v38;
	v30 =	vadd.s32 $0x7FFF, v30;
	v31 =	vadd.s32 $0x7FFF, v31  }
0x39: {  	v29 =	vadd.s32 v58, v29;
	v32 =	vadd.f32 v56, v55;
	v30 =	vand.u32 $0xFFFF0000, v30  }
0x3a: {  	v31 =	vand.u32 $0xFFFF0000, v31;
	v29 =	vadd.s32 $0x7FFF, v29;
	v59 =	vmul.f32 v28, v28  }
0x3b: {  	v61 =	vshrl.u32 v28, $0x10;
	v29 =	vand.u32 $0xFFFF0000, v29;
	v60 =	vmul.f32 v37, v37  }
0x3c: {  	[tilespmem:s21+$0x6000] =	vst v30;
	v62 =	vshrl.u32 v37, $0x10;
	v38 =	vand.u32 $0x1, v61;
	v63 =	vmul.f32 v57, v57  }
0x3d: {  	[tilespmem:s21+$0xC000] =	vst v32;
	v32 =	vand.u32 $0x1, v62;
	v39 =	vshrl.u32 v57, $0x10;
	v28 =	vadd.s32 v38, v28  }
0x3e: {  	[tilespmem:s21+$0xA000] =	vst v29;
	v33 =	vadd.f32 v60, v59;
	v29 =	vadd.s32 v32, v37;
	v28 =	vadd.s32 $0x7FFF, v28  }
0x3f: {  	[tilespmem:s21+$0x8000] =	vst v31;
	v31 =	vand.u32 $0x1, v39;
	v28 =	vand.u32 $0xFFFF0000, v28;
	v29 =	vadd.s32 $0x7FFF, v29  }
0x40: {  	v31 =	vadd.s32 v31, v57;
	v40 =	vadd.f32 v63, v33;
	v29 =	vand.u32 $0xFFFF0000, v29;
	[tilespmem:s23+$0x6000] =	vst v28  }
0x41: {  	v41 =	vadd.s32 $0x7FFF, v31;
	[tilespmem:s23+$0x8000] =	vst v29  }
0x42: {  	v28 =	vand.u32 $0xFFFF0000, v41;
	[tilespmem:s23+$0xC000] =	vst v40  }
0x43: {  	[tilespmem:s23+$0xA000] =	vst v28  }
0x44: {  	v28 =	vld [tilespmem:$0xE600];
	_ =	sdelay $0x6  }
0x45: {  	s21 =	simm.s32 $0x0  }
0x46: {  	v29 =	vld.idx.msk [tilespmem:v28+s21+$0x0], $0xffff  }
0x47: {  	v42 =	vld.idx.msk [tilespmem:v28+s13+$0x0], $0xffff  }
0x48: {  	v43 =	vld.idx.msk [tilespmem:v28+s14+$0x0], $0xffff;
	_ =	sdelay $0x2  }
0x49: {  	v44 =	vshrl.u32 v29, $0x10  }
0x4a: {  	v45 =	vshrl.u32 v42, $0x10;
	v32 =	vand.u32 $0x1, v44  }
0x4b: {  	[tilespmem:$0xE000] =	vst v29;
	v46 =	vshrl.u32 v43, $0x10;
	v33 =	vand.u32 $0x1, v45;
	v32 =	vadd.s32 v32, v29  }
0x4c: {  	[tilespmem:$0xE100] =	vst v42;
	v34 =	vand.u32 $0x1, v46;
	v33 =	vadd.s32 v33, v42;
	v32 =	vadd.s32 $0x7FFF, v32  }
0x4d: {  	[tilespmem:$0xE200] =	vst v43;
	v34 =	vadd.s32 v34, v43;
	v33 =	vadd.s32 $0x7FFF, v33;
	v32 =	vand.u32 $0xFFFF0000, v32  }
0x4e: {  	v48 =	vadd.s32 $0x7FFF, v34;
	v47 =	vand.u32 $0xFFFF0000, v33;
	[tilespmem:$0xE300] =	vst v32  }
0x4f: {  	v49 =	vand.u32 $0xFFFF0000, v48;
	[tilespmem:$0xE400] =	vst v47  }
0x50: {  	[tilespmem:$0xE500] =	vst v49  }
0x51: {  	[tilespmem:v1+s16+$0x0] =	vst.idx.msk $0xffff, v29  }
0x52: {  	[tilespmem:v3+s16+$0x0] =	vst.idx.msk $0xffff, v42  }
0x53: {  	[tilespmem:v4+s16+$0x0] =	vst.idx.msk $0xffff, v43  }
0x54: {  	v29 =	vld [tilespmem:$0xE610];
	_ =	sdelay $0x5  }
0x55: {  	v28 =	vadd.s32 v2, v28  }
0x56: {  	[tilespmem:$0x12800] =	vst v28  }
0x57: {  	v28 =	vld.idx.msk [tilespmem:v29+s21+$0x0], $0xffff  }
0x58: {  	v30 =	vld.idx.msk [tilespmem:v29+s13+$0x0], $0xffff  }
0x59: {  	v31 =	vld.idx.msk [tilespmem:v29+s14+$0x0], $0xffff;
	_ =	sdelay $0x2  }
0x5a: {  	v50 =	vshrl.u32 v28, $0x10  }
0x5b: {  	v51 =	vshrl.u32 v30, $0x10;
	v32 =	vand.u32 $0x1, v50  }
0x5c: {  	[tilespmem:$0xE010] =	vst v28;
	v52 =	vshrl.u32 v31, $0x10;
	v33 =	vand.u32 $0x1, v51;
	v32 =	vadd.s32 v32, v28  }
0x5d: {  	[tilespmem:$0xE110] =	vst v30;
	v34 =	vand.u32 $0x1, v52;
	v33 =	vadd.s32 v33, v30;
	v32 =	vadd.s32 $0x7FFF, v32  }
0x5e: {  	[tilespmem:$0xE210] =	vst v31;
	v34 =	vadd.s32 v34, v31;
	v33 =	vadd.s32 $0x7FFF, v33;
	v32 =	vand.u32 $0xFFFF0000, v32  }
0x5f: {  	v54 =	vadd.s32 $0x7FFF, v34;
	v53 =	vand.u32 $0xFFFF0000, v33;
	[tilespmem:$0xE310] =	vst v32  }
0x60: {  	v55 =	vand.u32 $0xFFFF0000, v54;
	[tilespmem:$0xE410] =	vst v53  }
0x61: {  	[tilespmem:$0xE510] =	vst v55  }
0x62: {  	[tilespmem:v5+s16+$0x0] =	vst.idx.msk $0xffff, v28  }
0x63: {  	[tilespmem:v6+s16+$0x0] =	vst.idx.msk $0xffff, v30  }
0x64: {  	[tilespmem:v7+s16+$0x0] =	vst.idx.msk $0xffff, v31  }
0x65: {  	v28 =	vld [tilespmem:$0xE620];
	_ =	sdelay $0x5  }
0x66: {  	v29 =	vadd.s32 v2, v29  }
0x67: {  	[tilespmem:$0x12810] =	vst v29  }
0x68: {  	v29 =	vld.idx.msk [tilespmem:v28+s21+$0x0], $0xffff  }
0x69: {  	v30 =	vld.idx.msk [tilespmem:v28+s13+$0x0], $0xffff  }
0x6a: {  	v31 =	vld.idx.msk [tilespmem:v28+s14+$0x0], $0xffff;
	_ =	sdelay $0x2  }
0x6b: {  	v56 =	vshrl.u32 v29, $0x10  }
0x6c: {  	v57 =	vshrl.u32 v30, $0x10;
	v32 =	vand.u32 $0x1, v56  }
0x6d: {  	[tilespmem:$0xE020] =	vst v29;
	v58 =	vshrl.u32 v31, $0x10;
	v33 =	vand.u32 $0x1, v57;
	v32 =	vadd.s32 v32, v29  }
0x6e: {  	[tilespmem:$0xE120] =	vst v30;
	v34 =	vand.u32 $0x1, v58;
	v33 =	vadd.s32 v33, v30;
	v32 =	vadd.s32 $0x7FFF, v32  }
0x6f: {  	[tilespmem:$0xE220] =	vst v31;
	v34 =	vadd.s32 v34, v31;
	v33 =	vadd.s32 $0x7FFF, v33;
	v32 =	vand.u32 $0xFFFF0000, v32  }
0x70: {  	v60 =	vadd.s32 $0x7FFF, v34;
	v59 =	vand.u32 $0xFFFF0000, v33;
	[tilespmem:$0xE320] =	vst v32  }
0x71: {  	v61 =	vand.u32 $0xFFFF0000, v60;
	[tilespmem:$0xE420] =	vst v59  }
0x72: {  	[tilespmem:$0xE520] =	vst v61  }
0x73: {  	[tilespmem:v8+s16+$0x0] =	vst.idx.msk $0xffff, v29  }
0x74: {  	[tilespmem:v9+s16+$0x0] =	vst.idx.msk $0xffff, v30  }
0x75: {  	[tilespmem:v10+s16+$0x0] =	vst.idx.msk $0xffff, v31  }
0x76: {  	v29 =	vld [tilespmem:$0xE630];
	_ =	sdelay $0x5  }
0x77: {  	v28 =	vadd.s32 v2, v28  }
0x78: {  	[tilespmem:$0x12820] =	vst v28  }
0x79: {  	v28 =	vld.idx.msk [tilespmem:v29+s21+$0x0], $0xffff  }
0x7a: {  	v30 =	vld.idx.msk [tilespmem:v29+s13+$0x0], $0xffff  }
0x7b: {  	v31 =	vld.idx.msk [tilespmem:v29+s14+$0x0], $0xffff;
	_ =	sdelay $0x2  }
0x7c: {  	v62 =	vshrl.u32 v28, $0x10  }
0x7d: {  	v63 =	vshrl.u32 v30, $0x10;
	v32 =	vand.u32 $0x1, v62  }
0x7e: {  	[tilespmem:$0xE030] =	vst v28;
	v36 =	vshrl.u32 v31, $0x10;
	v33 =	vand.u32 $0x1, v63;
	v32 =	vadd.s32 v32, v28  }
0x7f: {  	[tilespmem:$0xE130] =	vst v30;
	v34 =	vand.u32 $0x1, v36;
	v33 =	vadd.s32 v33, v30;
	v32 =	vadd.s32 $0x7FFF, v32  }
0x80: {  	[tilespmem:$0xE230] =	vst v31;
	v34 =	vadd.s32 v34, v31;
	v33 =	vadd.s32 $0x7FFF, v33;
	v32 =	vand.u32 $0xFFFF0000, v32  }
0x81: {  	v38 =	vadd.s32 $0x7FFF, v34;
	v37 =	vand.u32 $0xFFFF0000, v33;
	[tilespmem:$0xE330] =	vst v32  }
0x82: {  	v39 =	vand.u32 $0xFFFF0000, v38;
	[tilespmem:$0xE430] =	vst v37  }
0x83: {  	[tilespmem:$0xE530] =	vst v39  }
0x84: {  	[tilespmem:v11+s16+$0x0] =	vst.idx.msk $0xffff, v28  }
0x85: {  	[tilespmem:v12+s16+$0x0] =	vst.idx.msk $0xffff, v30  }
0x86: {  	[tilespmem:v13+s16+$0x0] =	vst.idx.msk $0xffff, v31  }
0x87: {  	v28 =	vld [tilespmem:$0xE640];
	_ =	sdelay $0x5  }
0x88: {  	v29 =	vadd.s32 v2, v29  }
0x89: {  	[tilespmem:$0x12830] =	vst v29  }
0x8a: {  	v29 =	vld.idx.msk [tilespmem:v28+s21+$0x0], $0xffff  }
0x8b: {  	v30 =	vld.idx.msk [tilespmem:v28+s13+$0x0], $0xffff  }
0x8c: {  	v31 =	vld.idx.msk [tilespmem:v28+s14+$0x0], $0xffff;
	_ =	sdelay $0x2  }
0x8d: {  	v40 =	vshrl.u32 v29, $0x10  }
0x8e: {  	v41 =	vshrl.u32 v30, $0x10;
	v32 =	vand.u32 $0x1, v40  }
0x8f: {  	[tilespmem:$0xE040] =	vst v29;
	v42 =	vshrl.u32 v31, $0x10;
	v33 =	vand.u32 $0x1, v41;
	v32 =	vadd.s32 v32, v29  }
0x90: {  	[tilespmem:$0xE140] =	vst v30;
	v34 =	vand.u32 $0x1, v42;
	v33 =	vadd.s32 v33, v30;
	v32 =	vadd.s32 $0x7FFF, v32  }
0x91: {  	[tilespmem:$0xE240] =	vst v31;
	v34 =	vadd.s32 v34, v31;
	v33 =	vadd.s32 $0x7FFF, v33;
	v32 =	vand.u32 $0xFFFF0000, v32  }
0x92: {  	v44 =	vadd.s32 $0x7FFF, v34;
	v43 =	vand.u32 $0xFFFF0000, v33;
	[tilespmem:$0xE340] =	vst v32  }
0x93: {  	v45 =	vand.u32 $0xFFFF0000, v44;
	[tilespmem:$0xE440] =	vst v43  }
0x94: {  	[tilespmem:$0xE540] =	vst v45  }
0x95: {  	[tilespmem:v14+s16+$0x0] =	vst.idx.msk $0xffff, v29  }
0x96: {  	[tilespmem:v15+s16+$0x0] =	vst.idx.msk $0xffff, v30  }
0x97: {  	[tilespmem:v16+s16+$0x0] =	vst.idx.msk $0xffff, v31  }
0x98: {  	v29 =	vld [tilespmem:$0xE650];
	_ =	sdelay $0x5  }
0x99: {  	v28 =	vadd.s32 v2, v28  }
0x9a: {  	[tilespmem:$0x12840] =	vst v28  }
0x9b: {  	v28 =	vld.idx.msk [tilespmem:v29+s21+$0x0], $0xffff  }
0x9c: {  	v30 =	vld.idx.msk [tilespmem:v29+s13+$0x0], $0xffff  }
0x9d: {  	v31 =	vld.idx.msk [tilespmem:v29+s14+$0x0], $0xffff;
	_ =	sdelay $0x2  }
0x9e: {  	v46 =	vshrl.u32 v28, $0x10  }
0x9f: {  	v47 =	vshrl.u32 v30, $0x10;
	v32 =	vand.u32 $0x1, v46  }
0xa0: {  	[tilespmem:$0xE050] =	vst v28;
	v48 =	vshrl.u32 v31, $0x10;
	v33 =	vand.u32 $0x1, v47;
	v32 =	vadd.s32 v32, v28  }
0xa1: {  	[tilespmem:$0xE150] =	vst v30;
	v34 =	vand.u32 $0x1, v48;
	v33 =	vadd.s32 v33, v30;
	v32 =	vadd.s32 $0x7FFF, v32  }
0xa2: {  	[tilespmem:$0xE250] =	vst v31;
	v34 =	vadd.s32 v34, v31;
	v33 =	vadd.s32 $0x7FFF, v33;
	v32 =	vand.u32 $0xFFFF0000, v32  }
0xa3: {  	v50 =	vadd.s32 $0x7FFF, v34;
	v49 =	vand.u32 $0xFFFF0000, v33;
	[tilespmem:$0xE350] =	vst v32  }
0xa4: {  	v51 =	vand.u32 $0xFFFF0000, v50;
	[tilespmem:$0xE450] =	vst v49  }
0xa5: {  	[tilespmem:$0xE550] =	vst v51  }
0xa6: {  	[tilespmem:v17+s16+$0x0] =	vst.idx.msk $0xffff, v28  }
0xa7: {  	[tilespmem:v18+s16+$0x0] =	vst.idx.msk $0xffff, v30  }
0xa8: {  	[tilespmem:v19+s16+$0x0] =	vst.idx.msk $0xffff, v31  }
0xa9: {  	v28 =	vld [tilespmem:$0xE660];
	_ =	sdelay $0x5  }
0xaa: {  	v29 =	vadd.s32 v2, v29  }
0xab: {  	[tilespmem:$0x12850] =	vst v29  }
0xac: {  	v29 =	vld.idx.msk [tilespmem:v28+s21+$0x0], $0xffff  }
0xad: {  	v30 =	vld.idx.msk [tilespmem:v28+s13+$0x0], $0xffff  }
0xae: {  	v31 =	vld.idx.msk [tilespmem:v28+s14+$0x0], $0xffff;
	_ =	sdelay $0x2  }
0xaf: {  	v52 =	vshrl.u32 v29, $0x10  }
0xb0: {  	v53 =	vshrl.u32 v30, $0x10;
	v32 =	vand.u32 $0x1, v52  }
0xb1: {  	[tilespmem:$0xE060] =	vst v29;
	v54 =	vshrl.u32 v31, $0x10;
	v33 =	vand.u32 $0x1, v53;
	v32 =	vadd.s32 v32, v29  }
0xb2: {  	[tilespmem:$0xE160] =	vst v30;
	v34 =	vand.u32 $0x1, v54;
	v33 =	vadd.s32 v33, v30;
	v32 =	vadd.s32 $0x7FFF, v32  }
0xb3: {  	[tilespmem:$0xE260] =	vst v31;
	v34 =	vadd.s32 v34, v31;
	v33 =	vadd.s32 $0x7FFF, v33;
	v32 =	vand.u32 $0xFFFF0000, v32  }
0xb4: {  	v56 =	vadd.s32 $0x7FFF, v34;
	v55 =	vand.u32 $0xFFFF0000, v33;
	[tilespmem:$0xE360] =	vst v32  }
0xb5: {  	v57 =	vand.u32 $0xFFFF0000, v56;
	[tilespmem:$0xE460] =	vst v55  }
0xb6: {  	[tilespmem:$0xE560] =	vst v57  }
0xb7: {  	[tilespmem:v20+s16+$0x0] =	vst.idx.msk $0xffff, v29  }
0xb8: {  	[tilespmem:v21+s16+$0x0] =	vst.idx.msk $0xffff, v30  }
0xb9: {  	[tilespmem:v22+s16+$0x0] =	vst.idx.msk $0xffff, v31  }
0xba: {  	v29 =	vld [tilespmem:$0xE670];
	_ =	sdelay $0x5  }
0xbb: {  	v28 =	vadd.s32 v2, v28  }
0xbc: {  	[tilespmem:$0x12860] =	vst v28  }
0xbd: {  	v28 =	vld.idx.msk [tilespmem:v29+s21+$0x0], $0xffff  }
0xbe: {  	v30 =	vld.idx.msk [tilespmem:v29+s13+$0x0], $0xffff  }
0xbf: {  	v31 =	vld.idx.msk [tilespmem:v29+s14+$0x0], $0xffff;
	_ =	sdelay $0x2  }
0xc0: {  	v58 =	vshrl.u32 v28, $0x10  }
0xc1: {  	v59 =	vshrl.u32 v30, $0x10;
	v32 =	vand.u32 $0x1, v58  }
0xc2: {  	[tilespmem:$0xE070] =	vst v28;
	v60 =	vshrl.u32 v31, $0x10;
	v33 =	vand.u32 $0x1, v59;
	v32 =	vadd.s32 v32, v28  }
0xc3: {  	[tilespmem:$0xE170] =	vst v30;
	v34 =	vand.u32 $0x1, v60;
	v33 =	vadd.s32 v33, v30;
	v32 =	vadd.s32 $0x7FFF, v32  }
0xc4: {  	[tilespmem:$0xE270] =	vst v31;
	v34 =	vadd.s32 v34, v31;
	v33 =	vadd.s32 $0x7FFF, v33;
	v32 =	vand.u32 $0xFFFF0000, v32  }
0xc5: {  	v62 =	vadd.s32 $0x7FFF, v34;
	v61 =	vand.u32 $0xFFFF0000, v33;
	[tilespmem:$0xE370] =	vst v32  }
0xc6: {  	v63 =	vand.u32 $0xFFFF0000, v62;
	[tilespmem:$0xE470] =	vst v61  }
0xc7: {  	[tilespmem:$0xE570] =	vst v63  }
0xc8: {  	[tilespmem:v23+s16+$0x0] =	vst.idx.msk $0xffff, v28  }
0xc9: {  	[tilespmem:v24+s16+$0x0] =	vst.idx.msk $0xffff, v30  }
0xca: {  	v28 =	vadd.s32 v2, v29;
	[tilespmem:v25+s16+$0x0] =	vst.idx.msk $0xffff, v31  }
0xcb: {  	[tilespmem:$0x12870] =	vst v28  }
.LBB2_4:
0xcc: {  	s22 =	sand.u32 $0x70, s21  }
0xcd: {  	v28 =	vld [tilespmem:s22+$0xE000]  }
0xce: {  	v29 =	vld [tilespmem:s22+$0xE100]  }
0xcf: {  	s23 =	sand.u32 $0xF, s21;
	v31 =	vld [tilespmem:s22+$0xE200]  }
0xd0: {  	v30 =	vmov s23  }
0xd1: {  	vm1 =	veq.s32 v30, v0  }
0xd2: {  	v28 =	vnsel vm1, $0xFF61B1E6, v28  }
0xd3: {  	(xrf0) =	vmax.scan.msk.f32 $0xffff, v28;
	v28 =	vnsel vm1, $0xFF61B1E6, v29  }
0xd4: {  	(xrf0) =	vmax.scan.msk.f32 $0xffff, v28;
	v28 =	vnsel vm1, $0xFF61B1E6, v31  }
0xd5: {  	(xrf0) =	vmax.scan.msk.f32 $0xffff, v28;
	_ =	sdelay $0x3  }
0xd6: {  	v28, _, _ =	vpop (xrf0)  }
0xd7: {  	(v2sf) =	vpush v28, $0xF;
	v28, _, _ =	vpop (xrf0)  }
0xd8: {  	(v2sf) =	vpush v28, $0xF;
	v28, _, _ =	vpop (xrf0)  }
0xd9: {  	(v2sf) =	vpush v28, $0xF;
	_ =	sdelay $0x5  }
0xda: {  	v28 =	vld [tilespmem:s22+$0xE300]  }
0xdb: {  	v29 =	vld [tilespmem:s22+$0xE400]  }
0xdc: {  	v30 =	vld [tilespmem:s22+$0xE500];
	_ =	sdelay $0x2  }
0xdd: {  	v28 =	vnsel vm1, $0xFF61B1E6, v28  }
0xde: {  	(xrf0) =	vmax.scan.msk.f32 $0xffff, v28;
	v28 =	vnsel vm1, $0xFF61B1E6, v29  }
0xdf: {  	(xrf0) =	vmax.scan.msk.f32 $0xffff, v28;
	v28 =	vnsel vm1, $0xFF61B1E6, v30;
	s29 =	spop (v2sf)  }
0xe0: {  	(xrf0) =	vmax.scan.msk.f32 $0xffff, v28;
	s30 =	spop (v2sf);
	s22 =	smul.f32 s29, s29  }
0xe1: {  	s23 =	smul.f32 s30, s30;
	s24 =	spop (v2sf)  }
0xe2: {  	s31 =	smul.f32 s24, s24  }
.Ltmp1:
0xe3: {  	s22 =	sadd.f32 s23, s22;
	(pc) =	sbr.rel .LBB2_5-.Ltmp1, $4  }
0xe4: {  	v28, _, _ =	vpop (xrf0)  }
0xe5: {  	v31 =	vimm.f32 $3.000000010e+38;
	v29, _, _ =	vpop (xrf0);
	v32 =	vbroadcast v28, $0xF;
	s22 =	sadd.f32 s31, s22  }
0xe6: {  	v28 =	vimm.s32 $0x0;
	v30, _, _ =	vpop (xrf0);
	v33 =	vbroadcast v29, $0xF;
	v29 =	vimm.s32 $0x0  }
0xe7: {  	v34 =	vbroadcast v30, $0xF;
	v30 =	vimm.f32 $3.000000010e+38;
	s24 =	simm.f32 $3.000000010e+38;
	v35 =	vmov s22;
	s22 =	simm.s32 $0x0  }
.LBB2_30:
0xe8: {  	s22 =	sadd.s32 $0x1, s22  }
0xe9: {  	p0 =	seq.s32 s22, $0x40  }
.Ltmp2:
0xea: {  	_ = 	snop;
	(pc) =	sbr.rel @p0 .LBB2_31-.Ltmp2, $1  }
0xeb: {  	_ =	sdelay $0x3  }
.LBB2_5:
0xec: {  	s23 =	sshll.u32 s22, $0x7  }
0xed: {  	v36 =	vld [tilespmem:s23+$0x6000]  }
0xee: {  	v37 =	vld [tilespmem:s23+$0x8000]  }
0xef: {  	v38 =	vld [tilespmem:s23+$0xA000]  }
0xf0: {  	v39 =	vld [tilespmem:s23+$0x6010]  }
0xf1: {  	v40 =	vld [tilespmem:s23+$0x8010]  }
0xf2: {  	v41 =	vld [tilespmem:s23+$0xA010]  }
0xf3: {  	v42 =	vld [tilespmem:s23+$0xC010]  }
0xf4: {  	v43 =	vld [tilespmem:s23+$0x6020]  }
0xf5: {  	v44 =	vld [tilespmem:s23+$0x8020]  }
0xf6: {  	v45 =	vld [tilespmem:s23+$0xA020]  }
0xf7: {  	v46 =	vld [tilespmem:s23+$0xC020]  }
0xf8: {  	v47 =	vld [tilespmem:s23+$0x6030]  }
0xf9: {  	v48 =	vld [tilespmem:s23+$0x8030]  }
0xfa: {  	v49 =	vld [tilespmem:s23+$0xA030]  }
0xfb: {  	v50 =	vld [tilespmem:s23+$0xC030];
	v39 =	vmul.f32 v39, v32;
	v40 =	vmul.f32 v40, v33  }
0xfc: {  	v63 =	vld [tilespmem:s23+$0xA050];
	v43 =	vmul.f32 v43, v32;
	v44 =	vmul.f32 v44, v33  }
0xfd: {  	v55 =	vld [tilespmem:s23+$0x6060];
	v56 =	vmul.f32 v41, v34;
	v57 =	vmul.f32 v45, v34  }
0xfe: {  	v41 =	vld [tilespmem:s23+$0x6040];
	v36 =	vmul.f32 v36, v32;
	v37 =	vmul.f32 v37, v33  }
0xff: {  	v45 =	vld [tilespmem:s23+$0x8040];
	v58 =	vmul.f32 v47, v32;
	v59 =	vmul.f32 v48, v33;
	v39 =	vadd.f32 v40, v39  }
0x100: {  	v48 =	vld [tilespmem:s23+$0x6050];
	v60 =	vmul.f32 v38, v34;
	v43 =	vadd.f32 v44, v43;
	v36 =	vadd.f32 v37, v36  }
0x101: {  	v62 =	vmul.f32 v49, v34;
	v40 =	vld [tilespmem:s23+$0xA040];
	v44 =	vadd.f32 v59, v58;
	v39 =	vadd.f32 v56, v39  }
0x102: {  	v43 =	vadd.f32 v57, v43;
	v36 =	vadd.f32 v60, v36;
	v56 =	vld [tilespmem:s23+$0x8060]  }
0x103: {  	v49 =	vmul.f32 v63, v34;
	v44 =	vadd.f32 v62, v44;
	v61 =	vadd.f32 v39, v39;
	v39 =	vld [tilespmem:s23+$0x8050]  }
0x104: {  	v62 =	vld [tilespmem:s23+$0x8070];
	v57 =	vmul.f32 v41, v32;
	v58 =	vmul.f32 v45, v33;
	v43 =	vadd.f32 v43, v43  }
0x105: {  	v38 =	vmul.f32 v55, v32;
	v60 =	vld [tilespmem:s23+$0x6070];
	v44 =	vadd.f32 v44, v44;
	v36 =	vadd.f32 v36, v36  }
0x106: {  	v59 =	vld [tilespmem:s23+$0xA060];
	v37 =	vadd.f32 v58, v57;
	v40 =	vmul.f32 v40, v34;
	v54 =	vsub.f32 v35, v61  }
0x107: {  	v63 =	vld [tilespmem:s23+$0xA070];
	v51 =	vsub.f32 v35, v43;
	v61 =	vmul.f32 v48, v32;
	v44 =	vsub.f32 v35, v44  }
0x108: {  	v47 =	vmul.f32 v56, v33;
	v37 =	vadd.f32 v40, v37;
	v39 =	vmul.f32 v39, v33  }
0x109: {  	v55 =	vmul.f32 v62, v33;
	v43 =	vadd.f32 v54, v42;
	v42 =	vadd.f32 v51, v46  }
0x10a: {  	v41 =	vadd.f32 v44, v50;
	v46 =	vmul.f32 v60, v32;
	v39 =	vadd.f32 v39, v61  }
0x10b: {  	v53 =	vmul.f32 v59, v34;
	v38 =	vadd.f32 v47, v38;
	v37 =	vadd.f32 v37, v37  }
0x10c: {  	v52 =	vld [tilespmem:s23+$0xC040];
	v57 =	vmul.f32 v63, v34;
	v56 =	vadd.f32 v55, v46;
	v39 =	vadd.f32 v49, v39  }
0x10d: {  	v54 =	vld [tilespmem:s23+$0xC050];
	v38 =	vadd.f32 v53, v38;
	v37 =	vsub.f32 v35, v37  }
0x10e: {  	v58 =	vld [tilespmem:s23+$0xC060];
	v44 =	vadd.f32 v57, v56;
	v39 =	vadd.f32 v39, v39  }
0x10f: {  	v59 =	vld [tilespmem:s23+$0xC070];
	vm1 =	vlt.f32 v43, s24;
	v61 =	vsub.f32 v35, v36;
	v38 =	vadd.f32 v38, v38  }
0x110: {  	v60 =	vld [tilespmem:s23+$0xC000];
	vm2 =	vlt.f32 v42, s24;
	v62 =	vadd.f32 v44, v44;
	v39 =	vsub.f32 v35, v39  }
0x111: {  	vm1 =	vmor vm1, vm2;
	v40 =	vadd.f32 v37, v52;
	v38 =	vsub.f32 v35, v38  }
0x112: {  	vm2 =	vlt.f32 v41, s24;
	v36 =	vsub.f32 v35, v62;
	v39 =	vadd.f32 v39, v54  }
0x113: {  	vm1 =	vmor vm1, vm2;
	vm2 =	vlt.f32 v40, s24;
	v37 =	vadd.f32 v38, v58  }
0x114: {  	vm1 =	vmor vm1, vm2;
	v36 =	vadd.f32 v36, v59;
	vm2 =	vlt.f32 v39, s24  }
0x115: {  	v45 =	vadd.f32 v61, v60;
	vm1 =	vmor vm1, vm2;
	vm2 =	vlt.f32 v37, s24  }
0x116: {  	vm3 =	vlt.f32 v36, s24;
	vm2 =	vmor vm1, vm2  }
0x117: {  	vm1 =	vlt.f32 v45, s24;
	vm2 =	vmor vm2, vm3  }
0x118: {  	vm2 =	vmor vm1, vm2  }
0x119: {  	v63 =	vsel vm2, $0x3F800000, v26  }
0x11a: {  	(xrf0) =	vmax.scan.msk.f32 $0xffff, v63;
	_ =	sdelay $0x5  }
0x11b: {  	v38, _, _ =	vpop (xrf0)  }
0x11c: {  	(v2sf) =	vpush v38, $0xF;
	_ =	sdelay $0xe  }
0x11d: {  	s25 =	spop (v2sf)  }
0x11e: {  	p0 =	sgt.f32 s25, $0.0e+00  }
.Ltmp3:
0x11f: {  	_ = 	snop;
	(pc) =	sbr.rel @!p0 .LBB2_30-.Ltmp3, $1  }
0x120: {  	_ =	sdelay $0x3  }
0x121: {  	v44 =	vmov s24  }
0x122: {  	vm2 =	vlt.f32 v45, v44  }
0x123: {  	v38 =	vsel vm2, $0x3F800000, v26  }
0x124: {  	(xrf0) =	vmax.scan.msk.f32 $0xffff, v38;
	_ =	sdelay $0x5  }
0x125: {  	v38, _, _ =	vpop (xrf0)  }
0x126: {  	(v2sf) =	vpush v38, $0xF;
	_ =	sdelay $0xe  }
0x127: {  	s25 =	spop (v2sf)  }
0x128: {  	p0 =	sgt.f32 s25, $0.0e+00  }
.Ltmp4:
0x129: {  	_ = 	snop;
	(pc) =	sbr.rel @!p0 .LBB2_9-.Ltmp4, $2  }
0x12a: {  	_ =	sdelay $0x2  }
0x12b: {  	v38 =	vor.u32 $0x80000000, v0  }
0x12c: {  	v46 =	vor.u32 s23, v38  }
.LBB2_8:
0x12d: {  	v44 =	vmctz.xlane vm1;
	_ =	sdelay $0x1  }
0x12e: {  	vm2 =	vne.s32 v44, v0  }
0x12f: {  	v44 =	vsel vm2, $0xFF61B1E6, v45  }
0x130: {  	vm3 =	veq.f32 v31, s24;
	v56 =	vsel vm2, $0x7FFFFFFF, v46;
	(xrf0) =	vmax.scan.msk.f32 $0xffff, v44  }
0x131: {  	v57 =	vsel vm3, $0x3F800000, v26;
	(xrf0) =	vmax.scan.msk.u32 $0xffff, v56  }
0x132: {  	(xrf0) =	vmax.scan.msk.f32 $0xffff, v57;
	_ =	sdelay $0x3  }
0x133: {  	v58, _, _ =	vpop (xrf0)  }
0x134: {  	v47, _, _ =	vpop (xrf0)  }
0x135: {  	(v2sf) =	vpush v47, $0xF;
	v59, _, _ =	vpop (xrf0)  }
0x136: {  	(v2sf) =	vpush v59, $0xF;
	_ =	sdelay $0xd  }
0x137: {  	s25 =	spop (v2sf)  }
0x138: {  	v60 =	vmctz.xlane vm3;
	vm3 =	veq.f32 v30, s24;
	s26 =	spop (v2sf)  }
0x139: {  	v48 =	vmctz.xlane vm3;
	p0 =	sgt.f32 s26, $0.0e+00  }
0x13a: {  	vm5 =	vmmov vm0  }
0x13b: {  	vm3 =	vmmov vm0;
	vm4 =	veq.s32 v60, v0;
	vm6 =	veq.s32 v48, v0;
	p1 =	por !p0, !p0  }
0x13c: {  	v44 =	vbroadcast v58, $0xF;
	vm3 =	vmneg @p0 vm3;
	vm5 =	vmneg @p1 vm5  }
0x13d: {  	vm3 =	vmand vm3, vm4;
	vm14 =	vmand vm5, vm6  }
0x13e: {  	v31 =	vsel vm3, v44, v31;
	v30 =	vsel vm14, v44, v30  }
0x13f: {  	v44 =	vmax.f32 v31, v30  }
0x140: {  	(xrf0) =	vmax.scan.msk.f32 $0xffff, v44;
	_ =	sdelay $0x5  }
0x141: {  	v61, _, _ =	vpop (xrf0)  }
0x142: {  	v44 =	vbroadcast v61, $0xF;
	_ =	sdelay $0x1  }
0x143: {  	vm15 =	vlt.f32 v45, v44  }
0x144: {  	vm2 =	vmand vm2, vm15  }
0x145: {  	vm1 =	vmand vm1, vm2  }
0x146: {  	v62 =	vsel vm1, $0x3F800000, v26  }
0x147: {  	(xrf0) =	vmax.scan.msk.f32 $0xffff, v62;
	_ =	sdelay $0x5  }
0x148: {  	(v2sf) =	vpush v61, $0xF;
	v63, _, _ =	vpop (xrf0)  }
0x149: {  	(v2sf) =	vpush v63, $0xF;
	_ =	sdelay $0xd  }
0x14a: {  	s24 =	spop (v2sf)  }
0x14b: {  	s31 =	spop (v2sf)  }
0x14c: {  	p0 =	sgt.f32 s31, $0.0e+00  }
.Ltmp5:
0x14d: {  	_ = 	snop;
	(pc) =	sbr.rel @p0 .LBB2_8-.Ltmp5, $3  }
0x14e: {  	_ =	sdelay $0x1  }
0x14f: {  	s25 =	sxor.u32 $0x80000000, s25  }
0x150: {  	v29 =	vsel vm3, s25, v29;
	v28 =	vsel vm14, s25, v28  }
.LBB2_9:
0x151: {  	vm1 =	vlt.f32 v43, v44  }
0x152: {  	v45 =	vsel vm1, $0x3F800000, v26  }
0x153: {  	(xrf0) =	vmax.scan.msk.f32 $0xffff, v45;
	_ =	sdelay $0x5  }
0x154: {  	v45, _, _ =	vpop (xrf0)  }
0x155: {  	(v2sf) =	vpush v45, $0xF;
	_ =	sdelay $0xe  }
0x156: {  	s25 =	spop (v2sf)  }
0x157: {  	p0 =	sgt.f32 s25, $0.0e+00  }
.Ltmp6:
0x158: {  	_ = 	snop;
	(pc) =	sbr.rel @!p0 .LBB2_12-.Ltmp6, $1  }
0x159: {  	_ =	sdelay $0x3  }
0x15a: {  	s25 =	sor.u32 $0x10, s23  }
0x15b: {  	v45 =	vor.u32 s25, v38  }
.LBB2_11:
0x15c: {  	v44 =	vmctz.xlane vm1;
	_ =	sdelay $0x1  }
0x15d: {  	vm2 =	vne.s32 v44, v0  }
0x15e: {  	v44 =	vsel vm2, $0xFF61B1E6, v43  }
0x15f: {  	vm3 =	veq.f32 v31, s24;
	v56 =	vsel vm2, $0x7FFFFFFF, v45;
	(xrf0) =	vmax.scan.msk.f32 $0xffff, v44  }
0x160: {  	v57 =	vsel vm3, $0x3F800000, v26;
	(xrf0) =	vmax.scan.msk.u32 $0xffff, v56  }
0x161: {  	(xrf0) =	vmax.scan.msk.f32 $0xffff, v57;
	_ =	sdelay $0x3  }
0x162: {  	v58, _, _ =	vpop (xrf0)  }
0x163: {  	v46, _, _ =	vpop (xrf0)  }
0x164: {  	(v2sf) =	vpush v46, $0xF;
	v59, _, _ =	vpop (xrf0)  }
0x165: {  	(v2sf) =	vpush v59, $0xF;
	_ =	sdelay $0xd  }
0x166: {  	s25 =	spop (v2sf)  }
0x167: {  	v60 =	vmctz.xlane vm3;
	vm3 =	veq.f32 v30, s24;
	s26 =	spop (v2sf)  }
0x168: {  	v47 =	vmctz.xlane vm3;
	p0 =	sgt.f32 s26, $0.0e+00  }
0x169: {  	vm5 =	vmmov vm0  }
0x16a: {  	vm3 =	vmmov vm0;
	vm4 =	veq.s32 v60, v0;
	vm6 =	veq.s32 v47, v0;
	p1 =	por !p0, !p0  }
0x16b: {  	v44 =	vbroadcast v58, $0xF;
	vm3 =	vmneg @p0 vm3;
	vm5 =	vmneg @p1 vm5  }
0x16c: {  	vm3 =	vmand vm3, vm4;
	vm14 =	vmand vm5, vm6  }
0x16d: {  	v31 =	vsel vm3, v44, v31;
	v30 =	vsel vm14, v44, v30  }
0x16e: {  	v44 =	vmax.f32 v31, v30  }
0x16f: {  	(xrf0) =	vmax.scan.msk.f32 $0xffff, v44;
	_ =	sdelay $0x5  }
0x170: {  	v61, _, _ =	vpop (xrf0)  }
0x171: {  	v44 =	vbroadcast v61, $0xF;
	_ =	sdelay $0x1  }
0x172: {  	vm15 =	vlt.f32 v43, v44  }
0x173: {  	vm2 =	vmand vm2, vm15  }
0x174: {  	vm1 =	vmand vm1, vm2  }
0x175: {  	v62 =	vsel vm1, $0x3F800000, v26  }
0x176: {  	(xrf0) =	vmax.scan.msk.f32 $0xffff, v62;
	_ =	sdelay $0x5  }
0x177: {  	(v2sf) =	vpush v61, $0xF;
	v63, _, _ =	vpop (xrf0)  }
0x178: {  	(v2sf) =	vpush v63, $0xF;
	_ =	sdelay $0xd  }
0x179: {  	s24 =	spop (v2sf)  }
0x17a: {  	s31 =	spop (v2sf)  }
0x17b: {  	p0 =	sgt.f32 s31, $0.0e+00  }
.Ltmp7:
0x17c: {  	_ = 	snop;
	(pc) =	sbr.rel @p0 .LBB2_11-.Ltmp7, $3  }
0x17d: {  	_ =	sdelay $0x1  }
0x17e: {  	s25 =	sxor.u32 $0x80000000, s25  }
0x17f: {  	v29 =	vsel vm3, s25, v29;
	v28 =	vsel vm14, s25, v28  }
.LBB2_12:
0x180: {  	vm1 =	vlt.f32 v42, v44  }
0x181: {  	v43 =	vsel vm1, $0x3F800000, v26  }
0x182: {  	(xrf0) =	vmax.scan.msk.f32 $0xffff, v43;
	_ =	sdelay $0x5  }
0x183: {  	v43, _, _ =	vpop (xrf0)  }
0x184: {  	(v2sf) =	vpush v43, $0xF;
	_ =	sdelay $0xe  }
0x185: {  	s25 =	spop (v2sf)  }
0x186: {  	p0 =	sgt.f32 s25, $0.0e+00  }
.Ltmp8:
0x187: {  	_ = 	snop;
	(pc) =	sbr.rel @!p0 .LBB2_15-.Ltmp8, $1  }
0x188: {  	_ =	sdelay $0x3  }
0x189: {  	s25 =	sor.u32 $0x20, s23  }
0x18a: {  	v43 =	vor.u32 s25, v38  }
.LBB2_14:
0x18b: {  	v44 =	vmctz.xlane vm1;
	_ =	sdelay $0x1  }
0x18c: {  	vm2 =	vne.s32 v44, v0  }
0x18d: {  	v44 =	vsel vm2, $0xFF61B1E6, v42  }
0x18e: {  	vm3 =	veq.f32 v31, s24;
	v56 =	vsel vm2, $0x7FFFFFFF, v43;
	(xrf0) =	vmax.scan.msk.f32 $0xffff, v44  }
0x18f: {  	v57 =	vsel vm3, $0x3F800000, v26;
	(xrf0) =	vmax.scan.msk.u32 $0xffff, v56  }
0x190: {  	(xrf0) =	vmax.scan.msk.f32 $0xffff, v57;
	_ =	sdelay $0x3  }
0x191: {  	v58, _, _ =	vpop (xrf0)  }
0x192: {  	v45, _, _ =	vpop (xrf0)  }
0x193: {  	(v2sf) =	vpush v45, $0xF;
	v59, _, _ =	vpop (xrf0)  }
0x194: {  	(v2sf) =	vpush v59, $0xF;
	_ =	sdelay $0xd  }
0x195: {  	s25 =	spop (v2sf)  }
0x196: {  	v60 =	vmctz.xlane vm3;
	vm3 =	veq.f32 v30, s24;
	s26 =	spop (v2sf)  }
0x197: {  	v46 =	vmctz.xlane vm3;
	p0 =	sgt.f32 s26, $0.0e+00  }
0x198: {  	vm5 =	vmmov vm0  }
0x199: {  	vm3 =	vmmov vm0;
	vm4 =	veq.s32 v60, v0;
	vm6 =	veq.s32 v46, v0;
	p1 =	por !p0, !p0  }
0x19a: {  	v44 =	vbroadcast v58, $0xF;
	vm3 =	vmneg @p0 vm3;
	vm5 =	vmneg @p1 vm5  }
0x19b: {  	vm3 =	vmand vm3, vm4;
	vm14 =	vmand vm5, vm6  }
0x19c: {  	v31 =	vsel vm3, v44, v31;
	v30 =	vsel vm14, v44, v30  }
0x19d: {  	v44 =	vmax.f32 v31, v30  }
0x19e: {  	(xrf0) =	vmax.scan.msk.f32 $0xffff, v44;
	_ =	sdelay $0x5  }
0x19f: {  	v61, _, _ =	vpop (xrf0)  }
0x1a0: {  	v44 =	vbroadcast v61, $0xF;
	_ =	sdelay $0x1  }
0x1a1: {  	vm15 =	vlt.f32 v42, v44  }
0x1a2: {  	vm2 =	vmand vm2, vm15  }
0x1a3: {  	vm1 =	vmand vm1, vm2  }
0x1a4: {  	v62 =	vsel vm1, $0x3F800000, v26  }
0x1a5: {  	(xrf0) =	vmax.scan.msk.f32 $0xffff, v62;
	_ =	sdelay $0x5  }
0x1a6: {  	(v2sf) =	vpush v61, $0xF;
	v63, _, _ =	vpop (xrf0)  }
0x1a7: {  	(v2sf) =	vpush v63, $0xF;
	_ =	sdelay $0xd  }
0x1a8: {  	s24 =	spop (v2sf)  }
0x1a9: {  	s31 =	spop (v2sf)  }
0x1aa: {  	p0 =	sgt.f32 s31, $0.0e+00  }
.Ltmp9:
0x1ab: {  	_ = 	snop;
	(pc) =	sbr.rel @p0 .LBB2_14-.Ltmp9, $3  }
0x1ac: {  	_ =	sdelay $0x1  }
0x1ad: {  	s25 =	sxor.u32 $0x80000000, s25  }
0x1ae: {  	v29 =	vsel vm3, s25, v29;
	v28 =	vsel vm14, s25, v28  }
.LBB2_15:
0x1af: {  	vm1 =	vlt.f32 v41, v44  }
0x1b0: {  	v42 =	vsel vm1, $0x3F800000, v26  }
0x1b1: {  	(xrf0) =	vmax.scan.msk.f32 $0xffff, v42;
	_ =	sdelay $0x5  }
0x1b2: {  	v42, _, _ =	vpop (xrf0)  }
0x1b3: {  	(v2sf) =	vpush v42, $0xF;
	_ =	sdelay $0xe  }
0x1b4: {  	s25 =	spop (v2sf)  }
0x1b5: {  	p0 =	sgt.f32 s25, $0.0e+00  }
.Ltmp10:
0x1b6: {  	_ = 	snop;
	(pc) =	sbr.rel @!p0 .LBB2_18-.Ltmp10, $1  }
0x1b7: {  	_ =	sdelay $0x3  }
0x1b8: {  	s25 =	sor.u32 $0x30, s23  }
0x1b9: {  	v42 =	vor.u32 s25, v38  }
.LBB2_17:
0x1ba: {  	v43 =	vmctz.xlane vm1;
	_ =	sdelay $0x1  }
0x1bb: {  	vm2 =	vne.s32 v43, v0  }
0x1bc: {  	v43 =	vsel vm2, $0xFF61B1E6, v41  }
0x1bd: {  	vm3 =	veq.f32 v31, s24;
	v57 =	vsel vm2, $0x7FFFFFFF, v42;
	(xrf0) =	vmax.scan.msk.f32 $0xffff, v43  }
0x1be: {  	v58 =	vsel vm3, $0x3F800000, v26;
	(xrf0) =	vmax.scan.msk.u32 $0xffff, v57  }
0x1bf: {  	(xrf0) =	vmax.scan.msk.f32 $0xffff, v58;
	_ =	sdelay $0x3  }
0x1c0: {  	v59, _, _ =	vpop (xrf0)  }
0x1c1: {  	v44, _, _ =	vpop (xrf0)  }
0x1c2: {  	(v2sf) =	vpush v44, $0xF;
	v60, _, _ =	vpop (xrf0)  }
0x1c3: {  	(v2sf) =	vpush v60, $0xF;
	_ =	sdelay $0xd  }
0x1c4: {  	s25 =	spop (v2sf)  }
0x1c5: {  	v61 =	vmctz.xlane vm3;
	vm3 =	veq.f32 v30, s24;
	s26 =	spop (v2sf)  }
0x1c6: {  	v45 =	vmctz.xlane vm3;
	p0 =	sgt.f32 s26, $0.0e+00  }
0x1c7: {  	vm5 =	vmmov vm0  }
0x1c8: {  	vm3 =	vmmov vm0;
	vm4 =	veq.s32 v61, v0;
	vm6 =	veq.s32 v45, v0;
	p1 =	por !p0, !p0  }
0x1c9: {  	v43 =	vbroadcast v59, $0xF;
	vm3 =	vmneg @p0 vm3;
	vm5 =	vmneg @p1 vm5  }
0x1ca: {  	vm3 =	vmand vm3, vm4;
	vm14 =	vmand vm5, vm6  }
0x1cb: {  	v31 =	vsel vm3, v43, v31;
	v30 =	vsel vm14, v43, v30  }
0x1cc: {  	v43 =	vmax.f32 v31, v30  }
0x1cd: {  	(xrf0) =	vmax.scan.msk.f32 $0xffff, v43;
	_ =	sdelay $0x5  }
0x1ce: {  	v43, _, _ =	vpop (xrf0)  }
0x1cf: {  	v44 =	vbroadcast v43, $0xF;
	_ =	sdelay $0x1  }
0x1d0: {  	vm15 =	vlt.f32 v41, v44  }
0x1d1: {  	vm2 =	vmand vm2, vm15  }
0x1d2: {  	vm1 =	vmand vm1, vm2  }
0x1d3: {  	v62 =	vsel vm1, $0x3F800000, v26  }
0x1d4: {  	(xrf0) =	vmax.scan.msk.f32 $0xffff, v62;
	_ =	sdelay $0x5  }
0x1d5: {  	(v2sf) =	vpush v43, $0xF;
	v63, _, _ =	vpop (xrf0)  }
0x1d6: {  	(v2sf) =	vpush v63, $0xF;
	_ =	sdelay $0xd  }
0x1d7: {  	s24 =	spop (v2sf)  }
0x1d8: {  	s31 =	spop (v2sf)  }
0x1d9: {  	p0 =	sgt.f32 s31, $0.0e+00  }
.Ltmp11:
0x1da: {  	_ = 	snop;
	(pc) =	sbr.rel @p0 .LBB2_17-.Ltmp11, $3  }
0x1db: {  	_ =	sdelay $0x1  }
0x1dc: {  	s25 =	sxor.u32 $0x80000000, s25  }
0x1dd: {  	v29 =	vsel vm3, s25, v29;
	v28 =	vsel vm14, s25, v28  }
.LBB2_18:
0x1de: {  	vm1 =	vlt.f32 v40, v44  }
0x1df: {  	v41 =	vsel vm1, $0x3F800000, v26  }
0x1e0: {  	(xrf0) =	vmax.scan.msk.f32 $0xffff, v41;
	_ =	sdelay $0x5  }
0x1e1: {  	v41, _, _ =	vpop (xrf0)  }
0x1e2: {  	(v2sf) =	vpush v41, $0xF;
	_ =	sdelay $0xe  }
0x1e3: {  	s25 =	spop (v2sf)  }
0x1e4: {  	p0 =	sgt.f32 s25, $0.0e+00  }
.Ltmp12:
0x1e5: {  	_ = 	snop;
	(pc) =	sbr.rel @!p0 .LBB2_21-.Ltmp12, $1  }
0x1e6: {  	_ =	sdelay $0x3  }
0x1e7: {  	s25 =	sor.u32 $0x40, s23  }
0x1e8: {  	v41 =	vor.u32 s25, v38  }
.LBB2_20:
0x1e9: {  	v42 =	vmctz.xlane vm1;
	_ =	sdelay $0x1  }
0x1ea: {  	vm2 =	vne.s32 v42, v0  }
0x1eb: {  	v42 =	vsel vm2, $0xFF61B1E6, v40  }
0x1ec: {  	vm3 =	veq.f32 v31, s24;
	v57 =	vsel vm2, $0x7FFFFFFF, v41;
	(xrf0) =	vmax.scan.msk.f32 $0xffff, v42  }
0x1ed: {  	v58 =	vsel vm3, $0x3F800000, v26;
	(xrf0) =	vmax.scan.msk.u32 $0xffff, v57  }
0x1ee: {  	(xrf0) =	vmax.scan.msk.f32 $0xffff, v58;
	_ =	sdelay $0x3  }
0x1ef: {  	v59, _, _ =	vpop (xrf0)  }
0x1f0: {  	v43, _, _ =	vpop (xrf0)  }
0x1f1: {  	(v2sf) =	vpush v43, $0xF;
	v60, _, _ =	vpop (xrf0)  }
0x1f2: {  	(v2sf) =	vpush v60, $0xF;
	_ =	sdelay $0xd  }
0x1f3: {  	s25 =	spop (v2sf)  }
0x1f4: {  	v61 =	vmctz.xlane vm3;
	vm3 =	veq.f32 v30, s24;
	s26 =	spop (v2sf)  }
0x1f5: {  	v44 =	vmctz.xlane vm3;
	p0 =	sgt.f32 s26, $0.0e+00  }
0x1f6: {  	vm5 =	vmmov vm0  }
0x1f7: {  	vm3 =	vmmov vm0;
	vm4 =	veq.s32 v61, v0;
	vm6 =	veq.s32 v44, v0;
	p1 =	por !p0, !p0  }
0x1f8: {  	v42 =	vbroadcast v59, $0xF;
	vm3 =	vmneg @p0 vm3;
	vm5 =	vmneg @p1 vm5  }
0x1f9: {  	vm3 =	vmand vm3, vm4;
	vm14 =	vmand vm5, vm6  }
0x1fa: {  	v31 =	vsel vm3, v42, v31;
	v30 =	vsel vm14, v42, v30  }
0x1fb: {  	v42 =	vmax.f32 v31, v30  }
0x1fc: {  	(xrf0) =	vmax.scan.msk.f32 $0xffff, v42;
	_ =	sdelay $0x5  }
0x1fd: {  	v42, _, _ =	vpop (xrf0)  }
0x1fe: {  	v44 =	vbroadcast v42, $0xF;
	_ =	sdelay $0x1  }
0x1ff: {  	vm15 =	vlt.f32 v40, v44  }
0x200: {  	vm2 =	vmand vm2, vm15  }
0x201: {  	vm1 =	vmand vm1, vm2  }
0x202: {  	v62 =	vsel vm1, $0x3F800000, v26  }
0x203: {  	(xrf0) =	vmax.scan.msk.f32 $0xffff, v62;
	_ =	sdelay $0x5  }
0x204: {  	(v2sf) =	vpush v42, $0xF;
	v63, _, _ =	vpop (xrf0)  }
0x205: {  	(v2sf) =	vpush v63, $0xF;
	_ =	sdelay $0xd  }
0x206: {  	s24 =	spop (v2sf)  }
0x207: {  	s31 =	spop (v2sf)  }
0x208: {  	p0 =	sgt.f32 s31, $0.0e+00  }
.Ltmp13:
0x209: {  	_ = 	snop;
	(pc) =	sbr.rel @p0 .LBB2_20-.Ltmp13, $3  }
0x20a: {  	_ =	sdelay $0x1  }
0x20b: {  	s25 =	sxor.u32 $0x80000000, s25  }
0x20c: {  	v29 =	vsel vm3, s25, v29;
	v28 =	vsel vm14, s25, v28  }
.LBB2_21:
0x20d: {  	vm1 =	vlt.f32 v39, v44  }
0x20e: {  	v40 =	vsel vm1, $0x3F800000, v26  }
0x20f: {  	(xrf0) =	vmax.scan.msk.f32 $0xffff, v40;
	_ =	sdelay $0x5  }
0x210: {  	v40, _, _ =	vpop (xrf0)  }
0x211: {  	(v2sf) =	vpush v40, $0xF;
	_ =	sdelay $0xe  }
0x212: {  	s25 =	spop (v2sf)  }
0x213: {  	p0 =	sgt.f32 s25, $0.0e+00  }
.Ltmp14:
0x214: {  	_ = 	snop;
	(pc) =	sbr.rel @!p0 .LBB2_24-.Ltmp14, $1  }
0x215: {  	_ =	sdelay $0x3  }
0x216: {  	s25 =	sor.u32 $0x50, s23  }
0x217: {  	v40 =	vor.u32 s25, v38  }
.LBB2_23:
0x218: {  	v41 =	vmctz.xlane vm1;
	_ =	sdelay $0x1  }
0x219: {  	vm2 =	vne.s32 v41, v0  }
0x21a: {  	v41 =	vsel vm2, $0xFF61B1E6, v39  }
0x21b: {  	vm3 =	veq.f32 v31, s24;
	v57 =	vsel vm2, $0x7FFFFFFF, v40;
	(xrf0) =	vmax.scan.msk.f32 $0xffff, v41  }
0x21c: {  	v58 =	vsel vm3, $0x3F800000, v26;
	(xrf0) =	vmax.scan.msk.u32 $0xffff, v57  }
0x21d: {  	(xrf0) =	vmax.scan.msk.f32 $0xffff, v58;
	_ =	sdelay $0x3  }
0x21e: {  	v59, _, _ =	vpop (xrf0)  }
0x21f: {  	v42, _, _ =	vpop (xrf0)  }
0x220: {  	(v2sf) =	vpush v42, $0xF;
	v60, _, _ =	vpop (xrf0)  }
0x221: {  	(v2sf) =	vpush v60, $0xF;
	_ =	sdelay $0xd  }
0x222: {  	s25 =	spop (v2sf)  }
0x223: {  	v61 =	vmctz.xlane vm3;
	vm3 =	veq.f32 v30, s24;
	s26 =	spop (v2sf)  }
0x224: {  	v43 =	vmctz.xlane vm3;
	p0 =	sgt.f32 s26, $0.0e+00  }
0x225: {  	vm5 =	vmmov vm0  }
0x226: {  	vm3 =	vmmov vm0;
	vm4 =	veq.s32 v61, v0;
	vm6 =	veq.s32 v43, v0;
	p1 =	por !p0, !p0  }
0x227: {  	v41 =	vbroadcast v59, $0xF;
	vm3 =	vmneg @p0 vm3;
	vm5 =	vmneg @p1 vm5  }
0x228: {  	vm3 =	vmand vm3, vm4;
	vm14 =	vmand vm5, vm6  }
0x229: {  	v31 =	vsel vm3, v41, v31;
	v30 =	vsel vm14, v41, v30  }
0x22a: {  	v41 =	vmax.f32 v31, v30  }
0x22b: {  	(xrf0) =	vmax.scan.msk.f32 $0xffff, v41;
	_ =	sdelay $0x5  }
0x22c: {  	v41, _, _ =	vpop (xrf0)  }
0x22d: {  	v44 =	vbroadcast v41, $0xF;
	_ =	sdelay $0x1  }
0x22e: {  	vm15 =	vlt.f32 v39, v44  }
0x22f: {  	vm2 =	vmand vm2, vm15  }
0x230: {  	vm1 =	vmand vm1, vm2  }
0x231: {  	v62 =	vsel vm1, $0x3F800000, v26  }
0x232: {  	(xrf0) =	vmax.scan.msk.f32 $0xffff, v62;
	_ =	sdelay $0x5  }
0x233: {  	(v2sf) =	vpush v41, $0xF;
	v63, _, _ =	vpop (xrf0)  }
0x234: {  	(v2sf) =	vpush v63, $0xF;
	_ =	sdelay $0xd  }
0x235: {  	s24 =	spop (v2sf)  }
0x236: {  	s31 =	spop (v2sf)  }
0x237: {  	p0 =	sgt.f32 s31, $0.0e+00  }
.Ltmp15:
0x238: {  	_ = 	snop;
	(pc) =	sbr.rel @p0 .LBB2_23-.Ltmp15, $3  }
0x239: {  	_ =	sdelay $0x1  }
0x23a: {  	s25 =	sxor.u32 $0x80000000, s25  }
0x23b: {  	v29 =	vsel vm3, s25, v29;
	v28 =	vsel vm14, s25, v28  }
.LBB2_24:
0x23c: {  	vm1 =	vlt.f32 v37, v44  }
0x23d: {  	v39 =	vsel vm1, $0x3F800000, v26  }
0x23e: {  	(xrf0) =	vmax.scan.msk.f32 $0xffff, v39;
	_ =	sdelay $0x5  }
0x23f: {  	v39, _, _ =	vpop (xrf0)  }
0x240: {  	(v2sf) =	vpush v39, $0xF;
	_ =	sdelay $0xe  }
0x241: {  	s25 =	spop (v2sf)  }
0x242: {  	p0 =	sgt.f32 s25, $0.0e+00  }
.Ltmp16:
0x243: {  	_ = 	snop;
	(pc) =	sbr.rel @!p0 .LBB2_27-.Ltmp16, $1  }
0x244: {  	_ =	sdelay $0x3  }
0x245: {  	s25 =	sor.u32 $0x60, s23  }
0x246: {  	v39 =	vor.u32 s25, v38  }
.LBB2_26:
0x247: {  	v40 =	vmctz.xlane vm1;
	_ =	sdelay $0x1  }
0x248: {  	vm2 =	vne.s32 v40, v0  }
0x249: {  	v40 =	vsel vm2, $0xFF61B1E6, v37  }
0x24a: {  	vm3 =	veq.f32 v31, s24;
	v57 =	vsel vm2, $0x7FFFFFFF, v39;
	(xrf0) =	vmax.scan.msk.f32 $0xffff, v40  }
0x24b: {  	v58 =	vsel vm3, $0x3F800000, v26;
	(xrf0) =	vmax.scan.msk.u32 $0xffff, v57  }
0x24c: {  	(xrf0) =	vmax.scan.msk.f32 $0xffff, v58;
	_ =	sdelay $0x3  }
0x24d: {  	v59, _, _ =	vpop (xrf0)  }
0x24e: {  	v41, _, _ =	vpop (xrf0)  }
0x24f: {  	(v2sf) =	vpush v41, $0xF;
	v60, _, _ =	vpop (xrf0)  }
0x250: {  	(v2sf) =	vpush v60, $0xF;
	_ =	sdelay $0xd  }
0x251: {  	s25 =	spop (v2sf)  }
0x252: {  	v61 =	vmctz.xlane vm3;
	vm3 =	veq.f32 v30, s24;
	s26 =	spop (v2sf)  }
0x253: {  	v42 =	vmctz.xlane vm3;
	p0 =	sgt.f32 s26, $0.0e+00  }
0x254: {  	vm5 =	vmmov vm0  }
0x255: {  	vm3 =	vmmov vm0;
	vm4 =	veq.s32 v61, v0;
	vm6 =	veq.s32 v42, v0;
	p1 =	por !p0, !p0  }
0x256: {  	v40 =	vbroadcast v59, $0xF;
	vm3 =	vmneg @p0 vm3;
	vm5 =	vmneg @p1 vm5  }
0x257: {  	vm3 =	vmand vm3, vm4;
	vm14 =	vmand vm5, vm6  }
0x258: {  	v31 =	vsel vm3, v40, v31;
	v30 =	vsel vm14, v40, v30  }
0x259: {  	v40 =	vmax.f32 v31, v30  }
0x25a: {  	(xrf0) =	vmax.scan.msk.f32 $0xffff, v40;
	_ =	sdelay $0x5  }
0x25b: {  	v40, _, _ =	vpop (xrf0)  }
0x25c: {  	v44 =	vbroadcast v40, $0xF;
	_ =	sdelay $0x1  }
0x25d: {  	vm15 =	vlt.f32 v37, v44  }
0x25e: {  	vm2 =	vmand vm2, vm15  }
0x25f: {  	vm1 =	vmand vm1, vm2  }
0x260: {  	v62 =	vsel vm1, $0x3F800000, v26  }
0x261: {  	(xrf0) =	vmax.scan.msk.f32 $0xffff, v62;
	_ =	sdelay $0x5  }
0x262: {  	(v2sf) =	vpush v40, $0xF;
	v63, _, _ =	vpop (xrf0)  }
0x263: {  	(v2sf) =	vpush v63, $0xF;
	_ =	sdelay $0xd  }
0x264: {  	s24 =	spop (v2sf)  }
0x265: {  	s31 =	spop (v2sf)  }
0x266: {  	p0 =	sgt.f32 s31, $0.0e+00  }
.Ltmp17:
0x267: {  	_ = 	snop;
	(pc) =	sbr.rel @p0 .LBB2_26-.Ltmp17, $3  }
0x268: {  	_ =	sdelay $0x1  }
0x269: {  	s25 =	sxor.u32 $0x80000000, s25  }
0x26a: {  	v29 =	vsel vm3, s25, v29;
	v28 =	vsel vm14, s25, v28  }
.LBB2_27:
0x26b: {  	vm1 =	vlt.f32 v36, v44  }
0x26c: {  	v37 =	vsel vm1, $0x3F800000, v26  }
0x26d: {  	(xrf0) =	vmax.scan.msk.f32 $0xffff, v37;
	_ =	sdelay $0x5  }
0x26e: {  	v37, _, _ =	vpop (xrf0)  }
0x26f: {  	(v2sf) =	vpush v37, $0xF;
	_ =	sdelay $0xe  }
0x270: {  	s25 =	spop (v2sf)  }
0x271: {  	p0 =	sgt.f32 s25, $0.0e+00  }
.Ltmp18:
0x272: {  	_ = 	snop;
	(pc) =	sbr.rel @!p0 .LBB2_30-.Ltmp18, $1  }
0x273: {  	_ =	sdelay $0x3  }
0x274: {  	s23 =	sor.u32 $0x70, s23  }
0x275: {  	v37 =	vor.u32 s23, v38  }
.LBB2_29:
0x276: {  	v38 =	vmctz.xlane vm1;
	_ =	sdelay $0x1  }
0x277: {  	vm2 =	vne.s32 v38, v0  }
0x278: {  	v38 =	vsel vm2, $0xFF61B1E6, v36  }
0x279: {  	vm3 =	veq.f32 v31, s24;
	v56 =	vsel vm2, $0x7FFFFFFF, v37;
	(xrf0) =	vmax.scan.msk.f32 $0xffff, v38  }
0x27a: {  	v57 =	vsel vm3, $0x3F800000, v26;
	(xrf0) =	vmax.scan.msk.u32 $0xffff, v56  }
0x27b: {  	(xrf0) =	vmax.scan.msk.f32 $0xffff, v57;
	_ =	sdelay $0x3  }
0x27c: {  	v58, _, _ =	vpop (xrf0)  }
0x27d: {  	v39, _, _ =	vpop (xrf0)  }
0x27e: {  	(v2sf) =	vpush v39, $0xF;
	v59, _, _ =	vpop (xrf0)  }
0x27f: {  	(v2sf) =	vpush v59, $0xF;
	_ =	sdelay $0xd  }
0x280: {  	s23 =	spop (v2sf)  }
0x281: {  	v60 =	vmctz.xlane vm3;
	vm3 =	veq.f32 v30, s24;
	s25 =	spop (v2sf)  }
0x282: {  	v40 =	vmctz.xlane vm3;
	p0 =	sgt.f32 s25, $0.0e+00  }
0x283: {  	vm5 =	vmmov vm0  }
0x284: {  	vm3 =	vmmov vm0;
	vm4 =	veq.s32 v60, v0;
	vm6 =	veq.s32 v40, v0;
	p1 =	por !p0, !p0  }
0x285: {  	v38 =	vbroadcast v58, $0xF;
	vm3 =	vmneg @p0 vm3;
	vm5 =	vmneg @p1 vm5  }
0x286: {  	vm3 =	vmand vm3, vm4;
	vm14 =	vmand vm5, vm6  }
0x287: {  	v31 =	vsel vm3, v38, v31;
	v30 =	vsel vm14, v38, v30  }
0x288: {  	v38 =	vmax.f32 v31, v30  }
0x289: {  	(xrf0) =	vmax.scan.msk.f32 $0xffff, v38;
	_ =	sdelay $0x5  }
0x28a: {  	v38, _, _ =	vpop (xrf0)  }
0x28b: {  	v61 =	vbroadcast v38, $0xF;
	_ =	sdelay $0x1  }
0x28c: {  	vm15 =	vlt.f32 v36, v61  }
0x28d: {  	vm2 =	vmand vm2, vm15  }
0x28e: {  	vm1 =	vmand vm1, vm2  }
0x28f: {  	v62 =	vsel vm1, $0x3F800000, v26  }
0x290: {  	(xrf0) =	vmax.scan.msk.f32 $0xffff, v62;
	_ =	sdelay $0x5  }
0x291: {  	(v2sf) =	vpush v38, $0xF;
	v63, _, _ =	vpop (xrf0)  }
0x292: {  	(v2sf) =	vpush v63, $0xF;
	_ =	sdelay $0xd  }
0x293: {  	s24 =	spop (v2sf)  }
0x294: {  	s31 =	spop (v2sf)  }
0x295: {  	p0 =	sgt.f32 s31, $0.0e+00  }
.Ltmp19:
0x296: {  	_ = 	snop;
	(pc) =	sbr.rel @p0 .LBB2_29-.Ltmp19, $3  }
0x297: {  	_ =	sdelay $0x1  }
0x298: {  	s23 =	sxor.u32 $0x80000000, s23  }
0x299: {  	v29 =	vsel vm3, s23, v29;
	v28 =	vsel vm14, s23, v28  }
.Ltmp20:
0x29a: {  	_ = 	snop;
	(pc) =	sbr.rel .LBB2_30-.Ltmp20, $1  }
0x29b: {  	_ =	sdelay $0x3  }
.LBB2_31:
0x29c: {  	s22 =	simm.s32 $0x0  }
0x29d: {  	v35 =	vmov s22  }
0x29e: {  	v34 =	vxor.u32 $0x80000000, v28;
	vm1 =	veq.s32 v35, v0  }
0x29f: {  	v33 =	vxor.u32 $0x80000000, v29;
	v35 =	vnsel vm1, $0x7FFFFFFF, v34  }
0x2a0: {  	v36 =	vnsel vm1, $0x7FFFFFFF, v33;
	(xrf0) =	vmax.scan.msk.u32 $0xffff, v35  }
0x2a1: {  	(xrf0) =	vmax.scan.msk.u32 $0xffff, v36;
	_ =	sdelay $0x4  }
0x2a2: {  	v35, _, _ =	vpop (xrf0)  }
0x2a3: {  	v36, _, _ =	vpop (xrf0);
	(v2sf) =	vpush v35, $0xF  }
0x2a4: {  	(v2sf) =	vpush v36, $0xF;
	_ =	sdelay $0x1  }
0x2a5: {  	s29 =	simm.s32 $0x1;
	vm1 =	vmmov vm1  }
0x2a6: {  	v55 =	vmov s29;
	v56 =	vnsel vm1, $0xFF61B1E6, v30  }
0x2a7: {  	vm2 =	veq.s32 v55, v0;
	v57 =	vnsel vm1, $0xFF61B1E6, v31;
	(xrf0) =	vmax.scan.msk.f32 $0xffff, v56  }
0x2a8: {  	v58 =	vnsel vm2, $0x7FFFFFFF, v34;
	(xrf0) =	vmax.scan.msk.f32 $0xffff, v57  }
0x2a9: {  	v59 =	vnsel vm2, $0x7FFFFFFF, v33;
	(xrf0) =	vmax.scan.msk.u32 $0xffff, v58  }
0x2aa: {  	(xrf0) =	vmax.scan.msk.u32 $0xffff, v59;
	_ =	sdelay $0x1  }
0x2ab: {  	s30 =	simm.s32 $0x2  }
0x2ac: {  	v60 =	vmov s30;
	vm2 =	vmmov vm2;
	v38, _, _ =	vpop (xrf0)  }
0x2ad: {  	v32 =	vimm.s32 $0x0;
	vm1 =	veq.s32 v60, v0;
	v39 =	vnsel vm2, $0xFF61B1E6, v31;
	v61, _, _ =	vpop (xrf0)  }
0x2ae: {  	v40 =	vnsel vm2, $0xFF61B1E6, v30;
	v37 =	vnsel vm1, $0x7FFFFFFF, v34;
	v38 =	vbroadcast v38, $0xF;
	v41, _, _ =	vpop (xrf0)  }
0x2af: {  	v36 =	vnsel vm1, $0x7FFFFFFF, v33;
	v35 =	vbroadcast v61, $0xF;
	v42, _, _ =	vpop (xrf0);
	(v2sf) =	vpush v41, $0xF  }
0x2b0: {  	vm7 =	vlt.f32 v38, v31;
	vm9 =	veq.f32 v38, v31;
	s31 =	spop (v2sf);
	(v2sf) =	vpush v42, $0xF  }
0x2b1: {  	vm6 =	vlt.f32 v38, v30;
	vm12 =	veq.f32 v38, v30;
	vm2 =	vlt.f32 v35, v31;
	s23 =	spop (v2sf)  }
0x2b2: {  	vm4 =	veq.f32 v35, v31;
	vm3 =	vlt.f32 v35, v30;
	vm5 =	veq.f32 v35, v30;
	s22 =	sxor.u32 $0x80000000, s31;
	s23 =	sxor.u32 $0x80000000, s23  }
0x2b3: {  	v35 =	vimm.s32 $0x0;
	v63 =	vmov s22;
	v62 =	vmov s23  }
0x2b4: {  	(xrf0) =	vmax.scan.msk.f32 $0xffff, v40;
	vm11 =	vlt.s32 v63, v29;
	vm13 =	vlt.s32 v63, v28;
	vm8 =	vlt.s32 v62, v29  }
0x2b5: {  	(xrf0) =	vmax.scan.msk.f32 $0xffff, v39;
	s22 =	simm.s32 $0x3;
	vm10 =	vlt.s32 v62, v28;
	vm11 =	vmand vm9, vm11;
	vm9 =	vmand vm12, vm13  }
.LBB2_32:
0x2b6: {  	p0 =	sne.s32 s22, $0xF;
	(xrf0) =	vmax.scan.msk.u32 $0xffff, v37;
	vm4 =	vmand vm4, vm8;
	vm5 =	vmand vm5, vm10;
	vm7 =	vmor vm7, vm11  }
0x2b7: {  	(xrf0) =	vmax.scan.msk.u32 $0xffff, v36;
	vm2 =	vmor vm2, vm4;
	vm3 =	vmor vm3, vm5;
	vm4 =	vmor vm6, vm9  }
0x2b8: {  	v38 =	vsel vm7, $0x1, v27;
	v36 =	vsel vm2, $0x1, v27;
	v37 =	vsel vm3, $0x1, v27  }
0x2b9: {  	v40 =	vsel vm4, $0x1, v27;
	v32 =	vadd.s32 v36, v32;
	v35 =	vadd.s32 v37, v35  }
0x2ba: {  	v37 =	vmov s22;
	v39, _, _ =	vpop (xrf0);
	v32 =	vadd.s32 v38, v32;
	v35 =	vadd.s32 v40, v35  }
0x2bb: {  	vm2 =	vmmov vm1;
	vm1 =	veq.s32 v37, v0;
	v36, _, _ =	vpop (xrf0)  }
0x2bc: {  	v38 =	vnsel vm2, $0xFF61B1E6, v31;
	v40 =	vnsel vm2, $0xFF61B1E6, v30;
	v41, _, _ =	vpop (xrf0);
	v42 =	vbroadcast v36, $0xF  }
0x2bd: {  	v37 =	vnsel vm1, $0x7FFFFFFF, v34;
	v36 =	vnsel vm1, $0x7FFFFFFF, v33;
	v43, _, _ =	vpop (xrf0);
	(v2sf) =	vpush v41, $0xF  }
0x2be: {  	v39 =	vbroadcast v39, $0xF;
	(v2sf) =	vpush v43, $0xF;
	vm2 =	vlt.f32 v42, v31;
	s23 =	spop (v2sf)  }
.Ltmp21:
0x2bf: {  	vm4 =	veq.f32 v42, v31;
	vm3 =	vlt.f32 v42, v30;
	vm5 =	veq.f32 v42, v30;
	s24 =	spop (v2sf);
	(pc) =	sbr.rel @p0 .LBB2_32-.Ltmp21, $4  }
0x2c0: {  	vm7 =	vlt.f32 v39, v31;
	vm9 =	veq.f32 v39, v31;
	vm6 =	vlt.f32 v39, v30;
	s23 =	sxor.u32 $0x80000000, s23;
	s24 =	sxor.u32 $0x80000000, s24  }
0x2c1: {  	vm12 =	veq.f32 v39, v30;
	v42 =	vmov s23;
	v41 =	vmov s24  }
0x2c2: {  	vm11 =	vlt.s32 v42, v29;
	vm13 =	vlt.s32 v42, v28;
	(xrf0) =	vmax.scan.msk.f32 $0xffff, v40;
	vm8 =	vlt.s32 v41, v29  }
0x2c3: {  	s22 =	sadd.s32 $0x1, s22;
	vm10 =	vlt.s32 v41, v28;
	vm11 =	vmand vm9, vm11;
	vm9 =	vmand vm12, vm13;
	(xrf0) =	vmax.scan.msk.f32 $0xffff, v38  }
0x2c4: {  	(xrf0) =	vmax.scan.msk.u32 $0xffff, v37  }
0x2c5: {  	(xrf0) =	vmax.scan.msk.u32 $0xffff, v36;
	_ =	sdelay $0x2  }
0x2c6: {  	vm4 =	vmand vm4, vm8;
	v33, _, _ =	vpop (xrf0)  }
0x2c7: {  	vm5 =	vmand vm5, vm10;
	vm7 =	vmor vm7, vm11;
	vm15 =	vmor vm6, vm9;
	v34, _, _ =	vpop (xrf0)  }
0x2c8: {  	vm1 =	vmmov vm1;
	vm2 =	vmor vm2, vm4;
	vm3 =	vmor vm3, vm5;
	v57, _, _ =	vpop (xrf0)  }
0x2c9: {  	v60 =	vsel vm7, $0x1, v27;
	v63 =	vnsel vm1, $0xFF61B1E6, v30;
	v58, _, _ =	vpop (xrf0);
	(v2sf) =	vpush v57, $0xF  }
0x2ca: {  	v62 =	vnsel vm1, $0xFF61B1E6, v31;
	v59 =	vsel vm2, $0x1, v27;
	(xrf0) =	vmax.scan.msk.f32 $0xffff, v63;
	(v2sf) =	vpush v58, $0xF  }
0x2cb: {  	v38 =	vsel vm3, $0x1, v27;
	v32 =	vadd.s32 v59, v32;
	v33 =	vbroadcast v33, $0xF  }
0x2cc: {  	v61 =	vsel vm15, $0x1, v27;
	v35 =	vadd.s32 v38, v35;
	v32 =	vadd.s32 v60, v32;
	(xrf0) =	vmax.scan.msk.f32 $0xffff, v62  }
0x2cd: {  	v35 =	vadd.s32 v61, v35;
	v34 =	vbroadcast v34, $0xF;
	vm5 =	vlt.f32 v33, v31;
	s22 =	spop (v2sf)  }
0x2ce: {  	vm6 =	veq.f32 v33, v31;
	vm7 =	vlt.f32 v33, v30;
	vm8 =	veq.f32 v33, v30;
	s23 =	spop (v2sf)  }
0x2cf: {  	vm1 =	vlt.f32 v34, v31;
	vm2 =	veq.f32 v34, v31;
	vm3 =	vlt.f32 v34, v30;
	s22 =	sxor.u32 $0x80000000, s22;
	s23 =	sxor.u32 $0x80000000, s23  }
0x2d0: {  	vm4 =	veq.f32 v34, v30;
	v41 =	vmov s22;
	v42, _, _ =	vpop (xrf0);
	v40 =	vmov s23  }
0x2d1: {  	vm10 =	vlt.s32 v41, v29;
	vm11 =	vlt.s32 v41, v28;
	v33 =	vbroadcast v42, $0xF  }
0x2d2: {  	v46, _, _ =	vpop (xrf0);
	vm9 =	vlt.s32 v40, v29;
	vm12 =	vlt.s32 v40, v28;
	vm6 =	vmand vm6, vm10  }
0x2d3: {  	vm8 =	vmand vm8, vm11;
	v48 =	vbroadcast v46, $0xF;
	vm2 =	vmand vm2, vm9  }
0x2d4: {  	vm4 =	vmand vm4, vm12;
	vm5 =	vmor vm5, vm6;
	vm6 =	veq.f32 v33, v31  }
0x2d5: {  	vm1 =	vmor vm1, vm2;
	vm2 =	vmor vm3, vm4;
	vm3 =	vmor vm7, vm8  }
0x2d6: {  	v45 =	vsel vm5, $0x1, v27;
	vm4 =	veq.f32 v48, v30;
	vm5 =	vlt.f32 v33, v31  }
0x2d7: {  	vm7 =	vlt.f32 v33, v30;
	vm8 =	veq.f32 v33, v30;
	v43 =	vsel vm1, $0x1, v27  }
0x2d8: {  	v44 =	vsel vm2, $0x1, v27;
	v49 =	vsel vm3, $0x1, v27;
	vm1 =	vlt.f32 v48, v31;
	s29 =	spop (v2sf)  }
0x2d9: {  	vm2 =	veq.f32 v48, v31;
	vm3 =	vlt.f32 v48, v30;
	v32 =	vadd.s32 v43, v32;
	s30 =	spop (v2sf);
	s22 =	sxor.u32 $0x80000000, s29  }
0x2da: {  	v47 =	vadd.s32 v44, v35;
	v32 =	vadd.s32 v45, v32;
	s23 =	sxor.u32 $0x80000000, s30;
	v51 =	vmov s22  }
0x2db: {  	v34 =	vadd.s32 v49, v47;
	v50 =	vmov s23;
	vm10 =	vlt.s32 v51, v29  }
0x2dc: {  	vm11 =	vlt.s32 v51, v28;
	vm9 =	vlt.s32 v50, v29;
	vm12 =	vlt.s32 v50, v28  }
0x2dd: {  	vm6 =	vmand vm6, vm10;
	vm8 =	vmand vm8, vm11;
	vm2 =	vmand vm2, vm9  }
0x2de: {  	vm4 =	vmand vm4, vm12;
	vm5 =	vmor vm5, vm6;
	vm1 =	vmor vm1, vm2  }
0x2df: {  	vm2 =	vmor vm3, vm4;
	vm3 =	vmor vm7, vm8;
	v52 =	vsel vm1, $0x1, v27  }
0x2e0: {  	v54 =	vsel vm5, $0x1, v27;
	v53 =	vsel vm2, $0x1, v27;
	v30 =	vadd.s32 v52, v32  }
0x2e1: {  	s31 =	sshll.u32 s21, $0x5;
	v55 =	vsel vm3, $0x1, v27;
	v31 =	vadd.s32 v53, v34;
	v30 =	vadd.s32 v54, v30  }
0x2e2: {  	v31 =	vadd.s32 v55, v31;
	v30 =	vadd.s32 s31, v30  }
0x2e3: {  	v31 =	vadd.s32 s31, v31;
	_ =	sdelay $0x2  }
0x2e4: {  	v56 =	vadd.s32 v2, v29  }
0x2e5: {  	v57 =	vadd.s32 v2, v28;
	[tilespmem:v30+s17+$0x0] =	vst.idx.msk $0xffff, v56  }
0x2e6: {  	v30 =	vmul.u32 $0x3, v30;
	[tilespmem:v31+s17+$0x0] =	vst.idx.msk $0xffff, v57  }
0x2e7: {  	v32 =	vld.idx.msk [tilespmem:v29+s2+$0x0], $0xffff  }
0x2e8: {  	v58 =	vld.idx.msk [tilespmem:v29+s13+$0x0], $0xffff;
	v59 =	vadd.s32 $0x1, v30  }
0x2e9: {  	v29 =	vld.idx.msk [tilespmem:v29+s14+$0x0], $0xffff;
	v60 =	vadd.s32 $0x2, v30;
	_ =	sdelay $0x2  }
0x2ea: {  	[tilespmem:v30+s18+$0x0] =	vst.idx.msk $0xffff, v32  }
0x2eb: {  	[tilespmem:v59+s18+$0x0] =	vst.idx.msk $0xffff, v58  }
0x2ec: {  	[tilespmem:v60+s18+$0x0] =	vst.idx.msk $0xffff, v29;
	v29 =	vmul.u32 $0x3, v31  }
0x2ed: {  	v30 =	vld.idx.msk [tilespmem:v28+s2+$0x0], $0xffff  }
0x2ee: {  	s21 =	sadd.s32 $0x1, s21;
	v61 =	vld.idx.msk [tilespmem:v28+s13+$0x0], $0xffff;
	v62 =	vadd.s32 $0x1, v29  }
0x2ef: {  	p0 =	sne.s32 s21, $0x80;
	v28 =	vld.idx.msk [tilespmem:v28+s14+$0x0], $0xffff;
	v63 =	vadd.s32 $0x2, v29  }
.Ltmp22:
0x2f0: {  	_ = 	snop;
	(pc) =	sbr.rel @p0 .LBB2_4-.Ltmp22, $4  }
0x2f1: {  	_ = 	snop  }
0x2f2: {  	[tilespmem:v29+s18+$0x0] =	vst.idx.msk $0xffff, v30  }
0x2f3: {  	[tilespmem:v62+s18+$0x0] =	vst.idx.msk $0xffff, v61  }
0x2f4: {  	[tilespmem:v63+s18+$0x0] =	vst.idx.msk $0xffff, v28  }
0x2f5: {  	[hbm4b:s7+s2] =	stream.linear.scatter [tilespmem:s16], [sflag:$0x1], $0x180, $0x38;
	[tilespmem:$0x12880] =	vst v63  }
0x2f6: {  	_ =	swait.ge [sflag:s12], $0x180  }
0x2f7: {  	[sflag:s12] =	ssyncset.done $0x0  }
0x2f8: {  	[sflag:s12] =	ssyncadd.s32 $0xFFFFFE80  }
0x2f9: {  	[hbm4b:s8+s2] =	stream.linear.scatter [tilespmem:s17], [sflag:$0x1], $0x1000, $0x38;
	[tilespmem:$0x12880] =	vst v63  }
0x2fa: {  	_ =	swait.ge [sflag:s12], $0x1000  }
0x2fb: {  	[sflag:s12] =	ssyncset.done $0x0  }
0x2fc: {  	[sflag:s12] =	ssyncadd.s32 $0xFFFFF000  }
0x2fd: {  	[hbm4b:s9+s2] =	stream.linear.scatter [tilespmem:s18], [sflag:$0x1], $0x3000, $0x38;
	[tilespmem:$0x12880] =	vst v63  }
0x2fe: {  	s20 =	sadd.s32 $0x1, s20;
	_ =	swait.ge [sflag:s12], $0x3000  }
0x2ff: {  	p0 =	sne.s32 s20, s11;
	[sflag:s12] =	ssyncset.done $0x0  }
.Ltmp23:
0x300: {  	[sflag:s12] =	ssyncadd.s32 $0xFFFFD000;
	(pc) =	sbr.rel @p0 .LBB2_1-.Ltmp23, $4  }
0x301: {  	[hbm4b:s10+s2] =	stream.linear.scatter [tilespmem:s19], [sflag:$0x1], $0x80, $0x38;
	[tilespmem:$0x12880] =	vst v63  }
0x302: {  	_ =	swait.ge [sflag:s12], $0x80  }
0x303: {  	[sflag:s12] =	ssyncset.done $0x0  }
0x304: {  	[sflag:s12] =	ssyncadd.s32 $0xFFFFFF80  }
0x305: {  	_ =	sfence.sel $0x180000  }
0x306: {  	[bflag:$0x0] =	sbarrier.arrive $0xFFFF  }
0x307: {  	p0 =	sne.s32 s0, $0x0;
	_ =	strace $0x90000047  }
0x308: {  	s0 =	sadd.s32 @!p0 $0x100000, s1;
	[bflag:$0x2] =	sbarrier.arrive $0xFFFF  }
0x309: {  	[sflag:s0] =	ssyncadd.tile.s32 @!p0 $0x1;
	_ =	shalt  }
.Lfunc_end2:
_tile_overlayer_lowered:
.L_overlay_start_2:
0x30a: {  	(tag) =	ssettag $0x2  }
0x30b: {  	s0 =	rddreg [dreg:$0x0];
	s2 =	stileid.u32  }
0x30c: {  	s1 =	rddreg [dreg:$0x1];
	p0 =	sne.s32 s2, $0x0  }
0x30d: {  	s3 =	rddreg [dreg:$0x2];
	[bflag:$0x3] =	sbarrier.arrive $0xFFFF;
	s2 =	simm.s32 @!p0 $0x1C01  }
0x30e: {  	[timem:s3], [sflag:s2] =	dma.local @!p0 [hbm:s0], s1  }
0x30f: {  	s0 =	simm.s32 @!p0 $0x1  }
0x310: {  	_ =	swait.ge @!p0 [sflag:s0], s1  }
0x311: {  	s1 =	ssub.s32 @!p0 $0x0, s1;
	[sflag:s0] =	ssyncset.done @!p0 $0x0  }
0x312: {  	[sflag:s0] =	ssyncadd.s32 @!p0 s1  }
0x313: {  	[bflag:$0x3] =	sbarrier.arrive $0xFFFF  }
0x314: {  	_ =	shalt  }

// kernel: kernel.8.cloned.1.call-start
scs
__scs_entry_jumppad:
0x0: {  	(pc) =	sbr.rel $0x88, $3  }
0x1: {  	(tag) =	ssettag $0x0;
	lr =	simm.s32 $0x1  }
0x2: {  	[smem:$0x3F9F] =	sst lr;
	_ =	strace $0xD0000000  }
0x3: {  	_ = 	snop  }
0x4: {  	_ = 	snop  }
0x5: {  	_ = 	snop  }
0x6: {  	_ = 	snop  }
0x7: {  	_ = 	snop  }
__scs_overlays_trampoline_lowered:
0x8: {  	[smem:$0x3FAE] =	sst s0  }
0x9: {  	[smem:$0x3FAF] =	sst s1  }
0xa: {  	[smem:$0x3FB0] =	sst s2  }
0xb: {  	[smem:$0x3FB1] =	sst s3  }
0xc: {  	[smem:$0x3FB2] =	sst s4  }
0xd: {  	[smem:$0x3FB3] =	sst s5  }
0xe: {  	[smem:$0x3FB4] =	sst s6  }
0xf: {  	[smem:$0x3FB5] =	sst s7  }
0x10: {  	[smem:$0x3FB6] =	sst s8  }
0x11: {  	[smem:$0x3FB7] =	sst s9;
	s0 =	simm.s32 @!p0 $0x0  }
0x12: {  	s1 =	sld [smem:$0x3F9D];
	s0 =	simm.s32 @p0 $0x1  }
0x13: {  	[smem:$0x3FB8] =	sst s0;
	s0 =	simm.s32 @!p1 $0x0  }
0x14: {  	s2 =	sld [smem:$0x3F9C];
	s0 =	simm.s32 @p1 $0x1  }
0x15: {  	[smem:$0x3FB9] =	sst s0;
	s0 =	simm.s32 @!p2 $0x0  }
0x16: {  	s3 =	sld [smem:$0x3FDB];
	s0 =	simm.s32 @p2 $0x1  }
0x17: {  	s4 =	simm.s32 $0x1BF5;
	[smem:$0x3FBB] =	sst s0  }
0x18: {  	s0 =	sld [smem:$0x3F9E];
	_ =	swait.ge [sflag:s4], $0x0  }
0x19: {  	s7 =	sld [smem:$0x3F9F]  }
0x1a: {  	s8 =	sadd.s32 $0xFFFFE003, lr  }
0x1b: {  	s9 =	sadd.s32 $0xFFFFFEF7, lr;
	s5 =	simm.s32 $0xFFFFFFFF;
	p2 =	slt.u32 s8, $0xFFFFF086  }
0x1c: {  	p1 =	slt.u32 s9, $0xF7A;
	s5 =	simm.s32 @!p2 $0x0  }
0x1d: {  	s5 =	simm.s32 @p1 $0x1;
	p0 =	seq.s32 s7, s2  }
0x1e: {  	s7 =	smul.u32 @!p0 $0xF7A, s2;
	p2 =	seq.s32 @!p0 s5, $0x0  }
0x1f: {  	s9 =	smul.u32 $0xF7A, s1;
	s8 =	simm.s32 @!p0 $0x1BF5;
	p2 =	por !p2, p0  }
0x20: {  	[sflag:s8] =	ssyncset.s32 @!p0 $0xFFFFF086;
	s6 =	sadd.s32 @!p0 s3, s7;
	s7 =	simm.s32 @!p0 $0x108  }
0x21: {  	s3 =	sadd.s32 s3, s9;
	s6 =	sadd.s32 @!p0 $0x88, s6;
	s7 =	simm.s32 @p2 $0x1082  }
0x22: {  	[simem:s7], [sflag:s8] =	dma.local @!p0 [hbm:s6], $0xF7A  }
0x23: {  	s9 =	sor.u32 $0xD0000000, s2;
	s6 =	simm.s32 $0x108;
	_ =	swait.ge @!p0 [sflag:s8], $0x0  }
0x24: {  	s3 =	sadd.s32 $0x88, s3;
	s6 =	simm.s32 @!p1 $0x1082;
	[sflag:s4] =	ssyncset.s32 $0xFFFFF086  }
0x25: {  	[simem:s6], [sflag:s4] =	dma.local [hbm:s3], $0xF7A  }
0x26: {  	[smem:$0x3F9F] =	sst s1;
	(tag) =	ssettag s2;
	_ =	strace s9  }
0x27: {  	s1 =	sld [smem:$0x3FAF]  }
0x28: {  	s2 =	sld [smem:$0x3FB0]  }
0x29: {  	s4 =	sld [smem:$0x3FB2]  }
0x2a: {  	p0 =	seq.s32 s5, $0x0;
	s5 =	sld [smem:$0x3FB3]  }
0x2b: {  	s6 =	sld [smem:$0x3FB4]  }
0x2c: {  	s7 =	sld [smem:$0x3FB5]  }
0x2d: {  	s3 =	simm.s32 $0x108;
	s8 =	sld [smem:$0x3FB6]  }
0x2e: {  	s3 =	simm.s32 @!p0 $0x1082;
	s9 =	sld [smem:$0x3FB7]  }
0x2f: {  	lr =	sadd.s32 s0, s3;
	s0 =	sld [smem:$0x3FAE]  }
0x30: {  	s3 =	sld [smem:$0x3FB1]  }
0x31: {  	[smem:$0x3FBA] =	sst s10  }
0x32: {  	s10 =	sld [smem:$0x3FB8];
	_ =	sdelay $0x3  }
0x33: {  	p0 =	seq.s32 s10, $0x1;
	s10 =	sld [smem:$0x3FBA];
	_ =	sdelay $0x3  }
0x34: {  	[smem:$0x3FBA] =	sst s10  }
0x35: {  	s10 =	sld [smem:$0x3FB9];
	_ =	sdelay $0x3  }
0x36: {  	p1 =	seq.s32 s10, $0x1;
	s10 =	sld [smem:$0x3FBA];
	_ =	sdelay $0x3  }
0x37: {  	[smem:$0x3FBA] =	sst s10  }
0x38: {  	s10 =	sld [smem:$0x3FBB]  }
0x39: {  	_ = 	snop;
	(pc) =	sbr.ind lr, $3  }
0x3a: {  	_ = 	snop  }
0x3b: {  	_ = 	snop  }
0x3c: {  	p2 =	seq.s32 s10, $0x1;
	s10 =	sld [smem:$0x3FBA]  }
0x3d: {  	_ =	shalt  }
0x3e: {  	_ =	shalt  }
0x3f: {  	_ =	shalt  }
0x40: {  	_ =	shalt  }
0x41: {  	_ =	shalt  }
0x42: {  	_ =	shalt  }
0x43: {  	_ =	shalt  }
0x44: {  	_ =	shalt  }
0x45: {  	_ =	shalt  }
0x46: {  	_ =	shalt  }
0x47: {  	_ =	shalt  }
0x48: {  	_ =	shalt  }
0x49: {  	_ =	shalt  }
0x4a: {  	_ =	shalt  }
0x4b: {  	_ =	shalt  }
0x4c: {  	_ =	shalt  }
0x4d: {  	_ =	shalt  }
0x4e: {  	_ =	shalt  }
0x4f: {  	_ =	shalt  }
0x50: {  	_ =	shalt  }
0x51: {  	_ =	shalt  }
0x52: {  	_ =	shalt  }
0x53: {  	_ =	shalt  }
0x54: {  	_ =	shalt  }
0x55: {  	_ =	shalt  }
0x56: {  	_ =	shalt  }
0x57: {  	_ =	shalt  }
0x58: {  	_ =	shalt  }
0x59: {  	_ =	shalt  }
0x5a: {  	_ =	shalt  }
0x5b: {  	_ =	shalt  }
0x5c: {  	_ =	shalt  }
0x5d: {  	_ =	shalt  }
0x5e: {  	_ =	shalt  }
0x5f: {  	_ =	shalt  }
0x60: {  	_ =	shalt  }
0x61: {  	_ =	shalt  }
0x62: {  	_ =	shalt  }
0x63: {  	_ =	shalt  }
0x64: {  	_ =	shalt  }
0x65: {  	_ =	shalt  }
0x66: {  	_ =	shalt  }
0x67: {  	_ =	shalt  }
0x68: {  	_ =	shalt  }
0x69: {  	_ =	shalt  }
0x6a: {  	_ =	shalt  }
0x6b: {  	_ =	shalt  }
0x6c: {  	_ =	shalt  }
0x6d: {  	_ =	shalt  }
0x6e: {  	_ =	shalt  }
0x6f: {  	_ =	shalt  }
0x70: {  	_ =	shalt  }
0x71: {  	_ =	shalt  }
0x72: {  	_ =	shalt  }
0x73: {  	_ =	shalt  }
0x74: {  	_ =	shalt  }
0x75: {  	_ =	shalt  }
0x76: {  	_ =	shalt  }
0x77: {  	_ =	shalt  }
0x78: {  	_ =	shalt  }
0x79: {  	_ =	shalt  }
0x7a: {  	_ =	shalt  }
0x7b: {  	_ =	shalt  }
0x7c: {  	_ =	shalt  }
0x7d: {  	_ =	shalt  }
0x7e: {  	_ =	shalt  }
0x7f: {  	_ =	shalt  }
0x80: {  	_ =	shalt  }
0x81: {  	_ =	shalt  }
0x82: {  	_ =	shalt  }
0x83: {  	_ =	shalt  }
0x84: {  	_ =	shalt  }
0x85: {  	_ =	shalt  }
0x86: {  	_ =	shalt  }
0x87: {  	_ =	shalt  }
.Lfunc_end0:
.L_simem_size_0:
called_computation.1_lowered:
.L_overlay_start_0:
0x88: {  	s2 =	sld [smem:$0x3FD9]  }
0x89: {  	s3 =	sld [smem:$0x3FFE];
	_ =	sdelay $0x1  }
0x8a: {  	s1 =	srdreg.scid  }
0x8b: {  	s0 =	sand.u32 $0x1, s1  }
0x8c: {  	s14 =	sshll.u32 s0, $0xA;
	s2 =	sadd.s32 s3, s2  }
0x8d: {  	s2 =	sadd.s32 s2, s14  }
0x8e: {  	[smem:$0x3FC6] =	sst s2  }
0x8f: {  	_ = 	snop  }
0x90: {  	s2 =	sld [smem:$0x3FD0];
	_ =	sdelay $0x2  }
0x91: {  	s4 =	simm.s32 $0xA;
	s5 =	simm.s32 $0x10;
	s15 =	sld [smem:$0x3FC8]  }
0x92: {  	[smem:s5], [sflag:s4] =	dma.local [hbm:s2], $0x1  }
0x93: {  	_ =	swait.eq [sflag:s4], $0x1  }
0x94: {  	[sflag:s4] =	ssyncset.done $0x0  }
0x95: {  	s16 =	sld [smem:$0x11];
	[sflag:s4] =	ssyncadd.s32 $0xFFFFFFFF  }
0x96: {  	s17 =	sld [smem:$0x13];
	(tm) =	ssettm $0x1  }
0x97: {  	s18 =	sld [smem:$0x3FFB];
	_ =	sdelay $0x3  }
0x98: {  	_ =	strace s18  }
0x99: {  	s5 =	sld [smem:$0x3FFC];
	_ =	sdelay $0x3  }
0x9a: {  	_ =	strace s5  }
0x9b: {  	s5 =	sld [smem:$0x3FFD];
	_ =	sdelay $0x3  }
0x9c: {  	_ =	strace s5  }
0x9d: {  	_ =	strace $0x8FFFFFFF  }
0x9e: {  	s19 =	sld [smem:$0x3FDB];
	_ =	sdelay $0x1  }
0x9f: {  	s6 =	simm.s32 $_scs_section_size  }
0xa0: {  	s7 =	simm.s32 $_size__tile_overlayer_lowered;
	s8 =	simm.s32 $_tile_overlayer_lowered  }
0xa1: {  	s22 =	simm.s32 $0x1BFF;
	s21 =	sshll.u32 s8, $0x1;
	s5 =	sadd.s32 s6, s19  }
0xa2: {  	s9 =	simm.s32 $0x0;
	s20 =	sshll.u32 s7, $0x1;
	s7 =	sadd.s32 s21, s5  }
0xa3: {  	[timem:s9], [sflag:s22] =	dma.local [hbm:s7], s20  }
0xa4: {  	_ =	swait.ge [sflag:s22], s20  }
0xa5: {  	s6 =	ssub.s32 $0x0, s20;
	[sflag:s22] =	ssyncset.done $0x0  }
0xa6: {  	[sflag:s22] =	ssyncadd.s32 s6;
	_ =	sdelay $0x1  }
0xa7: {  	s23 =	simm.s32 $0x1B8B  }
0xa8: {  	_ =	swait.ge [sflag:s23], $0x1  }
0xa9: {  	[sflag:s23] =	ssyncset.done $0x0  }
0xaa: {  	s25 =	simm.s32 $0x1B8E;
	s24 =	sld [smem:$0x3FFE];
	[sflag:s23] =	ssyncadd.s32 $0xFFFFFFFF  }
0xab: {  	s26 =	simm.s32 $execute0_lowered;
	[smem:$0x3FD2] =	sst s25  }
0xac: {  	s7 =	sshll.u32 s26, $0x1;
	_ =	strace $0x80000049;
	[dreg:$0x1] =	wrdreg $0xFFFFFFFF  }
0xad: {  	s28 =	simm.s32 $_size_execute0_lowered;
	s5 =	sadd.s32 s5, s7;
	[dreg:$0x0] =	wrdreg $0x0  }
0xae: {  	s7 =	sshll.u32 s28, $0x1;
	[dreg:$0x2] =	wrdreg s5  }
0xaf: {  	[dreg:$0x3] =	wrdreg s7  }
0xb0: {  	[dreg:$0x4] =	wrdreg $0xC0  }
0xb1: {  	_ =	task [dreg:s9], $0x5FFFF  }
0xb2: {  	[dreg:$0x1] =	wrdreg $0xFFFFFFFF  }
0xb3: {  	[dreg:$0x0] =	wrdreg $0x60  }
0xb4: {  	[dreg:$0x2] =	wrdreg s15  }
0xb5: {  	[dreg:$0x3] =	wrdreg s24  }
0xb6: {  	[dreg:$0x4] =	wrdreg s17  }
0xb7: {  	[dreg:$0x5] =	wrdreg s16  }
0xb8: {  	[dreg:$0x6] =	wrdreg $0x9  }
0xb9: {  	_ =	task.clear_ibuf [dreg:s9], $0x7FFFF;
	_ =	strace $0x90000049  }
0xba: {  	s29 =	simm.s32 $0x9;
	_ =	strace $0x8000004B  }
0xbb: {  	_ =	swait.ge [sflag:s29], $0x1  }
0xbc: {  	[sflag:s29] =	ssyncadd.s32 $0xFFFFFFFF  }
0xbd: {  	_ =	strace $0x9000004B  }
0xbe: {  	_ =	sfence  }
0xbf: {  	s30 =	sld [smem:$0x0];
	_ =	sdelay $0x2  }
0xc0: {  	s31 =	sshll.u32 s1, $0xD;
	s1 =	sshrl.u32 s1, $0x2  }
0xc1: {  	s3 =	sand.u32 $0x4000, s31;
	s1 =	sadd.s32 s1, s30  }
0xc2: {  	s0 =	sor.u32 s3, s0;
	s1 =	sshll.u32 s1, $0x11  }
0xc3: {  	s0 =	sor.u32 s1, s0  }
0xc4: {  	s0 =	sadd.s32 $0x8F2B, s0  }
0xc5: {  	[sflag:s0] =	ssyncadd.remote.s32 $0x1  }
0xc6: {  	_ =	sfence.sel $0xFFFF  }
0xc7: {  	[dreg:$0x0] =	wrdreg $0xFFFFFFFF;
	(pc) =	sbr.abs _section_cstart, $3  }
0xc8: {  	[dreg:$0x1] =	wrdreg $0xFFFFFFFF  }
0xc9: {  	_ =	task.clear_ibuf [dreg:s9], $0x2FFFF;
	_ =	strace $0x9FFFFFFF  }
0xca: {  	(tm) =	ssettm $0x7FFFFFFF  }
0xcb: {  	_ =	shalt  }
tec
execute0_lowered:
.L_overlay_start_1:
0x0: {  	(tag) =	ssettag $0x1  }
0x1: {  	s1 =	rddreg [dreg:$0x0]  }
0x2: {  	s0 =	rddreg [dreg:$0x1]  }
0x3: {  	s2 =	rddreg [dreg:$0x2]  }
0x4: {  	s5 =	rddreg [dreg:$0x3];
	s3 =	simm.s32 $0x0;
	s11 =	stileid.u32  }
0x5: {  	s4 =	srdreg.scid;
	s16 =	simm.s32 $0x1;
	s28 =	simm.s32 $0x3880  }
0x6: {  	s29 =	simm.s32 $0x3C80;
	s30 =	simm.s32 $0x4480;
	s31 =	simm.s32 $0x4880  }
0x7: {  	s12 =	simm.s32 $0x7880;
	s13 =	simm.s32 $0x8080;
	s14 =	simm.s32 $0x8480  }
0x8: {  	[smem:$0x7FF] =	sst s3;
	s6 =	sand.u32 $0x1, s4;
	s20 =	sshll.u32 s11, $0x1  }
0x9: {  	s7 =	sshll.u32 s11, $0xA;
	s22 =	smul.u32 $0x60000, s11;
	s11 =	simm.s32 $0x7480  }
0xa: {  	_ =	strace $0x8000004A;
	s4 =	sor.u32 s6, s20;
	s7 =	sadd.s32 s7, s0  }
0xb: {  	s9 =	ssub.s32 $0x2, s6;
	s23 =	smul.u32 $0x30000, s6;
	s6 =	sshll.u32 s6, $0x9  }
0xc: {  	s20 =	simm.s32 $0xC80;
	s8 =	sshll.u32 s4, $0x4;
	s21 =	sshrl.u32 s9, $0x1  }
0xd: {  	s10 =	smul.u32 $0x1800, s4;
	s4 =	sadd.s32 $0x100, s1;
	s2 =	sadd.s32 s22, s2  }
0xe: {  	s24 =	sadd.s32 s6, s7;
	s22 =	simm.s32 $0x1880;
	s6 =	simm.s32 $0x6080  }
0xf: {  	s7 =	simm.s32 $0x6880;
	s0 =	sadd.s32 s8, s0;
	s8 =	ssub.s32 s9, s21  }
0x10: {  	s26 =	sadd.s32 $0x1600, s24;
	s9 =	simm.s32 $0x2;
	s21 =	simm.s32 $0x1480  }
0x11: {  	s24 =	simm.s32 $0x2480;
	s0 =	sadd.s32 $0x5600, s0;
	[dreg:$0x5] =	wrdreg s26  }
0x12: {  	s5 =	sadd.s32 s5, s10;
	s25 =	smax.u32 s8, $0x1;
	[dreg:$0x6] =	wrdreg s0  }
0x13: {  	s10 =	simm.s32 $0x80;
	s26 =	simm.s32 $0x3080;
	[dreg:$0x7] =	wrdreg s5  }
0x14: {  	v2 =	vlaneseq.u32;
	s8 =	simm.s32 $0x6C80;
	[dreg:$0x8] =	wrdreg s25;
	s0 =	sadd.s32 s23, s2  }
0x15: {  	vm0 =	vmmov $0xffff;
	vm1 =	vmmov $0xff;
	v1 =	vshrl.u32 v2, $0x3;
	s23 =	simm.s32 $0x2080;
	s25 =	simm.s32 $0x2C80;
	s2 =	simm.s32 $0x5480  }
0x16: {  	v0 =	vand.u32 $0x7, v2;
	v2 =	vor.u32 $0x8, v2;
	v1 =	vmul.u32 $0x8, v1;
	s5 =	simm.s32 $0x5C80;
	[dreg:$0x9] =	wrdreg s0;
	s0 =	simm.s32 $0x0  }
.LBB2_1:
0x17: {  	[dreg:$0xa] =	wrdreg s0  }
0x18: {  	s17 =	rddreg [dreg:$0x9];
	s0 =	simm.s32 $0x5080;
	s18 =	simm.s32 $0x0  }
.LBB2_2:
0x19: {  	s19 =	rddreg [dreg:$0x5]  }
0x1a: {  	s19 =	sadd.s32 s18, s19  }
0x1b: {  	[tilespmem:s3], [sflag:$0x2] =	stream.linear.gather [hbm4b:s19+s3], $0x80, $0x38;
	[tilespmem:$0xC080] =	vst v63  }
0x1c: {  	_ =	swait.ge [sflag:s9], $0x80  }
0x1d: {  	[sflag:s9] =	ssyncset.done $0x0  }
0x1e: {  	[sflag:s9] =	ssyncadd.s32 $0xFFFFFF80  }
0x1f: {  	v3 =	vld [tilespmem:$0x0];
	_ =	sdelay $0x4  }
0x20: {  	v4 =	vshrl.u32 v3, $0x3  }
0x21: {  	v4 =	vmul.u32 $0x18, v4  }
0x22: {  	v3 =	vand.u32 $0x7, v3  }
0x23: {  	v3 =	vor.u32 v3, v4  }
0x24: {  	v4 =	vperm.xlane v3, v0;
	_ =	sdelay $0x1  }
0x25: {  	v4 =	vadd.s32 v1, v4;
	_ =	sdelay $0x1  }
0x26: {  	v3 =	vperm.xlane v3, v2;
	_ =	sdelay $0x1  }
0x27: {  	v3 =	vadd.s32 v1, v3  }
0x28: {  	[tilespmem:s10], [sflag:$0x1] =	stream.indirect_vreg.gather [hbm4b:s1+s3], $0x80, v4, vm0, $0xb8;
	[tilespmem:$0xC080] =	vst v63  }
0x29: {  	s19 =	simm.s32 $0x880  }
0x2a: {  	[tilespmem:s19], [sflag:$0x1] =	stream.indirect_vreg.gather [hbm4b:s4+s3], $0x80, v4, vm1, $0xb8;
	[tilespmem:$0xC080] =	vst v63  }
0x2b: {  	_ = 	snop  }
0x2c: {  	[tilespmem:s20], [sflag:$0x1] =	stream.indirect_vreg.gather [hbm4b:s1+s3], $0x80, v3, vm0, $0xb8;
	[tilespmem:$0xC080] =	vst v63  }
0x2d: {  	_ = 	snop  }
0x2e: {  	[tilespmem:s21], [sflag:$0x1] =	stream.indirect_vreg.gather [hbm4b:s4+s3], $0x80, v3, vm1, $0xb8;
	[tilespmem:$0xC080] =	vst v63  }
0x2f: {  	v3 =	vld [tilespmem:$0x10];
	_ =	sdelay $0x4  }
0x30: {  	v57 =	vshrl.u32 v3, $0x3  }
0x31: {  	v4 =	vmul.u32 $0x18, v57  }
0x32: {  	v3 =	vand.u32 $0x7, v3  }
0x33: {  	v3 =	vor.u32 v3, v4  }
0x34: {  	v4 =	vperm.xlane v3, v0;
	_ =	sdelay $0x1  }
0x35: {  	v4 =	vadd.s32 v1, v4;
	_ =	sdelay $0x1  }
0x36: {  	v3 =	vperm.xlane v3, v2;
	_ =	sdelay $0x1  }
0x37: {  	v3 =	vadd.s32 v1, v3  }
0x38: {  	[tilespmem:s22], [sflag:$0x1] =	stream.indirect_vreg.gather [hbm4b:s1+s3], $0x80, v4, vm0, $0xb8;
	[tilespmem:$0xC080] =	vst v63  }
0x39: {  	_ = 	snop  }
0x3a: {  	[tilespmem:s23], [sflag:$0x1] =	stream.indirect_vreg.gather [hbm4b:s4+s3], $0x80, v4, vm1, $0xb8;
	[tilespmem:$0xC080] =	vst v63  }
0x3b: {  	_ = 	snop  }
0x3c: {  	[tilespmem:s24], [sflag:$0x1] =	stream.indirect_vreg.gather [hbm4b:s1+s3], $0x80, v3, vm0, $0xb8;
	[tilespmem:$0xC080] =	vst v63  }
0x3d: {  	_ = 	snop  }
0x3e: {  	[tilespmem:s25], [sflag:$0x1] =	stream.indirect_vreg.gather [hbm4b:s4+s3], $0x80, v3, vm1, $0xb8;
	[tilespmem:$0xC080] =	vst v63  }
0x3f: {  	v3 =	vld [tilespmem:$0x20];
	_ =	sdelay $0x4  }
0x40: {  	v58 =	vshrl.u32 v3, $0x3  }
0x41: {  	v4 =	vmul.u32 $0x18, v58  }
0x42: {  	v3 =	vand.u32 $0x7, v3  }
0x43: {  	v3 =	vor.u32 v3, v4  }
0x44: {  	v4 =	vperm.xlane v3, v0;
	_ =	sdelay $0x1  }
0x45: {  	v4 =	vadd.s32 v1, v4;
	_ =	sdelay $0x1  }
0x46: {  	v3 =	vperm.xlane v3, v2;
	_ =	sdelay $0x1  }
0x47: {  	v3 =	vadd.s32 v1, v3  }
0x48: {  	[tilespmem:s26], [sflag:$0x1] =	stream.indirect_vreg.gather [hbm4b:s1+s3], $0x80, v4, vm0, $0xb8;
	[tilespmem:$0xC080] =	vst v63  }
0x49: {  	_ = 	snop  }
0x4a: {  	[tilespmem:s28], [sflag:$0x1] =	stream.indirect_vreg.gather [hbm4b:s4+s3], $0x80, v4, vm1, $0xb8;
	[tilespmem:$0xC080] =	vst v63  }
0x4b: {  	_ = 	snop  }
0x4c: {  	[tilespmem:s29], [sflag:$0x1] =	stream.indirect_vreg.gather [hbm4b:s1+s3], $0x80, v3, vm0, $0xb8;
	[tilespmem:$0xC080] =	vst v63  }
0x4d: {  	_ = 	snop  }
0x4e: {  	[tilespmem:s30], [sflag:$0x1] =	stream.indirect_vreg.gather [hbm4b:s4+s3], $0x80, v3, vm1, $0xb8;
	[tilespmem:$0xC080] =	vst v63  }
0x4f: {  	v3 =	vld [tilespmem:$0x30];
	_ =	sdelay $0x4  }
0x50: {  	v59 =	vshrl.u32 v3, $0x3  }
0x51: {  	v4 =	vmul.u32 $0x18, v59  }
0x52: {  	v3 =	vand.u32 $0x7, v3  }
0x53: {  	v3 =	vor.u32 v3, v4  }
0x54: {  	v4 =	vperm.xlane v3, v0;
	_ =	sdelay $0x1  }
0x55: {  	v4 =	vadd.s32 v1, v4;
	_ =	sdelay $0x1  }
0x56: {  	v3 =	vperm.xlane v3, v2;
	_ =	sdelay $0x1  }
0x57: {  	v3 =	vadd.s32 v1, v3  }
0x58: {  	[tilespmem:s31], [sflag:$0x1] =	stream.indirect_vreg.gather [hbm4b:s1+s3], $0x80, v4, vm0, $0xb8;
	[tilespmem:$0xC080] =	vst v63  }
0x59: {  	_ = 	snop  }
0x5a: {  	[tilespmem:s0], [sflag:$0x1] =	stream.indirect_vreg.gather [hbm4b:s4+s3], $0x80, v4, vm1, $0xb8;
	[tilespmem:$0xC080] =	vst v63  }
0x5b: {  	_ = 	snop  }
0x5c: {  	[tilespmem:s2], [sflag:$0x1] =	stream.indirect_vreg.gather [hbm4b:s1+s3], $0x80, v3, vm0, $0xb8;
	[tilespmem:$0xC080] =	vst v63  }
0x5d: {  	_ = 	snop  }
0x5e: {  	[tilespmem:s5], [sflag:$0x1] =	stream.indirect_vreg.gather [hbm4b:s4+s3], $0x80, v3, vm1, $0xb8;
	[tilespmem:$0xC080] =	vst v63  }
0x5f: {  	v3 =	vld [tilespmem:$0x40];
	_ =	sdelay $0x4  }
0x60: {  	v60 =	vshrl.u32 v3, $0x3  }
0x61: {  	v4 =	vmul.u32 $0x18, v60  }
0x62: {  	v3 =	vand.u32 $0x7, v3  }
0x63: {  	v3 =	vor.u32 v3, v4  }
0x64: {  	v4 =	vperm.xlane v3, v0;
	_ =	sdelay $0x1  }
0x65: {  	v4 =	vadd.s32 v1, v4;
	_ =	sdelay $0x1  }
0x66: {  	v3 =	vperm.xlane v3, v2;
	_ =	sdelay $0x1  }
0x67: {  	v3 =	vadd.s32 v1, v3  }
0x68: {  	[tilespmem:s6], [sflag:$0x1] =	stream.indirect_vreg.gather [hbm4b:s1+s3], $0x80, v4, vm0, $0xb8;
	[tilespmem:$0xC080] =	vst v63  }
0x69: {  	_ = 	snop  }
0x6a: {  	[tilespmem:s7], [sflag:$0x1] =	stream.indirect_vreg.gather [hbm4b:s4+s3], $0x80, v4, vm1, $0xb8;
	[tilespmem:$0xC080] =	vst v63  }
0x6b: {  	_ = 	snop  }
0x6c: {  	[tilespmem:s8], [sflag:$0x1] =	stream.indirect_vreg.gather [hbm4b:s1+s3], $0x80, v3, vm0, $0xb8;
	[tilespmem:$0xC080] =	vst v63  }
0x6d: {  	_ = 	snop  }
0x6e: {  	[tilespmem:s11], [sflag:$0x1] =	stream.indirect_vreg.gather [hbm4b:s4+s3], $0x80, v3, vm1, $0xb8;
	[tilespmem:$0xC080] =	vst v63  }
0x6f: {  	v3 =	vld [tilespmem:$0x50];
	_ =	sdelay $0x4  }
0x70: {  	v61 =	vshrl.u32 v3, $0x3  }
0x71: {  	v4 =	vmul.u32 $0x18, v61  }
0x72: {  	v3 =	vand.u32 $0x7, v3  }
0x73: {  	v3 =	vor.u32 v3, v4  }
0x74: {  	v4 =	vperm.xlane v3, v0;
	_ =	sdelay $0x1  }
0x75: {  	v4 =	vadd.s32 v1, v4;
	_ =	sdelay $0x1  }
0x76: {  	v3 =	vperm.xlane v3, v2;
	_ =	sdelay $0x1  }
0x77: {  	v3 =	vadd.s32 v1, v3  }
0x78: {  	[tilespmem:s12], [sflag:$0x1] =	stream.indirect_vreg.gather [hbm4b:s1+s3], $0x80, v4, vm0, $0xb8;
	[tilespmem:$0xC080] =	vst v63  }
0x79: {  	_ = 	snop  }
0x7a: {  	[tilespmem:s13], [sflag:$0x1] =	stream.indirect_vreg.gather [hbm4b:s4+s3], $0x80, v4, vm1, $0xb8;
	[tilespmem:$0xC080] =	vst v63  }
0x7b: {  	_ = 	snop  }
0x7c: {  	[tilespmem:s14], [sflag:$0x1] =	stream.indirect_vreg.gather [hbm4b:s1+s3], $0x80, v3, vm0, $0xb8;
	[tilespmem:$0xC080] =	vst v63  }
0x7d: {  	s15 =	simm.s32 $0x8C80  }
0x7e: {  	[tilespmem:s15], [sflag:$0x1] =	stream.indirect_vreg.gather [hbm4b:s4+s3], $0x80, v3, vm1, $0xb8;
	[tilespmem:$0xC080] =	vst v63  }
0x7f: {  	v3 =	vld [tilespmem:$0x60];
	_ =	sdelay $0x4  }
0x80: {  	v62 =	vshrl.u32 v3, $0x3  }
0x81: {  	v4 =	vmul.u32 $0x18, v62  }
0x82: {  	v3 =	vand.u32 $0x7, v3  }
0x83: {  	v3 =	vor.u32 v3, v4  }
0x84: {  	v4 =	vperm.xlane v3, v0;
	_ =	sdelay $0x1  }
0x85: {  	v4 =	vadd.s32 v1, v4;
	_ =	sdelay $0x1  }
0x86: {  	v3 =	vperm.xlane v3, v2;
	_ =	sdelay $0x1  }
0x87: {  	s15 =	simm.s32 $0x9080;
	v3 =	vadd.s32 v1, v3  }
0x88: {  	[tilespmem:s15], [sflag:$0x1] =	stream.indirect_vreg.gather [hbm4b:s1+s3], $0x80, v4, vm0, $0xb8;
	[tilespmem:$0xC080] =	vst v63  }
0x89: {  	s15 =	simm.s32 $0x9880  }
0x8a: {  	[tilespmem:s15], [sflag:$0x1] =	stream.indirect_vreg.gather [hbm4b:s4+s3], $0x80, v4, vm1, $0xb8;
	[tilespmem:$0xC080] =	vst v63  }
0x8b: {  	s15 =	simm.s32 $0x9C80  }
0x8c: {  	[tilespmem:s15], [sflag:$0x1] =	stream.indirect_vreg.gather [hbm4b:s1+s3], $0x80, v3, vm0, $0xb8;
	[tilespmem:$0xC080] =	vst v63  }
0x8d: {  	s15 =	simm.s32 $0xA480  }
0x8e: {  	[tilespmem:s15], [sflag:$0x1] =	stream.indirect_vreg.gather [hbm4b:s4+s3], $0x80, v3, vm1, $0xb8;
	[tilespmem:$0xC080] =	vst v63  }
0x8f: {  	v3 =	vld [tilespmem:$0x70];
	_ =	sdelay $0x4  }
0x90: {  	v63 =	vshrl.u32 v3, $0x3  }
0x91: {  	v4 =	vmul.u32 $0x18, v63  }
0x92: {  	v3 =	vand.u32 $0x7, v3  }
0x93: {  	v3 =	vor.u32 v3, v4  }
0x94: {  	v4 =	vperm.xlane v3, v0;
	_ =	sdelay $0x1  }
0x95: {  	v4 =	vadd.s32 v1, v4;
	_ =	sdelay $0x1  }
0x96: {  	v3 =	vperm.xlane v3, v2;
	_ =	sdelay $0x1  }
0x97: {  	s15 =	simm.s32 $0xA880;
	v3 =	vadd.s32 v1, v3  }
0x98: {  	[tilespmem:s15], [sflag:$0x1] =	stream.indirect_vreg.gather [hbm4b:s1+s3], $0x80, v4, vm0, $0xb8;
	[tilespmem:$0xC080] =	vst v63  }
0x99: {  	s15 =	simm.s32 $0xB080  }
0x9a: {  	[tilespmem:s15], [sflag:$0x1] =	stream.indirect_vreg.gather [hbm4b:s4+s3], $0x80, v4, vm1, $0xb8;
	[tilespmem:$0xC080] =	vst v63  }
0x9b: {  	s15 =	simm.s32 $0xB480  }
0x9c: {  	[tilespmem:s15], [sflag:$0x1] =	stream.indirect_vreg.gather [hbm4b:s1+s3], $0x80, v3, vm0, $0xb8;
	[tilespmem:$0xC080] =	vst v63  }
0x9d: {  	s15 =	simm.s32 $0xBC80  }
0x9e: {  	[tilespmem:s15], [sflag:$0x1] =	stream.indirect_vreg.gather [hbm4b:s4+s3], $0x80, v3, vm1, $0xb8;
	[tilespmem:$0xC080] =	vst v63  }
0x9f: {  	_ =	swait.ge [sflag:s16], $0xC000  }
0xa0: {  	p0 =	sne.s32 s18, $0x1F0;
	[sflag:s16] =	ssyncset.done $0x0  }
.Ltmp0:
0xa1: {  	[sflag:s16] =	ssyncadd.s32 $0xFFFF4000;
	(pc) =	sbr.rel @p0 .LBB2_2-.Ltmp0, $4  }
0xa2: {  	[hbm4b:s17+s3] =	stream.linear.scatter [tilespmem:s10], [sflag:$0x2], $0xC000, $0x38;
	[tilespmem:$0xC080] =	vst v63  }
0xa3: {  	_ =	swait.ge [sflag:s9], $0xC000  }
0xa4: {  	[sflag:s9] =	ssyncset.done $0x0  }
0xa5: {  	s18 =	sadd.s32 $0x10, s18;
	s17 =	sadd.s32 $0x1800, s17;
	[sflag:s9] =	ssyncadd.s32 $0xFFFF4000  }
0xa6: {  	s17 =	rddreg [dreg:$0x6]  }
0xa7: {  	[tilespmem:s3], [sflag:$0x2] =	stream.linear.gather [hbm4b:s17+s3], $0x80, $0x38;
	[tilespmem:$0xC080] =	vst v63  }
0xa8: {  	_ =	swait.ge [sflag:s9], $0x80  }
0xa9: {  	[sflag:s9] =	ssyncset.done $0x0  }
0xaa: {  	[sflag:s9] =	ssyncadd.s32 $0xFFFFFF80  }
0xab: {  	v3 =	vld [tilespmem:$0x0];
	_ =	sdelay $0x4  }
0xac: {  	v4 =	vshrl.u32 v3, $0x3  }
0xad: {  	v4 =	vmul.u32 $0x18, v4  }
0xae: {  	v3 =	vand.u32 $0x7, v3  }
0xaf: {  	v3 =	vor.u32 v3, v4  }
0xb0: {  	v4 =	vperm.xlane v3, v0;
	_ =	sdelay $0x1  }
0xb1: {  	v4 =	vadd.s32 v1, v4;
	_ =	sdelay $0x1  }
0xb2: {  	v3 =	vperm.xlane v3, v2;
	_ =	sdelay $0x1  }
0xb3: {  	v3 =	vadd.s32 v1, v3  }
0xb4: {  	[tilespmem:s10], [sflag:$0x1] =	stream.indirect_vreg.gather [hbm4b:s1+s3], $0x80, v4, vm0, $0xb8;
	[tilespmem:$0xC080] =	vst v63  }
0xb5: {  	_ = 	snop  }
0xb6: {  	[tilespmem:s19], [sflag:$0x1] =	stream.indirect_vreg.gather [hbm4b:s4+s3], $0x80, v4, vm1, $0xb8;
	[tilespmem:$0xC080] =	vst v63  }
0xb7: {  	_ = 	snop  }
0xb8: {  	[tilespmem:s20], [sflag:$0x1] =	stream.indirect_vreg.gather [hbm4b:s1+s3], $0x80, v3, vm0, $0xb8;
	[tilespmem:$0xC080] =	vst v63  }
0xb9: {  	_ = 	snop  }
0xba: {  	[tilespmem:s21], [sflag:$0x1] =	stream.indirect_vreg.gather [hbm4b:s4+s3], $0x80, v3, vm1, $0xb8;
	[tilespmem:$0xC080] =	vst v63  }
0xbb: {  	v3 =	vld [tilespmem:$0x10];
	_ =	sdelay $0x4  }
0xbc: {  	v57 =	vshrl.u32 v3, $0x3  }
0xbd: {  	v4 =	vmul.u32 $0x18, v57  }
0xbe: {  	v3 =	vand.u32 $0x7, v3  }
0xbf: {  	v3 =	vor.u32 v3, v4  }
0xc0: {  	v4 =	vperm.xlane v3, v0;
	_ =	sdelay $0x1  }
0xc1: {  	v4 =	vadd.s32 v1, v4;
	_ =	sdelay $0x1  }
0xc2: {  	v3 =	vperm.xlane v3, v2;
	_ =	sdelay $0x1  }
0xc3: {  	v3 =	vadd.s32 v1, v3  }
0xc4: {  	[tilespmem:s22], [sflag:$0x1] =	stream.indirect_vreg.gather [hbm4b:s1+s3], $0x80, v4, vm0, $0xb8;
	[tilespmem:$0xC080] =	vst v63  }
0xc5: {  	_ = 	snop  }
0xc6: {  	[tilespmem:s23], [sflag:$0x1] =	stream.indirect_vreg.gather [hbm4b:s4+s3], $0x80, v4, vm1, $0xb8;
	[tilespmem:$0xC080] =	vst v63  }
0xc7: {  	_ = 	snop  }
0xc8: {  	[tilespmem:s24], [sflag:$0x1] =	stream.indirect_vreg.gather [hbm4b:s1+s3], $0x80, v3, vm0, $0xb8;
	[tilespmem:$0xC080] =	vst v63  }
0xc9: {  	_ = 	snop  }
0xca: {  	[tilespmem:s25], [sflag:$0x1] =	stream.indirect_vreg.gather [hbm4b:s4+s3], $0x80, v3, vm1, $0xb8;
	[tilespmem:$0xC080] =	vst v63  }
0xcb: {  	v3 =	vld [tilespmem:$0x20];
	_ =	sdelay $0x4  }
0xcc: {  	v58 =	vshrl.u32 v3, $0x3  }
0xcd: {  	v4 =	vmul.u32 $0x18, v58  }
0xce: {  	v3 =	vand.u32 $0x7, v3  }
0xcf: {  	v3 =	vor.u32 v3, v4  }
0xd0: {  	v4 =	vperm.xlane v3, v0;
	_ =	sdelay $0x1  }
0xd1: {  	v4 =	vadd.s32 v1, v4;
	_ =	sdelay $0x1  }
0xd2: {  	v3 =	vperm.xlane v3, v2;
	_ =	sdelay $0x1  }
0xd3: {  	v3 =	vadd.s32 v1, v3  }
0xd4: {  	[tilespmem:s26], [sflag:$0x1] =	stream.indirect_vreg.gather [hbm4b:s1+s3], $0x80, v4, vm0, $0xb8;
	[tilespmem:$0xC080] =	vst v63  }
0xd5: {  	_ = 	snop  }
0xd6: {  	[tilespmem:s28], [sflag:$0x1] =	stream.indirect_vreg.gather [hbm4b:s4+s3], $0x80, v4, vm1, $0xb8;
	[tilespmem:$0xC080] =	vst v63  }
0xd7: {  	_ = 	snop  }
0xd8: {  	[tilespmem:s29], [sflag:$0x1] =	stream.indirect_vreg.gather [hbm4b:s1+s3], $0x80, v3, vm0, $0xb8;
	[tilespmem:$0xC080] =	vst v63  }
0xd9: {  	_ = 	snop  }
0xda: {  	[tilespmem:s30], [sflag:$0x1] =	stream.indirect_vreg.gather [hbm4b:s4+s3], $0x80, v3, vm1, $0xb8;
	[tilespmem:$0xC080] =	vst v63  }
0xdb: {  	v3 =	vld [tilespmem:$0x30];
	_ =	sdelay $0x4  }
0xdc: {  	v59 =	vshrl.u32 v3, $0x3  }
0xdd: {  	v4 =	vmul.u32 $0x18, v59  }
0xde: {  	v3 =	vand.u32 $0x7, v3  }
0xdf: {  	v3 =	vor.u32 v3, v4  }
0xe0: {  	v4 =	vperm.xlane v3, v0;
	_ =	sdelay $0x1  }
0xe1: {  	v4 =	vadd.s32 v1, v4;
	_ =	sdelay $0x1  }
0xe2: {  	v3 =	vperm.xlane v3, v2;
	_ =	sdelay $0x1  }
0xe3: {  	v3 =	vadd.s32 v1, v3  }
0xe4: {  	[tilespmem:s31], [sflag:$0x1] =	stream.indirect_vreg.gather [hbm4b:s1+s3], $0x80, v4, vm0, $0xb8;
	[tilespmem:$0xC080] =	vst v63  }
0xe5: {  	_ = 	snop  }
0xe6: {  	[tilespmem:s0], [sflag:$0x1] =	stream.indirect_vreg.gather [hbm4b:s4+s3], $0x80, v4, vm1, $0xb8;
	[tilespmem:$0xC080] =	vst v63  }
0xe7: {  	_ = 	snop  }
0xe8: {  	[tilespmem:s2], [sflag:$0x1] =	stream.indirect_vreg.gather [hbm4b:s1+s3], $0x80, v3, vm0, $0xb8;
	[tilespmem:$0xC080] =	vst v63  }
0xe9: {  	_ = 	snop  }
0xea: {  	[tilespmem:s5], [sflag:$0x1] =	stream.indirect_vreg.gather [hbm4b:s4+s3], $0x80, v3, vm1, $0xb8;
	[tilespmem:$0xC080] =	vst v63  }
0xeb: {  	v3 =	vld [tilespmem:$0x40];
	_ =	sdelay $0x4  }
0xec: {  	v60 =	vshrl.u32 v3, $0x3  }
0xed: {  	v4 =	vmul.u32 $0x18, v60  }
0xee: {  	v3 =	vand.u32 $0x7, v3  }
0xef: {  	v3 =	vor.u32 v3, v4  }
0xf0: {  	v4 =	vperm.xlane v3, v0;
	_ =	sdelay $0x1  }
0xf1: {  	v4 =	vadd.s32 v1, v4;
	_ =	sdelay $0x1  }
0xf2: {  	v3 =	vperm.xlane v3, v2;
	_ =	sdelay $0x1  }
0xf3: {  	v3 =	vadd.s32 v1, v3  }
0xf4: {  	[tilespmem:s6], [sflag:$0x1] =	stream.indirect_vreg.gather [hbm4b:s1+s3], $0x80, v4, vm0, $0xb8;
	[tilespmem:$0xC080] =	vst v63  }
0xf5: {  	_ = 	snop  }
0xf6: {  	[tilespmem:s7], [sflag:$0x1] =	stream.indirect_vreg.gather [hbm4b:s4+s3], $0x80, v4, vm1, $0xb8;
	[tilespmem:$0xC080] =	vst v63  }
0xf7: {  	_ = 	snop  }
0xf8: {  	[tilespmem:s8], [sflag:$0x1] =	stream.indirect_vreg.gather [hbm4b:s1+s3], $0x80, v3, vm0, $0xb8;
	[tilespmem:$0xC080] =	vst v63  }
0xf9: {  	_ = 	snop  }
0xfa: {  	[tilespmem:s11], [sflag:$0x1] =	stream.indirect_vreg.gather [hbm4b:s4+s3], $0x80, v3, vm1, $0xb8;
	[tilespmem:$0xC080] =	vst v63  }
0xfb: {  	v3 =	vld [tilespmem:$0x50];
	_ =	sdelay $0x4  }
0xfc: {  	v61 =	vshrl.u32 v3, $0x3  }
0xfd: {  	v4 =	vmul.u32 $0x18, v61  }
0xfe: {  	v3 =	vand.u32 $0x7, v3  }
0xff: {  	v3 =	vor.u32 v3, v4  }
0x100: {  	v4 =	vperm.xlane v3, v0;
	_ =	sdelay $0x1  }
0x101: {  	v4 =	vadd.s32 v1, v4;
	_ =	sdelay $0x1  }
0x102: {  	v3 =	vperm.xlane v3, v2;
	_ =	sdelay $0x1  }
0x103: {  	v3 =	vadd.s32 v1, v3  }
0x104: {  	[tilespmem:s12], [sflag:$0x1] =	stream.indirect_vreg.gather [hbm4b:s1+s3], $0x80, v4, vm0, $0xb8;
	[tilespmem:$0xC080] =	vst v63  }
0x105: {  	_ = 	snop  }
0x106: {  	[tilespmem:s13], [sflag:$0x1] =	stream.indirect_vreg.gather [hbm4b:s4+s3], $0x80, v4, vm1, $0xb8;
	[tilespmem:$0xC080] =	vst v63  }
0x107: {  	_ = 	snop  }
0x108: {  	[tilespmem:s14], [sflag:$0x1] =	stream.indirect_vreg.gather [hbm4b:s1+s3], $0x80, v3, vm0, $0xb8;
	[tilespmem:$0xC080] =	vst v63  }
0x109: {  	s19 =	simm.s32 $0x8C80  }
0x10a: {  	[tilespmem:s19], [sflag:$0x1] =	stream.indirect_vreg.gather [hbm4b:s4+s3], $0x80, v3, vm1, $0xb8;
	[tilespmem:$0xC080] =	vst v63  }
0x10b: {  	v3 =	vld [tilespmem:$0x60];
	_ =	sdelay $0x4  }
0x10c: {  	v62 =	vshrl.u32 v3, $0x3  }
0x10d: {  	v4 =	vmul.u32 $0x18, v62  }
0x10e: {  	v3 =	vand.u32 $0x7, v3  }
0x10f: {  	v3 =	vor.u32 v3, v4  }
0x110: {  	v4 =	vperm.xlane v3, v0;
	_ =	sdelay $0x1  }
0x111: {  	v4 =	vadd.s32 v1, v4;
	_ =	sdelay $0x1  }
0x112: {  	v3 =	vperm.xlane v3, v2;
	_ =	sdelay $0x1  }
0x113: {  	s15 =	simm.s32 $0x9080;
	v3 =	vadd.s32 v1, v3  }
0x114: {  	[tilespmem:s15], [sflag:$0x1] =	stream.indirect_vreg.gather [hbm4b:s1+s3], $0x80, v4, vm0, $0xb8;
	[tilespmem:$0xC080] =	vst v63  }
0x115: {  	s17 =	simm.s32 $0x9880  }
0x116: {  	[tilespmem:s17], [sflag:$0x1] =	stream.indirect_vreg.gather [hbm4b:s4+s3], $0x80, v4, vm1, $0xb8;
	[tilespmem:$0xC080] =	vst v63  }
0x117: {  	s18 =	simm.s32 $0x9C80  }
0x118: {  	[tilespmem:s18], [sflag:$0x1] =	stream.indirect_vreg.gather [hbm4b:s1+s3], $0x80, v3, vm0, $0xb8;
	[tilespmem:$0xC080] =	vst v63  }
0x119: {  	s19 =	simm.s32 $0xA480  }
0x11a: {  	[tilespmem:s19], [sflag:$0x1] =	stream.indirect_vreg.gather [hbm4b:s4+s3], $0x80, v3, vm1, $0xb8;
	[tilespmem:$0xC080] =	vst v63  }
0x11b: {  	v3 =	vld [tilespmem:$0x70];
	_ =	sdelay $0x4  }
0x11c: {  	v63 =	vshrl.u32 v3, $0x3  }
0x11d: {  	v4 =	vmul.u32 $0x18, v63  }
0x11e: {  	v3 =	vand.u32 $0x7, v3  }
0x11f: {  	v3 =	vor.u32 v3, v4  }
0x120: {  	v4 =	vperm.xlane v3, v0;
	_ =	sdelay $0x1  }
0x121: {  	v4 =	vadd.s32 v1, v4;
	_ =	sdelay $0x1  }
0x122: {  	v3 =	vperm.xlane v3, v2;
	_ =	sdelay $0x1  }
0x123: {  	s15 =	simm.s32 $0xA880;
	v3 =	vadd.s32 v1, v3  }
0x124: {  	[tilespmem:s15], [sflag:$0x1] =	stream.indirect_vreg.gather [hbm4b:s1+s3], $0x80, v4, vm0, $0xb8;
	[tilespmem:$0xC080] =	vst v63  }
0x125: {  	s17 =	simm.s32 $0xB080  }
0x126: {  	[tilespmem:s17], [sflag:$0x1] =	stream.indirect_vreg.gather [hbm4b:s4+s3], $0x80, v4, vm1, $0xb8;
	[tilespmem:$0xC080] =	vst v63  }
0x127: {  	s18 =	simm.s32 $0xB480  }
0x128: {  	[tilespmem:s18], [sflag:$0x1] =	stream.indirect_vreg.gather [hbm4b:s1+s3], $0x80, v3, vm0, $0xb8;
	[tilespmem:$0xC080] =	vst v63  }
0x129: {  	s19 =	simm.s32 $0xBC80  }
0x12a: {  	[tilespmem:s19], [sflag:$0x1] =	stream.indirect_vreg.gather [hbm4b:s4+s3], $0x80, v3, vm1, $0xb8;
	[tilespmem:$0xC080] =	vst v63  }
0x12b: {  	_ =	swait.ge [sflag:s16], $0xC000  }
0x12c: {  	[sflag:s16] =	ssyncset.done $0x0  }
0x12d: {  	s15 =	rddreg [dreg:$0x7];
	[sflag:s16] =	ssyncadd.s32 $0xFFFF4000  }
0x12e: {  	[hbm4b:s15+s3] =	stream.linear.scatter [tilespmem:s10], [sflag:$0x2], $0xC000, $0x38;
	[tilespmem:$0xC080] =	vst v63  }
0x12f: {  	_ =	swait.ge [sflag:s9], $0xC000  }
0x130: {  	s18 =	rddreg [dreg:$0xa]  }
0x131: {  	s19 =	rddreg [dreg:$0x8];
	s0 =	sadd.s32 $0x1, s18  }
0x132: {  	p0 =	sne.s32 s0, s19  }
.Ltmp1:
0x133: {  	_ = 	snop;
	(pc) =	sbr.rel @p0 .LBB2_1-.Ltmp1, $3  }
0x134: {  	_ =	sdelay $0x1  }
0x135: {  	[sflag:s9] =	ssyncset.done $0x0  }
0x136: {  	[sflag:s9] =	ssyncadd.s32 $0xFFFF4000  }
0x137: {  	_ =	sfence.sel $0x180000  }
0x138: {  	[bflag:$0x0] =	sbarrier.arrive $0xFFFF  }
0x139: {  	_ =	strace $0x9000004A  }
0x13a: {  	s0 =	stileid.u32;
	[bflag:$0x2] =	sbarrier.arrive $0xFFFF  }
0x13b: {  	p0 =	sne.s32 s0, $0x0;
	s0 =	rddreg [dreg:$0x4]  }
0x13c: {  	s0 =	sadd.s32 @!p0 $0x100000, s0  }
0x13d: {  	[sflag:s0] =	ssyncadd.tile.s32 @!p0 $0x1;
	_ =	shalt  }
.Lfunc_end2:
_tile_overlayer_lowered:
.L_overlay_start_2:
0x13e: {  	(tag) =	ssettag $0x2  }
0x13f: {  	s0 =	rddreg [dreg:$0x0];
	s2 =	stileid.u32  }
0x140: {  	s1 =	rddreg [dreg:$0x1];
	p0 =	sne.s32 s2, $0x0  }
0x141: {  	s3 =	rddreg [dreg:$0x2];
	[bflag:$0x3] =	sbarrier.arrive $0xFFFF;
	s2 =	simm.s32 @!p0 $0x1C02  }
0x142: {  	[timem:s3], [sflag:s2] =	dma.local @!p0 [hbm:s0], s1  }
0x143: {  	s0 =	simm.s32 @!p0 $0x2  }
0x144: {  	_ =	swait.ge @!p0 [sflag:s0], s1  }
0x145: {  	s1 =	ssub.s32 @!p0 $0x0, s1;
	[sflag:s0] =	ssyncset.done @!p0 $0x0  }
0x146: {  	[sflag:s0] =	ssyncadd.s32 @!p0 s1  }
0x147: {  	[bflag:$0x3] =	sbarrier.arrive $0xFFFF  }
0x148: {  	_ =	shalt  }

</sc_bundles>
